<compile_context>
chip_gen: v7x
topology: tpu7x:2x2x1
jax: 0.10.2.dev20260603
libtpu: 0.0.44.dev20260713+nightly
codegen_flags: <defaults>
</compile_context>

<pallas_src>
import functools

import jax
import jax.numpy as jnp
from jax import lax
from jax.experimental import pallas as pl
from jax.experimental.pallas import tpu as pltpu
from jax.experimental.pallas import tpu_sc as plsc

E = 64
NC = 2
NS = 16
NW = NC * NS
GRP = 16

f32 = jnp.float32
i32 = jnp.int32


def _tc_body1(tab_ref, w_ref, o_ref):
  res = jax.lax.dot_general(w_ref[...], tab_ref[...], (((1,), (0,)), ((), ())),
                            precision=jax.lax.Precision.HIGHEST,
                            preferred_element_type=f32)
  o_ref[...] = res[0]


def _tc_body2(tab_ref, wa_ref, wb_ref, oa_ref, ob_ref):
  t = tab_ref[...]
  ra = jax.lax.dot_general(wa_ref[...], t, (((1,), (0,)), ((), ())),
                           precision=jax.lax.Precision.HIGHEST,
                           preferred_element_type=f32)
  rb = jax.lax.dot_general(wb_ref[...], t, (((1,), (0,)), ((), ())),
                           precision=jax.lax.Precision.HIGHEST,
                           preferred_element_type=f32)
  oa_ref[...] = ra[0]
  ob_ref[...] = rb[0]


def _w8(w):
  return jnp.broadcast_to(w[None, :], (8, E))


def _proj(table, w, bl):
  n = table.shape[0]
  grid = (n + bl - 1) // bl
  call = pl.pallas_call(
      _tc_body1,
      grid=(grid,),
      in_specs=[pl.BlockSpec((E, bl), lambda i: (0, i)),
                pl.BlockSpec((8, E), lambda i: (0, 0))],
      out_specs=pl.BlockSpec((bl,), lambda i: (i,)),
      out_shape=jax.ShapeDtypeStruct((n,), f32),
  )
  return call(table.T, _w8(w))


def _proj2(table, wa, wb, bl):
  n = table.shape[0]
  grid = (n + bl - 1) // bl
  call = pl.pallas_call(
      _tc_body2,
      grid=(grid,),
      in_specs=[pl.BlockSpec((E, bl), lambda i: (0, i)),
                pl.BlockSpec((8, E), lambda i: (0, 0)),
                pl.BlockSpec((8, E), lambda i: (0, 0))],
      out_specs=[pl.BlockSpec((bl,), lambda i: (i,)),
                 pl.BlockSpec((bl,), lambda i: (i,))],
      out_shape=[jax.ShapeDtypeStruct((n,), f32),
                 jax.ShapeDtypeStruct((n,), f32)],
  )
  return call(table.T, _w8(wa), _w8(wb))


def _sc_combine(B):
  bpw = B // NW
  ng = bpw // GRP
  mesh = plsc.VectorSubcoreMesh(
      core_axis_name="c", subcore_axis_name="s", num_cores=NC,
      num_subcores=NS)

  out_t = [jax.ShapeDtypeStruct((B,), f32) for _ in range(4)]
  scratch = [
      pltpu.VMEM((bpw,), i32),
      pltpu.VMEM((bpw,), i32),
      pltpu.VMEM((bpw,), i32),
      pltpu.VMEM((bpw,), i32),
      pltpu.VMEM((bpw * 5,), i32),
      pltpu.VMEM((bpw * 10,), i32),
      pltpu.VMEM((bpw,), f32),
      pltpu.VMEM((8, GRP), f32),
      pltpu.VMEM((2, GRP), f32),
      pltpu.VMEM((2, GRP), f32),
      pltpu.VMEM((2, GRP), f32),
      pltpu.VMEM((2, GRP), f32),
      pltpu.VMEM((2, GRP * 5), f32),
      pltpu.VMEM((2, GRP * 10), f32),
      pltpu.VMEM((bpw,), f32),
      pltpu.VMEM((bpw,), f32),
      pltpu.VMEM((bpw,), f32),
      pltpu.SemaphoreType.DMA,
      pltpu.SemaphoreType.DMA,
  ]

  @functools.partial(pl.kernel, out_type=out_t, mesh=mesh,
                     compiler_params=pltpu.CompilerParams(
                         use_tc_tiling_on_sc=False),
                     scratch_types=scratch)
  def k(ii_h, itr_h, itm_h, id_h, ig_h, ia_h, pop_h, par_h,
        pi_h, ptr_h, ptm_h, pg_h, pd_h, pa_h,
        out_pop, out_time, out_side, out_fin,
        v_idx_i, v_idx_tr, v_idx_tm, v_idx_d, v_idx_g, v_idx_a,
        pop_v, par_v, d_i, d_tr, d_tm, d_d, d_g, d_a,
        o_t, o_s, o_f, sem0, sem1):
    wid = lax.axis_index("s") * NC + lax.axis_index("c")
    base = wid * bpw

    pltpu.sync_copy(ii_h.at[pl.ds(base, bpw)], v_idx_i)
    pltpu.sync_copy(itr_h.at[pl.ds(base, bpw)], v_idx_tr)
    pltpu.sync_copy(itm_h.at[pl.ds(base, bpw)], v_idx_tm)
    pltpu.sync_copy(id_h.at[pl.ds(base, bpw)], v_idx_d)
    pltpu.sync_copy(ig_h.at[pl.ds(base * 5, bpw * 5)], v_idx_g)
    pltpu.sync_copy(ia_h.at[pl.ds(base * 10, bpw * 10)], v_idx_a)
    pltpu.sync_copy(pop_h.at[pl.ds(base, bpw)], pop_v)
    pltpu.sync_copy(par_h, par_v)

    sems = (sem0, sem1)

    def start(g):
      p = g % 2
      s = sems[p]
      o = g * GRP
      return [
          pltpu.async_copy(pi_h.at[v_idx_i.at[pl.ds(o, GRP)]], d_i.at[p], s),
          pltpu.async_copy(ptr_h.at[v_idx_tr.at[pl.ds(o, GRP)]],
                           d_tr.at[p], s),
          pltpu.async_copy(ptm_h.at[v_idx_tm.at[pl.ds(o, GRP)]],
                           d_tm.at[p], s),
          pltpu.async_copy(pd_h.at[v_idx_d.at[pl.ds(o, GRP)]], d_d.at[p], s),
          pltpu.async_copy(pg_h.at[v_idx_g.at[pl.ds(o * 5, GRP * 5)]],
                           d_g.at[p], s),
          pltpu.async_copy(pa_h.at[v_idx_a.at[pl.ds(o * 10, GRP * 5)]],
                           d_a.at[p].at[pl.ds(0, GRP * 5)], s),
          pltpu.async_copy(
              pa_h.at[v_idx_a.at[pl.ds(o * 10 + GRP * 5, GRP * 5)]],
              d_a.at[p].at[pl.ds(GRP * 5, GRP * 5)], s),
      ]

    bt, bs_ = par_v[0], par_v[1]
    p0, p1, p2 = par_v[2], par_v[3], par_v[4]

    descs = start(0)
    for g in range(ng):
      p = g % 2
      nxt = None
      if g + 1 < ng:
        nxt = start(g + 1)
      for d in descs:
        d.wait()
      descs = nxt

      t16 = jnp.maximum(d_i[p] + d_tr[p] + d_tm[p] + bt, 0.0)
      gs = d_g[p, pl.ds(0, GRP)]
      for j in range(1, 5):
        gs = gs + d_g[p, pl.ds(j * GRP, GRP)]
      asum = d_a[p, pl.ds(0, GRP)]
      for j in range(1, 10):
        asum = asum + d_a[p, pl.ds(j * GRP, GRP)]
      s16 = jnp.maximum(d_d[p] + gs + asum + bs_, 0.0)
      pop16 = pop_v[pl.ds(g * GRP, GRP)]
      fin = p0 * pop16 + p1 * t16 + p2 * s16
      o_t[pl.ds(g * GRP, GRP)] = t16
      o_s[pl.ds(g * GRP, GRP)] = s16
      o_f[pl.ds(g * GRP, GRP)] = fin

    pltpu.sync_copy(pop_v, out_pop.at[pl.ds(base, bpw)])
    pltpu.sync_copy(o_t, out_time.at[pl.ds(base, bpw)])
    pltpu.sync_copy(o_s, out_side.at[pl.ds(base, bpw)])
    pltpu.sync_copy(o_f, out_fin.at[pl.ds(base, bpw)])

  return k


def kernel(item, time_release, item_genre, item_director, item_actor, time,
           pop_history, pop_gt, valid_pop_len,
           embed_item, embed_time, embed_genre, embed_director, embed_actor,
           w_time, b_time, w_side, b_side, att_w):
  B = item.shape[0]

  wt = w_time[0]
  wA, wB, wC, wD = wt[:E], wt[E:2 * E], wt[2 * E:3 * E], wt[3 * E:]
  ws = w_side[0]
  s1, s2, s3 = ws[:E], ws[E:2 * E], ws[2 * E:]
  nw = jax.nn.softmax(att_w[:, 0])

  proj_i = _proj(embed_item, wB, 8192)
  proj_tr, proj_tm = _proj2(embed_time, wA + wD, wC - wA, 8192)
  proj_g = _proj(embed_genre, s1 / 5.0, 1024)
  proj_d = _proj(embed_director, s2, 8192)
  proj_a = _proj(embed_actor, s3 / 10.0, 8192)

  params = jnp.concatenate([
      jnp.full((1, GRP), b_time[0], f32),
      jnp.full((1, GRP), b_side[0], f32),
      jnp.full((1, GRP), nw[0], f32),
      jnp.full((1, GRP), nw[1], f32),
      jnp.full((1, GRP), nw[2], f32),
      jnp.zeros((3, GRP), f32),
  ], axis=0)

  pop_col = pop_history[:, 0].astype(f32)

  genre_t = item_genre.astype(i32).reshape(B // GRP, GRP, 5)
  genre_t = genre_t.transpose(0, 2, 1).reshape(-1)
  actor_t = item_actor.astype(i32).reshape(B // GRP, GRP, 10)
  actor_t = actor_t.transpose(0, 2, 1).reshape(-1)

  k = _sc_combine(B)
  out_pop, out_time, out_side, out_fin = k(
      item.astype(i32), time_release.astype(i32), time.astype(i32),
      item_director.astype(i32), genre_t, actor_t,
      pop_col, params,
      proj_i, proj_tr, proj_tm, proj_g, proj_d, proj_a)

  return (out_pop[:, None], out_time[:, None], out_side[:, None], out_fin)

# --- scband reference (transcript-rebuilt; emitter-appended) ---
"""Pipeline reference for scband-pop-predict-49357764166209 (READ-ONLY COPY).

The authoritative reference and input builder live on the scoring server;
editing this copy changes nothing except your own understanding.
"""

import jax, jax.numpy as jnp
import numpy as np

B = 4096
E = 64
L = 200
G = 5
A = 10
NUM_ITEM = 1000000
MAX_TIME = 36500
NUM_GENRE = 1000
NUM_DIRECTOR = 10000
NUM_ACTOR = 100000
ALPHA = 0.1


def setup_inputs(seed: int = 0):
    key = jax.random.key(seed)
    ks = jax.random.split(key, 20)
    item = jax.random.randint(ks[0], (B,), 0, NUM_ITEM)
    time_release = jax.random.randint(ks[1], (B,), 0, MAX_TIME + 1)
    item_genre = jax.random.randint(ks[2], (B, G), 0, NUM_GENRE)
    item_director = jax.random.randint(ks[3], (B,), 0, NUM_DIRECTOR)
    item_actor = jax.random.randint(ks[4], (B, A), 0, NUM_ACTOR)
    time = jax.random.randint(ks[5], (B,), 0, MAX_TIME + 1)
    pop_history = jax.random.uniform(ks[6], (B, L), dtype=jnp.float32)
    pop_gt = jax.random.uniform(ks[7], (B,), dtype=jnp.float32)
    valid_pop_len = jnp.ones((B,), dtype=jnp.int32)
    embed_item = jax.random.normal(ks[8], (NUM_ITEM, E), dtype=jnp.float32)
    embed_time = jax.random.normal(ks[9], (MAX_TIME + 1, E), dtype=jnp.float32)
    embed_genre = jax.random.normal(ks[10], (NUM_GENRE, E), dtype=jnp.float32).at[0].set(0.0)
    embed_director = jax.random.normal(ks[11], (NUM_DIRECTOR, E), dtype=jnp.float32).at[0].set(0.0)
    embed_actor = jax.random.normal(ks[12], (NUM_ACTOR, E), dtype=jnp.float32).at[0].set(0.0)
    w_time = jax.random.normal(ks[13], (1, 4 * E), dtype=jnp.float32) * (2.0 / (4 * E)) ** 0.5
    b_time = jnp.zeros((1,), dtype=jnp.float32)
    w_side = jax.random.normal(ks[14], (1, 3 * E), dtype=jnp.float32) * (2.0 / (3 * E)) ** 0.5
    b_side = jnp.zeros((1,), dtype=jnp.float32)
    att_w = jnp.ones((3, 1), dtype=jnp.float32) / 3.0
    return {"item": item, "time_release": time_release, "item_genre": item_genre,
            "item_director": item_director, "item_actor": item_actor, "time": time,
            "pop_history": pop_history, "pop_gt": pop_gt, "valid_pop_len": valid_pop_len,
            "embed_item": embed_item, "embed_time": embed_time, "embed_genre": embed_genre,
            "embed_director": embed_director, "embed_actor": embed_actor,
            "w_time": w_time, "b_time": b_time, "w_side": w_side, "b_side": b_side,
            "att_w": att_w}


def _ema_last(pop_history, valid_pop_len, alpha):
    n, length = pop_history.shape

    def step(carry, inp):
        j, col = inp
        ema = jnp.where(j == 0, col, alpha * col + (1.0 - alpha) * carry)
        return ema, ema

    _, emas = jax.lax.scan(step, jnp.zeros((n,), dtype=pop_history.dtype),
                           (jnp.arange(length), pop_history.T))
    idx = jnp.clip(valid_pop_len.astype(jnp.int32) - 1, 0, length - 1)
    last = emas[idx, jnp.arange(n)]
    # torch builds the result via torch.tensor(list-of-floats) which detaches it
    return jax.lax.stop_gradient(last)


def reference(item, time_release, item_genre, item_director, item_actor, time,
              pop_history, pop_gt, valid_pop_len,
              embed_item, embed_time, embed_genre, embed_director, embed_actor,
              w_time, b_time, w_side, b_side, att_w):
    item_embed = jnp.take(embed_item, item, axis=0)
    time_release_embed = jnp.take(embed_time, time_release, axis=0)
    genre_embed = jnp.take(embed_genre, item_genre, axis=0)
    time_embed = jnp.take(embed_time, time, axis=0)
    director_embed = jnp.take(embed_director, item_director, axis=0)
    actor_embed = jnp.take(embed_actor, item_actor, axis=0)

    # ModulePopHistory
    pop_history_output = _ema_last(pop_history, valid_pop_len, ALPHA)[:, None]

    # ModuleTime
    temporal_dis = time_release_embed - time_embed
    joint = jnp.concatenate([temporal_dis, item_embed, time_embed, time_release_embed], axis=1)
    time_output = jax.nn.relu(joint @ w_time.T + b_time)

    # ModuleSideInfo (is_douban=True)
    genre_mean = genre_embed.mean(axis=1)
    actor_mean = actor_embed.mean(axis=1)
    side = jnp.concatenate([genre_mean, director_embed, actor_mean], axis=1)
    sideinfo_output = jax.nn.relu(side @ w_side.T + b_side)

    pred_all = jnp.concatenate([pop_history_output, time_output, sideinfo_output], axis=1)
    nw = jax.nn.softmax(att_w, axis=0)
    output = (pred_all @ nw).squeeze()
    return (pop_history_output, time_output, sideinfo_output, output)

if __name__ == "__main__":
    import jax
    _d = setup_inputs()
    print(jax.jit(kernel)(*tuple(_d.values())))

</pallas_src>

<mosaic_0001>
#map = affine_map<(d0, d1) -> (0)>
#map1 = affine_map<(d0, d1) -> (0, 0)>
module attributes {stable_mosaic.version = 14 : i64} {
  func.func @k(%arg0: i32, %arg1: i32, %arg2: memref<4096xi32, #tpu.memory_space<hbm>>, %arg3: memref<4096xi32, #tpu.memory_space<hbm>>, %arg4: memref<4096xi32, #tpu.memory_space<hbm>>, %arg5: memref<4096xi32, #tpu.memory_space<hbm>>, %arg6: memref<20480xi32, #tpu.memory_space<hbm>>, %arg7: memref<40960xi32, #tpu.memory_space<hbm>>, %arg8: memref<4096xf32, #tpu.memory_space<hbm>>, %arg9: memref<8x16xf32, #tpu.memory_space<hbm>>, %arg10: memref<1000000xf32, #tpu.memory_space<hbm>>, %arg11: memref<36501xf32, #tpu.memory_space<hbm>>, %arg12: memref<36501xf32, #tpu.memory_space<hbm>>, %arg13: memref<1000xf32, #tpu.memory_space<hbm>>, %arg14: memref<10000xf32, #tpu.memory_space<hbm>>, %arg15: memref<100000xf32, #tpu.memory_space<hbm>>, %arg16: memref<4096xf32, #tpu.memory_space<hbm>>, %arg17: memref<4096xf32, #tpu.memory_space<hbm>>, %arg18: memref<4096xf32, #tpu.memory_space<hbm>>, %arg19: memref<4096xf32, #tpu.memory_space<hbm>>, %arg20: memref<128xi32, #tpu.memory_space<vmem>>, %arg21: memref<128xi32, #tpu.memory_space<vmem>>, %arg22: memref<128xi32, #tpu.memory_space<vmem>>, %arg23: memref<128xi32, #tpu.memory_space<vmem>>, %arg24: memref<640xi32, #tpu.memory_space<vmem>>, %arg25: memref<1280xi32, #tpu.memory_space<vmem>>, %arg26: memref<128xf32, #tpu.memory_space<vmem>>, %arg27: memref<8x16xf32, #tpu.memory_space<vmem>>, %arg28: memref<2x16xf32, #tpu.memory_space<vmem>>, %arg29: memref<2x16xf32, #tpu.memory_space<vmem>>, %arg30: memref<2x16xf32, #tpu.memory_space<vmem>>, %arg31: memref<2x16xf32, #tpu.memory_space<vmem>>, %arg32: memref<2x80xf32, #tpu.memory_space<vmem>>, %arg33: memref<2x160xf32, #tpu.memory_space<vmem>>, %arg34: memref<128xf32, #tpu.memory_space<vmem>>, %arg35: memref<128xf32, #tpu.memory_space<vmem>>, %arg36: memref<128xf32, #tpu.memory_space<vmem>>, %arg37: memref<!tpu.dma_semaphore, #tpu.memory_space<semaphore_mem>>, %arg38: memref<!tpu.dma_semaphore, #tpu.memory_space<semaphore_mem>>) attributes {dimension_semantics = [#tpu.dimension_semantics<core_parallel>, #tpu.dimension_semantics<subcore_parallel>], iteration_bounds = array<i64: 2, 16>, scalar_prefetch = 0 : i64, scratch_operands = 19 : i64, tpu.core_type = #tpu.core_type<sc_vector_subcore>, window_params = [{transform_indices = #map}, {transform_indices = #map}, {transform_indices = #map}, {transform_indices = #map}, {transform_indices = #map}, {transform_indices = #map}, {transform_indices = #map}, {transform_indices = #map1}, {transform_indices = #map}, {transform_indices = #map}, {transform_indices = #map}, {transform_indices = #map}, {transform_indices = #map}, {transform_indices = #map}, {transform_indices = #map}, {transform_indices = #map}, {transform_indices = #map}, {transform_indices = #map}]} {
    %mul3A = arith.constant 2 : i32
    %mul3A_0 = arith.muli %arg1, %mul3A : i32
    %add3A = arith.addi %mul3A_0, %arg0 : i32
    %mul3A_1 = arith.constant 128 : i32
    %mul3A_2 = arith.muli %add3A, %mul3A_1 : i32
    "tpu.region"() ({
      %run_scoped3A = tpu.sem_alloc : memref<!tpu.dma_semaphore, #tpu.memory_space<semaphore_mem>>
      %dma_start3A_2107 = tpu.memref_slice %arg2[%mul3A_2] : memref<4096xi32, #tpu.memory_space<hbm>> -> memref<128xi32, #tpu.memory_space<hbm>>
      %dma_start3A_2108 = tpu.memref_slice %arg2[%mul3A_2] : memref<4096xi32, #tpu.memory_space<hbm>> -> memref<128xi32, #tpu.memory_space<hbm>>
      tpu.enqueue_dma source(%dma_start3A_2108 : memref<128xi32, #tpu.memory_space<hbm>>) target(%arg20 : memref<128xi32, #tpu.memory_space<vmem>>) target_semaphore(%run_scoped3A : memref<!tpu.dma_semaphore, #tpu.memory_space<semaphore_mem>>)
      %dma_wait3A_2109 = tpu.memref_slice %arg2[%mul3A_2] : memref<4096xi32, #tpu.memory_space<hbm>> -> memref<128xi32, #tpu.memory_space<hbm>>
      %dma_wait3A_2110 = tpu.memref_slice %arg2[%mul3A_2] : memref<4096xi32, #tpu.memory_space<hbm>> -> memref<128xi32, #tpu.memory_space<hbm>>
      tpu.wait_dma2 semaphore(%run_scoped3A : memref<!tpu.dma_semaphore, #tpu.memory_space<semaphore_mem>>) src(%dma_wait3A_2110 : memref<128xi32, #tpu.memory_space<hbm>>) dst(%arg20 : memref<128xi32, #tpu.memory_space<vmem>>)
      tpu.yield
    }) : () -> ()
    "tpu.region"() ({
      %run_scoped3A = tpu.sem_alloc : memref<!tpu.dma_semaphore, #tpu.memory_space<semaphore_mem>>
      %dma_start3A_2107 = tpu.memref_slice %arg3[%mul3A_2] : memref<4096xi32, #tpu.memory_space<hbm>> -> memref<128xi32, #tpu.memory_space<hbm>>
      %dma_start3A_2108 = tpu.memref_slice %arg3[%mul3A_2] : memref<4096xi32, #tpu.memory_space<hbm>> -> memref<128xi32, #tpu.memory_space<hbm>>
      tpu.enqueue_dma source(%dma_start3A_2108 : memref<128xi32, #tpu.memory_space<hbm>>) target(%arg21 : memref<128xi32, #tpu.memory_space<vmem>>) target_semaphore(%run_scoped3A : memref<!tpu.dma_semaphore, #tpu.memory_space<semaphore_mem>>)
      %dma_wait3A_2109 = tpu.memref_slice %arg3[%mul3A_2] : memref<4096xi32, #tpu.memory_space<hbm>> -> memref<128xi32, #tpu.memory_space<hbm>>
      %dma_wait3A_2110 = tpu.memref_slice %arg3[%mul3A_2] : memref<4096xi32, #tpu.memory_space<hbm>> -> memref<128xi32, #tpu.memory_space<hbm>>
      tpu.wait_dma2 semaphore(%run_scoped3A : memref<!tpu.dma_semaphore, #tpu.memory_space<semaphore_mem>>) src(%dma_wait3A_2110 : memref<128xi32, #tpu.memory_space<hbm>>) dst(%arg21 : memref<128xi32, #tpu.memory_space<vmem>>)
      tpu.yield
    }) : () -> ()
    "tpu.region"() ({
      %run_scoped3A = tpu.sem_alloc : memref<!tpu.dma_semaphore, #tpu.memory_space<semaphore_mem>>
      %dma_start3A_2107 = tpu.memref_slice %arg4[%mul3A_2] : memref<4096xi32, #tpu.memory_space<hbm>> -> memref<128xi32, #tpu.memory_space<hbm>>
      %dma_start3A_2108 = tpu.memref_slice %arg4[%mul3A_2] : memref<4096xi32, #tpu.memory_space<hbm>> -> memref<128xi32, #tpu.memory_space<hbm>>
      tpu.enqueue_dma source(%dma_start3A_2108 : memref<128xi32, #tpu.memory_space<hbm>>) target(%arg22 : memref<128xi32, #tpu.memory_space<vmem>>) target_semaphore(%run_scoped3A : memref<!tpu.dma_semaphore, #tpu.memory_space<semaphore_mem>>)
      %dma_wait3A_2109 = tpu.memref_slice %arg4[%mul3A_2] : memref<4096xi32, #tpu.memory_space<hbm>> -> memref<128xi32, #tpu.memory_space<hbm>>
      %dma_wait3A_2110 = tpu.memref_slice %arg4[%mul3A_2] : memref<4096xi32, #tpu.memory_space<hbm>> -> memref<128xi32, #tpu.memory_space<hbm>>
      tpu.wait_dma2 semaphore(%run_scoped3A : memref<!tpu.dma_semaphore, #tpu.memory_space<semaphore_mem>>) src(%dma_wait3A_2110 : memref<128xi32, #tpu.memory_space<hbm>>) dst(%arg22 : memref<128xi32, #tpu.memory_space<vmem>>)
      tpu.yield
    }) : () -> ()
    "tpu.region"() ({
      %run_scoped3A = tpu.sem_alloc : memref<!tpu.dma_semaphore, #tpu.memory_space<semaphore_mem>>
      %dma_start3A_2107 = tpu.memref_slice %arg5[%mul3A_2] : memref<4096xi32, #tpu.memory_space<hbm>> -> memref<128xi32, #tpu.memory_space<hbm>>
      %dma_start3A_2108 = tpu.memref_slice %arg5[%mul3A_2] : memref<4096xi32, #tpu.memory_space<hbm>> -> memref<128xi32, #tpu.memory_space<hbm>>
      tpu.enqueue_dma source(%dma_start3A_2108 : memref<128xi32, #tpu.memory_space<hbm>>) target(%arg23 : memref<128xi32, #tpu.memory_space<vmem>>) target_semaphore(%run_scoped3A : memref<!tpu.dma_semaphore, #tpu.memory_space<semaphore_mem>>)
      %dma_wait3A_2109 = tpu.memref_slice %arg5[%mul3A_2] : memref<4096xi32, #tpu.memory_space<hbm>> -> memref<128xi32, #tpu.memory_space<hbm>>
      %dma_wait3A_2110 = tpu.memref_slice %arg5[%mul3A_2] : memref<4096xi32, #tpu.memory_space<hbm>> -> memref<128xi32, #tpu.memory_space<hbm>>
      tpu.wait_dma2 semaphore(%run_scoped3A : memref<!tpu.dma_semaphore, #tpu.memory_space<semaphore_mem>>) src(%dma_wait3A_2110 : memref<128xi32, #tpu.memory_space<hbm>>) dst(%arg23 : memref<128xi32, #tpu.memory_space<vmem>>)
      tpu.yield
    }) : () -> ()
    %mul3A_3 = arith.constant 5 : i32
    %mul3A_4 = arith.muli %mul3A_2, %mul3A_3 : i32
    "tpu.region"() ({
      %run_scoped3A = tpu.sem_alloc : memref<!tpu.dma_semaphore, #tpu.memory_space<semaphore_mem>>
      %dma_start3A_2107 = tpu.memref_slice %arg6[%mul3A_4] : memref<20480xi32, #tpu.memory_space<hbm>> -> memref<640xi32, #tpu.memory_space<hbm>>
      %dma_start3A_2108 = tpu.memref_slice %arg6[%mul3A_4] : memref<20480xi32, #tpu.memory_space<hbm>> -> memref<640xi32, #tpu.memory_space<hbm>>
      tpu.enqueue_dma source(%dma_start3A_2108 : memref<640xi32, #tpu.memory_space<hbm>>) target(%arg24 : memref<640xi32, #tpu.memory_space<vmem>>) target_semaphore(%run_scoped3A : memref<!tpu.dma_semaphore, #tpu.memory_space<semaphore_mem>>)
      %dma_wait3A_2109 = tpu.memref_slice %arg6[%mul3A_4] : memref<20480xi32, #tpu.memory_space<hbm>> -> memref<640xi32, #tpu.memory_space<hbm>>
      %dma_wait3A_2110 = tpu.memref_slice %arg6[%mul3A_4] : memref<20480xi32, #tpu.memory_space<hbm>> -> memref<640xi32, #tpu.memory_space<hbm>>
      tpu.wait_dma2 semaphore(%run_scoped3A : memref<!tpu.dma_semaphore, #tpu.memory_space<semaphore_mem>>) src(%dma_wait3A_2110 : memref<640xi32, #tpu.memory_space<hbm>>) dst(%arg24 : memref<640xi32, #tpu.memory_space<vmem>>)
      tpu.yield
    }) : () -> ()
    %mul3A_5 = arith.constant 10 : i32
    %mul3A_6 = arith.muli %mul3A_2, %mul3A_5 : i32
    "tpu.region"() ({
      %run_scoped3A = tpu.sem_alloc : memref<!tpu.dma_semaphore, #tpu.memory_space<semaphore_mem>>
      %dma_start3A_2107 = tpu.memref_slice %arg7[%mul3A_6] : memref<40960xi32, #tpu.memory_space<hbm>> -> memref<1280xi32, #tpu.memory_space<hbm>>
      %dma_start3A_2108 = tpu.memref_slice %arg7[%mul3A_6] : memref<40960xi32, #tpu.memory_space<hbm>> -> memref<1280xi32, #tpu.memory_space<hbm>>
      tpu.enqueue_dma source(%dma_start3A_2108 : memref<1280xi32, #tpu.memory_space<hbm>>) target(%arg25 : memref<1280xi32, #tpu.memory_space<vmem>>) target_semaphore(%run_scoped3A : memref<!tpu.dma_semaphore, #tpu.memory_space<semaphore_mem>>)
      %dma_wait3A_2109 = tpu.memref_slice %arg7[%mul3A_6] : memref<40960xi32, #tpu.memory_space<hbm>> -> memref<1280xi32, #tpu.memory_space<hbm>>
      %dma_wait3A_2110 = tpu.memref_slice %arg7[%mul3A_6] : memref<40960xi32, #tpu.memory_space<hbm>> -> memref<1280xi32, #tpu.memory_space<hbm>>
      tpu.wait_dma2 semaphore(%run_scoped3A : memref<!tpu.dma_semaphore, #tpu.memory_space<semaphore_mem>>) src(%dma_wait3A_2110 : memref<1280xi32, #tpu.memory_space<hbm>>) dst(%arg25 : memref<1280xi32, #tpu.memory_space<vmem>>)
      tpu.yield
    }) : () -> ()
    "tpu.region"() ({
      %run_scoped3A = tpu.sem_alloc : memref<!tpu.dma_semaphore, #tpu.memory_space<semaphore_mem>>
      %dma_start3A_2107 = tpu.memref_slice %arg8[%mul3A_2] : memref<4096xf32, #tpu.memory_space<hbm>> -> memref<128xf32, #tpu.memory_space<hbm>>
      %dma_start3A_2108 = tpu.memref_slice %arg8[%mul3A_2] : memref<4096xf32, #tpu.memory_space<hbm>> -> memref<128xf32, #tpu.memory_space<hbm>>
      tpu.enqueue_dma source(%dma_start3A_2108 : memref<128xf32, #tpu.memory_space<hbm>>) target(%arg26 : memref<128xf32, #tpu.memory_space<vmem>>) target_semaphore(%run_scoped3A : memref<!tpu.dma_semaphore, #tpu.memory_space<semaphore_mem>>)
      %dma_wait3A_2109 = tpu.memref_slice %arg8[%mul3A_2] : memref<4096xf32, #tpu.memory_space<hbm>> -> memref<128xf32, #tpu.memory_space<hbm>>
      %dma_wait3A_2110 = tpu.memref_slice %arg8[%mul3A_2] : memref<4096xf32, #tpu.memory_space<hbm>> -> memref<128xf32, #tpu.memory_space<hbm>>
      tpu.wait_dma2 semaphore(%run_scoped3A : memref<!tpu.dma_semaphore, #tpu.memory_space<semaphore_mem>>) src(%dma_wait3A_2110 : memref<128xf32, #tpu.memory_space<hbm>>) dst(%arg26 : memref<128xf32, #tpu.memory_space<vmem>>)
      tpu.yield
    }) : () -> ()
    "tpu.region"() ({
      %run_scoped3A = tpu.sem_alloc : memref<!tpu.dma_semaphore, #tpu.memory_space<semaphore_mem>>
      tpu.enqueue_dma source(%arg9 : memref<8x16xf32, #tpu.memory_space<hbm>>) target(%arg27 : memref<8x16xf32, #tpu.memory_space<vmem>>) target_semaphore(%run_scoped3A : memref<!tpu.dma_semaphore, #tpu.memory_space<semaphore_mem>>)
      tpu.wait_dma2 semaphore(%run_scoped3A : memref<!tpu.dma_semaphore, #tpu.memory_space<semaphore_mem>>) src(%arg9 : memref<8x16xf32, #tpu.memory_space<hbm>>) dst(%arg27 : memref<8x16xf32, #tpu.memory_space<vmem>>)
      tpu.yield
    }) : () -> ()
    %get3A = arith.constant 0 : i32
    %get3A_7 = arith.index_cast %get3A : i32 to index
    %get3A_8 = arith.constant 0 : index
    %get3A_9 = tpu.vector_load %arg27[%get3A_7, %get3A_8] {strides = array<i32>} : memref<8x16xf32, #tpu.memory_space<vmem>>, vector<1x16xf32>,
    %get3A_10 = vector.shape_cast %get3A_9 : vector<1x16xf32> to vector<16xf32>
    %get3A_11 = arith.constant 1 : i32
    %get3A_12 = arith.index_cast %get3A_11 : i32 to index
    %get3A_13 = arith.constant 0 : index
    %get3A_14 = tpu.vector_load %arg27[%get3A_12, %get3A_13] {strides = array<i32>} : memref<8x16xf32, #tpu.memory_space<vmem>>, vector<1x16xf32>,
    %get3A_15 = vector.shape_cast %get3A_14 : vector<1x16xf32> to vector<16xf32>
    %get3A_16 = arith.constant 2 : i32
    %get3A_17 = arith.index_cast %get3A_16 : i32 to index
    %get3A_18 = arith.constant 0 : index
    %get3A_19 = tpu.vector_load %arg27[%get3A_17, %get3A_18] {strides = array<i32>} : memref<8x16xf32, #tpu.memory_space<vmem>>, vector<1x16xf32>,
    %get3A_20 = vector.shape_cast %get3A_19 : vector<1x16xf32> to vector<16xf32>
    %get3A_21 = arith.constant 3 : i32
    %get3A_22 = arith.index_cast %get3A_21 : i32 to index
    %get3A_23 = arith.constant 0 : index
    %get3A_24 = tpu.vector_load %arg27[%get3A_22, %get3A_23] {strides = array<i32>} : memref<8x16xf32, #tpu.memory_space<vmem>>, vector<1x16xf32>,
    %get3A_25 = vector.shape_cast %get3A_24 : vector<1x16xf32> to vector<16xf32>
    %get3A_26 = arith.constant 4 : i32
    %get3A_27 = arith.index_cast %get3A_26 : i32 to index
    %get3A_28 = arith.constant 0 : index
    %get3A_29 = tpu.vector_load %arg27[%get3A_27, %get3A_28] {strides = array<i32>} : memref<8x16xf32, #tpu.memory_space<vmem>>, vector<1x16xf32>,
    %get3A_30 = vector.shape_cast %get3A_29 : vector<1x16xf32> to vector<16xf32>
    %dma_start3A = arith.constant 0 : i32
    %dma_start3A_31 = arith.constant 0 : i32
    %dma_start3A_32 = tpu.memref_slice %arg28[%dma_start3A, %dma_start3A_31] : memref<2x16xf32, #tpu.memory_space<vmem>> -> memref<1x16xf32, #tpu.memory_space<vmem>>
    %dma_start3A_33 = tpu.memref_squeeze %dma_start3A_32 : memref<1x16xf32, #tpu.memory_space<vmem>> -> memref<16xf32, #tpu.memory_space<vmem>>
    %dma_start3A_34 = arith.constant 0 : i32
    %dma_start3A_35 = tpu.memref_slice %arg20[%dma_start3A_34] : memref<128xi32, #tpu.memory_space<vmem>> -> memref<16xi32, #tpu.memory_space<vmem>>
    %dma_start3A_36 = arith.constant 0 : i32
    %dma_start3A_37 = tpu.memref_slice %arg10[%dma_start3A_36] : memref<1000000xf32, #tpu.memory_space<hbm>> -> memref<1000000xf32, #tpu.memory_space<hbm>>
    tpu.enqueue_indirect_dma source(%dma_start3A_37 : memref<1000000xf32, #tpu.memory_space<hbm>>) target(%dma_start3A_33 : memref<16xf32, #tpu.memory_space<vmem>>) offsets(%dma_start3A_35 : memref<16xi32, #tpu.memory_space<vmem>>) semaphore(%arg37 : memref<!tpu.dma_semaphore, #tpu.memory_space<semaphore_mem>>)
    %dma_start3A_38 = arith.constant 0 : i32
    %dma_start3A_39 = arith.constant 0 : i32
    %dma_start3A_40 = tpu.memref_slice %arg29[%dma_start3A_38, %dma_start3A_39] : memref<2x16xf32, #tpu.memory_space<vmem>> -> memref<1x16xf32, #tpu.memory_space<vmem>>
    %dma_start3A_41 = tpu.memref_squeeze %dma_start3A_40 : memref<1x16xf32, #tpu.memory_space<vmem>> -> memref<16xf32, #tpu.memory_space<vmem>>
    %dma_start3A_42 = arith.constant 0 : i32
    %dma_start3A_43 = tpu.memref_slice %arg21[%dma_start3A_42] : memref<128xi32, #tpu.memory_space<vmem>> -> memref<16xi32, #tpu.memory_space<vmem>>
    %dma_start3A_44 = arith.constant 0 : i32
    %dma_start3A_45 = tpu.memref_slice %arg11[%dma_start3A_44] : memref<36501xf32, #tpu.memory_space<hbm>> -> memref<36501xf32, #tpu.memory_space<hbm>>
    tpu.enqueue_indirect_dma source(%dma_start3A_45 : memref<36501xf32, #tpu.memory_space<hbm>>) target(%dma_start3A_41 : memref<16xf32, #tpu.memory_space<vmem>>) offsets(%dma_start3A_43 : memref<16xi32, #tpu.memory_space<vmem>>) semaphore(%arg37 : memref<!tpu.dma_semaphore, #tpu.memory_space<semaphore_mem>>)
    %dma_start3A_46 = arith.constant 0 : i32
    %dma_start3A_47 = arith.constant 0 : i32
    %dma_start3A_48 = tpu.memref_slice %arg30[%dma_start3A_46, %dma_start3A_47] : memref<2x16xf32, #tpu.memory_space<vmem>> -> memref<1x16xf32, #tpu.memory_space<vmem>>
    %dma_start3A_49 = tpu.memref_squeeze %dma_start3A_48 : memref<1x16xf32, #tpu.memory_space<vmem>> -> memref<16xf32, #tpu.memory_space<vmem>>
    %dma_start3A_50 = arith.constant 0 : i32
    %dma_start3A_51 = tpu.memref_slice %arg22[%dma_start3A_50] : memref<128xi32, #tpu.memory_space<vmem>> -> memref<16xi32, #tpu.memory_space<vmem>>
    %dma_start3A_52 = arith.constant 0 : i32
    %dma_start3A_53 = tpu.memref_slice %arg12[%dma_start3A_52] : memref<36501xf32, #tpu.memory_space<hbm>> -> memref<36501xf32, #tpu.memory_space<hbm>>
    tpu.enqueue_indirect_dma source(%dma_start3A_53 : memref<36501xf32, #tpu.memory_space<hbm>>) target(%dma_start3A_49 : memref<16xf32, #tpu.memory_space<vmem>>) offsets(%dma_start3A_51 : memref<16xi32, #tpu.memory_space<vmem>>) semaphore(%arg37 : memref<!tpu.dma_semaphore, #tpu.memory_space<semaphore_mem>>)
    %dma_start3A_54 = arith.constant 0 : i32
    %dma_start3A_55 = arith.constant 0 : i32
    %dma_start3A_56 = tpu.memref_slice %arg31[%dma_start3A_54, %dma_start3A_55] : memref<2x16xf32, #tpu.memory_space<vmem>> -> memref<1x16xf32, #tpu.memory_space<vmem>>
    %dma_start3A_57 = tpu.memref_squeeze %dma_start3A_56 : memref<1x16xf32, #tpu.memory_space<vmem>> -> memref<16xf32, #tpu.memory_space<vmem>>
    %dma_start3A_58 = arith.constant 0 : i32
    %dma_start3A_59 = tpu.memref_slice %arg23[%dma_start3A_58] : memref<128xi32, #tpu.memory_space<vmem>> -> memref<16xi32, #tpu.memory_space<vmem>>
    %dma_start3A_60 = arith.constant 0 : i32
    %dma_start3A_61 = tpu.memref_slice %arg14[%dma_start3A_60] : memref<10000xf32, #tpu.memory_space<hbm>> -> memref<10000xf32, #tpu.memory_space<hbm>>
    tpu.enqueue_indirect_dma source(%dma_start3A_61 : memref<10000xf32, #tpu.memory_space<hbm>>) target(%dma_start3A_57 : memref<16xf32, #tpu.memory_space<vmem>>) offsets(%dma_start3A_59 : memref<16xi32, #tpu.memory_space<vmem>>) semaphore(%arg37 : memref<!tpu.dma_semaphore, #tpu.memory_space<semaphore_mem>>)
    %dma_start3A_62 = arith.constant 0 : i32
    %dma_start3A_63 = arith.constant 0 : i32
    %dma_start3A_64 = tpu.memref_slice %arg32[%dma_start3A_62, %dma_start3A_63] : memref<2x80xf32, #tpu.memory_space<vmem>> -> memref<1x80xf32, #tpu.memory_space<vmem>>
    %dma_start3A_65 = tpu.memref_squeeze %dma_start3A_64 : memref<1x80xf32, #tpu.memory_space<vmem>> -> memref<80xf32, #tpu.memory_space<vmem>>
    %dma_start3A_66 = arith.constant 0 : i32
    %dma_start3A_67 = tpu.memref_slice %arg24[%dma_start3A_66] : memref<640xi32, #tpu.memory_space<vmem>> -> memref<80xi32, #tpu.memory_space<vmem>>
    %dma_start3A_68 = arith.constant 0 : i32
    %dma_start3A_69 = tpu.memref_slice %arg13[%dma_start3A_68] : memref<1000xf32, #tpu.memory_space<hbm>> -> memref<1000xf32, #tpu.memory_space<hbm>>
    tpu.enqueue_indirect_dma source(%dma_start3A_69 : memref<1000xf32, #tpu.memory_space<hbm>>) target(%dma_start3A_65 : memref<80xf32, #tpu.memory_space<vmem>>) offsets(%dma_start3A_67 : memref<80xi32, #tpu.memory_space<vmem>>) semaphore(%arg37 : memref<!tpu.dma_semaphore, #tpu.memory_space<semaphore_mem>>)
    %dma_start3A_70 = arith.constant 0 : i32
    %dma_start3A_71 = arith.constant 0 : i32
    %dma_start3A_72 = tpu.memref_slice %arg33[%dma_start3A_70, %dma_start3A_71] : memref<2x160xf32, #tpu.memory_space<vmem>> -> memref<1x160xf32, #tpu.memory_space<vmem>>
    %dma_start3A_73 = tpu.memref_squeeze %dma_start3A_72 : memref<1x160xf32, #tpu.memory_space<vmem>> -> memref<160xf32, #tpu.memory_space<vmem>>
    %dma_start3A_74 = arith.constant 0 : i32
    %dma_start3A_75 = tpu.memref_slice %dma_start3A_73[%dma_start3A_74] : memref<160xf32, #tpu.memory_space<vmem>> -> memref<80xf32, #tpu.memory_space<vmem>>
    %dma_start3A_76 = arith.constant 0 : i32
    %dma_start3A_77 = tpu.memref_slice %arg25[%dma_start3A_76] : memref<1280xi32, #tpu.memory_space<vmem>> -> memref<80xi32, #tpu.memory_space<vmem>>
    %dma_start3A_78 = arith.constant 0 : i32
    %dma_start3A_79 = tpu.memref_slice %arg15[%dma_start3A_78] : memref<100000xf32, #tpu.memory_space<hbm>> -> memref<100000xf32, #tpu.memory_space<hbm>>
    tpu.enqueue_indirect_dma source(%dma_start3A_79 : memref<100000xf32, #tpu.memory_space<hbm>>) target(%dma_start3A_75 : memref<80xf32, #tpu.memory_space<vmem>>) offsets(%dma_start3A_77 : memref<80xi32, #tpu.memory_space<vmem>>) semaphore(%arg37 : memref<!tpu.dma_semaphore, #tpu.memory_space<semaphore_mem>>)
    %dma_start3A_80 = arith.constant 0 : i32
    %dma_start3A_81 = arith.constant 0 : i32
    %dma_start3A_82 = tpu.memref_slice %arg33[%dma_start3A_80, %dma_start3A_81] : memref<2x160xf32, #tpu.memory_space<vmem>> -> memref<1x160xf32, #tpu.memory_space<vmem>>
    %dma_start3A_83 = tpu.memref_squeeze %dma_start3A_82 : memref<1x160xf32, #tpu.memory_space<vmem>> -> memref<160xf32, #tpu.memory_space<vmem>>
    %dma_start3A_84 = arith.constant 80 : i32
    %dma_start3A_85 = tpu.memref_slice %dma_start3A_83[%dma_start3A_84] : memref<160xf32, #tpu.memory_space<vmem>> -> memref<80xf32, #tpu.memory_space<vmem>>
    %dma_start3A_86 = arith.constant 80 : i32
    %dma_start3A_87 = tpu.memref_slice %arg25[%dma_start3A_86] : memref<1280xi32, #tpu.memory_space<vmem>> -> memref<80xi32, #tpu.memory_space<vmem>>
    %dma_start3A_88 = arith.constant 0 : i32
    %dma_start3A_89 = tpu.memref_slice %arg15[%dma_start3A_88] : memref<100000xf32, #tpu.memory_space<hbm>> -> memref<100000xf32, #tpu.memory_space<hbm>>
    tpu.enqueue_indirect_dma source(%dma_start3A_89 : memref<100000xf32, #tpu.memory_space<hbm>>) target(%dma_start3A_85 : memref<80xf32, #tpu.memory_space<vmem>>) offsets(%dma_start3A_87 : memref<80xi32, #tpu.memory_space<vmem>>) semaphore(%arg37 : memref<!tpu.dma_semaphore, #tpu.memory_space<semaphore_mem>>)
    %dma_start3A_90 = arith.constant 1 : i32
    %dma_start3A_91 = arith.constant 0 : i32
    %dma_start3A_92 = tpu.memref_slice %arg28[%dma_start3A_90, %dma_start3A_91] : memref<2x16xf32, #tpu.memory_space<vmem>> -> memref<1x16xf32, #tpu.memory_space<vmem>>
    %dma_start3A_93 = tpu.memref_squeeze %dma_start3A_92 : memref<1x16xf32, #tpu.memory_space<vmem>> -> memref<16xf32, #tpu.memory_space<vmem>>
    %dma_start3A_94 = arith.constant 16 : i32
    %dma_start3A_95 = tpu.memref_slice %arg20[%dma_start3A_94] : memref<128xi32, #tpu.memory_space<vmem>> -> memref<16xi32, #tpu.memory_space<vmem>>
    %dma_start3A_96 = arith.constant 0 : i32
    %dma_start3A_97 = tpu.memref_slice %arg10[%dma_start3A_96] : memref<1000000xf32, #tpu.memory_space<hbm>> -> memref<1000000xf32, #tpu.memory_space<hbm>>
    tpu.enqueue_indirect_dma source(%dma_start3A_97 : memref<1000000xf32, #tpu.memory_space<hbm>>) target(%dma_start3A_93 : memref<16xf32, #tpu.memory_space<vmem>>) offsets(%dma_start3A_95 : memref<16xi32, #tpu.memory_space<vmem>>) semaphore(%arg38 : memref<!tpu.dma_semaphore, #tpu.memory_space<semaphore_mem>>)
    %dma_start3A_98 = arith.constant 1 : i32
    %dma_start3A_99 = arith.constant 0 : i32
    %dma_start3A_100 = tpu.memref_slice %arg29[%dma_start3A_98, %dma_start3A_99] : memref<2x16xf32, #tpu.memory_space<vmem>> -> memref<1x16xf32, #tpu.memory_space<vmem>>
    %dma_start3A_101 = tpu.memref_squeeze %dma_start3A_100 : memref<1x16xf32, #tpu.memory_space<vmem>> -> memref<16xf32, #tpu.memory_space<vmem>>
    %dma_start3A_102 = arith.constant 16 : i32
    %dma_start3A_103 = tpu.memref_slice %arg21[%dma_start3A_102] : memref<128xi32, #tpu.memory_space<vmem>> -> memref<16xi32, #tpu.memory_space<vmem>>
    %dma_start3A_104 = arith.constant 0 : i32
    %dma_start3A_105 = tpu.memref_slice %arg11[%dma_start3A_104] : memref<36501xf32, #tpu.memory_space<hbm>> -> memref<36501xf32, #tpu.memory_space<hbm>>
    tpu.enqueue_indirect_dma source(%dma_start3A_105 : memref<36501xf32, #tpu.memory_space<hbm>>) target(%dma_start3A_101 : memref<16xf32, #tpu.memory_space<vmem>>) offsets(%dma_start3A_103 : memref<16xi32, #tpu.memory_space<vmem>>) semaphore(%arg38 : memref<!tpu.dma_semaphore, #tpu.memory_space<semaphore_mem>>)
    %dma_start3A_106 = arith.constant 1 : i32
    %dma_start3A_107 = arith.constant 0 : i32
    %dma_start3A_108 = tpu.memref_slice %arg30[%dma_start3A_106, %dma_start3A_107] : memref<2x16xf32, #tpu.memory_space<vmem>> -> memref<1x16xf32, #tpu.memory_space<vmem>>
    %dma_start3A_109 = tpu.memref_squeeze %dma_start3A_108 : memref<1x16xf32, #tpu.memory_space<vmem>> -> memref<16xf32, #tpu.memory_space<vmem>>
    %dma_start3A_110 = arith.constant 16 : i32
    %dma_start3A_111 = tpu.memref_slice %arg22[%dma_start3A_110] : memref<128xi32, #tpu.memory_space<vmem>> -> memref<16xi32, #tpu.memory_space<vmem>>
    %dma_start3A_112 = arith.constant 0 : i32
    %dma_start3A_113 = tpu.memref_slice %arg12[%dma_start3A_112] : memref<36501xf32, #tpu.memory_space<hbm>> -> memref<36501xf32, #tpu.memory_space<hbm>>
    tpu.enqueue_indirect_dma source(%dma_start3A_113 : memref<36501xf32, #tpu.memory_space<hbm>>) target(%dma_start3A_109 : memref<16xf32, #tpu.memory_space<vmem>>) offsets(%dma_start3A_111 : memref<16xi32, #tpu.memory_space<vmem>>) semaphore(%arg38 : memref<!tpu.dma_semaphore, #tpu.memory_space<semaphore_mem>>)
    %dma_start3A_114 = arith.constant 1 : i32
    %dma_start3A_115 = arith.constant 0 : i32
    %dma_start3A_116 = tpu.memref_slice %arg31[%dma_start3A_114, %dma_start3A_115] : memref<2x16xf32, #tpu.memory_space<vmem>> -> memref<1x16xf32, #tpu.memory_space<vmem>>
    %dma_start3A_117 = tpu.memref_squeeze %dma_start3A_116 : memref<1x16xf32, #tpu.memory_space<vmem>> -> memref<16xf32, #tpu.memory_space<vmem>>
    %dma_start3A_118 = arith.constant 16 : i32
    %dma_start3A_119 = tpu.memref_slice %arg23[%dma_start3A_118] : memref<128xi32, #tpu.memory_space<vmem>> -> memref<16xi32, #tpu.memory_space<vmem>>
    %dma_start3A_120 = arith.constant 0 : i32
    %dma_start3A_121 = tpu.memref_slice %arg14[%dma_start3A_120] : memref<10000xf32, #tpu.memory_space<hbm>> -> memref<10000xf32, #tpu.memory_space<hbm>>
    tpu.enqueue_indirect_dma source(%dma_start3A_121 : memref<10000xf32, #tpu.memory_space<hbm>>) target(%dma_start3A_117 : memref<16xf32, #tpu.memory_space<vmem>>) offsets(%dma_start3A_119 : memref<16xi32, #tpu.memory_space<vmem>>) semaphore(%arg38 : memref<!tpu.dma_semaphore, #tpu.memory_space<semaphore_mem>>)
    %dma_start3A_122 = arith.constant 1 : i32
    %dma_start3A_123 = arith.constant 0 : i32
    %dma_start3A_124 = tpu.memref_slice %arg32[%dma_start3A_122, %dma_start3A_123] : memref<2x80xf32, #tpu.memory_space<vmem>> -> memref<1x80xf32, #tpu.memory_space<vmem>>
    %dma_start3A_125 = tpu.memref_squeeze %dma_start3A_124 : memref<1x80xf32, #tpu.memory_space<vmem>> -> memref<80xf32, #tpu.memory_space<vmem>>
    %dma_start3A_126 = arith.constant 80 : i32
    %dma_start3A_127 = tpu.memref_slice %arg24[%dma_start3A_126] : memref<640xi32, #tpu.memory_space<vmem>> -> memref<80xi32, #tpu.memory_space<vmem>>
    %dma_start3A_128 = arith.constant 0 : i32
    %dma_start3A_129 = tpu.memref_slice %arg13[%dma_start3A_128] : memref<1000xf32, #tpu.memory_space<hbm>> -> memref<1000xf32, #tpu.memory_space<hbm>>
    tpu.enqueue_indirect_dma source(%dma_start3A_129 : memref<1000xf32, #tpu.memory_space<hbm>>) target(%dma_start3A_125 : memref<80xf32, #tpu.memory_space<vmem>>) offsets(%dma_start3A_127 : memref<80xi32, #tpu.memory_space<vmem>>) semaphore(%arg38 : memref<!tpu.dma_semaphore, #tpu.memory_space<semaphore_mem>>)
    %dma_start3A_130 = arith.constant 1 : i32
    %dma_start3A_131 = arith.constant 0 : i32
    %dma_start3A_132 = tpu.memref_slice %arg33[%dma_start3A_130, %dma_start3A_131] : memref<2x160xf32, #tpu.memory_space<vmem>> -> memref<1x160xf32, #tpu.memory_space<vmem>>
    %dma_start3A_133 = tpu.memref_squeeze %dma_start3A_132 : memref<1x160xf32, #tpu.memory_space<vmem>> -> memref<160xf32, #tpu.memory_space<vmem>>
    %dma_start3A_134 = arith.constant 0 : i32
    %dma_start3A_135 = tpu.memref_slice %dma_start3A_133[%dma_start3A_134] : memref<160xf32, #tpu.memory_space<vmem>> -> memref<80xf32, #tpu.memory_space<vmem>>
    %dma_start3A_136 = arith.constant 160 : i32
    %dma_start3A_137 = tpu.memref_slice %arg25[%dma_start3A_136] : memref<1280xi32, #tpu.memory_space<vmem>> -> memref<80xi32, #tpu.memory_space<vmem>>
    %dma_start3A_138 = arith.constant 0 : i32
    %dma_start3A_139 = tpu.memref_slice %arg15[%dma_start3A_138] : memref<100000xf32, #tpu.memory_space<hbm>> -> memref<100000xf32, #tpu.memory_space<hbm>>
    tpu.enqueue_indirect_dma source(%dma_start3A_139 : memref<100000xf32, #tpu.memory_space<hbm>>) target(%dma_start3A_135 : memref<80xf32, #tpu.memory_space<vmem>>) offsets(%dma_start3A_137 : memref<80xi32, #tpu.memory_space<vmem>>) semaphore(%arg38 : memref<!tpu.dma_semaphore, #tpu.memory_space<semaphore_mem>>)
    %dma_start3A_140 = arith.constant 1 : i32
    %dma_start3A_141 = arith.constant 0 : i32
    %dma_start3A_142 = tpu.memref_slice %arg33[%dma_start3A_140, %dma_start3A_141] : memref<2x160xf32, #tpu.memory_space<vmem>> -> memref<1x160xf32, #tpu.memory_space<vmem>>
    %dma_start3A_143 = tpu.memref_squeeze %dma_start3A_142 : memref<1x160xf32, #tpu.memory_space<vmem>> -> memref<160xf32, #tpu.memory_space<vmem>>
    %dma_start3A_144 = arith.constant 80 : i32
    %dma_start3A_145 = tpu.memref_slice %dma_start3A_143[%dma_start3A_144] : memref<160xf32, #tpu.memory_space<vmem>> -> memref<80xf32, #tpu.memory_space<vmem>>
    %dma_start3A_146 = arith.constant 240 : i32
    %dma_start3A_147 = tpu.memref_slice %arg25[%dma_start3A_146] : memref<1280xi32, #tpu.memory_space<vmem>> -> memref<80xi32, #tpu.memory_space<vmem>>
    %dma_start3A_148 = arith.constant 0 : i32
    %dma_start3A_149 = tpu.memref_slice %arg15[%dma_start3A_148] : memref<100000xf32, #tpu.memory_space<hbm>> -> memref<100000xf32, #tpu.memory_space<hbm>>
    tpu.enqueue_indirect_dma source(%dma_start3A_149 : memref<100000xf32, #tpu.memory_space<hbm>>) target(%dma_start3A_145 : memref<80xf32, #tpu.memory_space<vmem>>) offsets(%dma_start3A_147 : memref<80xi32, #tpu.memory_space<vmem>>) semaphore(%arg38 : memref<!tpu.dma_semaphore, #tpu.memory_space<semaphore_mem>>)
    %dma_wait3A = arith.constant 0 : i32
    %dma_wait3A_150 = arith.constant 0 : i32
    %dma_wait3A_151 = tpu.memref_slice %arg28[%dma_wait3A, %dma_wait3A_150] : memref<2x16xf32, #tpu.memory_space<vmem>> -> memref<1x16xf32, #tpu.memory_space<vmem>>
    %dma_wait3A_152 = tpu.memref_squeeze %dma_wait3A_151 : memref<1x16xf32, #tpu.memory_space<vmem>> -> memref<16xf32, #tpu.memory_space<vmem>>
    %dma_wait3A_153 = arith.constant 0 : i32
    %dma_wait3A_154 = tpu.memref_slice %arg20[%dma_wait3A_153] : memref<128xi32, #tpu.memory_space<vmem>> -> memref<16xi32, #tpu.memory_space<vmem>>
    %dma_wait3A_155 = arith.constant 0 : i32
    %dma_wait3A_156 = tpu.memref_slice %arg10[%dma_wait3A_155] : memref<1000000xf32, #tpu.memory_space<hbm>> -> memref<1000000xf32, #tpu.memory_space<hbm>>
    tpu.wait_indirect_dma semaphore(%arg37 : memref<!tpu.dma_semaphore, #tpu.memory_space<semaphore_mem>>) src(%dma_wait3A_156 : memref<1000000xf32, #tpu.memory_space<hbm>>) dst(%dma_wait3A_152 : memref<16xf32, #tpu.memory_space<vmem>>)
    %dma_wait3A_157 = arith.constant 0 : i32
    %dma_wait3A_158 = arith.constant 0 : i32
    %dma_wait3A_159 = tpu.memref_slice %arg29[%dma_wait3A_157, %dma_wait3A_158] : memref<2x16xf32, #tpu.memory_space<vmem>> -> memref<1x16xf32, #tpu.memory_space<vmem>>
    %dma_wait3A_160 = tpu.memref_squeeze %dma_wait3A_159 : memref<1x16xf32, #tpu.memory_space<vmem>> -> memref<16xf32, #tpu.memory_space<vmem>>
    %dma_wait3A_161 = arith.constant 0 : i32
    %dma_wait3A_162 = tpu.memref_slice %arg21[%dma_wait3A_161] : memref<128xi32, #tpu.memory_space<vmem>> -> memref<16xi32, #tpu.memory_space<vmem>>
    %dma_wait3A_163 = arith.constant 0 : i32
    %dma_wait3A_164 = tpu.memref_slice %arg11[%dma_wait3A_163] : memref<36501xf32, #tpu.memory_space<hbm>> -> memref<36501xf32, #tpu.memory_space<hbm>>
    tpu.wait_indirect_dma semaphore(%arg37 : memref<!tpu.dma_semaphore, #tpu.memory_space<semaphore_mem>>) src(%dma_wait3A_164 : memref<36501xf32, #tpu.memory_space<hbm>>) dst(%dma_wait3A_160 : memref<16xf32, #tpu.memory_space<vmem>>)
    %dma_wait3A_165 = arith.constant 0 : i32
    %dma_wait3A_166 = arith.constant 0 : i32
    %dma_wait3A_167 = tpu.memref_slice %arg30[%dma_wait3A_165, %dma_wait3A_166] : memref<2x16xf32, #tpu.memory_space<vmem>> -> memref<1x16xf32, #tpu.memory_space<vmem>>
    %dma_wait3A_168 = tpu.memref_squeeze %dma_wait3A_167 : memref<1x16xf32, #tpu.memory_space<vmem>> -> memref<16xf32, #tpu.memory_space<vmem>>
    %dma_wait3A_169 = arith.constant 0 : i32
    %dma_wait3A_170 = tpu.memref_slice %arg22[%dma_wait3A_169] : memref<128xi32, #tpu.memory_space<vmem>> -> memref<16xi32, #tpu.memory_space<vmem>>
    %dma_wait3A_171 = arith.constant 0 : i32
    %dma_wait3A_172 = tpu.memref_slice %arg12[%dma_wait3A_171] : memref<36501xf32, #tpu.memory_space<hbm>> -> memref<36501xf32, #tpu.memory_space<hbm>>
    tpu.wait_indirect_dma semaphore(%arg37 : memref<!tpu.dma_semaphore, #tpu.memory_space<semaphore_mem>>) src(%dma_wait3A_172 : memref<36501xf32, #tpu.memory_space<hbm>>) dst(%dma_wait3A_168 : memref<16xf32, #tpu.memory_space<vmem>>)
    %dma_wait3A_173 = arith.constant 0 : i32
    %dma_wait3A_174 = arith.constant 0 : i32
    %dma_wait3A_175 = tpu.memref_slice %arg31[%dma_wait3A_173, %dma_wait3A_174] : memref<2x16xf32, #tpu.memory_space<vmem>> -> memref<1x16xf32, #tpu.memory_space<vmem>>
    %dma_wait3A_176 = tpu.memref_squeeze %dma_wait3A_175 : memref<1x16xf32, #tpu.memory_space<vmem>> -> memref<16xf32, #tpu.memory_space<vmem>>
    %dma_wait3A_177 = arith.constant 0 : i32
    %dma_wait3A_178 = tpu.memref_slice %arg23[%dma_wait3A_177] : memref<128xi32, #tpu.memory_space<vmem>> -> memref<16xi32, #tpu.memory_space<vmem>>
    %dma_wait3A_179 = arith.constant 0 : i32
    %dma_wait3A_180 = tpu.memref_slice %arg14[%dma_wait3A_179] : memref<10000xf32, #tpu.memory_space<hbm>> -> memref<10000xf32, #tpu.memory_space<hbm>>
    tpu.wait_indirect_dma semaphore(%arg37 : memref<!tpu.dma_semaphore, #tpu.memory_space<semaphore_mem>>) src(%dma_wait3A_180 : memref<10000xf32, #tpu.memory_space<hbm>>) dst(%dma_wait3A_176 : memref<16xf32, #tpu.memory_space<vmem>>)
    %dma_wait3A_181 = arith.constant 0 : i32
    %dma_wait3A_182 = arith.constant 0 : i32
    %dma_wait3A_183 = tpu.memref_slice %arg32[%dma_wait3A_181, %dma_wait3A_182] : memref<2x80xf32, #tpu.memory_space<vmem>> -> memref<1x80xf32, #tpu.memory_space<vmem>>
    %dma_wait3A_184 = tpu.memref_squeeze %dma_wait3A_183 : memref<1x80xf32, #tpu.memory_space<vmem>> -> memref<80xf32, #tpu.memory_space<vmem>>
    %dma_wait3A_185 = arith.constant 0 : i32
    %dma_wait3A_186 = tpu.memref_slice %arg24[%dma_wait3A_185] : memref<640xi32, #tpu.memory_space<vmem>> -> memref<80xi32, #tpu.memory_space<vmem>>
    %dma_wait3A_187 = arith.constant 0 : i32
    %dma_wait3A_188 = tpu.memref_slice %arg13[%dma_wait3A_187] : memref<1000xf32, #tpu.memory_space<hbm>> -> memref<1000xf32, #tpu.memory_space<hbm>>
    tpu.wait_indirect_dma semaphore(%arg37 : memref<!tpu.dma_semaphore, #tpu.memory_space<semaphore_mem>>) src(%dma_wait3A_188 : memref<1000xf32, #tpu.memory_space<hbm>>) dst(%dma_wait3A_184 : memref<80xf32, #tpu.memory_space<vmem>>)
    %dma_wait3A_189 = arith.constant 0 : i32
    %dma_wait3A_190 = arith.constant 0 : i32
    %dma_wait3A_191 = tpu.memref_slice %arg33[%dma_wait3A_189, %dma_wait3A_190] : memref<2x160xf32, #tpu.memory_space<vmem>> -> memref<1x160xf32, #tpu.memory_space<vmem>>
    %dma_wait3A_192 = tpu.memref_squeeze %dma_wait3A_191 : memref<1x160xf32, #tpu.memory_space<vmem>> -> memref<160xf32, #tpu.memory_space<vmem>>
    %dma_wait3A_193 = arith.constant 0 : i32
    %dma_wait3A_194 = tpu.memref_slice %dma_wait3A_192[%dma_wait3A_193] : memref<160xf32, #tpu.memory_space<vmem>> -> memref<80xf32, #tpu.memory_space<vmem>>
    %dma_wait3A_195 = arith.constant 0 : i32
    %dma_wait3A_196 = tpu.memref_slice %arg25[%dma_wait3A_195] : memref<1280xi32, #tpu.memory_space<vmem>> -> memref<80xi32, #tpu.memory_space<vmem>>
    %dma_wait3A_197 = arith.constant 0 : i32
    %dma_wait3A_198 = tpu.memref_slice %arg15[%dma_wait3A_197] : memref<100000xf32, #tpu.memory_space<hbm>> -> memref<100000xf32, #tpu.memory_space<hbm>>
    tpu.wait_indirect_dma semaphore(%arg37 : memref<!tpu.dma_semaphore, #tpu.memory_space<semaphore_mem>>) src(%dma_wait3A_198 : memref<100000xf32, #tpu.memory_space<hbm>>) dst(%dma_wait3A_194 : memref<80xf32, #tpu.memory_space<vmem>>)
    %dma_wait3A_199 = arith.constant 0 : i32
    %dma_wait3A_200 = arith.constant 0 : i32
    %dma_wait3A_201 = tpu.memref_slice %arg33[%dma_wait3A_199, %dma_wait3A_200] : memref<2x160xf32, #tpu.memory_space<vmem>> -> memref<1x160xf32, #tpu.memory_space<vmem>>
    %dma_wait3A_202 = tpu.memref_squeeze %dma_wait3A_201 : memref<1x160xf32, #tpu.memory_space<vmem>> -> memref<160xf32, #tpu.memory_space<vmem>>
    %dma_wait3A_203 = arith.constant 80 : i32
    %dma_wait3A_204 = tpu.memref_slice %dma_wait3A_202[%dma_wait3A_203] : memref<160xf32, #tpu.memory_space<vmem>> -> memref<80xf32, #tpu.memory_space<vmem>>
    %dma_wait3A_205 = arith.constant 80 : i32
    %dma_wait3A_206 = tpu.memref_slice %arg25[%dma_wait3A_205] : memref<1280xi32, #tpu.memory_space<vmem>> -> memref<80xi32, #tpu.memory_space<vmem>>
    %dma_wait3A_207 = arith.constant 0 : i32
    %dma_wait3A_208 = tpu.memref_slice %arg15[%dma_wait3A_207] : memref<100000xf32, #tpu.memory_space<hbm>> -> memref<100000xf32, #tpu.memory_space<hbm>>
    tpu.wait_indirect_dma semaphore(%arg37 : memref<!tpu.dma_semaphore, #tpu.memory_space<semaphore_mem>>) src(%dma_wait3A_208 : memref<100000xf32, #tpu.memory_space<hbm>>) dst(%dma_wait3A_204 : memref<80xf32, #tpu.memory_space<vmem>>)
    %get3A_209 = arith.constant 0 : i32
    %get3A_210 = arith.index_cast %get3A_209 : i32 to index
    %get3A_211 = arith.constant 0 : index
    %get3A_212 = tpu.vector_load %arg28[%get3A_210, %get3A_211] {strides = array<i32>} : memref<2x16xf32, #tpu.memory_space<vmem>>, vector<1x16xf32>,
    %get3A_213 = vector.shape_cast %get3A_212 : vector<1x16xf32> to vector<16xf32>
    %get3A_214 = arith.constant 0 : i32
    %get3A_215 = arith.index_cast %get3A_214 : i32 to index
    %get3A_216 = arith.constant 0 : index
    %get3A_217 = tpu.vector_load %arg29[%get3A_215, %get3A_216] {strides = array<i32>} : memref<2x16xf32, #tpu.memory_space<vmem>>, vector<1x16xf32>,
    %get3A_218 = vector.shape_cast %get3A_217 : vector<1x16xf32> to vector<16xf32>
    %add3A_219 = arith.addf %get3A_213, %get3A_218 : vector<16xf32>
    %get3A_220 = arith.constant 0 : i32
    %get3A_221 = arith.index_cast %get3A_220 : i32 to index
    %get3A_222 = arith.constant 0 : index
    %get3A_223 = tpu.vector_load %arg30[%get3A_221, %get3A_222] {strides = array<i32>} : memref<2x16xf32, #tpu.memory_space<vmem>>, vector<1x16xf32>,
    %get3A_224 = vector.shape_cast %get3A_223 : vector<1x16xf32> to vector<16xf32>
    %add3A_225 = arith.addf %add3A_219, %get3A_224 : vector<16xf32>
    %add3A_226 = arith.addf %add3A_225, %get3A_10 : vector<16xf32>
    %max3A = arith.constant 0.000000e+00 : f32
    %max3A_227 = vector.broadcast %max3A : f32 to vector<16xf32>
    %max3A_228 = arith.maximumf %add3A_226, %max3A_227 : vector<16xf32>
    %get3A_229 = arith.constant 0 : i32
    %get3A_230 = arith.index_cast %get3A_229 : i32 to index
    %get3A_231 = arith.constant 0 : index
    %get3A_232 = tpu.vector_load %arg32[%get3A_230, %get3A_231] {strides = array<i32>} : memref<2x80xf32, #tpu.memory_space<vmem>>, vector<1x16xf32>,
    %get3A_233 = vector.shape_cast %get3A_232 : vector<1x16xf32> to vector<16xf32>
    %get3A_234 = arith.constant 0 : i32
    %get3A_235 = arith.index_cast %get3A_234 : i32 to index
    %get3A_236 = arith.constant 16 : index
    %get3A_237 = tpu.vector_load %arg32[%get3A_235, %get3A_236] {strides = array<i32>} : memref<2x80xf32, #tpu.memory_space<vmem>>, vector<1x16xf32>,
    %get3A_238 = vector.shape_cast %get3A_237 : vector<1x16xf32> to vector<16xf32>
    %add3A_239 = arith.addf %get3A_233, %get3A_238 : vector<16xf32>
    %get3A_240 = arith.constant 0 : i32
    %get3A_241 = arith.index_cast %get3A_240 : i32 to index
    %get3A_242 = arith.constant 32 : index
    %get3A_243 = tpu.vector_load %arg32[%get3A_241, %get3A_242] {strides = array<i32>} : memref<2x80xf32, #tpu.memory_space<vmem>>, vector<1x16xf32>,
    %get3A_244 = vector.shape_cast %get3A_243 : vector<1x16xf32> to vector<16xf32>
    %add3A_245 = arith.addf %add3A_239, %get3A_244 : vector<16xf32>
    %get3A_246 = arith.constant 0 : i32
    %get3A_247 = arith.index_cast %get3A_246 : i32 to index
    %get3A_248 = arith.constant 48 : index
    %get3A_249 = tpu.vector_load %arg32[%get3A_247, %get3A_248] {strides = array<i32>} : memref<2x80xf32, #tpu.memory_space<vmem>>, vector<1x16xf32>,
    %get3A_250 = vector.shape_cast %get3A_249 : vector<1x16xf32> to vector<16xf32>
    %add3A_251 = arith.addf %add3A_245, %get3A_250 : vector<16xf32>
    %get3A_252 = arith.constant 0 : i32
    %get3A_253 = arith.index_cast %get3A_252 : i32 to index
    %get3A_254 = arith.constant 64 : index
    %get3A_255 = tpu.vector_load %arg32[%get3A_253, %get3A_254] {strides = array<i32>} : memref<2x80xf32, #tpu.memory_space<vmem>>, vector<1x16xf32>,
    %get3A_256 = vector.shape_cast %get3A_255 : vector<1x16xf32> to vector<16xf32>
    %add3A_257 = arith.addf %add3A_251, %get3A_256 : vector<16xf32>
    %get3A_258 = arith.constant 0 : i32
    %get3A_259 = arith.index_cast %get3A_258 : i32 to index
    %get3A_260 = arith.constant 0 : index
    %get3A_261 = tpu.vector_load %arg33[%get3A_259, %get3A_260] {strides = array<i32>} : memref<2x160xf32, #tpu.memory_space<vmem>>, vector<1x16xf32>,
    %get3A_262 = vector.shape_cast %get3A_261 : vector<1x16xf32> to vector<16xf32>
    %get3A_263 = arith.constant 0 : i32
    %get3A_264 = arith.index_cast %get3A_263 : i32 to index
    %get3A_265 = arith.constant 16 : index
    %get3A_266 = tpu.vector_load %arg33[%get3A_264, %get3A_265] {strides = array<i32>} : memref<2x160xf32, #tpu.memory_space<vmem>>, vector<1x16xf32>,
    %get3A_267 = vector.shape_cast %get3A_266 : vector<1x16xf32> to vector<16xf32>
    %add3A_268 = arith.addf %get3A_262, %get3A_267 : vector<16xf32>
    %get3A_269 = arith.constant 0 : i32
    %get3A_270 = arith.index_cast %get3A_269 : i32 to index
    %get3A_271 = arith.constant 32 : index
    %get3A_272 = tpu.vector_load %arg33[%get3A_270, %get3A_271] {strides = array<i32>} : memref<2x160xf32, #tpu.memory_space<vmem>>, vector<1x16xf32>,
    %get3A_273 = vector.shape_cast %get3A_272 : vector<1x16xf32> to vector<16xf32>
    %add3A_274 = arith.addf %add3A_268, %get3A_273 : vector<16xf32>
    %get3A_275 = arith.constant 0 : i32
    %get3A_276 = arith.index_cast %get3A_275 : i32 to index
    %get3A_277 = arith.constant 48 : index
    %get3A_278 = tpu.vector_load %arg33[%get3A_276, %get3A_277] {strides = array<i32>} : memref<2x160xf32, #tpu.memory_space<vmem>>, vector<1x16xf32>,
    %get3A_279 = vector.shape_cast %get3A_278 : vector<1x16xf32> to vector<16xf32>
    %add3A_280 = arith.addf %add3A_274, %get3A_279 : vector<16xf32>
    %get3A_281 = arith.constant 0 : i32
    %get3A_282 = arith.index_cast %get3A_281 : i32 to index
    %get3A_283 = arith.constant 64 : index
    %get3A_284 = tpu.vector_load %arg33[%get3A_282, %get3A_283] {strides = array<i32>} : memref<2x160xf32, #tpu.memory_space<vmem>>, vector<1x16xf32>,
    %get3A_285 = vector.shape_cast %get3A_284 : vector<1x16xf32> to vector<16xf32>
    %add3A_286 = arith.addf %add3A_280, %get3A_285 : vector<16xf32>
    %get3A_287 = arith.constant 0 : i32
    %get3A_288 = arith.index_cast %get3A_287 : i32 to index
    %get3A_289 = arith.constant 80 : index
    %get3A_290 = tpu.vector_load %arg33[%get3A_288, %get3A_289] {strides = array<i32>} : memref<2x160xf32, #tpu.memory_space<vmem>>, vector<1x16xf32>,
    %get3A_291 = vector.shape_cast %get3A_290 : vector<1x16xf32> to vector<16xf32>
    %add3A_292 = arith.addf %add3A_286, %get3A_291 : vector<16xf32>
    %get3A_293 = arith.constant 0 : i32
    %get3A_294 = arith.index_cast %get3A_293 : i32 to index
    %get3A_295 = arith.constant 96 : index
    %get3A_296 = tpu.vector_load %arg33[%get3A_294, %get3A_295] {strides = array<i32>} : memref<2x160xf32, #tpu.memory_space<vmem>>, vector<1x16xf32>,
    %get3A_297 = vector.shape_cast %get3A_296 : vector<1x16xf32> to vector<16xf32>
    %add3A_298 = arith.addf %add3A_292, %get3A_297 : vector<16xf32>
    %get3A_299 = arith.constant 0 : i32
    %get3A_300 = arith.index_cast %get3A_299 : i32 to index
    %get3A_301 = arith.constant 112 : index
    %get3A_302 = tpu.vector_load %arg33[%get3A_300, %get3A_301] {strides = array<i32>} : memref<2x160xf32, #tpu.memory_space<vmem>>, vector<1x16xf32>,
    %get3A_303 = vector.shape_cast %get3A_302 : vector<1x16xf32> to vector<16xf32>
    %add3A_304 = arith.addf %add3A_298, %get3A_303 : vector<16xf32>
    %get3A_305 = arith.constant 0 : i32
    %get3A_306 = arith.index_cast %get3A_305 : i32 to index
    %get3A_307 = arith.constant 128 : index
    %get3A_308 = tpu.vector_load %arg33[%get3A_306, %get3A_307] {strides = array<i32>} : memref<2x160xf32, #tpu.memory_space<vmem>>, vector<1x16xf32>,
    %get3A_309 = vector.shape_cast %get3A_308 : vector<1x16xf32> to vector<16xf32>
    %add3A_310 = arith.addf %add3A_304, %get3A_309 : vector<16xf32>
    %get3A_311 = arith.constant 0 : i32
    %get3A_312 = arith.index_cast %get3A_311 : i32 to index
    %get3A_313 = arith.constant 144 : index
    %get3A_314 = tpu.vector_load %arg33[%get3A_312, %get3A_313] {strides = array<i32>} : memref<2x160xf32, #tpu.memory_space<vmem>>, vector<1x16xf32>,
    %get3A_315 = vector.shape_cast %get3A_314 : vector<1x16xf32> to vector<16xf32>
    %add3A_316 = arith.addf %add3A_310, %get3A_315 : vector<16xf32>
    %get3A_317 = arith.constant 0 : i32
    %get3A_318 = arith.index_cast %get3A_317 : i32 to index
    %get3A_319 = arith.constant 0 : index
    %get3A_320 = tpu.vector_load %arg31[%get3A_318, %get3A_319] {strides = array<i32>} : memref<2x16xf32, #tpu.memory_space<vmem>>, vector<1x16xf32>,
    %get3A_321 = vector.shape_cast %get3A_320 : vector<1x16xf32> to vector<16xf32>
    %add3A_322 = arith.addf %get3A_321, %add3A_257 : vector<16xf32>
    %add3A_323 = arith.addf %add3A_322, %add3A_316 : vector<16xf32>
    %add3A_324 = arith.addf %add3A_323, %get3A_15 : vector<16xf32>
    %max3A_325 = arith.constant 0.000000e+00 : f32
    %max3A_326 = vector.broadcast %max3A_325 : f32 to vector<16xf32>
    %max3A_327 = arith.maximumf %add3A_324, %max3A_326 : vector<16xf32>
    %get3A_328 = arith.constant 0 : index
    %get3A_329 = tpu.vector_load %arg26[%get3A_328] {strides = array<i32>} : memref<128xf32, #tpu.memory_space<vmem>>, vector<16xf32>,
    %get3A_330 = vector.shape_cast %get3A_329 : vector<16xf32> to vector<16xf32>
    %mul3A_331 = arith.mulf %get3A_20, %get3A_330 : vector<16xf32>
    %mul3A_332 = arith.mulf %get3A_25, %max3A_228 : vector<16xf32>
    %add3A_333 = arith.addf %mul3A_331, %mul3A_332 : vector<16xf32>
    %mul3A_334 = arith.mulf %get3A_30, %max3A_327 : vector<16xf32>
    %add3A_335 = arith.addf %add3A_333, %mul3A_334 : vector<16xf32>
    %swap3A = arith.constant 0 : index
    %swap3A_336 = tpu.vector_load %arg34[%swap3A] {strides = array<i32>} : memref<128xf32, #tpu.memory_space<vmem>>, vector<16xf32>,
    %swap3A_337 = vector.shape_cast %swap3A_336 : vector<16xf32> to vector<16xf32>
    %swap3A_338 = vector.shape_cast %max3A_228 : vector<16xf32> to vector<16xf32>
    tpu.vector_store %arg34[%swap3A], %swap3A_338 {strides = array<i32>} : memref<128xf32, #tpu.memory_space<vmem>>, vector<16xf32>,
    %swap3A_339 = arith.constant 0 : index
    %swap3A_340 = tpu.vector_load %arg35[%swap3A_339] {strides = array<i32>} : memref<128xf32, #tpu.memory_space<vmem>>, vector<16xf32>,
    %swap3A_341 = vector.shape_cast %swap3A_340 : vector<16xf32> to vector<16xf32>
    %swap3A_342 = vector.shape_cast %max3A_327 : vector<16xf32> to vector<16xf32>
    tpu.vector_store %arg35[%swap3A_339], %swap3A_342 {strides = array<i32>} : memref<128xf32, #tpu.memory_space<vmem>>, vector<16xf32>,
    %swap3A_343 = arith.constant 0 : index
    %swap3A_344 = tpu.vector_load %arg36[%swap3A_343] {strides = array<i32>} : memref<128xf32, #tpu.memory_space<vmem>>, vector<16xf32>,
    %swap3A_345 = vector.shape_cast %swap3A_344 : vector<16xf32> to vector<16xf32>
    %swap3A_346 = vector.shape_cast %add3A_335 : vector<16xf32> to vector<16xf32>
    tpu.vector_store %arg36[%swap3A_343], %swap3A_346 {strides = array<i32>} : memref<128xf32, #tpu.memory_space<vmem>>, vector<16xf32>,
    %dma_start3A_347 = arith.constant 0 : i32
    %dma_start3A_348 = arith.constant 0 : i32
    %dma_start3A_349 = tpu.memref_slice %arg28[%dma_start3A_347, %dma_start3A_348] : memref<2x16xf32, #tpu.memory_space<vmem>> -> memref<1x16xf32, #tpu.memory_space<vmem>>
    %dma_start3A_350 = tpu.memref_squeeze %dma_start3A_349 : memref<1x16xf32, #tpu.memory_space<vmem>> -> memref<16xf32, #tpu.memory_space<vmem>>
    %dma_start3A_351 = arith.constant 32 : i32
    %dma_start3A_352 = tpu.memref_slice %arg20[%dma_start3A_351] : memref<128xi32, #tpu.memory_space<vmem>> -> memref<16xi32, #tpu.memory_space<vmem>>
    %dma_start3A_353 = arith.constant 0 : i32
    %dma_start3A_354 = tpu.memref_slice %arg10[%dma_start3A_353] : memref<1000000xf32, #tpu.memory_space<hbm>> -> memref<1000000xf32, #tpu.memory_space<hbm>>
    tpu.enqueue_indirect_dma source(%dma_start3A_354 : memref<1000000xf32, #tpu.memory_space<hbm>>) target(%dma_start3A_350 : memref<16xf32, #tpu.memory_space<vmem>>) offsets(%dma_start3A_352 : memref<16xi32, #tpu.memory_space<vmem>>) semaphore(%arg37 : memref<!tpu.dma_semaphore, #tpu.memory_space<semaphore_mem>>)
    %dma_start3A_355 = arith.constant 0 : i32
    %dma_start3A_356 = arith.constant 0 : i32
    %dma_start3A_357 = tpu.memref_slice %arg29[%dma_start3A_355, %dma_start3A_356] : memref<2x16xf32, #tpu.memory_space<vmem>> -> memref<1x16xf32, #tpu.memory_space<vmem>>
    %dma_start3A_358 = tpu.memref_squeeze %dma_start3A_357 : memref<1x16xf32, #tpu.memory_space<vmem>> -> memref<16xf32, #tpu.memory_space<vmem>>
    %dma_start3A_359 = arith.constant 32 : i32
    %dma_start3A_360 = tpu.memref_slice %arg21[%dma_start3A_359] : memref<128xi32, #tpu.memory_space<vmem>> -> memref<16xi32, #tpu.memory_space<vmem>>
    %dma_start3A_361 = arith.constant 0 : i32
    %dma_start3A_362 = tpu.memref_slice %arg11[%dma_start3A_361] : memref<36501xf32, #tpu.memory_space<hbm>> -> memref<36501xf32, #tpu.memory_space<hbm>>
    tpu.enqueue_indirect_dma source(%dma_start3A_362 : memref<36501xf32, #tpu.memory_space<hbm>>) target(%dma_start3A_358 : memref<16xf32, #tpu.memory_space<vmem>>) offsets(%dma_start3A_360 : memref<16xi32, #tpu.memory_space<vmem>>) semaphore(%arg37 : memref<!tpu.dma_semaphore, #tpu.memory_space<semaphore_mem>>)
    %dma_start3A_363 = arith.constant 0 : i32
    %dma_start3A_364 = arith.constant 0 : i32
    %dma_start3A_365 = tpu.memref_slice %arg30[%dma_start3A_363, %dma_start3A_364] : memref<2x16xf32, #tpu.memory_space<vmem>> -> memref<1x16xf32, #tpu.memory_space<vmem>>
    %dma_start3A_366 = tpu.memref_squeeze %dma_start3A_365 : memref<1x16xf32, #tpu.memory_space<vmem>> -> memref<16xf32, #tpu.memory_space<vmem>>
    %dma_start3A_367 = arith.constant 32 : i32
    %dma_start3A_368 = tpu.memref_slice %arg22[%dma_start3A_367] : memref<128xi32, #tpu.memory_space<vmem>> -> memref<16xi32, #tpu.memory_space<vmem>>
    %dma_start3A_369 = arith.constant 0 : i32
    %dma_start3A_370 = tpu.memref_slice %arg12[%dma_start3A_369] : memref<36501xf32, #tpu.memory_space<hbm>> -> memref<36501xf32, #tpu.memory_space<hbm>>
    tpu.enqueue_indirect_dma source(%dma_start3A_370 : memref<36501xf32, #tpu.memory_space<hbm>>) target(%dma_start3A_366 : memref<16xf32, #tpu.memory_space<vmem>>) offsets(%dma_start3A_368 : memref<16xi32, #tpu.memory_space<vmem>>) semaphore(%arg37 : memref<!tpu.dma_semaphore, #tpu.memory_space<semaphore_mem>>)
    %dma_start3A_371 = arith.constant 0 : i32
    %dma_start3A_372 = arith.constant 0 : i32
    %dma_start3A_373 = tpu.memref_slice %arg31[%dma_start3A_371, %dma_start3A_372] : memref<2x16xf32, #tpu.memory_space<vmem>> -> memref<1x16xf32, #tpu.memory_space<vmem>>
    %dma_start3A_374 = tpu.memref_squeeze %dma_start3A_373 : memref<1x16xf32, #tpu.memory_space<vmem>> -> memref<16xf32, #tpu.memory_space<vmem>>
    %dma_start3A_375 = arith.constant 32 : i32
    %dma_start3A_376 = tpu.memref_slice %arg23[%dma_start3A_375] : memref<128xi32, #tpu.memory_space<vmem>> -> memref<16xi32, #tpu.memory_space<vmem>>
    %dma_start3A_377 = arith.constant 0 : i32
    %dma_start3A_378 = tpu.memref_slice %arg14[%dma_start3A_377] : memref<10000xf32, #tpu.memory_space<hbm>> -> memref<10000xf32, #tpu.memory_space<hbm>>
    tpu.enqueue_indirect_dma source(%dma_start3A_378 : memref<10000xf32, #tpu.memory_space<hbm>>) target(%dma_start3A_374 : memref<16xf32, #tpu.memory_space<vmem>>) offsets(%dma_start3A_376 : memref<16xi32, #tpu.memory_space<vmem>>) semaphore(%arg37 : memref<!tpu.dma_semaphore, #tpu.memory_space<semaphore_mem>>)
    %dma_start3A_379 = arith.constant 0 : i32
    %dma_start3A_380 = arith.constant 0 : i32
    %dma_start3A_381 = tpu.memref_slice %arg32[%dma_start3A_379, %dma_start3A_380] : memref<2x80xf32, #tpu.memory_space<vmem>> -> memref<1x80xf32, #tpu.memory_space<vmem>>
    %dma_start3A_382 = tpu.memref_squeeze %dma_start3A_381 : memref<1x80xf32, #tpu.memory_space<vmem>> -> memref<80xf32, #tpu.memory_space<vmem>>
    %dma_start3A_383 = arith.constant 160 : i32
    %dma_start3A_384 = tpu.memref_slice %arg24[%dma_start3A_383] : memref<640xi32, #tpu.memory_space<vmem>> -> memref<80xi32, #tpu.memory_space<vmem>>
    %dma_start3A_385 = arith.constant 0 : i32
    %dma_start3A_386 = tpu.memref_slice %arg13[%dma_start3A_385] : memref<1000xf32, #tpu.memory_space<hbm>> -> memref<1000xf32, #tpu.memory_space<hbm>>
    tpu.enqueue_indirect_dma source(%dma_start3A_386 : memref<1000xf32, #tpu.memory_space<hbm>>) target(%dma_start3A_382 : memref<80xf32, #tpu.memory_space<vmem>>) offsets(%dma_start3A_384 : memref<80xi32, #tpu.memory_space<vmem>>) semaphore(%arg37 : memref<!tpu.dma_semaphore, #tpu.memory_space<semaphore_mem>>)
    %dma_start3A_387 = arith.constant 0 : i32
    %dma_start3A_388 = arith.constant 0 : i32
    %dma_start3A_389 = tpu.memref_slice %arg33[%dma_start3A_387, %dma_start3A_388] : memref<2x160xf32, #tpu.memory_space<vmem>> -> memref<1x160xf32, #tpu.memory_space<vmem>>
    %dma_start3A_390 = tpu.memref_squeeze %dma_start3A_389 : memref<1x160xf32, #tpu.memory_space<vmem>> -> memref<160xf32, #tpu.memory_space<vmem>>
    %dma_start3A_391 = arith.constant 0 : i32
    %dma_start3A_392 = tpu.memref_slice %dma_start3A_390[%dma_start3A_391] : memref<160xf32, #tpu.memory_space<vmem>> -> memref<80xf32, #tpu.memory_space<vmem>>
    %dma_start3A_393 = arith.constant 320 : i32
    %dma_start3A_394 = tpu.memref_slice %arg25[%dma_start3A_393] : memref<1280xi32, #tpu.memory_space<vmem>> -> memref<80xi32, #tpu.memory_space<vmem>>
    %dma_start3A_395 = arith.constant 0 : i32
    %dma_start3A_396 = tpu.memref_slice %arg15[%dma_start3A_395] : memref<100000xf32, #tpu.memory_space<hbm>> -> memref<100000xf32, #tpu.memory_space<hbm>>
    tpu.enqueue_indirect_dma source(%dma_start3A_396 : memref<100000xf32, #tpu.memory_space<hbm>>) target(%dma_start3A_392 : memref<80xf32, #tpu.memory_space<vmem>>) offsets(%dma_start3A_394 : memref<80xi32, #tpu.memory_space<vmem>>) semaphore(%arg37 : memref<!tpu.dma_semaphore, #tpu.memory_space<semaphore_mem>>)
    %dma_start3A_397 = arith.constant 0 : i32
    %dma_start3A_398 = arith.constant 0 : i32
    %dma_start3A_399 = tpu.memref_slice %arg33[%dma_start3A_397, %dma_start3A_398] : memref<2x160xf32, #tpu.memory_space<vmem>> -> memref<1x160xf32, #tpu.memory_space<vmem>>
    %dma_start3A_400 = tpu.memref_squeeze %dma_start3A_399 : memref<1x160xf32, #tpu.memory_space<vmem>> -> memref<160xf32, #tpu.memory_space<vmem>>
    %dma_start3A_401 = arith.constant 80 : i32
    %dma_start3A_402 = tpu.memref_slice %dma_start3A_400[%dma_start3A_401] : memref<160xf32, #tpu.memory_space<vmem>> -> memref<80xf32, #tpu.memory_space<vmem>>
    %dma_start3A_403 = arith.constant 400 : i32
    %dma_start3A_404 = tpu.memref_slice %arg25[%dma_start3A_403] : memref<1280xi32, #tpu.memory_space<vmem>> -> memref<80xi32, #tpu.memory_space<vmem>>
    %dma_start3A_405 = arith.constant 0 : i32
    %dma_start3A_406 = tpu.memref_slice %arg15[%dma_start3A_405] : memref<100000xf32, #tpu.memory_space<hbm>> -> memref<100000xf32, #tpu.memory_space<hbm>>
    tpu.enqueue_indirect_dma source(%dma_start3A_406 : memref<100000xf32, #tpu.memory_space<hbm>>) target(%dma_start3A_402 : memref<80xf32, #tpu.memory_space<vmem>>) offsets(%dma_start3A_404 : memref<80xi32, #tpu.memory_space<vmem>>) semaphore(%arg37 : memref<!tpu.dma_semaphore, #tpu.memory_space<semaphore_mem>>)
    %dma_wait3A_407 = arith.constant 1 : i32
    %dma_wait3A_408 = arith.constant 0 : i32
    %dma_wait3A_409 = tpu.memref_slice %arg28[%dma_wait3A_407, %dma_wait3A_408] : memref<2x16xf32, #tpu.memory_space<vmem>> -> memref<1x16xf32, #tpu.memory_space<vmem>>
    %dma_wait3A_410 = tpu.memref_squeeze %dma_wait3A_409 : memref<1x16xf32, #tpu.memory_space<vmem>> -> memref<16xf32, #tpu.memory_space<vmem>>
    %dma_wait3A_411 = arith.constant 16 : i32
    %dma_wait3A_412 = tpu.memref_slice %arg20[%dma_wait3A_411] : memref<128xi32, #tpu.memory_space<vmem>> -> memref<16xi32, #tpu.memory_space<vmem>>
    %dma_wait3A_413 = arith.constant 0 : i32
    %dma_wait3A_414 = tpu.memref_slice %arg10[%dma_wait3A_413] : memref<1000000xf32, #tpu.memory_space<hbm>> -> memref<1000000xf32, #tpu.memory_space<hbm>>
    tpu.wait_indirect_dma semaphore(%arg38 : memref<!tpu.dma_semaphore, #tpu.memory_space<semaphore_mem>>) src(%dma_wait3A_414 : memref<1000000xf32, #tpu.memory_space<hbm>>) dst(%dma_wait3A_410 : memref<16xf32, #tpu.memory_space<vmem>>)
    %dma_wait3A_415 = arith.constant 1 : i32
    %dma_wait3A_416 = arith.constant 0 : i32
    %dma_wait3A_417 = tpu.memref_slice %arg29[%dma_wait3A_415, %dma_wait3A_416] : memref<2x16xf32, #tpu.memory_space<vmem>> -> memref<1x16xf32, #tpu.memory_space<vmem>>
    %dma_wait3A_418 = tpu.memref_squeeze %dma_wait3A_417 : memref<1x16xf32, #tpu.memory_space<vmem>> -> memref<16xf32, #tpu.memory_space<vmem>>
    %dma_wait3A_419 = arith.constant 16 : i32
    %dma_wait3A_420 = tpu.memref_slice %arg21[%dma_wait3A_419] : memref<128xi32, #tpu.memory_space<vmem>> -> memref<16xi32, #tpu.memory_space<vmem>>
    %dma_wait3A_421 = arith.constant 0 : i32
    %dma_wait3A_422 = tpu.memref_slice %arg11[%dma_wait3A_421] : memref<36501xf32, #tpu.memory_space<hbm>> -> memref<36501xf32, #tpu.memory_space<hbm>>
    tpu.wait_indirect_dma semaphore(%arg38 : memref<!tpu.dma_semaphore, #tpu.memory_space<semaphore_mem>>) src(%dma_wait3A_422 : memref<36501xf32, #tpu.memory_space<hbm>>) dst(%dma_wait3A_418 : memref<16xf32, #tpu.memory_space<vmem>>)
    %dma_wait3A_423 = arith.constant 1 : i32
    %dma_wait3A_424 = arith.constant 0 : i32
    %dma_wait3A_425 = tpu.memref_slice %arg30[%dma_wait3A_423, %dma_wait3A_424] : memref<2x16xf32, #tpu.memory_space<vmem>> -> memref<1x16xf32, #tpu.memory_space<vmem>>
    %dma_wait3A_426 = tpu.memref_squeeze %dma_wait3A_425 : memref<1x16xf32, #tpu.memory_space<vmem>> -> memref<16xf32, #tpu.memory_space<vmem>>
    %dma_wait3A_427 = arith.constant 16 : i32
    %dma_wait3A_428 = tpu.memref_slice %arg22[%dma_wait3A_427] : memref<128xi32, #tpu.memory_space<vmem>> -> memref<16xi32, #tpu.memory_space<vmem>>
    %dma_wait3A_429 = arith.constant 0 : i32
    %dma_wait3A_430 = tpu.memref_slice %arg12[%dma_wait3A_429] : memref<36501xf32, #tpu.memory_space<hbm>> -> memref<36501xf32, #tpu.memory_space<hbm>>
    tpu.wait_indirect_dma semaphore(%arg38 : memref<!tpu.dma_semaphore, #tpu.memory_space<semaphore_mem>>) src(%dma_wait3A_430 : memref<36501xf32, #tpu.memory_space<hbm>>) dst(%dma_wait3A_426 : memref<16xf32, #tpu.memory_space<vmem>>)
    %dma_wait3A_431 = arith.constant 1 : i32
    %dma_wait3A_432 = arith.constant 0 : i32
    %dma_wait3A_433 = tpu.memref_slice %arg31[%dma_wait3A_431, %dma_wait3A_432] : memref<2x16xf32, #tpu.memory_space<vmem>> -> memref<1x16xf32, #tpu.memory_space<vmem>>
    %dma_wait3A_434 = tpu.memref_squeeze %dma_wait3A_433 : memref<1x16xf32, #tpu.memory_space<vmem>> -> memref<16xf32, #tpu.memory_space<vmem>>
    %dma_wait3A_435 = arith.constant 16 : i32
    %dma_wait3A_436 = tpu.memref_slice %arg23[%dma_wait3A_435] : memref<128xi32, #tpu.memory_space<vmem>> -> memref<16xi32, #tpu.memory_space<vmem>>
    %dma_wait3A_437 = arith.constant 0 : i32
    %dma_wait3A_438 = tpu.memref_slice %arg14[%dma_wait3A_437] : memref<10000xf32, #tpu.memory_space<hbm>> -> memref<10000xf32, #tpu.memory_space<hbm>>
    tpu.wait_indirect_dma semaphore(%arg38 : memref<!tpu.dma_semaphore, #tpu.memory_space<semaphore_mem>>) src(%dma_wait3A_438 : memref<10000xf32, #tpu.memory_space<hbm>>) dst(%dma_wait3A_434 : memref<16xf32, #tpu.memory_space<vmem>>)
    %dma_wait3A_439 = arith.constant 1 : i32
    %dma_wait3A_440 = arith.constant 0 : i32
    %dma_wait3A_441 = tpu.memref_slice %arg32[%dma_wait3A_439, %dma_wait3A_440] : memref<2x80xf32, #tpu.memory_space<vmem>> -> memref<1x80xf32, #tpu.memory_space<vmem>>
    %dma_wait3A_442 = tpu.memref_squeeze %dma_wait3A_441 : memref<1x80xf32, #tpu.memory_space<vmem>> -> memref<80xf32, #tpu.memory_space<vmem>>
    %dma_wait3A_443 = arith.constant 80 : i32
    %dma_wait3A_444 = tpu.memref_slice %arg24[%dma_wait3A_443] : memref<640xi32, #tpu.memory_space<vmem>> -> memref<80xi32, #tpu.memory_space<vmem>>
    %dma_wait3A_445 = arith.constant 0 : i32
    %dma_wait3A_446 = tpu.memref_slice %arg13[%dma_wait3A_445] : memref<1000xf32, #tpu.memory_space<hbm>> -> memref<1000xf32, #tpu.memory_space<hbm>>
    tpu.wait_indirect_dma semaphore(%arg38 : memref<!tpu.dma_semaphore, #tpu.memory_space<semaphore_mem>>) src(%dma_wait3A_446 : memref<1000xf32, #tpu.memory_space<hbm>>) dst(%dma_wait3A_442 : memref<80xf32, #tpu.memory_space<vmem>>)
    %dma_wait3A_447 = arith.constant 1 : i32
    %dma_wait3A_448 = arith.constant 0 : i32
    %dma_wait3A_449 = tpu.memref_slice %arg33[%dma_wait3A_447, %dma_wait3A_448] : memref<2x160xf32, #tpu.memory_space<vmem>> -> memref<1x160xf32, #tpu.memory_space<vmem>>
    %dma_wait3A_450 = tpu.memref_squeeze %dma_wait3A_449 : memref<1x160xf32, #tpu.memory_space<vmem>> -> memref<160xf32, #tpu.memory_space<vmem>>
    %dma_wait3A_451 = arith.constant 0 : i32
    %dma_wait3A_452 = tpu.memref_slice %dma_wait3A_450[%dma_wait3A_451] : memref<160xf32, #tpu.memory_space<vmem>> -> memref<80xf32, #tpu.memory_space<vmem>>
    %dma_wait3A_453 = arith.constant 160 : i32
    %dma_wait3A_454 = tpu.memref_slice %arg25[%dma_wait3A_453] : memref<1280xi32, #tpu.memory_space<vmem>> -> memref<80xi32, #tpu.memory_space<vmem>>
    %dma_wait3A_455 = arith.constant 0 : i32
    %dma_wait3A_456 = tpu.memref_slice %arg15[%dma_wait3A_455] : memref<100000xf32, #tpu.memory_space<hbm>> -> memref<100000xf32, #tpu.memory_space<hbm>>
    tpu.wait_indirect_dma semaphore(%arg38 : memref<!tpu.dma_semaphore, #tpu.memory_space<semaphore_mem>>) src(%dma_wait3A_456 : memref<100000xf32, #tpu.memory_space<hbm>>) dst(%dma_wait3A_452 : memref<80xf32, #tpu.memory_space<vmem>>)
    %dma_wait3A_457 = arith.constant 1 : i32
    %dma_wait3A_458 = arith.constant 0 : i32
    %dma_wait3A_459 = tpu.memref_slice %arg33[%dma_wait3A_457, %dma_wait3A_458] : memref<2x160xf32, #tpu.memory_space<vmem>> -> memref<1x160xf32, #tpu.memory_space<vmem>>
    %dma_wait3A_460 = tpu.memref_squeeze %dma_wait3A_459 : memref<1x160xf32, #tpu.memory_space<vmem>> -> memref<160xf32, #tpu.memory_space<vmem>>
    %dma_wait3A_461 = arith.constant 80 : i32
    %dma_wait3A_462 = tpu.memref_slice %dma_wait3A_460[%dma_wait3A_461] : memref<160xf32, #tpu.memory_space<vmem>> -> memref<80xf32, #tpu.memory_space<vmem>>
    %dma_wait3A_463 = arith.constant 240 : i32
    %dma_wait3A_464 = tpu.memref_slice %arg25[%dma_wait3A_463] : memref<1280xi32, #tpu.memory_space<vmem>> -> memref<80xi32, #tpu.memory_space<vmem>>
    %dma_wait3A_465 = arith.constant 0 : i32
    %dma_wait3A_466 = tpu.memref_slice %arg15[%dma_wait3A_465] : memref<100000xf32, #tpu.memory_space<hbm>> -> memref<100000xf32, #tpu.memory_space<hbm>>
    tpu.wait_indirect_dma semaphore(%arg38 : memref<!tpu.dma_semaphore, #tpu.memory_space<semaphore_mem>>) src(%dma_wait3A_466 : memref<100000xf32, #tpu.memory_space<hbm>>) dst(%dma_wait3A_462 : memref<80xf32, #tpu.memory_space<vmem>>)
    %get3A_467 = arith.constant 1 : i32
    %get3A_468 = arith.index_cast %get3A_467 : i32 to index
    %get3A_469 = arith.constant 0 : index
    %get3A_470 = tpu.vector_load %arg28[%get3A_468, %get3A_469] {strides = array<i32>} : memref<2x16xf32, #tpu.memory_space<vmem>>, vector<1x16xf32>,
    %get3A_471 = vector.shape_cast %get3A_470 : vector<1x16xf32> to vector<16xf32>
    %get3A_472 = arith.constant 1 : i32
    %get3A_473 = arith.index_cast %get3A_472 : i32 to index
    %get3A_474 = arith.constant 0 : index
    %get3A_475 = tpu.vector_load %arg29[%get3A_473, %get3A_474] {strides = array<i32>} : memref<2x16xf32, #tpu.memory_space<vmem>>, vector<1x16xf32>,
    %get3A_476 = vector.shape_cast %get3A_475 : vector<1x16xf32> to vector<16xf32>
    %add3A_477 = arith.addf %get3A_471, %get3A_476 : vector<16xf32>
    %get3A_478 = arith.constant 1 : i32
    %get3A_479 = arith.index_cast %get3A_478 : i32 to index
    %get3A_480 = arith.constant 0 : index
    %get3A_481 = tpu.vector_load %arg30[%get3A_479, %get3A_480] {strides = array<i32>} : memref<2x16xf32, #tpu.memory_space<vmem>>, vector<1x16xf32>,
    %get3A_482 = vector.shape_cast %get3A_481 : vector<1x16xf32> to vector<16xf32>
    %add3A_483 = arith.addf %add3A_477, %get3A_482 : vector<16xf32>
    %add3A_484 = arith.addf %add3A_483, %get3A_10 : vector<16xf32>
    %max3A_485 = arith.constant 0.000000e+00 : f32
    %max3A_486 = vector.broadcast %max3A_485 : f32 to vector<16xf32>
    %max3A_487 = arith.maximumf %add3A_484, %max3A_486 : vector<16xf32>
    %get3A_488 = arith.constant 1 : i32
    %get3A_489 = arith.index_cast %get3A_488 : i32 to index
    %get3A_490 = arith.constant 0 : index
    %get3A_491 = tpu.vector_load %arg32[%get3A_489, %get3A_490] {strides = array<i32>} : memref<2x80xf32, #tpu.memory_space<vmem>>, vector<1x16xf32>,
    %get3A_492 = vector.shape_cast %get3A_491 : vector<1x16xf32> to vector<16xf32>
    %get3A_493 = arith.constant 1 : i32
    %get3A_494 = arith.index_cast %get3A_493 : i32 to index
    %get3A_495 = arith.constant 16 : index
    %get3A_496 = tpu.vector_load %arg32[%get3A_494, %get3A_495] {strides = array<i32>} : memref<2x80xf32, #tpu.memory_space<vmem>>, vector<1x16xf32>,
    %get3A_497 = vector.shape_cast %get3A_496 : vector<1x16xf32> to vector<16xf32>
    %add3A_498 = arith.addf %get3A_492, %get3A_497 : vector<16xf32>
    %get3A_499 = arith.constant 1 : i32
    %get3A_500 = arith.index_cast %get3A_499 : i32 to index
    %get3A_501 = arith.constant 32 : index
    %get3A_502 = tpu.vector_load %arg32[%get3A_500, %get3A_501] {strides = array<i32>} : memref<2x80xf32, #tpu.memory_space<vmem>>, vector<1x16xf32>,
    %get3A_503 = vector.shape_cast %get3A_502 : vector<1x16xf32> to vector<16xf32>
    %add3A_504 = arith.addf %add3A_498, %get3A_503 : vector<16xf32>
    %get3A_505 = arith.constant 1 : i32
    %get3A_506 = arith.index_cast %get3A_505 : i32 to index
    %get3A_507 = arith.constant 48 : index
    %get3A_508 = tpu.vector_load %arg32[%get3A_506, %get3A_507] {strides = array<i32>} : memref<2x80xf32, #tpu.memory_space<vmem>>, vector<1x16xf32>,
    %get3A_509 = vector.shape_cast %get3A_508 : vector<1x16xf32> to vector<16xf32>
    %add3A_510 = arith.addf %add3A_504, %get3A_509 : vector<16xf32>
    %get3A_511 = arith.constant 1 : i32
    %get3A_512 = arith.index_cast %get3A_511 : i32 to index
    %get3A_513 = arith.constant 64 : index
    %get3A_514 = tpu.vector_load %arg32[%get3A_512, %get3A_513] {strides = array<i32>} : memref<2x80xf32, #tpu.memory_space<vmem>>, vector<1x16xf32>,
    %get3A_515 = vector.shape_cast %get3A_514 : vector<1x16xf32> to vector<16xf32>
    %add3A_516 = arith.addf %add3A_510, %get3A_515 : vector<16xf32>
    %get3A_517 = arith.constant 1 : i32
    %get3A_518 = arith.index_cast %get3A_517 : i32 to index
    %get3A_519 = arith.constant 0 : index
    %get3A_520 = tpu.vector_load %arg33[%get3A_518, %get3A_519] {strides = array<i32>} : memref<2x160xf32, #tpu.memory_space<vmem>>, vector<1x16xf32>,
    %get3A_521 = vector.shape_cast %get3A_520 : vector<1x16xf32> to vector<16xf32>
    %get3A_522 = arith.constant 1 : i32
    %get3A_523 = arith.index_cast %get3A_522 : i32 to index
    %get3A_524 = arith.constant 16 : index
    %get3A_525 = tpu.vector_load %arg33[%get3A_523, %get3A_524] {strides = array<i32>} : memref<2x160xf32, #tpu.memory_space<vmem>>, vector<1x16xf32>,
    %get3A_526 = vector.shape_cast %get3A_525 : vector<1x16xf32> to vector<16xf32>
    %add3A_527 = arith.addf %get3A_521, %get3A_526 : vector<16xf32>
    %get3A_528 = arith.constant 1 : i32
    %get3A_529 = arith.index_cast %get3A_528 : i32 to index
    %get3A_530 = arith.constant 32 : index
    %get3A_531 = tpu.vector_load %arg33[%get3A_529, %get3A_530] {strides = array<i32>} : memref<2x160xf32, #tpu.memory_space<vmem>>, vector<1x16xf32>,
    %get3A_532 = vector.shape_cast %get3A_531 : vector<1x16xf32> to vector<16xf32>
    %add3A_533 = arith.addf %add3A_527, %get3A_532 : vector<16xf32>
    %get3A_534 = arith.constant 1 : i32
    %get3A_535 = arith.index_cast %get3A_534 : i32 to index
    %get3A_536 = arith.constant 48 : index
    %get3A_537 = tpu.vector_load %arg33[%get3A_535, %get3A_536] {strides = array<i32>} : memref<2x160xf32, #tpu.memory_space<vmem>>, vector<1x16xf32>,
    %get3A_538 = vector.shape_cast %get3A_537 : vector<1x16xf32> to vector<16xf32>
    %add3A_539 = arith.addf %add3A_533, %get3A_538 : vector<16xf32>
    %get3A_540 = arith.constant 1 : i32
    %get3A_541 = arith.index_cast %get3A_540 : i32 to index
    %get3A_542 = arith.constant 64 : index
    %get3A_543 = tpu.vector_load %arg33[%get3A_541, %get3A_542] {strides = array<i32>} : memref<2x160xf32, #tpu.memory_space<vmem>>, vector<1x16xf32>,
    %get3A_544 = vector.shape_cast %get3A_543 : vector<1x16xf32> to vector<16xf32>
    %add3A_545 = arith.addf %add3A_539, %get3A_544 : vector<16xf32>
    %get3A_546 = arith.constant 1 : i32
    %get3A_547 = arith.index_cast %get3A_546 : i32 to index
    %get3A_548 = arith.constant 80 : index
    %get3A_549 = tpu.vector_load %arg33[%get3A_547, %get3A_548] {strides = array<i32>} : memref<2x160xf32, #tpu.memory_space<vmem>>, vector<1x16xf32>,
    %get3A_550 = vector.shape_cast %get3A_549 : vector<1x16xf32> to vector<16xf32>
    %add3A_551 = arith.addf %add3A_545, %get3A_550 : vector<16xf32>
    %get3A_552 = arith.constant 1 : i32
    %get3A_553 = arith.index_cast %get3A_552 : i32 to index
    %get3A_554 = arith.constant 96 : index
    %get3A_555 = tpu.vector_load %arg33[%get3A_553, %get3A_554] {strides = array<i32>} : memref<2x160xf32, #tpu.memory_space<vmem>>, vector<1x16xf32>,
    %get3A_556 = vector.shape_cast %get3A_555 : vector<1x16xf32> to vector<16xf32>
    %add3A_557 = arith.addf %add3A_551, %get3A_556 : vector<16xf32>
    %get3A_558 = arith.constant 1 : i32
    %get3A_559 = arith.index_cast %get3A_558 : i32 to index
    %get3A_560 = arith.constant 112 : index
    %get3A_561 = tpu.vector_load %arg33[%get3A_559, %get3A_560] {strides = array<i32>} : memref<2x160xf32, #tpu.memory_space<vmem>>, vector<1x16xf32>,
    %get3A_562 = vector.shape_cast %get3A_561 : vector<1x16xf32> to vector<16xf32>
    %add3A_563 = arith.addf %add3A_557, %get3A_562 : vector<16xf32>
    %get3A_564 = arith.constant 1 : i32
    %get3A_565 = arith.index_cast %get3A_564 : i32 to index
    %get3A_566 = arith.constant 128 : index
    %get3A_567 = tpu.vector_load %arg33[%get3A_565, %get3A_566] {strides = array<i32>} : memref<2x160xf32, #tpu.memory_space<vmem>>, vector<1x16xf32>,
    %get3A_568 = vector.shape_cast %get3A_567 : vector<1x16xf32> to vector<16xf32>
    %add3A_569 = arith.addf %add3A_563, %get3A_568 : vector<16xf32>
    %get3A_570 = arith.constant 1 : i32
    %get3A_571 = arith.index_cast %get3A_570 : i32 to index
    %get3A_572 = arith.constant 144 : index
    %get3A_573 = tpu.vector_load %arg33[%get3A_571, %get3A_572] {strides = array<i32>} : memref<2x160xf32, #tpu.memory_space<vmem>>, vector<1x16xf32>,
    %get3A_574 = vector.shape_cast %get3A_573 : vector<1x16xf32> to vector<16xf32>
    %add3A_575 = arith.addf %add3A_569, %get3A_574 : vector<16xf32>
    %get3A_576 = arith.constant 1 : i32
    %get3A_577 = arith.index_cast %get3A_576 : i32 to index
    %get3A_578 = arith.constant 0 : index
    %get3A_579 = tpu.vector_load %arg31[%get3A_577, %get3A_578] {strides = array<i32>} : memref<2x16xf32, #tpu.memory_space<vmem>>, vector<1x16xf32>,
    %get3A_580 = vector.shape_cast %get3A_579 : vector<1x16xf32> to vector<16xf32>
    %add3A_581 = arith.addf %get3A_580, %add3A_516 : vector<16xf32>
    %add3A_582 = arith.addf %add3A_581, %add3A_575 : vector<16xf32>
    %add3A_583 = arith.addf %add3A_582, %get3A_15 : vector<16xf32>
    %max3A_584 = arith.constant 0.000000e+00 : f32
    %max3A_585 = vector.broadcast %max3A_584 : f32 to vector<16xf32>
    %max3A_586 = arith.maximumf %add3A_583, %max3A_585 : vector<16xf32>
    %get3A_587 = arith.constant 16 : index
    %get3A_588 = tpu.vector_load %arg26[%get3A_587] {strides = array<i32>} : memref<128xf32, #tpu.memory_space<vmem>>, vector<16xf32>,
    %get3A_589 = vector.shape_cast %get3A_588 : vector<16xf32> to vector<16xf32>
    %mul3A_590 = arith.mulf %get3A_20, %get3A_589 : vector<16xf32>
    %mul3A_591 = arith.mulf %get3A_25, %max3A_487 : vector<16xf32>
    %add3A_592 = arith.addf %mul3A_590, %mul3A_591 : vector<16xf32>
    %mul3A_593 = arith.mulf %get3A_30, %max3A_586 : vector<16xf32>
    %add3A_594 = arith.addf %add3A_592, %mul3A_593 : vector<16xf32>
    %swap3A_595 = arith.constant 16 : index
    %swap3A_596 = tpu.vector_load %arg34[%swap3A_595] {strides = array<i32>} : memref<128xf32, #tpu.memory_space<vmem>>, vector<16xf32>,
    %swap3A_597 = vector.shape_cast %swap3A_596 : vector<16xf32> to vector<16xf32>
    %swap3A_598 = vector.shape_cast %max3A_487 : vector<16xf32> to vector<16xf32>
    tpu.vector_store %arg34[%swap3A_595], %swap3A_598 {strides = array<i32>} : memref<128xf32, #tpu.memory_space<vmem>>, vector<16xf32>,
    %swap3A_599 = arith.constant 16 : index
    %swap3A_600 = tpu.vector_load %arg35[%swap3A_599] {strides = array<i32>} : memref<128xf32, #tpu.memory_space<vmem>>, vector<16xf32>,
    %swap3A_601 = vector.shape_cast %swap3A_600 : vector<16xf32> to vector<16xf32>
    %swap3A_602 = vector.shape_cast %max3A_586 : vector<16xf32> to vector<16xf32>
    tpu.vector_store %arg35[%swap3A_599], %swap3A_602 {strides = array<i32>} : memref<128xf32, #tpu.memory_space<vmem>>, vector<16xf32>,
    %swap3A_603 = arith.constant 16 : index
    %swap3A_604 = tpu.vector_load %arg36[%swap3A_603] {strides = array<i32>} : memref<128xf32, #tpu.memory_space<vmem>>, vector<16xf32>,
    %swap3A_605 = vector.shape_cast %swap3A_604 : vector<16xf32> to vector<16xf32>
    %swap3A_606 = vector.shape_cast %add3A_594 : vector<16xf32> to vector<16xf32>
    tpu.vector_store %arg36[%swap3A_603], %swap3A_606 {strides = array<i32>} : memref<128xf32, #tpu.memory_space<vmem>>, vector<16xf32>,
    %dma_start3A_607 = arith.constant 1 : i32
    %dma_start3A_608 = arith.constant 0 : i32
    %dma_start3A_609 = tpu.memref_slice %arg28[%dma_start3A_607, %dma_start3A_608] : memref<2x16xf32, #tpu.memory_space<vmem>> -> memref<1x16xf32, #tpu.memory_space<vmem>>
    %dma_start3A_610 = tpu.memref_squeeze %dma_start3A_609 : memref<1x16xf32, #tpu.memory_space<vmem>> -> memref<16xf32, #tpu.memory_space<vmem>>
    %dma_start3A_611 = arith.constant 48 : i32
    %dma_start3A_612 = tpu.memref_slice %arg20[%dma_start3A_611] : memref<128xi32, #tpu.memory_space<vmem>> -> memref<16xi32, #tpu.memory_space<vmem>>
    %dma_start3A_613 = arith.constant 0 : i32
    %dma_start3A_614 = tpu.memref_slice %arg10[%dma_start3A_613] : memref<1000000xf32, #tpu.memory_space<hbm>> -> memref<1000000xf32, #tpu.memory_space<hbm>>
    tpu.enqueue_indirect_dma source(%dma_start3A_614 : memref<1000000xf32, #tpu.memory_space<hbm>>) target(%dma_start3A_610 : memref<16xf32, #tpu.memory_space<vmem>>) offsets(%dma_start3A_612 : memref<16xi32, #tpu.memory_space<vmem>>) semaphore(%arg38 : memref<!tpu.dma_semaphore, #tpu.memory_space<semaphore_mem>>)
    %dma_start3A_615 = arith.constant 1 : i32
    %dma_start3A_616 = arith.constant 0 : i32
    %dma_start3A_617 = tpu.memref_slice %arg29[%dma_start3A_615, %dma_start3A_616] : memref<2x16xf32, #tpu.memory_space<vmem>> -> memref<1x16xf32, #tpu.memory_space<vmem>>
    %dma_start3A_618 = tpu.memref_squeeze %dma_start3A_617 : memref<1x16xf32, #tpu.memory_space<vmem>> -> memref<16xf32, #tpu.memory_space<vmem>>
    %dma_start3A_619 = arith.constant 48 : i32
    %dma_start3A_620 = tpu.memref_slice %arg21[%dma_start3A_619] : memref<128xi32, #tpu.memory_space<vmem>> -> memref<16xi32, #tpu.memory_space<vmem>>
    %dma_start3A_621 = arith.constant 0 : i32
    %dma_start3A_622 = tpu.memref_slice %arg11[%dma_start3A_621] : memref<36501xf32, #tpu.memory_space<hbm>> -> memref<36501xf32, #tpu.memory_space<hbm>>
    tpu.enqueue_indirect_dma source(%dma_start3A_622 : memref<36501xf32, #tpu.memory_space<hbm>>) target(%dma_start3A_618 : memref<16xf32, #tpu.memory_space<vmem>>) offsets(%dma_start3A_620 : memref<16xi32, #tpu.memory_space<vmem>>) semaphore(%arg38 : memref<!tpu.dma_semaphore, #tpu.memory_space<semaphore_mem>>)
    %dma_start3A_623 = arith.constant 1 : i32
    %dma_start3A_624 = arith.constant 0 : i32
    %dma_start3A_625 = tpu.memref_slice %arg30[%dma_start3A_623, %dma_start3A_624] : memref<2x16xf32, #tpu.memory_space<vmem>> -> memref<1x16xf32, #tpu.memory_space<vmem>>
    %dma_start3A_626 = tpu.memref_squeeze %dma_start3A_625 : memref<1x16xf32, #tpu.memory_space<vmem>> -> memref<16xf32, #tpu.memory_space<vmem>>
    %dma_start3A_627 = arith.constant 48 : i32
    %dma_start3A_628 = tpu.memref_slice %arg22[%dma_start3A_627] : memref<128xi32, #tpu.memory_space<vmem>> -> memref<16xi32, #tpu.memory_space<vmem>>
    %dma_start3A_629 = arith.constant 0 : i32
    %dma_start3A_630 = tpu.memref_slice %arg12[%dma_start3A_629] : memref<36501xf32, #tpu.memory_space<hbm>> -> memref<36501xf32, #tpu.memory_space<hbm>>
    tpu.enqueue_indirect_dma source(%dma_start3A_630 : memref<36501xf32, #tpu.memory_space<hbm>>) target(%dma_start3A_626 : memref<16xf32, #tpu.memory_space<vmem>>) offsets(%dma_start3A_628 : memref<16xi32, #tpu.memory_space<vmem>>) semaphore(%arg38 : memref<!tpu.dma_semaphore, #tpu.memory_space<semaphore_mem>>)
    %dma_start3A_631 = arith.constant 1 : i32
    %dma_start3A_632 = arith.constant 0 : i32
    %dma_start3A_633 = tpu.memref_slice %arg31[%dma_start3A_631, %dma_start3A_632] : memref<2x16xf32, #tpu.memory_space<vmem>> -> memref<1x16xf32, #tpu.memory_space<vmem>>
    %dma_start3A_634 = tpu.memref_squeeze %dma_start3A_633 : memref<1x16xf32, #tpu.memory_space<vmem>> -> memref<16xf32, #tpu.memory_space<vmem>>
    %dma_start3A_635 = arith.constant 48 : i32
    %dma_start3A_636 = tpu.memref_slice %arg23[%dma_start3A_635] : memref<128xi32, #tpu.memory_space<vmem>> -> memref<16xi32, #tpu.memory_space<vmem>>
    %dma_start3A_637 = arith.constant 0 : i32
    %dma_start3A_638 = tpu.memref_slice %arg14[%dma_start3A_637] : memref<10000xf32, #tpu.memory_space<hbm>> -> memref<10000xf32, #tpu.memory_space<hbm>>
    tpu.enqueue_indirect_dma source(%dma_start3A_638 : memref<10000xf32, #tpu.memory_space<hbm>>) target(%dma_start3A_634 : memref<16xf32, #tpu.memory_space<vmem>>) offsets(%dma_start3A_636 : memref<16xi32, #tpu.memory_space<vmem>>) semaphore(%arg38 : memref<!tpu.dma_semaphore, #tpu.memory_space<semaphore_mem>>)
    %dma_start3A_639 = arith.constant 1 : i32
    %dma_start3A_640 = arith.constant 0 : i32
    %dma_start3A_641 = tpu.memref_slice %arg32[%dma_start3A_639, %dma_start3A_640] : memref<2x80xf32, #tpu.memory_space<vmem>> -> memref<1x80xf32, #tpu.memory_space<vmem>>
    %dma_start3A_642 = tpu.memref_squeeze %dma_start3A_641 : memref<1x80xf32, #tpu.memory_space<vmem>> -> memref<80xf32, #tpu.memory_space<vmem>>
    %dma_start3A_643 = arith.constant 240 : i32
    %dma_start3A_644 = tpu.memref_slice %arg24[%dma_start3A_643] : memref<640xi32, #tpu.memory_space<vmem>> -> memref<80xi32, #tpu.memory_space<vmem>>
    %dma_start3A_645 = arith.constant 0 : i32
    %dma_start3A_646 = tpu.memref_slice %arg13[%dma_start3A_645] : memref<1000xf32, #tpu.memory_space<hbm>> -> memref<1000xf32, #tpu.memory_space<hbm>>
    tpu.enqueue_indirect_dma source(%dma_start3A_646 : memref<1000xf32, #tpu.memory_space<hbm>>) target(%dma_start3A_642 : memref<80xf32, #tpu.memory_space<vmem>>) offsets(%dma_start3A_644 : memref<80xi32, #tpu.memory_space<vmem>>) semaphore(%arg38 : memref<!tpu.dma_semaphore, #tpu.memory_space<semaphore_mem>>)
    %dma_start3A_647 = arith.constant 1 : i32
    %dma_start3A_648 = arith.constant 0 : i32
    %dma_start3A_649 = tpu.memref_slice %arg33[%dma_start3A_647, %dma_start3A_648] : memref<2x160xf32, #tpu.memory_space<vmem>> -> memref<1x160xf32, #tpu.memory_space<vmem>>
    %dma_start3A_650 = tpu.memref_squeeze %dma_start3A_649 : memref<1x160xf32, #tpu.memory_space<vmem>> -> memref<160xf32, #tpu.memory_space<vmem>>
    %dma_start3A_651 = arith.constant 0 : i32
    %dma_start3A_652 = tpu.memref_slice %dma_start3A_650[%dma_start3A_651] : memref<160xf32, #tpu.memory_space<vmem>> -> memref<80xf32, #tpu.memory_space<vmem>>
    %dma_start3A_653 = arith.constant 480 : i32
    %dma_start3A_654 = tpu.memref_slice %arg25[%dma_start3A_653] : memref<1280xi32, #tpu.memory_space<vmem>> -> memref<80xi32, #tpu.memory_space<vmem>>
    %dma_start3A_655 = arith.constant 0 : i32
    %dma_start3A_656 = tpu.memref_slice %arg15[%dma_start3A_655] : memref<100000xf32, #tpu.memory_space<hbm>> -> memref<100000xf32, #tpu.memory_space<hbm>>
    tpu.enqueue_indirect_dma source(%dma_start3A_656 : memref<100000xf32, #tpu.memory_space<hbm>>) target(%dma_start3A_652 : memref<80xf32, #tpu.memory_space<vmem>>) offsets(%dma_start3A_654 : memref<80xi32, #tpu.memory_space<vmem>>) semaphore(%arg38 : memref<!tpu.dma_semaphore, #tpu.memory_space<semaphore_mem>>)
    %dma_start3A_657 = arith.constant 1 : i32
    %dma_start3A_658 = arith.constant 0 : i32
    %dma_start3A_659 = tpu.memref_slice %arg33[%dma_start3A_657, %dma_start3A_658] : memref<2x160xf32, #tpu.memory_space<vmem>> -> memref<1x160xf32, #tpu.memory_space<vmem>>
    %dma_start3A_660 = tpu.memref_squeeze %dma_start3A_659 : memref<1x160xf32, #tpu.memory_space<vmem>> -> memref<160xf32, #tpu.memory_space<vmem>>
    %dma_start3A_661 = arith.constant 80 : i32
    %dma_start3A_662 = tpu.memref_slice %dma_start3A_660[%dma_start3A_661] : memref<160xf32, #tpu.memory_space<vmem>> -> memref<80xf32, #tpu.memory_space<vmem>>
    %dma_start3A_663 = arith.constant 560 : i32
    %dma_start3A_664 = tpu.memref_slice %arg25[%dma_start3A_663] : memref<1280xi32, #tpu.memory_space<vmem>> -> memref<80xi32, #tpu.memory_space<vmem>>
    %dma_start3A_665 = arith.constant 0 : i32
    %dma_start3A_666 = tpu.memref_slice %arg15[%dma_start3A_665] : memref<100000xf32, #tpu.memory_space<hbm>> -> memref<100000xf32, #tpu.memory_space<hbm>>
    tpu.enqueue_indirect_dma source(%dma_start3A_666 : memref<100000xf32, #tpu.memory_space<hbm>>) target(%dma_start3A_662 : memref<80xf32, #tpu.memory_space<vmem>>) offsets(%dma_start3A_664 : memref<80xi32, #tpu.memory_space<vmem>>) semaphore(%arg38 : memref<!tpu.dma_semaphore, #tpu.memory_space<semaphore_mem>>)
    %dma_wait3A_667 = arith.constant 0 : i32
    %dma_wait3A_668 = arith.constant 0 : i32
    %dma_wait3A_669 = tpu.memref_slice %arg28[%dma_wait3A_667, %dma_wait3A_668] : memref<2x16xf32, #tpu.memory_space<vmem>> -> memref<1x16xf32, #tpu.memory_space<vmem>>
    %dma_wait3A_670 = tpu.memref_squeeze %dma_wait3A_669 : memref<1x16xf32, #tpu.memory_space<vmem>> -> memref<16xf32, #tpu.memory_space<vmem>>
    %dma_wait3A_671 = arith.constant 32 : i32
    %dma_wait3A_672 = tpu.memref_slice %arg20[%dma_wait3A_671] : memref<128xi32, #tpu.memory_space<vmem>> -> memref<16xi32, #tpu.memory_space<vmem>>
    %dma_wait3A_673 = arith.constant 0 : i32
    %dma_wait3A_674 = tpu.memref_slice %arg10[%dma_wait3A_673] : memref<1000000xf32, #tpu.memory_space<hbm>> -> memref<1000000xf32, #tpu.memory_space<hbm>>
    tpu.wait_indirect_dma semaphore(%arg37 : memref<!tpu.dma_semaphore, #tpu.memory_space<semaphore_mem>>) src(%dma_wait3A_674 : memref<1000000xf32, #tpu.memory_space<hbm>>) dst(%dma_wait3A_670 : memref<16xf32, #tpu.memory_space<vmem>>)
    %dma_wait3A_675 = arith.constant 0 : i32
    %dma_wait3A_676 = arith.constant 0 : i32
    %dma_wait3A_677 = tpu.memref_slice %arg29[%dma_wait3A_675, %dma_wait3A_676] : memref<2x16xf32, #tpu.memory_space<vmem>> -> memref<1x16xf32, #tpu.memory_space<vmem>>
    %dma_wait3A_678 = tpu.memref_squeeze %dma_wait3A_677 : memref<1x16xf32, #tpu.memory_space<vmem>> -> memref<16xf32, #tpu.memory_space<vmem>>
    %dma_wait3A_679 = arith.constant 32 : i32
    %dma_wait3A_680 = tpu.memref_slice %arg21[%dma_wait3A_679] : memref<128xi32, #tpu.memory_space<vmem>> -> memref<16xi32, #tpu.memory_space<vmem>>
    %dma_wait3A_681 = arith.constant 0 : i32
    %dma_wait3A_682 = tpu.memref_slice %arg11[%dma_wait3A_681] : memref<36501xf32, #tpu.memory_space<hbm>> -> memref<36501xf32, #tpu.memory_space<hbm>>
    tpu.wait_indirect_dma semaphore(%arg37 : memref<!tpu.dma_semaphore, #tpu.memory_space<semaphore_mem>>) src(%dma_wait3A_682 : memref<36501xf32, #tpu.memory_space<hbm>>) dst(%dma_wait3A_678 : memref<16xf32, #tpu.memory_space<vmem>>)
    %dma_wait3A_683 = arith.constant 0 : i32
    %dma_wait3A_684 = arith.constant 0 : i32
    %dma_wait3A_685 = tpu.memref_slice %arg30[%dma_wait3A_683, %dma_wait3A_684] : memref<2x16xf32, #tpu.memory_space<vmem>> -> memref<1x16xf32, #tpu.memory_space<vmem>>
    %dma_wait3A_686 = tpu.memref_squeeze %dma_wait3A_685 : memref<1x16xf32, #tpu.memory_space<vmem>> -> memref<16xf32, #tpu.memory_space<vmem>>
    %dma_wait3A_687 = arith.constant 32 : i32
    %dma_wait3A_688 = tpu.memref_slice %arg22[%dma_wait3A_687] : memref<128xi32, #tpu.memory_space<vmem>> -> memref<16xi32, #tpu.memory_space<vmem>>
    %dma_wait3A_689 = arith.constant 0 : i32
    %dma_wait3A_690 = tpu.memref_slice %arg12[%dma_wait3A_689] : memref<36501xf32, #tpu.memory_space<hbm>> -> memref<36501xf32, #tpu.memory_space<hbm>>
    tpu.wait_indirect_dma semaphore(%arg37 : memref<!tpu.dma_semaphore, #tpu.memory_space<semaphore_mem>>) src(%dma_wait3A_690 : memref<36501xf32, #tpu.memory_space<hbm>>) dst(%dma_wait3A_686 : memref<16xf32, #tpu.memory_space<vmem>>)
    %dma_wait3A_691 = arith.constant 0 : i32
    %dma_wait3A_692 = arith.constant 0 : i32
    %dma_wait3A_693 = tpu.memref_slice %arg31[%dma_wait3A_691, %dma_wait3A_692] : memref<2x16xf32, #tpu.memory_space<vmem>> -> memref<1x16xf32, #tpu.memory_space<vmem>>
    %dma_wait3A_694 = tpu.memref_squeeze %dma_wait3A_693 : memref<1x16xf32, #tpu.memory_space<vmem>> -> memref<16xf32, #tpu.memory_space<vmem>>
    %dma_wait3A_695 = arith.constant 32 : i32
    %dma_wait3A_696 = tpu.memref_slice %arg23[%dma_wait3A_695] : memref<128xi32, #tpu.memory_space<vmem>> -> memref<16xi32, #tpu.memory_space<vmem>>
    %dma_wait3A_697 = arith.constant 0 : i32
    %dma_wait3A_698 = tpu.memref_slice %arg14[%dma_wait3A_697] : memref<10000xf32, #tpu.memory_space<hbm>> -> memref<10000xf32, #tpu.memory_space<hbm>>
    tpu.wait_indirect_dma semaphore(%arg37 : memref<!tpu.dma_semaphore, #tpu.memory_space<semaphore_mem>>) src(%dma_wait3A_698 : memref<10000xf32, #tpu.memory_space<hbm>>) dst(%dma_wait3A_694 : memref<16xf32, #tpu.memory_space<vmem>>)
    %dma_wait3A_699 = arith.constant 0 : i32
    %dma_wait3A_700 = arith.constant 0 : i32
    %dma_wait3A_701 = tpu.memref_slice %arg32[%dma_wait3A_699, %dma_wait3A_700] : memref<2x80xf32, #tpu.memory_space<vmem>> -> memref<1x80xf32, #tpu.memory_space<vmem>>
    %dma_wait3A_702 = tpu.memref_squeeze %dma_wait3A_701 : memref<1x80xf32, #tpu.memory_space<vmem>> -> memref<80xf32, #tpu.memory_space<vmem>>
    %dma_wait3A_703 = arith.constant 160 : i32
    %dma_wait3A_704 = tpu.memref_slice %arg24[%dma_wait3A_703] : memref<640xi32, #tpu.memory_space<vmem>> -> memref<80xi32, #tpu.memory_space<vmem>>
    %dma_wait3A_705 = arith.constant 0 : i32
    %dma_wait3A_706 = tpu.memref_slice %arg13[%dma_wait3A_705] : memref<1000xf32, #tpu.memory_space<hbm>> -> memref<1000xf32, #tpu.memory_space<hbm>>
    tpu.wait_indirect_dma semaphore(%arg37 : memref<!tpu.dma_semaphore, #tpu.memory_space<semaphore_mem>>) src(%dma_wait3A_706 : memref<1000xf32, #tpu.memory_space<hbm>>) dst(%dma_wait3A_702 : memref<80xf32, #tpu.memory_space<vmem>>)
    %dma_wait3A_707 = arith.constant 0 : i32
    %dma_wait3A_708 = arith.constant 0 : i32
    %dma_wait3A_709 = tpu.memref_slice %arg33[%dma_wait3A_707, %dma_wait3A_708] : memref<2x160xf32, #tpu.memory_space<vmem>> -> memref<1x160xf32, #tpu.memory_space<vmem>>
    %dma_wait3A_710 = tpu.memref_squeeze %dma_wait3A_709 : memref<1x160xf32, #tpu.memory_space<vmem>> -> memref<160xf32, #tpu.memory_space<vmem>>
    %dma_wait3A_711 = arith.constant 0 : i32
    %dma_wait3A_712 = tpu.memref_slice %dma_wait3A_710[%dma_wait3A_711] : memref<160xf32, #tpu.memory_space<vmem>> -> memref<80xf32, #tpu.memory_space<vmem>>
    %dma_wait3A_713 = arith.constant 320 : i32
    %dma_wait3A_714 = tpu.memref_slice %arg25[%dma_wait3A_713] : memref<1280xi32, #tpu.memory_space<vmem>> -> memref<80xi32, #tpu.memory_space<vmem>>
    %dma_wait3A_715 = arith.constant 0 : i32
    %dma_wait3A_716 = tpu.memref_slice %arg15[%dma_wait3A_715] : memref<100000xf32, #tpu.memory_space<hbm>> -> memref<100000xf32, #tpu.memory_space<hbm>>
    tpu.wait_indirect_dma semaphore(%arg37 : memref<!tpu.dma_semaphore, #tpu.memory_space<semaphore_mem>>) src(%dma_wait3A_716 : memref<100000xf32, #tpu.memory_space<hbm>>) dst(%dma_wait3A_712 : memref<80xf32, #tpu.memory_space<vmem>>)
    %dma_wait3A_717 = arith.constant 0 : i32
    %dma_wait3A_718 = arith.constant 0 : i32
    %dma_wait3A_719 = tpu.memref_slice %arg33[%dma_wait3A_717, %dma_wait3A_718] : memref<2x160xf32, #tpu.memory_space<vmem>> -> memref<1x160xf32, #tpu.memory_space<vmem>>
    %dma_wait3A_720 = tpu.memref_squeeze %dma_wait3A_719 : memref<1x160xf32, #tpu.memory_space<vmem>> -> memref<160xf32, #tpu.memory_space<vmem>>
    %dma_wait3A_721 = arith.constant 80 : i32
    %dma_wait3A_722 = tpu.memref_slice %dma_wait3A_720[%dma_wait3A_721] : memref<160xf32, #tpu.memory_space<vmem>> -> memref<80xf32, #tpu.memory_space<vmem>>
    %dma_wait3A_723 = arith.constant 400 : i32
    %dma_wait3A_724 = tpu.memref_slice %arg25[%dma_wait3A_723] : memref<1280xi32, #tpu.memory_space<vmem>> -> memref<80xi32, #tpu.memory_space<vmem>>
    %dma_wait3A_725 = arith.constant 0 : i32
    %dma_wait3A_726 = tpu.memref_slice %arg15[%dma_wait3A_725] : memref<100000xf32, #tpu.memory_space<hbm>> -> memref<100000xf32, #tpu.memory_space<hbm>>
    tpu.wait_indirect_dma semaphore(%arg37 : memref<!tpu.dma_semaphore, #tpu.memory_space<semaphore_mem>>) src(%dma_wait3A_726 : memref<100000xf32, #tpu.memory_space<hbm>>) dst(%dma_wait3A_722 : memref<80xf32, #tpu.memory_space<vmem>>)
    %get3A_727 = arith.constant 0 : i32
    %get3A_728 = arith.index_cast %get3A_727 : i32 to index
    %get3A_729 = arith.constant 0 : index
    %get3A_730 = tpu.vector_load %arg28[%get3A_728, %get3A_729] {strides = array<i32>} : memref<2x16xf32, #tpu.memory_space<vmem>>, vector<1x16xf32>,
    %get3A_731 = vector.shape_cast %get3A_730 : vector<1x16xf32> to vector<16xf32>
    %get3A_732 = arith.constant 0 : i32
    %get3A_733 = arith.index_cast %get3A_732 : i32 to index
    %get3A_734 = arith.constant 0 : index
    %get3A_735 = tpu.vector_load %arg29[%get3A_733, %get3A_734] {strides = array<i32>} : memref<2x16xf32, #tpu.memory_space<vmem>>, vector<1x16xf32>,
    %get3A_736 = vector.shape_cast %get3A_735 : vector<1x16xf32> to vector<16xf32>
    %add3A_737 = arith.addf %get3A_731, %get3A_736 : vector<16xf32>
    %get3A_738 = arith.constant 0 : i32
    %get3A_739 = arith.index_cast %get3A_738 : i32 to index
    %get3A_740 = arith.constant 0 : index
    %get3A_741 = tpu.vector_load %arg30[%get3A_739, %get3A_740] {strides = array<i32>} : memref<2x16xf32, #tpu.memory_space<vmem>>, vector<1x16xf32>,
    %get3A_742 = vector.shape_cast %get3A_741 : vector<1x16xf32> to vector<16xf32>
    %add3A_743 = arith.addf %add3A_737, %get3A_742 : vector<16xf32>
    %add3A_744 = arith.addf %add3A_743, %get3A_10 : vector<16xf32>
    %max3A_745 = arith.constant 0.000000e+00 : f32
    %max3A_746 = vector.broadcast %max3A_745 : f32 to vector<16xf32>
    %max3A_747 = arith.maximumf %add3A_744, %max3A_746 : vector<16xf32>
    %get3A_748 = arith.constant 0 : i32
    %get3A_749 = arith.index_cast %get3A_748 : i32 to index
    %get3A_750 = arith.constant 0 : index
    %get3A_751 = tpu.vector_load %arg32[%get3A_749, %get3A_750] {strides = array<i32>} : memref<2x80xf32, #tpu.memory_space<vmem>>, vector<1x16xf32>,
    %get3A_752 = vector.shape_cast %get3A_751 : vector<1x16xf32> to vector<16xf32>
    %get3A_753 = arith.constant 0 : i32
    %get3A_754 = arith.index_cast %get3A_753 : i32 to index
    %get3A_755 = arith.constant 16 : index
    %get3A_756 = tpu.vector_load %arg32[%get3A_754, %get3A_755] {strides = array<i32>} : memref<2x80xf32, #tpu.memory_space<vmem>>, vector<1x16xf32>,
    %get3A_757 = vector.shape_cast %get3A_756 : vector<1x16xf32> to vector<16xf32>
    %add3A_758 = arith.addf %get3A_752, %get3A_757 : vector<16xf32>
    %get3A_759 = arith.constant 0 : i32
    %get3A_760 = arith.index_cast %get3A_759 : i32 to index
    %get3A_761 = arith.constant 32 : index
    %get3A_762 = tpu.vector_load %arg32[%get3A_760, %get3A_761] {strides = array<i32>} : memref<2x80xf32, #tpu.memory_space<vmem>>, vector<1x16xf32>,
    %get3A_763 = vector.shape_cast %get3A_762 : vector<1x16xf32> to vector<16xf32>
    %add3A_764 = arith.addf %add3A_758, %get3A_763 : vector<16xf32>
    %get3A_765 = arith.constant 0 : i32
    %get3A_766 = arith.index_cast %get3A_765 : i32 to index
    %get3A_767 = arith.constant 48 : index
    %get3A_768 = tpu.vector_load %arg32[%get3A_766, %get3A_767] {strides = array<i32>} : memref<2x80xf32, #tpu.memory_space<vmem>>, vector<1x16xf32>,
    %get3A_769 = vector.shape_cast %get3A_768 : vector<1x16xf32> to vector<16xf32>
    %add3A_770 = arith.addf %add3A_764, %get3A_769 : vector<16xf32>
    %get3A_771 = arith.constant 0 : i32
    %get3A_772 = arith.index_cast %get3A_771 : i32 to index
    %get3A_773 = arith.constant 64 : index
    %get3A_774 = tpu.vector_load %arg32[%get3A_772, %get3A_773] {strides = array<i32>} : memref<2x80xf32, #tpu.memory_space<vmem>>, vector<1x16xf32>,
    %get3A_775 = vector.shape_cast %get3A_774 : vector<1x16xf32> to vector<16xf32>
    %add3A_776 = arith.addf %add3A_770, %get3A_775 : vector<16xf32>
    %get3A_777 = arith.constant 0 : i32
    %get3A_778 = arith.index_cast %get3A_777 : i32 to index
    %get3A_779 = arith.constant 0 : index
    %get3A_780 = tpu.vector_load %arg33[%get3A_778, %get3A_779] {strides = array<i32>} : memref<2x160xf32, #tpu.memory_space<vmem>>, vector<1x16xf32>,
    %get3A_781 = vector.shape_cast %get3A_780 : vector<1x16xf32> to vector<16xf32>
    %get3A_782 = arith.constant 0 : i32
    %get3A_783 = arith.index_cast %get3A_782 : i32 to index
    %get3A_784 = arith.constant 16 : index
    %get3A_785 = tpu.vector_load %arg33[%get3A_783, %get3A_784] {strides = array<i32>} : memref<2x160xf32, #tpu.memory_space<vmem>>, vector<1x16xf32>,
    %get3A_786 = vector.shape_cast %get3A_785 : vector<1x16xf32> to vector<16xf32>
    %add3A_787 = arith.addf %get3A_781, %get3A_786 : vector<16xf32>
    %get3A_788 = arith.constant 0 : i32
    %get3A_789 = arith.index_cast %get3A_788 : i32 to index
    %get3A_790 = arith.constant 32 : index
    %get3A_791 = tpu.vector_load %arg33[%get3A_789, %get3A_790] {strides = array<i32>} : memref<2x160xf32, #tpu.memory_space<vmem>>, vector<1x16xf32>,
    %get3A_792 = vector.shape_cast %get3A_791 : vector<1x16xf32> to vector<16xf32>
    %add3A_793 = arith.addf %add3A_787, %get3A_792 : vector<16xf32>
    %get3A_794 = arith.constant 0 : i32
    %get3A_795 = arith.index_cast %get3A_794 : i32 to index
    %get3A_796 = arith.constant 48 : index
    %get3A_797 = tpu.vector_load %arg33[%get3A_795, %get3A_796] {strides = array<i32>} : memref<2x160xf32, #tpu.memory_space<vmem>>, vector<1x16xf32>,
    %get3A_798 = vector.shape_cast %get3A_797 : vector<1x16xf32> to vector<16xf32>
    %add3A_799 = arith.addf %add3A_793, %get3A_798 : vector<16xf32>
    %get3A_800 = arith.constant 0 : i32
    %get3A_801 = arith.index_cast %get3A_800 : i32 to index
    %get3A_802 = arith.constant 64 : index
    %get3A_803 = tpu.vector_load %arg33[%get3A_801, %get3A_802] {strides = array<i32>} : memref<2x160xf32, #tpu.memory_space<vmem>>, vector<1x16xf32>,
    %get3A_804 = vector.shape_cast %get3A_803 : vector<1x16xf32> to vector<16xf32>
    %add3A_805 = arith.addf %add3A_799, %get3A_804 : vector<16xf32>
    %get3A_806 = arith.constant 0 : i32
    %get3A_807 = arith.index_cast %get3A_806 : i32 to index
    %get3A_808 = arith.constant 80 : index
    %get3A_809 = tpu.vector_load %arg33[%get3A_807, %get3A_808] {strides = array<i32>} : memref<2x160xf32, #tpu.memory_space<vmem>>, vector<1x16xf32>,
    %get3A_810 = vector.shape_cast %get3A_809 : vector<1x16xf32> to vector<16xf32>
    %add3A_811 = arith.addf %add3A_805, %get3A_810 : vector<16xf32>
    %get3A_812 = arith.constant 0 : i32
    %get3A_813 = arith.index_cast %get3A_812 : i32 to index
    %get3A_814 = arith.constant 96 : index
    %get3A_815 = tpu.vector_load %arg33[%get3A_813, %get3A_814] {strides = array<i32>} : memref<2x160xf32, #tpu.memory_space<vmem>>, vector<1x16xf32>,
    %get3A_816 = vector.shape_cast %get3A_815 : vector<1x16xf32> to vector<16xf32>
    %add3A_817 = arith.addf %add3A_811, %get3A_816 : vector<16xf32>
    %get3A_818 = arith.constant 0 : i32
    %get3A_819 = arith.index_cast %get3A_818 : i32 to index
    %get3A_820 = arith.constant 112 : index
    %get3A_821 = tpu.vector_load %arg33[%get3A_819, %get3A_820] {strides = array<i32>} : memref<2x160xf32, #tpu.memory_space<vmem>>, vector<1x16xf32>,
    %get3A_822 = vector.shape_cast %get3A_821 : vector<1x16xf32> to vector<16xf32>
    %add3A_823 = arith.addf %add3A_817, %get3A_822 : vector<16xf32>
    %get3A_824 = arith.constant 0 : i32
    %get3A_825 = arith.index_cast %get3A_824 : i32 to index
    %get3A_826 = arith.constant 128 : index
    %get3A_827 = tpu.vector_load %arg33[%get3A_825, %get3A_826] {strides = array<i32>} : memref<2x160xf32, #tpu.memory_space<vmem>>, vector<1x16xf32>,
    %get3A_828 = vector.shape_cast %get3A_827 : vector<1x16xf32> to vector<16xf32>
    %add3A_829 = arith.addf %add3A_823, %get3A_828 : vector<16xf32>
    %get3A_830 = arith.constant 0 : i32
    %get3A_831 = arith.index_cast %get3A_830 : i32 to index
    %get3A_832 = arith.constant 144 : index
    %get3A_833 = tpu.vector_load %arg33[%get3A_831, %get3A_832] {strides = array<i32>} : memref<2x160xf32, #tpu.memory_space<vmem>>, vector<1x16xf32>,
    %get3A_834 = vector.shape_cast %get3A_833 : vector<1x16xf32> to vector<16xf32>
    %add3A_835 = arith.addf %add3A_829, %get3A_834 : vector<16xf32>
    %get3A_836 = arith.constant 0 : i32
    %get3A_837 = arith.index_cast %get3A_836 : i32 to index
    %get3A_838 = arith.constant 0 : index
    %get3A_839 = tpu.vector_load %arg31[%get3A_837, %get3A_838] {strides = array<i32>} : memref<2x16xf32, #tpu.memory_space<vmem>>, vector<1x16xf32>,
    %get3A_840 = vector.shape_cast %get3A_839 : vector<1x16xf32> to vector<16xf32>
    %add3A_841 = arith.addf %get3A_840, %add3A_776 : vector<16xf32>
    %add3A_842 = arith.addf %add3A_841, %add3A_835 : vector<16xf32>
    %add3A_843 = arith.addf %add3A_842, %get3A_15 : vector<16xf32>
    %max3A_844 = arith.constant 0.000000e+00 : f32
    %max3A_845 = vector.broadcast %max3A_844 : f32 to vector<16xf32>
    %max3A_846 = arith.maximumf %add3A_843, %max3A_845 : vector<16xf32>
    %get3A_847 = arith.constant 32 : index
    %get3A_848 = tpu.vector_load %arg26[%get3A_847] {strides = array<i32>} : memref<128xf32, #tpu.memory_space<vmem>>, vector<16xf32>,
    %get3A_849 = vector.shape_cast %get3A_848 : vector<16xf32> to vector<16xf32>
    %mul3A_850 = arith.mulf %get3A_20, %get3A_849 : vector<16xf32>
    %mul3A_851 = arith.mulf %get3A_25, %max3A_747 : vector<16xf32>
    %add3A_852 = arith.addf %mul3A_850, %mul3A_851 : vector<16xf32>
    %mul3A_853 = arith.mulf %get3A_30, %max3A_846 : vector<16xf32>
    %add3A_854 = arith.addf %add3A_852, %mul3A_853 : vector<16xf32>
    %swap3A_855 = arith.constant 32 : index
    %swap3A_856 = tpu.vector_load %arg34[%swap3A_855] {strides = array<i32>} : memref<128xf32, #tpu.memory_space<vmem>>, vector<16xf32>,
    %swap3A_857 = vector.shape_cast %swap3A_856 : vector<16xf32> to vector<16xf32>
    %swap3A_858 = vector.shape_cast %max3A_747 : vector<16xf32> to vector<16xf32>
    tpu.vector_store %arg34[%swap3A_855], %swap3A_858 {strides = array<i32>} : memref<128xf32, #tpu.memory_space<vmem>>, vector<16xf32>,
    %swap3A_859 = arith.constant 32 : index
    %swap3A_860 = tpu.vector_load %arg35[%swap3A_859] {strides = array<i32>} : memref<128xf32, #tpu.memory_space<vmem>>, vector<16xf32>,
    %swap3A_861 = vector.shape_cast %swap3A_860 : vector<16xf32> to vector<16xf32>
    %swap3A_862 = vector.shape_cast %max3A_846 : vector<16xf32> to vector<16xf32>
    tpu.vector_store %arg35[%swap3A_859], %swap3A_862 {strides = array<i32>} : memref<128xf32, #tpu.memory_space<vmem>>, vector<16xf32>,
    %swap3A_863 = arith.constant 32 : index
    %swap3A_864 = tpu.vector_load %arg36[%swap3A_863] {strides = array<i32>} : memref<128xf32, #tpu.memory_space<vmem>>, vector<16xf32>,
    %swap3A_865 = vector.shape_cast %swap3A_864 : vector<16xf32> to vector<16xf32>
    %swap3A_866 = vector.shape_cast %add3A_854 : vector<16xf32> to vector<16xf32>
    tpu.vector_store %arg36[%swap3A_863], %swap3A_866 {strides = array<i32>} : memref<128xf32, #tpu.memory_space<vmem>>, vector<16xf32>,
    %dma_start3A_867 = arith.constant 0 : i32
    %dma_start3A_868 = arith.constant 0 : i32
    %dma_start3A_869 = tpu.memref_slice %arg28[%dma_start3A_867, %dma_start3A_868] : memref<2x16xf32, #tpu.memory_space<vmem>> -> memref<1x16xf32, #tpu.memory_space<vmem>>
    %dma_start3A_870 = tpu.memref_squeeze %dma_start3A_869 : memref<1x16xf32, #tpu.memory_space<vmem>> -> memref<16xf32, #tpu.memory_space<vmem>>
    %dma_start3A_871 = arith.constant 64 : i32
    %dma_start3A_872 = tpu.memref_slice %arg20[%dma_start3A_871] : memref<128xi32, #tpu.memory_space<vmem>> -> memref<16xi32, #tpu.memory_space<vmem>>
    %dma_start3A_873 = arith.constant 0 : i32
    %dma_start3A_874 = tpu.memref_slice %arg10[%dma_start3A_873] : memref<1000000xf32, #tpu.memory_space<hbm>> -> memref<1000000xf32, #tpu.memory_space<hbm>>
    tpu.enqueue_indirect_dma source(%dma_start3A_874 : memref<1000000xf32, #tpu.memory_space<hbm>>) target(%dma_start3A_870 : memref<16xf32, #tpu.memory_space<vmem>>) offsets(%dma_start3A_872 : memref<16xi32, #tpu.memory_space<vmem>>) semaphore(%arg37 : memref<!tpu.dma_semaphore, #tpu.memory_space<semaphore_mem>>)
    %dma_start3A_875 = arith.constant 0 : i32
    %dma_start3A_876 = arith.constant 0 : i32
    %dma_start3A_877 = tpu.memref_slice %arg29[%dma_start3A_875, %dma_start3A_876] : memref<2x16xf32, #tpu.memory_space<vmem>> -> memref<1x16xf32, #tpu.memory_space<vmem>>
    %dma_start3A_878 = tpu.memref_squeeze %dma_start3A_877 : memref<1x16xf32, #tpu.memory_space<vmem>> -> memref<16xf32, #tpu.memory_space<vmem>>
    %dma_start3A_879 = arith.constant 64 : i32
    %dma_start3A_880 = tpu.memref_slice %arg21[%dma_start3A_879] : memref<128xi32, #tpu.memory_space<vmem>> -> memref<16xi32, #tpu.memory_space<vmem>>
    %dma_start3A_881 = arith.constant 0 : i32
    %dma_start3A_882 = tpu.memref_slice %arg11[%dma_start3A_881] : memref<36501xf32, #tpu.memory_space<hbm>> -> memref<36501xf32, #tpu.memory_space<hbm>>
    tpu.enqueue_indirect_dma source(%dma_start3A_882 : memref<36501xf32, #tpu.memory_space<hbm>>) target(%dma_start3A_878 : memref<16xf32, #tpu.memory_space<vmem>>) offsets(%dma_start3A_880 : memref<16xi32, #tpu.memory_space<vmem>>) semaphore(%arg37 : memref<!tpu.dma_semaphore, #tpu.memory_space<semaphore_mem>>)
    %dma_start3A_883 = arith.constant 0 : i32
    %dma_start3A_884 = arith.constant 0 : i32
    %dma_start3A_885 = tpu.memref_slice %arg30[%dma_start3A_883, %dma_start3A_884] : memref<2x16xf32, #tpu.memory_space<vmem>> -> memref<1x16xf32, #tpu.memory_space<vmem>>
    %dma_start3A_886 = tpu.memref_squeeze %dma_start3A_885 : memref<1x16xf32, #tpu.memory_space<vmem>> -> memref<16xf32, #tpu.memory_space<vmem>>
    %dma_start3A_887 = arith.constant 64 : i32
    %dma_start3A_888 = tpu.memref_slice %arg22[%dma_start3A_887] : memref<128xi32, #tpu.memory_space<vmem>> -> memref<16xi32, #tpu.memory_space<vmem>>
    %dma_start3A_889 = arith.constant 0 : i32
    %dma_start3A_890 = tpu.memref_slice %arg12[%dma_start3A_889] : memref<36501xf32, #tpu.memory_space<hbm>> -> memref<36501xf32, #tpu.memory_space<hbm>>
    tpu.enqueue_indirect_dma source(%dma_start3A_890 : memref<36501xf32, #tpu.memory_space<hbm>>) target(%dma_start3A_886 : memref<16xf32, #tpu.memory_space<vmem>>) offsets(%dma_start3A_888 : memref<16xi32, #tpu.memory_space<vmem>>) semaphore(%arg37 : memref<!tpu.dma_semaphore, #tpu.memory_space<semaphore_mem>>)
    %dma_start3A_891 = arith.constant 0 : i32
    %dma_start3A_892 = arith.constant 0 : i32
    %dma_start3A_893 = tpu.memref_slice %arg31[%dma_start3A_891, %dma_start3A_892] : memref<2x16xf32, #tpu.memory_space<vmem>> -> memref<1x16xf32, #tpu.memory_space<vmem>>
    %dma_start3A_894 = tpu.memref_squeeze %dma_start3A_893 : memref<1x16xf32, #tpu.memory_space<vmem>> -> memref<16xf32, #tpu.memory_space<vmem>>
    %dma_start3A_895 = arith.constant 64 : i32
    %dma_start3A_896 = tpu.memref_slice %arg23[%dma_start3A_895] : memref<128xi32, #tpu.memory_space<vmem>> -> memref<16xi32, #tpu.memory_space<vmem>>
    %dma_start3A_897 = arith.constant 0 : i32
    %dma_start3A_898 = tpu.memref_slice %arg14[%dma_start3A_897] : memref<10000xf32, #tpu.memory_space<hbm>> -> memref<10000xf32, #tpu.memory_space<hbm>>
    tpu.enqueue_indirect_dma source(%dma_start3A_898 : memref<10000xf32, #tpu.memory_space<hbm>>) target(%dma_start3A_894 : memref<16xf32, #tpu.memory_space<vmem>>) offsets(%dma_start3A_896 : memref<16xi32, #tpu.memory_space<vmem>>) semaphore(%arg37 : memref<!tpu.dma_semaphore, #tpu.memory_space<semaphore_mem>>)
    %dma_start3A_899 = arith.constant 0 : i32
    %dma_start3A_900 = arith.constant 0 : i32
    %dma_start3A_901 = tpu.memref_slice %arg32[%dma_start3A_899, %dma_start3A_900] : memref<2x80xf32, #tpu.memory_space<vmem>> -> memref<1x80xf32, #tpu.memory_space<vmem>>
    %dma_start3A_902 = tpu.memref_squeeze %dma_start3A_901 : memref<1x80xf32, #tpu.memory_space<vmem>> -> memref<80xf32, #tpu.memory_space<vmem>>
    %dma_start3A_903 = arith.constant 320 : i32
    %dma_start3A_904 = tpu.memref_slice %arg24[%dma_start3A_903] : memref<640xi32, #tpu.memory_space<vmem>> -> memref<80xi32, #tpu.memory_space<vmem>>
    %dma_start3A_905 = arith.constant 0 : i32
    %dma_start3A_906 = tpu.memref_slice %arg13[%dma_start3A_905] : memref<1000xf32, #tpu.memory_space<hbm>> -> memref<1000xf32, #tpu.memory_space<hbm>>
    tpu.enqueue_indirect_dma source(%dma_start3A_906 : memref<1000xf32, #tpu.memory_space<hbm>>) target(%dma_start3A_902 : memref<80xf32, #tpu.memory_space<vmem>>) offsets(%dma_start3A_904 : memref<80xi32, #tpu.memory_space<vmem>>) semaphore(%arg37 : memref<!tpu.dma_semaphore, #tpu.memory_space<semaphore_mem>>)
    %dma_start3A_907 = arith.constant 0 : i32
    %dma_start3A_908 = arith.constant 0 : i32
    %dma_start3A_909 = tpu.memref_slice %arg33[%dma_start3A_907, %dma_start3A_908] : memref<2x160xf32, #tpu.memory_space<vmem>> -> memref<1x160xf32, #tpu.memory_space<vmem>>
    %dma_start3A_910 = tpu.memref_squeeze %dma_start3A_909 : memref<1x160xf32, #tpu.memory_space<vmem>> -> memref<160xf32, #tpu.memory_space<vmem>>
    %dma_start3A_911 = arith.constant 0 : i32
    %dma_start3A_912 = tpu.memref_slice %dma_start3A_910[%dma_start3A_911] : memref<160xf32, #tpu.memory_space<vmem>> -> memref<80xf32, #tpu.memory_space<vmem>>
    %dma_start3A_913 = arith.constant 640 : i32
    %dma_start3A_914 = tpu.memref_slice %arg25[%dma_start3A_913] : memref<1280xi32, #tpu.memory_space<vmem>> -> memref<80xi32, #tpu.memory_space<vmem>>
    %dma_start3A_915 = arith.constant 0 : i32
    %dma_start3A_916 = tpu.memref_slice %arg15[%dma_start3A_915] : memref<100000xf32, #tpu.memory_space<hbm>> -> memref<100000xf32, #tpu.memory_space<hbm>>
    tpu.enqueue_indirect_dma source(%dma_start3A_916 : memref<100000xf32, #tpu.memory_space<hbm>>) target(%dma_start3A_912 : memref<80xf32, #tpu.memory_space<vmem>>) offsets(%dma_start3A_914 : memref<80xi32, #tpu.memory_space<vmem>>) semaphore(%arg37 : memref<!tpu.dma_semaphore, #tpu.memory_space<semaphore_mem>>)
    %dma_start3A_917 = arith.constant 0 : i32
    %dma_start3A_918 = arith.constant 0 : i32
    %dma_start3A_919 = tpu.memref_slice %arg33[%dma_start3A_917, %dma_start3A_918] : memref<2x160xf32, #tpu.memory_space<vmem>> -> memref<1x160xf32, #tpu.memory_space<vmem>>
    %dma_start3A_920 = tpu.memref_squeeze %dma_start3A_919 : memref<1x160xf32, #tpu.memory_space<vmem>> -> memref<160xf32, #tpu.memory_space<vmem>>
    %dma_start3A_921 = arith.constant 80 : i32
    %dma_start3A_922 = tpu.memref_slice %dma_start3A_920[%dma_start3A_921] : memref<160xf32, #tpu.memory_space<vmem>> -> memref<80xf32, #tpu.memory_space<vmem>>
    %dma_start3A_923 = arith.constant 720 : i32
    %dma_start3A_924 = tpu.memref_slice %arg25[%dma_start3A_923] : memref<1280xi32, #tpu.memory_space<vmem>> -> memref<80xi32, #tpu.memory_space<vmem>>
    %dma_start3A_925 = arith.constant 0 : i32
    %dma_start3A_926 = tpu.memref_slice %arg15[%dma_start3A_925] : memref<100000xf32, #tpu.memory_space<hbm>> -> memref<100000xf32, #tpu.memory_space<hbm>>
    tpu.enqueue_indirect_dma source(%dma_start3A_926 : memref<100000xf32, #tpu.memory_space<hbm>>) target(%dma_start3A_922 : memref<80xf32, #tpu.memory_space<vmem>>) offsets(%dma_start3A_924 : memref<80xi32, #tpu.memory_space<vmem>>) semaphore(%arg37 : memref<!tpu.dma_semaphore, #tpu.memory_space<semaphore_mem>>)
    %dma_wait3A_927 = arith.constant 1 : i32
    %dma_wait3A_928 = arith.constant 0 : i32
    %dma_wait3A_929 = tpu.memref_slice %arg28[%dma_wait3A_927, %dma_wait3A_928] : memref<2x16xf32, #tpu.memory_space<vmem>> -> memref<1x16xf32, #tpu.memory_space<vmem>>
    %dma_wait3A_930 = tpu.memref_squeeze %dma_wait3A_929 : memref<1x16xf32, #tpu.memory_space<vmem>> -> memref<16xf32, #tpu.memory_space<vmem>>
    %dma_wait3A_931 = arith.constant 48 : i32
    %dma_wait3A_932 = tpu.memref_slice %arg20[%dma_wait3A_931] : memref<128xi32, #tpu.memory_space<vmem>> -> memref<16xi32, #tpu.memory_space<vmem>>
    %dma_wait3A_933 = arith.constant 0 : i32
    %dma_wait3A_934 = tpu.memref_slice %arg10[%dma_wait3A_933] : memref<1000000xf32, #tpu.memory_space<hbm>> -> memref<1000000xf32, #tpu.memory_space<hbm>>
    tpu.wait_indirect_dma semaphore(%arg38 : memref<!tpu.dma_semaphore, #tpu.memory_space<semaphore_mem>>) src(%dma_wait3A_934 : memref<1000000xf32, #tpu.memory_space<hbm>>) dst(%dma_wait3A_930 : memref<16xf32, #tpu.memory_space<vmem>>)
    %dma_wait3A_935 = arith.constant 1 : i32
    %dma_wait3A_936 = arith.constant 0 : i32
    %dma_wait3A_937 = tpu.memref_slice %arg29[%dma_wait3A_935, %dma_wait3A_936] : memref<2x16xf32, #tpu.memory_space<vmem>> -> memref<1x16xf32, #tpu.memory_space<vmem>>
    %dma_wait3A_938 = tpu.memref_squeeze %dma_wait3A_937 : memref<1x16xf32, #tpu.memory_space<vmem>> -> memref<16xf32, #tpu.memory_space<vmem>>
    %dma_wait3A_939 = arith.constant 48 : i32
    %dma_wait3A_940 = tpu.memref_slice %arg21[%dma_wait3A_939] : memref<128xi32, #tpu.memory_space<vmem>> -> memref<16xi32, #tpu.memory_space<vmem>>
    %dma_wait3A_941 = arith.constant 0 : i32
    %dma_wait3A_942 = tpu.memref_slice %arg11[%dma_wait3A_941] : memref<36501xf32, #tpu.memory_space<hbm>> -> memref<36501xf32, #tpu.memory_space<hbm>>
    tpu.wait_indirect_dma semaphore(%arg38 : memref<!tpu.dma_semaphore, #tpu.memory_space<semaphore_mem>>) src(%dma_wait3A_942 : memref<36501xf32, #tpu.memory_space<hbm>>) dst(%dma_wait3A_938 : memref<16xf32, #tpu.memory_space<vmem>>)
    %dma_wait3A_943 = arith.constant 1 : i32
    %dma_wait3A_944 = arith.constant 0 : i32
    %dma_wait3A_945 = tpu.memref_slice %arg30[%dma_wait3A_943, %dma_wait3A_944] : memref<2x16xf32, #tpu.memory_space<vmem>> -> memref<1x16xf32, #tpu.memory_space<vmem>>
    %dma_wait3A_946 = tpu.memref_squeeze %dma_wait3A_945 : memref<1x16xf32, #tpu.memory_space<vmem>> -> memref<16xf32, #tpu.memory_space<vmem>>
    %dma_wait3A_947 = arith.constant 48 : i32
    %dma_wait3A_948 = tpu.memref_slice %arg22[%dma_wait3A_947] : memref<128xi32, #tpu.memory_space<vmem>> -> memref<16xi32, #tpu.memory_space<vmem>>
    %dma_wait3A_949 = arith.constant 0 : i32
    %dma_wait3A_950 = tpu.memref_slice %arg12[%dma_wait3A_949] : memref<36501xf32, #tpu.memory_space<hbm>> -> memref<36501xf32, #tpu.memory_space<hbm>>
    tpu.wait_indirect_dma semaphore(%arg38 : memref<!tpu.dma_semaphore, #tpu.memory_space<semaphore_mem>>) src(%dma_wait3A_950 : memref<36501xf32, #tpu.memory_space<hbm>>) dst(%dma_wait3A_946 : memref<16xf32, #tpu.memory_space<vmem>>)
    %dma_wait3A_951 = arith.constant 1 : i32
    %dma_wait3A_952 = arith.constant 0 : i32
    %dma_wait3A_953 = tpu.memref_slice %arg31[%dma_wait3A_951, %dma_wait3A_952] : memref<2x16xf32, #tpu.memory_space<vmem>> -> memref<1x16xf32, #tpu.memory_space<vmem>>
    %dma_wait3A_954 = tpu.memref_squeeze %dma_wait3A_953 : memref<1x16xf32, #tpu.memory_space<vmem>> -> memref<16xf32, #tpu.memory_space<vmem>>
    %dma_wait3A_955 = arith.constant 48 : i32
    %dma_wait3A_956 = tpu.memref_slice %arg23[%dma_wait3A_955] : memref<128xi32, #tpu.memory_space<vmem>> -> memref<16xi32, #tpu.memory_space<vmem>>
    %dma_wait3A_957 = arith.constant 0 : i32
    %dma_wait3A_958 = tpu.memref_slice %arg14[%dma_wait3A_957] : memref<10000xf32, #tpu.memory_space<hbm>> -> memref<10000xf32, #tpu.memory_space<hbm>>
    tpu.wait_indirect_dma semaphore(%arg38 : memref<!tpu.dma_semaphore, #tpu.memory_space<semaphore_mem>>) src(%dma_wait3A_958 : memref<10000xf32, #tpu.memory_space<hbm>>) dst(%dma_wait3A_954 : memref<16xf32, #tpu.memory_space<vmem>>)
    %dma_wait3A_959 = arith.constant 1 : i32
    %dma_wait3A_960 = arith.constant 0 : i32
    %dma_wait3A_961 = tpu.memref_slice %arg32[%dma_wait3A_959, %dma_wait3A_960] : memref<2x80xf32, #tpu.memory_space<vmem>> -> memref<1x80xf32, #tpu.memory_space<vmem>>
    %dma_wait3A_962 = tpu.memref_squeeze %dma_wait3A_961 : memref<1x80xf32, #tpu.memory_space<vmem>> -> memref<80xf32, #tpu.memory_space<vmem>>
    %dma_wait3A_963 = arith.constant 240 : i32
    %dma_wait3A_964 = tpu.memref_slice %arg24[%dma_wait3A_963] : memref<640xi32, #tpu.memory_space<vmem>> -> memref<80xi32, #tpu.memory_space<vmem>>
    %dma_wait3A_965 = arith.constant 0 : i32
    %dma_wait3A_966 = tpu.memref_slice %arg13[%dma_wait3A_965] : memref<1000xf32, #tpu.memory_space<hbm>> -> memref<1000xf32, #tpu.memory_space<hbm>>
    tpu.wait_indirect_dma semaphore(%arg38 : memref<!tpu.dma_semaphore, #tpu.memory_space<semaphore_mem>>) src(%dma_wait3A_966 : memref<1000xf32, #tpu.memory_space<hbm>>) dst(%dma_wait3A_962 : memref<80xf32, #tpu.memory_space<vmem>>)
    %dma_wait3A_967 = arith.constant 1 : i32
    %dma_wait3A_968 = arith.constant 0 : i32
    %dma_wait3A_969 = tpu.memref_slice %arg33[%dma_wait3A_967, %dma_wait3A_968] : memref<2x160xf32, #tpu.memory_space<vmem>> -> memref<1x160xf32, #tpu.memory_space<vmem>>
    %dma_wait3A_970 = tpu.memref_squeeze %dma_wait3A_969 : memref<1x160xf32, #tpu.memory_space<vmem>> -> memref<160xf32, #tpu.memory_space<vmem>>
    %dma_wait3A_971 = arith.constant 0 : i32
    %dma_wait3A_972 = tpu.memref_slice %dma_wait3A_970[%dma_wait3A_971] : memref<160xf32, #tpu.memory_space<vmem>> -> memref<80xf32, #tpu.memory_space<vmem>>
    %dma_wait3A_973 = arith.constant 480 : i32
    %dma_wait3A_974 = tpu.memref_slice %arg25[%dma_wait3A_973] : memref<1280xi32, #tpu.memory_space<vmem>> -> memref<80xi32, #tpu.memory_space<vmem>>
    %dma_wait3A_975 = arith.constant 0 : i32
    %dma_wait3A_976 = tpu.memref_slice %arg15[%dma_wait3A_975] : memref<100000xf32, #tpu.memory_space<hbm>> -> memref<100000xf32, #tpu.memory_space<hbm>>
    tpu.wait_indirect_dma semaphore(%arg38 : memref<!tpu.dma_semaphore, #tpu.memory_space<semaphore_mem>>) src(%dma_wait3A_976 : memref<100000xf32, #tpu.memory_space<hbm>>) dst(%dma_wait3A_972 : memref<80xf32, #tpu.memory_space<vmem>>)
    %dma_wait3A_977 = arith.constant 1 : i32
    %dma_wait3A_978 = arith.constant 0 : i32
    %dma_wait3A_979 = tpu.memref_slice %arg33[%dma_wait3A_977, %dma_wait3A_978] : memref<2x160xf32, #tpu.memory_space<vmem>> -> memref<1x160xf32, #tpu.memory_space<vmem>>
    %dma_wait3A_980 = tpu.memref_squeeze %dma_wait3A_979 : memref<1x160xf32, #tpu.memory_space<vmem>> -> memref<160xf32, #tpu.memory_space<vmem>>
    %dma_wait3A_981 = arith.constant 80 : i32
    %dma_wait3A_982 = tpu.memref_slice %dma_wait3A_980[%dma_wait3A_981] : memref<160xf32, #tpu.memory_space<vmem>> -> memref<80xf32, #tpu.memory_space<vmem>>
    %dma_wait3A_983 = arith.constant 560 : i32
    %dma_wait3A_984 = tpu.memref_slice %arg25[%dma_wait3A_983] : memref<1280xi32, #tpu.memory_space<vmem>> -> memref<80xi32, #tpu.memory_space<vmem>>
    %dma_wait3A_985 = arith.constant 0 : i32
    %dma_wait3A_986 = tpu.memref_slice %arg15[%dma_wait3A_985] : memref<100000xf32, #tpu.memory_space<hbm>> -> memref<100000xf32, #tpu.memory_space<hbm>>
    tpu.wait_indirect_dma semaphore(%arg38 : memref<!tpu.dma_semaphore, #tpu.memory_space<semaphore_mem>>) src(%dma_wait3A_986 : memref<100000xf32, #tpu.memory_space<hbm>>) dst(%dma_wait3A_982 : memref<80xf32, #tpu.memory_space<vmem>>)
    %get3A_987 = arith.constant 1 : i32
    %get3A_988 = arith.index_cast %get3A_987 : i32 to index
    %get3A_989 = arith.constant 0 : index
    %get3A_990 = tpu.vector_load %arg28[%get3A_988, %get3A_989] {strides = array<i32>} : memref<2x16xf32, #tpu.memory_space<vmem>>, vector<1x16xf32>,
    %get3A_991 = vector.shape_cast %get3A_990 : vector<1x16xf32> to vector<16xf32>
    %get3A_992 = arith.constant 1 : i32
    %get3A_993 = arith.index_cast %get3A_992 : i32 to index
    %get3A_994 = arith.constant 0 : index
    %get3A_995 = tpu.vector_load %arg29[%get3A_993, %get3A_994] {strides = array<i32>} : memref<2x16xf32, #tpu.memory_space<vmem>>, vector<1x16xf32>,
    %get3A_996 = vector.shape_cast %get3A_995 : vector<1x16xf32> to vector<16xf32>
    %add3A_997 = arith.addf %get3A_991, %get3A_996 : vector<16xf32>
    %get3A_998 = arith.constant 1 : i32
    %get3A_999 = arith.index_cast %get3A_998 : i32 to index
    %get3A_1000 = arith.constant 0 : index
    %get3A_1001 = tpu.vector_load %arg30[%get3A_999, %get3A_1000] {strides = array<i32>} : memref<2x16xf32, #tpu.memory_space<vmem>>, vector<1x16xf32>,
    %get3A_1002 = vector.shape_cast %get3A_1001 : vector<1x16xf32> to vector<16xf32>
    %add3A_1003 = arith.addf %add3A_997, %get3A_1002 : vector<16xf32>
    %add3A_1004 = arith.addf %add3A_1003, %get3A_10 : vector<16xf32>
    %max3A_1005 = arith.constant 0.000000e+00 : f32
    %max3A_1006 = vector.broadcast %max3A_1005 : f32 to vector<16xf32>
    %max3A_1007 = arith.maximumf %add3A_1004, %max3A_1006 : vector<16xf32>
    %get3A_1008 = arith.constant 1 : i32
    %get3A_1009 = arith.index_cast %get3A_1008 : i32 to index
    %get3A_1010 = arith.constant 0 : index
    %get3A_1011 = tpu.vector_load %arg32[%get3A_1009, %get3A_1010] {strides = array<i32>} : memref<2x80xf32, #tpu.memory_space<vmem>>, vector<1x16xf32>,
    %get3A_1012 = vector.shape_cast %get3A_1011 : vector<1x16xf32> to vector<16xf32>
    %get3A_1013 = arith.constant 1 : i32
    %get3A_1014 = arith.index_cast %get3A_1013 : i32 to index
    %get3A_1015 = arith.constant 16 : index
    %get3A_1016 = tpu.vector_load %arg32[%get3A_1014, %get3A_1015] {strides = array<i32>} : memref<2x80xf32, #tpu.memory_space<vmem>>, vector<1x16xf32>,
    %get3A_1017 = vector.shape_cast %get3A_1016 : vector<1x16xf32> to vector<16xf32>
    %add3A_1018 = arith.addf %get3A_1012, %get3A_1017 : vector<16xf32>
    %get3A_1019 = arith.constant 1 : i32
    %get3A_1020 = arith.index_cast %get3A_1019 : i32 to index
    %get3A_1021 = arith.constant 32 : index
    %get3A_1022 = tpu.vector_load %arg32[%get3A_1020, %get3A_1021] {strides = array<i32>} : memref<2x80xf32, #tpu.memory_space<vmem>>, vector<1x16xf32>,
    %get3A_1023 = vector.shape_cast %get3A_1022 : vector<1x16xf32> to vector<16xf32>
    %add3A_1024 = arith.addf %add3A_1018, %get3A_1023 : vector<16xf32>
    %get3A_1025 = arith.constant 1 : i32
    %get3A_1026 = arith.index_cast %get3A_1025 : i32 to index
    %get3A_1027 = arith.constant 48 : index
    %get3A_1028 = tpu.vector_load %arg32[%get3A_1026, %get3A_1027] {strides = array<i32>} : memref<2x80xf32, #tpu.memory_space<vmem>>, vector<1x16xf32>,
    %get3A_1029 = vector.shape_cast %get3A_1028 : vector<1x16xf32> to vector<16xf32>
    %add3A_1030 = arith.addf %add3A_1024, %get3A_1029 : vector<16xf32>
    %get3A_1031 = arith.constant 1 : i32
    %get3A_1032 = arith.index_cast %get3A_1031 : i32 to index
    %get3A_1033 = arith.constant 64 : index
    %get3A_1034 = tpu.vector_load %arg32[%get3A_1032, %get3A_1033] {strides = array<i32>} : memref<2x80xf32, #tpu.memory_space<vmem>>, vector<1x16xf32>,
    %get3A_1035 = vector.shape_cast %get3A_1034 : vector<1x16xf32> to vector<16xf32>
    %add3A_1036 = arith.addf %add3A_1030, %get3A_1035 : vector<16xf32>
    %get3A_1037 = arith.constant 1 : i32
    %get3A_1038 = arith.index_cast %get3A_1037 : i32 to index
    %get3A_1039 = arith.constant 0 : index
    %get3A_1040 = tpu.vector_load %arg33[%get3A_1038, %get3A_1039] {strides = array<i32>} : memref<2x160xf32, #tpu.memory_space<vmem>>, vector<1x16xf32>,
    %get3A_1041 = vector.shape_cast %get3A_1040 : vector<1x16xf32> to vector<16xf32>
    %get3A_1042 = arith.constant 1 : i32
    %get3A_1043 = arith.index_cast %get3A_1042 : i32 to index
    %get3A_1044 = arith.constant 16 : index
    %get3A_1045 = tpu.vector_load %arg33[%get3A_1043, %get3A_1044] {strides = array<i32>} : memref<2x160xf32, #tpu.memory_space<vmem>>, vector<1x16xf32>,
    %get3A_1046 = vector.shape_cast %get3A_1045 : vector<1x16xf32> to vector<16xf32>
    %add3A_1047 = arith.addf %get3A_1041, %get3A_1046 : vector<16xf32>
    %get3A_1048 = arith.constant 1 : i32
    %get3A_1049 = arith.index_cast %get3A_1048 : i32 to index
    %get3A_1050 = arith.constant 32 : index
    %get3A_1051 = tpu.vector_load %arg33[%get3A_1049, %get3A_1050] {strides = array<i32>} : memref<2x160xf32, #tpu.memory_space<vmem>>, vector<1x16xf32>,
    %get3A_1052 = vector.shape_cast %get3A_1051 : vector<1x16xf32> to vector<16xf32>
    %add3A_1053 = arith.addf %add3A_1047, %get3A_1052 : vector<16xf32>
    %get3A_1054 = arith.constant 1 : i32
    %get3A_1055 = arith.index_cast %get3A_1054 : i32 to index
    %get3A_1056 = arith.constant 48 : index
    %get3A_1057 = tpu.vector_load %arg33[%get3A_1055, %get3A_1056] {strides = array<i32>} : memref<2x160xf32, #tpu.memory_space<vmem>>, vector<1x16xf32>,
    %get3A_1058 = vector.shape_cast %get3A_1057 : vector<1x16xf32> to vector<16xf32>
    %add3A_1059 = arith.addf %add3A_1053, %get3A_1058 : vector<16xf32>
    %get3A_1060 = arith.constant 1 : i32
    %get3A_1061 = arith.index_cast %get3A_1060 : i32 to index
    %get3A_1062 = arith.constant 64 : index
    %get3A_1063 = tpu.vector_load %arg33[%get3A_1061, %get3A_1062] {strides = array<i32>} : memref<2x160xf32, #tpu.memory_space<vmem>>, vector<1x16xf32>,
    %get3A_1064 = vector.shape_cast %get3A_1063 : vector<1x16xf32> to vector<16xf32>
    %add3A_1065 = arith.addf %add3A_1059, %get3A_1064 : vector<16xf32>
    %get3A_1066 = arith.constant 1 : i32
    %get3A_1067 = arith.index_cast %get3A_1066 : i32 to index
    %get3A_1068 = arith.constant 80 : index
    %get3A_1069 = tpu.vector_load %arg33[%get3A_1067, %get3A_1068] {strides = array<i32>} : memref<2x160xf32, #tpu.memory_space<vmem>>, vector<1x16xf32>,
    %get3A_1070 = vector.shape_cast %get3A_1069 : vector<1x16xf32> to vector<16xf32>
    %add3A_1071 = arith.addf %add3A_1065, %get3A_1070 : vector<16xf32>
    %get3A_1072 = arith.constant 1 : i32
    %get3A_1073 = arith.index_cast %get3A_1072 : i32 to index
    %get3A_1074 = arith.constant 96 : index
    %get3A_1075 = tpu.vector_load %arg33[%get3A_1073, %get3A_1074] {strides = array<i32>} : memref<2x160xf32, #tpu.memory_space<vmem>>, vector<1x16xf32>,
    %get3A_1076 = vector.shape_cast %get3A_1075 : vector<1x16xf32> to vector<16xf32>
    %add3A_1077 = arith.addf %add3A_1071, %get3A_1076 : vector<16xf32>
    %get3A_1078 = arith.constant 1 : i32
    %get3A_1079 = arith.index_cast %get3A_1078 : i32 to index
    %get3A_1080 = arith.constant 112 : index
    %get3A_1081 = tpu.vector_load %arg33[%get3A_1079, %get3A_1080] {strides = array<i32>} : memref<2x160xf32, #tpu.memory_space<vmem>>, vector<1x16xf32>,
    %get3A_1082 = vector.shape_cast %get3A_1081 : vector<1x16xf32> to vector<16xf32>
    %add3A_1083 = arith.addf %add3A_1077, %get3A_1082 : vector<16xf32>
    %get3A_1084 = arith.constant 1 : i32
    %get3A_1085 = arith.index_cast %get3A_1084 : i32 to index
    %get3A_1086 = arith.constant 128 : index
    %get3A_1087 = tpu.vector_load %arg33[%get3A_1085, %get3A_1086] {strides = array<i32>} : memref<2x160xf32, #tpu.memory_space<vmem>>, vector<1x16xf32>,
    %get3A_1088 = vector.shape_cast %get3A_1087 : vector<1x16xf32> to vector<16xf32>
    %add3A_1089 = arith.addf %add3A_1083, %get3A_1088 : vector<16xf32>
    %get3A_1090 = arith.constant 1 : i32
    %get3A_1091 = arith.index_cast %get3A_1090 : i32 to index
    %get3A_1092 = arith.constant 144 : index
    %get3A_1093 = tpu.vector_load %arg33[%get3A_1091, %get3A_1092] {strides = array<i32>} : memref<2x160xf32, #tpu.memory_space<vmem>>, vector<1x16xf32>,
    %get3A_1094 = vector.shape_cast %get3A_1093 : vector<1x16xf32> to vector<16xf32>
    %add3A_1095 = arith.addf %add3A_1089, %get3A_1094 : vector<16xf32>
    %get3A_1096 = arith.constant 1 : i32
    %get3A_1097 = arith.index_cast %get3A_1096 : i32 to index
    %get3A_1098 = arith.constant 0 : index
    %get3A_1099 = tpu.vector_load %arg31[%get3A_1097, %get3A_1098] {strides = array<i32>} : memref<2x16xf32, #tpu.memory_space<vmem>>, vector<1x16xf32>,
    %get3A_1100 = vector.shape_cast %get3A_1099 : vector<1x16xf32> to vector<16xf32>
    %add3A_1101 = arith.addf %get3A_1100, %add3A_1036 : vector<16xf32>
    %add3A_1102 = arith.addf %add3A_1101, %add3A_1095 : vector<16xf32>
    %add3A_1103 = arith.addf %add3A_1102, %get3A_15 : vector<16xf32>
    %max3A_1104 = arith.constant 0.000000e+00 : f32
    %max3A_1105 = vector.broadcast %max3A_1104 : f32 to vector<16xf32>
    %max3A_1106 = arith.maximumf %add3A_1103, %max3A_1105 : vector<16xf32>
    %get3A_1107 = arith.constant 48 : index
    %get3A_1108 = tpu.vector_load %arg26[%get3A_1107] {strides = array<i32>} : memref<128xf32, #tpu.memory_space<vmem>>, vector<16xf32>,
    %get3A_1109 = vector.shape_cast %get3A_1108 : vector<16xf32> to vector<16xf32>
    %mul3A_1110 = arith.mulf %get3A_20, %get3A_1109 : vector<16xf32>
    %mul3A_1111 = arith.mulf %get3A_25, %max3A_1007 : vector<16xf32>
    %add3A_1112 = arith.addf %mul3A_1110, %mul3A_1111 : vector<16xf32>
    %mul3A_1113 = arith.mulf %get3A_30, %max3A_1106 : vector<16xf32>
    %add3A_1114 = arith.addf %add3A_1112, %mul3A_1113 : vector<16xf32>
    %swap3A_1115 = arith.constant 48 : index
    %swap3A_1116 = tpu.vector_load %arg34[%swap3A_1115] {strides = array<i32>} : memref<128xf32, #tpu.memory_space<vmem>>, vector<16xf32>,
    %swap3A_1117 = vector.shape_cast %swap3A_1116 : vector<16xf32> to vector<16xf32>
    %swap3A_1118 = vector.shape_cast %max3A_1007 : vector<16xf32> to vector<16xf32>
    tpu.vector_store %arg34[%swap3A_1115], %swap3A_1118 {strides = array<i32>} : memref<128xf32, #tpu.memory_space<vmem>>, vector<16xf32>,
    %swap3A_1119 = arith.constant 48 : index
    %swap3A_1120 = tpu.vector_load %arg35[%swap3A_1119] {strides = array<i32>} : memref<128xf32, #tpu.memory_space<vmem>>, vector<16xf32>,
    %swap3A_1121 = vector.shape_cast %swap3A_1120 : vector<16xf32> to vector<16xf32>
    %swap3A_1122 = vector.shape_cast %max3A_1106 : vector<16xf32> to vector<16xf32>
    tpu.vector_store %arg35[%swap3A_1119], %swap3A_1122 {strides = array<i32>} : memref<128xf32, #tpu.memory_space<vmem>>, vector<16xf32>,
    %swap3A_1123 = arith.constant 48 : index
    %swap3A_1124 = tpu.vector_load %arg36[%swap3A_1123] {strides = array<i32>} : memref<128xf32, #tpu.memory_space<vmem>>, vector<16xf32>,
    %swap3A_1125 = vector.shape_cast %swap3A_1124 : vector<16xf32> to vector<16xf32>
    %swap3A_1126 = vector.shape_cast %add3A_1114 : vector<16xf32> to vector<16xf32>
    tpu.vector_store %arg36[%swap3A_1123], %swap3A_1126 {strides = array<i32>} : memref<128xf32, #tpu.memory_space<vmem>>, vector<16xf32>,
    %dma_start3A_1127 = arith.constant 1 : i32
    %dma_start3A_1128 = arith.constant 0 : i32
    %dma_start3A_1129 = tpu.memref_slice %arg28[%dma_start3A_1127, %dma_start3A_1128] : memref<2x16xf32, #tpu.memory_space<vmem>> -> memref<1x16xf32, #tpu.memory_space<vmem>>
    %dma_start3A_1130 = tpu.memref_squeeze %dma_start3A_1129 : memref<1x16xf32, #tpu.memory_space<vmem>> -> memref<16xf32, #tpu.memory_space<vmem>>
    %dma_start3A_1131 = arith.constant 80 : i32
    %dma_start3A_1132 = tpu.memref_slice %arg20[%dma_start3A_1131] : memref<128xi32, #tpu.memory_space<vmem>> -> memref<16xi32, #tpu.memory_space<vmem>>
    %dma_start3A_1133 = arith.constant 0 : i32
    %dma_start3A_1134 = tpu.memref_slice %arg10[%dma_start3A_1133] : memref<1000000xf32, #tpu.memory_space<hbm>> -> memref<1000000xf32, #tpu.memory_space<hbm>>
    tpu.enqueue_indirect_dma source(%dma_start3A_1134 : memref<1000000xf32, #tpu.memory_space<hbm>>) target(%dma_start3A_1130 : memref<16xf32, #tpu.memory_space<vmem>>) offsets(%dma_start3A_1132 : memref<16xi32, #tpu.memory_space<vmem>>) semaphore(%arg38 : memref<!tpu.dma_semaphore, #tpu.memory_space<semaphore_mem>>)
    %dma_start3A_1135 = arith.constant 1 : i32
    %dma_start3A_1136 = arith.constant 0 : i32
    %dma_start3A_1137 = tpu.memref_slice %arg29[%dma_start3A_1135, %dma_start3A_1136] : memref<2x16xf32, #tpu.memory_space<vmem>> -> memref<1x16xf32, #tpu.memory_space<vmem>>
    %dma_start3A_1138 = tpu.memref_squeeze %dma_start3A_1137 : memref<1x16xf32, #tpu.memory_space<vmem>> -> memref<16xf32, #tpu.memory_space<vmem>>
    %dma_start3A_1139 = arith.constant 80 : i32
    %dma_start3A_1140 = tpu.memref_slice %arg21[%dma_start3A_1139] : memref<128xi32, #tpu.memory_space<vmem>> -> memref<16xi32, #tpu.memory_space<vmem>>
    %dma_start3A_1141 = arith.constant 0 : i32
    %dma_start3A_1142 = tpu.memref_slice %arg11[%dma_start3A_1141] : memref<36501xf32, #tpu.memory_space<hbm>> -> memref<36501xf32, #tpu.memory_space<hbm>>
    tpu.enqueue_indirect_dma source(%dma_start3A_1142 : memref<36501xf32, #tpu.memory_space<hbm>>) target(%dma_start3A_1138 : memref<16xf32, #tpu.memory_space<vmem>>) offsets(%dma_start3A_1140 : memref<16xi32, #tpu.memory_space<vmem>>) semaphore(%arg38 : memref<!tpu.dma_semaphore, #tpu.memory_space<semaphore_mem>>)
    %dma_start3A_1143 = arith.constant 1 : i32
    %dma_start3A_1144 = arith.constant 0 : i32
    %dma_start3A_1145 = tpu.memref_slice %arg30[%dma_start3A_1143, %dma_start3A_1144] : memref<2x16xf32, #tpu.memory_space<vmem>> -> memref<1x16xf32, #tpu.memory_space<vmem>>
    %dma_start3A_1146 = tpu.memref_squeeze %dma_start3A_1145 : memref<1x16xf32, #tpu.memory_space<vmem>> -> memref<16xf32, #tpu.memory_space<vmem>>
    %dma_start3A_1147 = arith.constant 80 : i32
    %dma_start3A_1148 = tpu.memref_slice %arg22[%dma_start3A_1147] : memref<128xi32, #tpu.memory_space<vmem>> -> memref<16xi32, #tpu.memory_space<vmem>>
    %dma_start3A_1149 = arith.constant 0 : i32
    %dma_start3A_1150 = tpu.memref_slice %arg12[%dma_start3A_1149] : memref<36501xf32, #tpu.memory_space<hbm>> -> memref<36501xf32, #tpu.memory_space<hbm>>
    tpu.enqueue_indirect_dma source(%dma_start3A_1150 : memref<36501xf32, #tpu.memory_space<hbm>>) target(%dma_start3A_1146 : memref<16xf32, #tpu.memory_space<vmem>>) offsets(%dma_start3A_1148 : memref<16xi32, #tpu.memory_space<vmem>>) semaphore(%arg38 : memref<!tpu.dma_semaphore, #tpu.memory_space<semaphore_mem>>)
    %dma_start3A_1151 = arith.constant 1 : i32
    %dma_start3A_1152 = arith.constant 0 : i32
    %dma_start3A_1153 = tpu.memref_slice %arg31[%dma_start3A_1151, %dma_start3A_1152] : memref<2x16xf32, #tpu.memory_space<vmem>> -> memref<1x16xf32, #tpu.memory_space<vmem>>
    %dma_start3A_1154 = tpu.memref_squeeze %dma_start3A_1153 : memref<1x16xf32, #tpu.memory_space<vmem>> -> memref<16xf32, #tpu.memory_space<vmem>>
    %dma_start3A_1155 = arith.constant 80 : i32
    %dma_start3A_1156 = tpu.memref_slice %arg23[%dma_start3A_1155] : memref<128xi32, #tpu.memory_space<vmem>> -> memref<16xi32, #tpu.memory_space<vmem>>
    %dma_start3A_1157 = arith.constant 0 : i32
    %dma_start3A_1158 = tpu.memref_slice %arg14[%dma_start3A_1157] : memref<10000xf32, #tpu.memory_space<hbm>> -> memref<10000xf32, #tpu.memory_space<hbm>>
    tpu.enqueue_indirect_dma source(%dma_start3A_1158 : memref<10000xf32, #tpu.memory_space<hbm>>) target(%dma_start3A_1154 : memref<16xf32, #tpu.memory_space<vmem>>) offsets(%dma_start3A_1156 : memref<16xi32, #tpu.memory_space<vmem>>) semaphore(%arg38 : memref<!tpu.dma_semaphore, #tpu.memory_space<semaphore_mem>>)
    %dma_start3A_1159 = arith.constant 1 : i32
    %dma_start3A_1160 = arith.constant 0 : i32
    %dma_start3A_1161 = tpu.memref_slice %arg32[%dma_start3A_1159, %dma_start3A_1160] : memref<2x80xf32, #tpu.memory_space<vmem>> -> memref<1x80xf32, #tpu.memory_space<vmem>>
    %dma_start3A_1162 = tpu.memref_squeeze %dma_start3A_1161 : memref<1x80xf32, #tpu.memory_space<vmem>> -> memref<80xf32, #tpu.memory_space<vmem>>
    %dma_start3A_1163 = arith.constant 400 : i32
    %dma_start3A_1164 = tpu.memref_slice %arg24[%dma_start3A_1163] : memref<640xi32, #tpu.memory_space<vmem>> -> memref<80xi32, #tpu.memory_space<vmem>>
    %dma_start3A_1165 = arith.constant 0 : i32
    %dma_start3A_1166 = tpu.memref_slice %arg13[%dma_start3A_1165] : memref<1000xf32, #tpu.memory_space<hbm>> -> memref<1000xf32, #tpu.memory_space<hbm>>
    tpu.enqueue_indirect_dma source(%dma_start3A_1166 : memref<1000xf32, #tpu.memory_space<hbm>>) target(%dma_start3A_1162 : memref<80xf32, #tpu.memory_space<vmem>>) offsets(%dma_start3A_1164 : memref<80xi32, #tpu.memory_space<vmem>>) semaphore(%arg38 : memref<!tpu.dma_semaphore, #tpu.memory_space<semaphore_mem>>)
    %dma_start3A_1167 = arith.constant 1 : i32
    %dma_start3A_1168 = arith.constant 0 : i32
    %dma_start3A_1169 = tpu.memref_slice %arg33[%dma_start3A_1167, %dma_start3A_1168] : memref<2x160xf32, #tpu.memory_space<vmem>> -> memref<1x160xf32, #tpu.memory_space<vmem>>
    %dma_start3A_1170 = tpu.memref_squeeze %dma_start3A_1169 : memref<1x160xf32, #tpu.memory_space<vmem>> -> memref<160xf32, #tpu.memory_space<vmem>>
    %dma_start3A_1171 = arith.constant 0 : i32
    %dma_start3A_1172 = tpu.memref_slice %dma_start3A_1170[%dma_start3A_1171] : memref<160xf32, #tpu.memory_space<vmem>> -> memref<80xf32, #tpu.memory_space<vmem>>
    %dma_start3A_1173 = arith.constant 800 : i32
    %dma_start3A_1174 = tpu.memref_slice %arg25[%dma_start3A_1173] : memref<1280xi32, #tpu.memory_space<vmem>> -> memref<80xi32, #tpu.memory_space<vmem>>
    %dma_start3A_1175 = arith.constant 0 : i32
    %dma_start3A_1176 = tpu.memref_slice %arg15[%dma_start3A_1175] : memref<100000xf32, #tpu.memory_space<hbm>> -> memref<100000xf32, #tpu.memory_space<hbm>>
    tpu.enqueue_indirect_dma source(%dma_start3A_1176 : memref<100000xf32, #tpu.memory_space<hbm>>) target(%dma_start3A_1172 : memref<80xf32, #tpu.memory_space<vmem>>) offsets(%dma_start3A_1174 : memref<80xi32, #tpu.memory_space<vmem>>) semaphore(%arg38 : memref<!tpu.dma_semaphore, #tpu.memory_space<semaphore_mem>>)
    %dma_start3A_1177 = arith.constant 1 : i32
    %dma_start3A_1178 = arith.constant 0 : i32
    %dma_start3A_1179 = tpu.memref_slice %arg33[%dma_start3A_1177, %dma_start3A_1178] : memref<2x160xf32, #tpu.memory_space<vmem>> -> memref<1x160xf32, #tpu.memory_space<vmem>>
    %dma_start3A_1180 = tpu.memref_squeeze %dma_start3A_1179 : memref<1x160xf32, #tpu.memory_space<vmem>> -> memref<160xf32, #tpu.memory_space<vmem>>
    %dma_start3A_1181 = arith.constant 80 : i32
    %dma_start3A_1182 = tpu.memref_slice %dma_start3A_1180[%dma_start3A_1181] : memref<160xf32, #tpu.memory_space<vmem>> -> memref<80xf32, #tpu.memory_space<vmem>>
    %dma_start3A_1183 = arith.constant 880 : i32
    %dma_start3A_1184 = tpu.memref_slice %arg25[%dma_start3A_1183] : memref<1280xi32, #tpu.memory_space<vmem>> -> memref<80xi32, #tpu.memory_space<vmem>>
    %dma_start3A_1185 = arith.constant 0 : i32
    %dma_start3A_1186 = tpu.memref_slice %arg15[%dma_start3A_1185] : memref<100000xf32, #tpu.memory_space<hbm>> -> memref<100000xf32, #tpu.memory_space<hbm>>
    tpu.enqueue_indirect_dma source(%dma_start3A_1186 : memref<100000xf32, #tpu.memory_space<hbm>>) target(%dma_start3A_1182 : memref<80xf32, #tpu.memory_space<vmem>>) offsets(%dma_start3A_1184 : memref<80xi32, #tpu.memory_space<vmem>>) semaphore(%arg38 : memref<!tpu.dma_semaphore, #tpu.memory_space<semaphore_mem>>)
    %dma_wait3A_1187 = arith.constant 0 : i32
    %dma_wait3A_1188 = arith.constant 0 : i32
    %dma_wait3A_1189 = tpu.memref_slice %arg28[%dma_wait3A_1187, %dma_wait3A_1188] : memref<2x16xf32, #tpu.memory_space<vmem>> -> memref<1x16xf32, #tpu.memory_space<vmem>>
    %dma_wait3A_1190 = tpu.memref_squeeze %dma_wait3A_1189 : memref<1x16xf32, #tpu.memory_space<vmem>> -> memref<16xf32, #tpu.memory_space<vmem>>
    %dma_wait3A_1191 = arith.constant 64 : i32
    %dma_wait3A_1192 = tpu.memref_slice %arg20[%dma_wait3A_1191] : memref<128xi32, #tpu.memory_space<vmem>> -> memref<16xi32, #tpu.memory_space<vmem>>
    %dma_wait3A_1193 = arith.constant 0 : i32
    %dma_wait3A_1194 = tpu.memref_slice %arg10[%dma_wait3A_1193] : memref<1000000xf32, #tpu.memory_space<hbm>> -> memref<1000000xf32, #tpu.memory_space<hbm>>
    tpu.wait_indirect_dma semaphore(%arg37 : memref<!tpu.dma_semaphore, #tpu.memory_space<semaphore_mem>>) src(%dma_wait3A_1194 : memref<1000000xf32, #tpu.memory_space<hbm>>) dst(%dma_wait3A_1190 : memref<16xf32, #tpu.memory_space<vmem>>)
    %dma_wait3A_1195 = arith.constant 0 : i32
    %dma_wait3A_1196 = arith.constant 0 : i32
    %dma_wait3A_1197 = tpu.memref_slice %arg29[%dma_wait3A_1195, %dma_wait3A_1196] : memref<2x16xf32, #tpu.memory_space<vmem>> -> memref<1x16xf32, #tpu.memory_space<vmem>>
    %dma_wait3A_1198 = tpu.memref_squeeze %dma_wait3A_1197 : memref<1x16xf32, #tpu.memory_space<vmem>> -> memref<16xf32, #tpu.memory_space<vmem>>
    %dma_wait3A_1199 = arith.constant 64 : i32
    %dma_wait3A_1200 = tpu.memref_slice %arg21[%dma_wait3A_1199] : memref<128xi32, #tpu.memory_space<vmem>> -> memref<16xi32, #tpu.memory_space<vmem>>
    %dma_wait3A_1201 = arith.constant 0 : i32
    %dma_wait3A_1202 = tpu.memref_slice %arg11[%dma_wait3A_1201] : memref<36501xf32, #tpu.memory_space<hbm>> -> memref<36501xf32, #tpu.memory_space<hbm>>
    tpu.wait_indirect_dma semaphore(%arg37 : memref<!tpu.dma_semaphore, #tpu.memory_space<semaphore_mem>>) src(%dma_wait3A_1202 : memref<36501xf32, #tpu.memory_space<hbm>>) dst(%dma_wait3A_1198 : memref<16xf32, #tpu.memory_space<vmem>>)
    %dma_wait3A_1203 = arith.constant 0 : i32
    %dma_wait3A_1204 = arith.constant 0 : i32
    %dma_wait3A_1205 = tpu.memref_slice %arg30[%dma_wait3A_1203, %dma_wait3A_1204] : memref<2x16xf32, #tpu.memory_space<vmem>> -> memref<1x16xf32, #tpu.memory_space<vmem>>
    %dma_wait3A_1206 = tpu.memref_squeeze %dma_wait3A_1205 : memref<1x16xf32, #tpu.memory_space<vmem>> -> memref<16xf32, #tpu.memory_space<vmem>>
    %dma_wait3A_1207 = arith.constant 64 : i32
    %dma_wait3A_1208 = tpu.memref_slice %arg22[%dma_wait3A_1207] : memref<128xi32, #tpu.memory_space<vmem>> -> memref<16xi32, #tpu.memory_space<vmem>>
    %dma_wait3A_1209 = arith.constant 0 : i32
    %dma_wait3A_1210 = tpu.memref_slice %arg12[%dma_wait3A_1209] : memref<36501xf32, #tpu.memory_space<hbm>> -> memref<36501xf32, #tpu.memory_space<hbm>>
    tpu.wait_indirect_dma semaphore(%arg37 : memref<!tpu.dma_semaphore, #tpu.memory_space<semaphore_mem>>) src(%dma_wait3A_1210 : memref<36501xf32, #tpu.memory_space<hbm>>) dst(%dma_wait3A_1206 : memref<16xf32, #tpu.memory_space<vmem>>)
    %dma_wait3A_1211 = arith.constant 0 : i32
    %dma_wait3A_1212 = arith.constant 0 : i32
    %dma_wait3A_1213 = tpu.memref_slice %arg31[%dma_wait3A_1211, %dma_wait3A_1212] : memref<2x16xf32, #tpu.memory_space<vmem>> -> memref<1x16xf32, #tpu.memory_space<vmem>>
    %dma_wait3A_1214 = tpu.memref_squeeze %dma_wait3A_1213 : memref<1x16xf32, #tpu.memory_space<vmem>> -> memref<16xf32, #tpu.memory_space<vmem>>
    %dma_wait3A_1215 = arith.constant 64 : i32
    %dma_wait3A_1216 = tpu.memref_slice %arg23[%dma_wait3A_1215] : memref<128xi32, #tpu.memory_space<vmem>> -> memref<16xi32, #tpu.memory_space<vmem>>
    %dma_wait3A_1217 = arith.constant 0 : i32
    %dma_wait3A_1218 = tpu.memref_slice %arg14[%dma_wait3A_1217] : memref<10000xf32, #tpu.memory_space<hbm>> -> memref<10000xf32, #tpu.memory_space<hbm>>
    tpu.wait_indirect_dma semaphore(%arg37 : memref<!tpu.dma_semaphore, #tpu.memory_space<semaphore_mem>>) src(%dma_wait3A_1218 : memref<10000xf32, #tpu.memory_space<hbm>>) dst(%dma_wait3A_1214 : memref<16xf32, #tpu.memory_space<vmem>>)
    %dma_wait3A_1219 = arith.constant 0 : i32
    %dma_wait3A_1220 = arith.constant 0 : i32
    %dma_wait3A_1221 = tpu.memref_slice %arg32[%dma_wait3A_1219, %dma_wait3A_1220] : memref<2x80xf32, #tpu.memory_space<vmem>> -> memref<1x80xf32, #tpu.memory_space<vmem>>
    %dma_wait3A_1222 = tpu.memref_squeeze %dma_wait3A_1221 : memref<1x80xf32, #tpu.memory_space<vmem>> -> memref<80xf32, #tpu.memory_space<vmem>>
    %dma_wait3A_1223 = arith.constant 320 : i32
    %dma_wait3A_1224 = tpu.memref_slice %arg24[%dma_wait3A_1223] : memref<640xi32, #tpu.memory_space<vmem>> -> memref<80xi32, #tpu.memory_space<vmem>>
    %dma_wait3A_1225 = arith.constant 0 : i32
    %dma_wait3A_1226 = tpu.memref_slice %arg13[%dma_wait3A_1225] : memref<1000xf32, #tpu.memory_space<hbm>> -> memref<1000xf32, #tpu.memory_space<hbm>>
    tpu.wait_indirect_dma semaphore(%arg37 : memref<!tpu.dma_semaphore, #tpu.memory_space<semaphore_mem>>) src(%dma_wait3A_1226 : memref<1000xf32, #tpu.memory_space<hbm>>) dst(%dma_wait3A_1222 : memref<80xf32, #tpu.memory_space<vmem>>)
    %dma_wait3A_1227 = arith.constant 0 : i32
    %dma_wait3A_1228 = arith.constant 0 : i32
    %dma_wait3A_1229 = tpu.memref_slice %arg33[%dma_wait3A_1227, %dma_wait3A_1228] : memref<2x160xf32, #tpu.memory_space<vmem>> -> memref<1x160xf32, #tpu.memory_space<vmem>>
    %dma_wait3A_1230 = tpu.memref_squeeze %dma_wait3A_1229 : memref<1x160xf32, #tpu.memory_space<vmem>> -> memref<160xf32, #tpu.memory_space<vmem>>
    %dma_wait3A_1231 = arith.constant 0 : i32
    %dma_wait3A_1232 = tpu.memref_slice %dma_wait3A_1230[%dma_wait3A_1231] : memref<160xf32, #tpu.memory_space<vmem>> -> memref<80xf32, #tpu.memory_space<vmem>>
    %dma_wait3A_1233 = arith.constant 640 : i32
    %dma_wait3A_1234 = tpu.memref_slice %arg25[%dma_wait3A_1233] : memref<1280xi32, #tpu.memory_space<vmem>> -> memref<80xi32, #tpu.memory_space<vmem>>
    %dma_wait3A_1235 = arith.constant 0 : i32
    %dma_wait3A_1236 = tpu.memref_slice %arg15[%dma_wait3A_1235] : memref<100000xf32, #tpu.memory_space<hbm>> -> memref<100000xf32, #tpu.memory_space<hbm>>
    tpu.wait_indirect_dma semaphore(%arg37 : memref<!tpu.dma_semaphore, #tpu.memory_space<semaphore_mem>>) src(%dma_wait3A_1236 : memref<100000xf32, #tpu.memory_space<hbm>>) dst(%dma_wait3A_1232 : memref<80xf32, #tpu.memory_space<vmem>>)
    %dma_wait3A_1237 = arith.constant 0 : i32
    %dma_wait3A_1238 = arith.constant 0 : i32
    %dma_wait3A_1239 = tpu.memref_slice %arg33[%dma_wait3A_1237, %dma_wait3A_1238] : memref<2x160xf32, #tpu.memory_space<vmem>> -> memref<1x160xf32, #tpu.memory_space<vmem>>
    %dma_wait3A_1240 = tpu.memref_squeeze %dma_wait3A_1239 : memref<1x160xf32, #tpu.memory_space<vmem>> -> memref<160xf32, #tpu.memory_space<vmem>>
    %dma_wait3A_1241 = arith.constant 80 : i32
    %dma_wait3A_1242 = tpu.memref_slice %dma_wait3A_1240[%dma_wait3A_1241] : memref<160xf32, #tpu.memory_space<vmem>> -> memref<80xf32, #tpu.memory_space<vmem>>
    %dma_wait3A_1243 = arith.constant 720 : i32
    %dma_wait3A_1244 = tpu.memref_slice %arg25[%dma_wait3A_1243] : memref<1280xi32, #tpu.memory_space<vmem>> -> memref<80xi32, #tpu.memory_space<vmem>>
    %dma_wait3A_1245 = arith.constant 0 : i32
    %dma_wait3A_1246 = tpu.memref_slice %arg15[%dma_wait3A_1245] : memref<100000xf32, #tpu.memory_space<hbm>> -> memref<100000xf32, #tpu.memory_space<hbm>>
    tpu.wait_indirect_dma semaphore(%arg37 : memref<!tpu.dma_semaphore, #tpu.memory_space<semaphore_mem>>) src(%dma_wait3A_1246 : memref<100000xf32, #tpu.memory_space<hbm>>) dst(%dma_wait3A_1242 : memref<80xf32, #tpu.memory_space<vmem>>)
    %get3A_1247 = arith.constant 0 : i32
    %get3A_1248 = arith.index_cast %get3A_1247 : i32 to index
    %get3A_1249 = arith.constant 0 : index
    %get3A_1250 = tpu.vector_load %arg28[%get3A_1248, %get3A_1249] {strides = array<i32>} : memref<2x16xf32, #tpu.memory_space<vmem>>, vector<1x16xf32>,
    %get3A_1251 = vector.shape_cast %get3A_1250 : vector<1x16xf32> to vector<16xf32>
    %get3A_1252 = arith.constant 0 : i32
    %get3A_1253 = arith.index_cast %get3A_1252 : i32 to index
    %get3A_1254 = arith.constant 0 : index
    %get3A_1255 = tpu.vector_load %arg29[%get3A_1253, %get3A_1254] {strides = array<i32>} : memref<2x16xf32, #tpu.memory_space<vmem>>, vector<1x16xf32>,
    %get3A_1256 = vector.shape_cast %get3A_1255 : vector<1x16xf32> to vector<16xf32>
    %add3A_1257 = arith.addf %get3A_1251, %get3A_1256 : vector<16xf32>
    %get3A_1258 = arith.constant 0 : i32
    %get3A_1259 = arith.index_cast %get3A_1258 : i32 to index
    %get3A_1260 = arith.constant 0 : index
    %get3A_1261 = tpu.vector_load %arg30[%get3A_1259, %get3A_1260] {strides = array<i32>} : memref<2x16xf32, #tpu.memory_space<vmem>>, vector<1x16xf32>,
    %get3A_1262 = vector.shape_cast %get3A_1261 : vector<1x16xf32> to vector<16xf32>
    %add3A_1263 = arith.addf %add3A_1257, %get3A_1262 : vector<16xf32>
    %add3A_1264 = arith.addf %add3A_1263, %get3A_10 : vector<16xf32>
    %max3A_1265 = arith.constant 0.000000e+00 : f32
    %max3A_1266 = vector.broadcast %max3A_1265 : f32 to vector<16xf32>
    %max3A_1267 = arith.maximumf %add3A_1264, %max3A_1266 : vector<16xf32>
    %get3A_1268 = arith.constant 0 : i32
    %get3A_1269 = arith.index_cast %get3A_1268 : i32 to index
    %get3A_1270 = arith.constant 0 : index
    %get3A_1271 = tpu.vector_load %arg32[%get3A_1269, %get3A_1270] {strides = array<i32>} : memref<2x80xf32, #tpu.memory_space<vmem>>, vector<1x16xf32>,
    %get3A_1272 = vector.shape_cast %get3A_1271 : vector<1x16xf32> to vector<16xf32>
    %get3A_1273 = arith.constant 0 : i32
    %get3A_1274 = arith.index_cast %get3A_1273 : i32 to index
    %get3A_1275 = arith.constant 16 : index
    %get3A_1276 = tpu.vector_load %arg32[%get3A_1274, %get3A_1275] {strides = array<i32>} : memref<2x80xf32, #tpu.memory_space<vmem>>, vector<1x16xf32>,
    %get3A_1277 = vector.shape_cast %get3A_1276 : vector<1x16xf32> to vector<16xf32>
    %add3A_1278 = arith.addf %get3A_1272, %get3A_1277 : vector<16xf32>
    %get3A_1279 = arith.constant 0 : i32
    %get3A_1280 = arith.index_cast %get3A_1279 : i32 to index
    %get3A_1281 = arith.constant 32 : index
    %get3A_1282 = tpu.vector_load %arg32[%get3A_1280, %get3A_1281] {strides = array<i32>} : memref<2x80xf32, #tpu.memory_space<vmem>>, vector<1x16xf32>,
    %get3A_1283 = vector.shape_cast %get3A_1282 : vector<1x16xf32> to vector<16xf32>
    %add3A_1284 = arith.addf %add3A_1278, %get3A_1283 : vector<16xf32>
    %get3A_1285 = arith.constant 0 : i32
    %get3A_1286 = arith.index_cast %get3A_1285 : i32 to index
    %get3A_1287 = arith.constant 48 : index
    %get3A_1288 = tpu.vector_load %arg32[%get3A_1286, %get3A_1287] {strides = array<i32>} : memref<2x80xf32, #tpu.memory_space<vmem>>, vector<1x16xf32>,
    %get3A_1289 = vector.shape_cast %get3A_1288 : vector<1x16xf32> to vector<16xf32>
    %add3A_1290 = arith.addf %add3A_1284, %get3A_1289 : vector<16xf32>
    %get3A_1291 = arith.constant 0 : i32
    %get3A_1292 = arith.index_cast %get3A_1291 : i32 to index
    %get3A_1293 = arith.constant 64 : index
    %get3A_1294 = tpu.vector_load %arg32[%get3A_1292, %get3A_1293] {strides = array<i32>} : memref<2x80xf32, #tpu.memory_space<vmem>>, vector<1x16xf32>,
    %get3A_1295 = vector.shape_cast %get3A_1294 : vector<1x16xf32> to vector<16xf32>
    %add3A_1296 = arith.addf %add3A_1290, %get3A_1295 : vector<16xf32>
    %get3A_1297 = arith.constant 0 : i32
    %get3A_1298 = arith.index_cast %get3A_1297 : i32 to index
    %get3A_1299 = arith.constant 0 : index
    %get3A_1300 = tpu.vector_load %arg33[%get3A_1298, %get3A_1299] {strides = array<i32>} : memref<2x160xf32, #tpu.memory_space<vmem>>, vector<1x16xf32>,
    %get3A_1301 = vector.shape_cast %get3A_1300 : vector<1x16xf32> to vector<16xf32>
    %get3A_1302 = arith.constant 0 : i32
    %get3A_1303 = arith.index_cast %get3A_1302 : i32 to index
    %get3A_1304 = arith.constant 16 : index
    %get3A_1305 = tpu.vector_load %arg33[%get3A_1303, %get3A_1304] {strides = array<i32>} : memref<2x160xf32, #tpu.memory_space<vmem>>, vector<1x16xf32>,
    %get3A_1306 = vector.shape_cast %get3A_1305 : vector<1x16xf32> to vector<16xf32>
    %add3A_1307 = arith.addf %get3A_1301, %get3A_1306 : vector<16xf32>
    %get3A_1308 = arith.constant 0 : i32
    %get3A_1309 = arith.index_cast %get3A_1308 : i32 to index
    %get3A_1310 = arith.constant 32 : index
    %get3A_1311 = tpu.vector_load %arg33[%get3A_1309, %get3A_1310] {strides = array<i32>} : memref<2x160xf32, #tpu.memory_space<vmem>>, vector<1x16xf32>,
    %get3A_1312 = vector.shape_cast %get3A_1311 : vector<1x16xf32> to vector<16xf32>
    %add3A_1313 = arith.addf %add3A_1307, %get3A_1312 : vector<16xf32>
    %get3A_1314 = arith.constant 0 : i32
    %get3A_1315 = arith.index_cast %get3A_1314 : i32 to index
    %get3A_1316 = arith.constant 48 : index
    %get3A_1317 = tpu.vector_load %arg33[%get3A_1315, %get3A_1316] {strides = array<i32>} : memref<2x160xf32, #tpu.memory_space<vmem>>, vector<1x16xf32>,
    %get3A_1318 = vector.shape_cast %get3A_1317 : vector<1x16xf32> to vector<16xf32>
    %add3A_1319 = arith.addf %add3A_1313, %get3A_1318 : vector<16xf32>
    %get3A_1320 = arith.constant 0 : i32
    %get3A_1321 = arith.index_cast %get3A_1320 : i32 to index
    %get3A_1322 = arith.constant 64 : index
    %get3A_1323 = tpu.vector_load %arg33[%get3A_1321, %get3A_1322] {strides = array<i32>} : memref<2x160xf32, #tpu.memory_space<vmem>>, vector<1x16xf32>,
    %get3A_1324 = vector.shape_cast %get3A_1323 : vector<1x16xf32> to vector<16xf32>
    %add3A_1325 = arith.addf %add3A_1319, %get3A_1324 : vector<16xf32>
    %get3A_1326 = arith.constant 0 : i32
    %get3A_1327 = arith.index_cast %get3A_1326 : i32 to index
    %get3A_1328 = arith.constant 80 : index
    %get3A_1329 = tpu.vector_load %arg33[%get3A_1327, %get3A_1328] {strides = array<i32>} : memref<2x160xf32, #tpu.memory_space<vmem>>, vector<1x16xf32>,
    %get3A_1330 = vector.shape_cast %get3A_1329 : vector<1x16xf32> to vector<16xf32>
    %add3A_1331 = arith.addf %add3A_1325, %get3A_1330 : vector<16xf32>
    %get3A_1332 = arith.constant 0 : i32
    %get3A_1333 = arith.index_cast %get3A_1332 : i32 to index
    %get3A_1334 = arith.constant 96 : index
    %get3A_1335 = tpu.vector_load %arg33[%get3A_1333, %get3A_1334] {strides = array<i32>} : memref<2x160xf32, #tpu.memory_space<vmem>>, vector<1x16xf32>,
    %get3A_1336 = vector.shape_cast %get3A_1335 : vector<1x16xf32> to vector<16xf32>
    %add3A_1337 = arith.addf %add3A_1331, %get3A_1336 : vector<16xf32>
    %get3A_1338 = arith.constant 0 : i32
    %get3A_1339 = arith.index_cast %get3A_1338 : i32 to index
    %get3A_1340 = arith.constant 112 : index
    %get3A_1341 = tpu.vector_load %arg33[%get3A_1339, %get3A_1340] {strides = array<i32>} : memref<2x160xf32, #tpu.memory_space<vmem>>, vector<1x16xf32>,
    %get3A_1342 = vector.shape_cast %get3A_1341 : vector<1x16xf32> to vector<16xf32>
    %add3A_1343 = arith.addf %add3A_1337, %get3A_1342 : vector<16xf32>
    %get3A_1344 = arith.constant 0 : i32
    %get3A_1345 = arith.index_cast %get3A_1344 : i32 to index
    %get3A_1346 = arith.constant 128 : index
    %get3A_1347 = tpu.vector_load %arg33[%get3A_1345, %get3A_1346] {strides = array<i32>} : memref<2x160xf32, #tpu.memory_space<vmem>>, vector<1x16xf32>,
    %get3A_1348 = vector.shape_cast %get3A_1347 : vector<1x16xf32> to vector<16xf32>
    %add3A_1349 = arith.addf %add3A_1343, %get3A_1348 : vector<16xf32>
    %get3A_1350 = arith.constant 0 : i32
    %get3A_1351 = arith.index_cast %get3A_1350 : i32 to index
    %get3A_1352 = arith.constant 144 : index
    %get3A_1353 = tpu.vector_load %arg33[%get3A_1351, %get3A_1352] {strides = array<i32>} : memref<2x160xf32, #tpu.memory_space<vmem>>, vector<1x16xf32>,
    %get3A_1354 = vector.shape_cast %get3A_1353 : vector<1x16xf32> to vector<16xf32>
    %add3A_1355 = arith.addf %add3A_1349, %get3A_1354 : vector<16xf32>
    %get3A_1356 = arith.constant 0 : i32
    %get3A_1357 = arith.index_cast %get3A_1356 : i32 to index
    %get3A_1358 = arith.constant 0 : index
    %get3A_1359 = tpu.vector_load %arg31[%get3A_1357, %get3A_1358] {strides = array<i32>} : memref<2x16xf32, #tpu.memory_space<vmem>>, vector<1x16xf32>,
    %get3A_1360 = vector.shape_cast %get3A_1359 : vector<1x16xf32> to vector<16xf32>
    %add3A_1361 = arith.addf %get3A_1360, %add3A_1296 : vector<16xf32>
    %add3A_1362 = arith.addf %add3A_1361, %add3A_1355 : vector<16xf32>
    %add3A_1363 = arith.addf %add3A_1362, %get3A_15 : vector<16xf32>
    %max3A_1364 = arith.constant 0.000000e+00 : f32
    %max3A_1365 = vector.broadcast %max3A_1364 : f32 to vector<16xf32>
    %max3A_1366 = arith.maximumf %add3A_1363, %max3A_1365 : vector<16xf32>
    %get3A_1367 = arith.constant 64 : index
    %get3A_1368 = tpu.vector_load %arg26[%get3A_1367] {strides = array<i32>} : memref<128xf32, #tpu.memory_space<vmem>>, vector<16xf32>,
    %get3A_1369 = vector.shape_cast %get3A_1368 : vector<16xf32> to vector<16xf32>
    %mul3A_1370 = arith.mulf %get3A_20, %get3A_1369 : vector<16xf32>
    %mul3A_1371 = arith.mulf %get3A_25, %max3A_1267 : vector<16xf32>
    %add3A_1372 = arith.addf %mul3A_1370, %mul3A_1371 : vector<16xf32>
    %mul3A_1373 = arith.mulf %get3A_30, %max3A_1366 : vector<16xf32>
    %add3A_1374 = arith.addf %add3A_1372, %mul3A_1373 : vector<16xf32>
    %swap3A_1375 = arith.constant 64 : index
    %swap3A_1376 = tpu.vector_load %arg34[%swap3A_1375] {strides = array<i32>} : memref<128xf32, #tpu.memory_space<vmem>>, vector<16xf32>,
    %swap3A_1377 = vector.shape_cast %swap3A_1376 : vector<16xf32> to vector<16xf32>
    %swap3A_1378 = vector.shape_cast %max3A_1267 : vector<16xf32> to vector<16xf32>
    tpu.vector_store %arg34[%swap3A_1375], %swap3A_1378 {strides = array<i32>} : memref<128xf32, #tpu.memory_space<vmem>>, vector<16xf32>,
    %swap3A_1379 = arith.constant 64 : index
    %swap3A_1380 = tpu.vector_load %arg35[%swap3A_1379] {strides = array<i32>} : memref<128xf32, #tpu.memory_space<vmem>>, vector<16xf32>,
    %swap3A_1381 = vector.shape_cast %swap3A_1380 : vector<16xf32> to vector<16xf32>
    %swap3A_1382 = vector.shape_cast %max3A_1366 : vector<16xf32> to vector<16xf32>
    tpu.vector_store %arg35[%swap3A_1379], %swap3A_1382 {strides = array<i32>} : memref<128xf32, #tpu.memory_space<vmem>>, vector<16xf32>,
    %swap3A_1383 = arith.constant 64 : index
    %swap3A_1384 = tpu.vector_load %arg36[%swap3A_1383] {strides = array<i32>} : memref<128xf32, #tpu.memory_space<vmem>>, vector<16xf32>,
    %swap3A_1385 = vector.shape_cast %swap3A_1384 : vector<16xf32> to vector<16xf32>
    %swap3A_1386 = vector.shape_cast %add3A_1374 : vector<16xf32> to vector<16xf32>
    tpu.vector_store %arg36[%swap3A_1383], %swap3A_1386 {strides = array<i32>} : memref<128xf32, #tpu.memory_space<vmem>>, vector<16xf32>,
    %dma_start3A_1387 = arith.constant 0 : i32
    %dma_start3A_1388 = arith.constant 0 : i32
    %dma_start3A_1389 = tpu.memref_slice %arg28[%dma_start3A_1387, %dma_start3A_1388] : memref<2x16xf32, #tpu.memory_space<vmem>> -> memref<1x16xf32, #tpu.memory_space<vmem>>
    %dma_start3A_1390 = tpu.memref_squeeze %dma_start3A_1389 : memref<1x16xf32, #tpu.memory_space<vmem>> -> memref<16xf32, #tpu.memory_space<vmem>>
    %dma_start3A_1391 = arith.constant 96 : i32
    %dma_start3A_1392 = tpu.memref_slice %arg20[%dma_start3A_1391] : memref<128xi32, #tpu.memory_space<vmem>> -> memref<16xi32, #tpu.memory_space<vmem>>
    %dma_start3A_1393 = arith.constant 0 : i32
    %dma_start3A_1394 = tpu.memref_slice %arg10[%dma_start3A_1393] : memref<1000000xf32, #tpu.memory_space<hbm>> -> memref<1000000xf32, #tpu.memory_space<hbm>>
    tpu.enqueue_indirect_dma source(%dma_start3A_1394 : memref<1000000xf32, #tpu.memory_space<hbm>>) target(%dma_start3A_1390 : memref<16xf32, #tpu.memory_space<vmem>>) offsets(%dma_start3A_1392 : memref<16xi32, #tpu.memory_space<vmem>>) semaphore(%arg37 : memref<!tpu.dma_semaphore, #tpu.memory_space<semaphore_mem>>)
    %dma_start3A_1395 = arith.constant 0 : i32
    %dma_start3A_1396 = arith.constant 0 : i32
    %dma_start3A_1397 = tpu.memref_slice %arg29[%dma_start3A_1395, %dma_start3A_1396] : memref<2x16xf32, #tpu.memory_space<vmem>> -> memref<1x16xf32, #tpu.memory_space<vmem>>
    %dma_start3A_1398 = tpu.memref_squeeze %dma_start3A_1397 : memref<1x16xf32, #tpu.memory_space<vmem>> -> memref<16xf32, #tpu.memory_space<vmem>>
    %dma_start3A_1399 = arith.constant 96 : i32
    %dma_start3A_1400 = tpu.memref_slice %arg21[%dma_start3A_1399] : memref<128xi32, #tpu.memory_space<vmem>> -> memref<16xi32, #tpu.memory_space<vmem>>
    %dma_start3A_1401 = arith.constant 0 : i32
    %dma_start3A_1402 = tpu.memref_slice %arg11[%dma_start3A_1401] : memref<36501xf32, #tpu.memory_space<hbm>> -> memref<36501xf32, #tpu.memory_space<hbm>>
    tpu.enqueue_indirect_dma source(%dma_start3A_1402 : memref<36501xf32, #tpu.memory_space<hbm>>) target(%dma_start3A_1398 : memref<16xf32, #tpu.memory_space<vmem>>) offsets(%dma_start3A_1400 : memref<16xi32, #tpu.memory_space<vmem>>) semaphore(%arg37 : memref<!tpu.dma_semaphore, #tpu.memory_space<semaphore_mem>>)
    %dma_start3A_1403 = arith.constant 0 : i32
    %dma_start3A_1404 = arith.constant 0 : i32
    %dma_start3A_1405 = tpu.memref_slice %arg30[%dma_start3A_1403, %dma_start3A_1404] : memref<2x16xf32, #tpu.memory_space<vmem>> -> memref<1x16xf32, #tpu.memory_space<vmem>>
    %dma_start3A_1406 = tpu.memref_squeeze %dma_start3A_1405 : memref<1x16xf32, #tpu.memory_space<vmem>> -> memref<16xf32, #tpu.memory_space<vmem>>
    %dma_start3A_1407 = arith.constant 96 : i32
    %dma_start3A_1408 = tpu.memref_slice %arg22[%dma_start3A_1407] : memref<128xi32, #tpu.memory_space<vmem>> -> memref<16xi32, #tpu.memory_space<vmem>>
    %dma_start3A_1409 = arith.constant 0 : i32
    %dma_start3A_1410 = tpu.memref_slice %arg12[%dma_start3A_1409] : memref<36501xf32, #tpu.memory_space<hbm>> -> memref<36501xf32, #tpu.memory_space<hbm>>
    tpu.enqueue_indirect_dma source(%dma_start3A_1410 : memref<36501xf32, #tpu.memory_space<hbm>>) target(%dma_start3A_1406 : memref<16xf32, #tpu.memory_space<vmem>>) offsets(%dma_start3A_1408 : memref<16xi32, #tpu.memory_space<vmem>>) semaphore(%arg37 : memref<!tpu.dma_semaphore, #tpu.memory_space<semaphore_mem>>)
    %dma_start3A_1411 = arith.constant 0 : i32
    %dma_start3A_1412 = arith.constant 0 : i32
    %dma_start3A_1413 = tpu.memref_slice %arg31[%dma_start3A_1411, %dma_start3A_1412] : memref<2x16xf32, #tpu.memory_space<vmem>> -> memref<1x16xf32, #tpu.memory_space<vmem>>
    %dma_start3A_1414 = tpu.memref_squeeze %dma_start3A_1413 : memref<1x16xf32, #tpu.memory_space<vmem>> -> memref<16xf32, #tpu.memory_space<vmem>>
    %dma_start3A_1415 = arith.constant 96 : i32
    %dma_start3A_1416 = tpu.memref_slice %arg23[%dma_start3A_1415] : memref<128xi32, #tpu.memory_space<vmem>> -> memref<16xi32, #tpu.memory_space<vmem>>
    %dma_start3A_1417 = arith.constant 0 : i32
    %dma_start3A_1418 = tpu.memref_slice %arg14[%dma_start3A_1417] : memref<10000xf32, #tpu.memory_space<hbm>> -> memref<10000xf32, #tpu.memory_space<hbm>>
    tpu.enqueue_indirect_dma source(%dma_start3A_1418 : memref<10000xf32, #tpu.memory_space<hbm>>) target(%dma_start3A_1414 : memref<16xf32, #tpu.memory_space<vmem>>) offsets(%dma_start3A_1416 : memref<16xi32, #tpu.memory_space<vmem>>) semaphore(%arg37 : memref<!tpu.dma_semaphore, #tpu.memory_space<semaphore_mem>>)
    %dma_start3A_1419 = arith.constant 0 : i32
    %dma_start3A_1420 = arith.constant 0 : i32
    %dma_start3A_1421 = tpu.memref_slice %arg32[%dma_start3A_1419, %dma_start3A_1420] : memref<2x80xf32, #tpu.memory_space<vmem>> -> memref<1x80xf32, #tpu.memory_space<vmem>>
    %dma_start3A_1422 = tpu.memref_squeeze %dma_start3A_1421 : memref<1x80xf32, #tpu.memory_space<vmem>> -> memref<80xf32, #tpu.memory_space<vmem>>
    %dma_start3A_1423 = arith.constant 480 : i32
    %dma_start3A_1424 = tpu.memref_slice %arg24[%dma_start3A_1423] : memref<640xi32, #tpu.memory_space<vmem>> -> memref<80xi32, #tpu.memory_space<vmem>>
    %dma_start3A_1425 = arith.constant 0 : i32
    %dma_start3A_1426 = tpu.memref_slice %arg13[%dma_start3A_1425] : memref<1000xf32, #tpu.memory_space<hbm>> -> memref<1000xf32, #tpu.memory_space<hbm>>
    tpu.enqueue_indirect_dma source(%dma_start3A_1426 : memref<1000xf32, #tpu.memory_space<hbm>>) target(%dma_start3A_1422 : memref<80xf32, #tpu.memory_space<vmem>>) offsets(%dma_start3A_1424 : memref<80xi32, #tpu.memory_space<vmem>>) semaphore(%arg37 : memref<!tpu.dma_semaphore, #tpu.memory_space<semaphore_mem>>)
    %dma_start3A_1427 = arith.constant 0 : i32
    %dma_start3A_1428 = arith.constant 0 : i32
    %dma_start3A_1429 = tpu.memref_slice %arg33[%dma_start3A_1427, %dma_start3A_1428] : memref<2x160xf32, #tpu.memory_space<vmem>> -> memref<1x160xf32, #tpu.memory_space<vmem>>
    %dma_start3A_1430 = tpu.memref_squeeze %dma_start3A_1429 : memref<1x160xf32, #tpu.memory_space<vmem>> -> memref<160xf32, #tpu.memory_space<vmem>>
    %dma_start3A_1431 = arith.constant 0 : i32
    %dma_start3A_1432 = tpu.memref_slice %dma_start3A_1430[%dma_start3A_1431] : memref<160xf32, #tpu.memory_space<vmem>> -> memref<80xf32, #tpu.memory_space<vmem>>
    %dma_start3A_1433 = arith.constant 960 : i32
    %dma_start3A_1434 = tpu.memref_slice %arg25[%dma_start3A_1433] : memref<1280xi32, #tpu.memory_space<vmem>> -> memref<80xi32, #tpu.memory_space<vmem>>
    %dma_start3A_1435 = arith.constant 0 : i32
    %dma_start3A_1436 = tpu.memref_slice %arg15[%dma_start3A_1435] : memref<100000xf32, #tpu.memory_space<hbm>> -> memref<100000xf32, #tpu.memory_space<hbm>>
    tpu.enqueue_indirect_dma source(%dma_start3A_1436 : memref<100000xf32, #tpu.memory_space<hbm>>) target(%dma_start3A_1432 : memref<80xf32, #tpu.memory_space<vmem>>) offsets(%dma_start3A_1434 : memref<80xi32, #tpu.memory_space<vmem>>) semaphore(%arg37 : memref<!tpu.dma_semaphore, #tpu.memory_space<semaphore_mem>>)
    %dma_start3A_1437 = arith.constant 0 : i32
    %dma_start3A_1438 = arith.constant 0 : i32
    %dma_start3A_1439 = tpu.memref_slice %arg33[%dma_start3A_1437, %dma_start3A_1438] : memref<2x160xf32, #tpu.memory_space<vmem>> -> memref<1x160xf32, #tpu.memory_space<vmem>>
    %dma_start3A_1440 = tpu.memref_squeeze %dma_start3A_1439 : memref<1x160xf32, #tpu.memory_space<vmem>> -> memref<160xf32, #tpu.memory_space<vmem>>
    %dma_start3A_1441 = arith.constant 80 : i32
    %dma_start3A_1442 = tpu.memref_slice %dma_start3A_1440[%dma_start3A_1441] : memref<160xf32, #tpu.memory_space<vmem>> -> memref<80xf32, #tpu.memory_space<vmem>>
    %dma_start3A_1443 = arith.constant 1040 : i32
    %dma_start3A_1444 = tpu.memref_slice %arg25[%dma_start3A_1443] : memref<1280xi32, #tpu.memory_space<vmem>> -> memref<80xi32, #tpu.memory_space<vmem>>
    %dma_start3A_1445 = arith.constant 0 : i32
    %dma_start3A_1446 = tpu.memref_slice %arg15[%dma_start3A_1445] : memref<100000xf32, #tpu.memory_space<hbm>> -> memref<100000xf32, #tpu.memory_space<hbm>>
    tpu.enqueue_indirect_dma source(%dma_start3A_1446 : memref<100000xf32, #tpu.memory_space<hbm>>) target(%dma_start3A_1442 : memref<80xf32, #tpu.memory_space<vmem>>) offsets(%dma_start3A_1444 : memref<80xi32, #tpu.memory_space<vmem>>) semaphore(%arg37 : memref<!tpu.dma_semaphore, #tpu.memory_space<semaphore_mem>>)
    %dma_wait3A_1447 = arith.constant 1 : i32
    %dma_wait3A_1448 = arith.constant 0 : i32
    %dma_wait3A_1449 = tpu.memref_slice %arg28[%dma_wait3A_1447, %dma_wait3A_1448] : memref<2x16xf32, #tpu.memory_space<vmem>> -> memref<1x16xf32, #tpu.memory_space<vmem>>
    %dma_wait3A_1450 = tpu.memref_squeeze %dma_wait3A_1449 : memref<1x16xf32, #tpu.memory_space<vmem>> -> memref<16xf32, #tpu.memory_space<vmem>>
    %dma_wait3A_1451 = arith.constant 80 : i32
    %dma_wait3A_1452 = tpu.memref_slice %arg20[%dma_wait3A_1451] : memref<128xi32, #tpu.memory_space<vmem>> -> memref<16xi32, #tpu.memory_space<vmem>>
    %dma_wait3A_1453 = arith.constant 0 : i32
    %dma_wait3A_1454 = tpu.memref_slice %arg10[%dma_wait3A_1453] : memref<1000000xf32, #tpu.memory_space<hbm>> -> memref<1000000xf32, #tpu.memory_space<hbm>>
    tpu.wait_indirect_dma semaphore(%arg38 : memref<!tpu.dma_semaphore, #tpu.memory_space<semaphore_mem>>) src(%dma_wait3A_1454 : memref<1000000xf32, #tpu.memory_space<hbm>>) dst(%dma_wait3A_1450 : memref<16xf32, #tpu.memory_space<vmem>>)
    %dma_wait3A_1455 = arith.constant 1 : i32
    %dma_wait3A_1456 = arith.constant 0 : i32
    %dma_wait3A_1457 = tpu.memref_slice %arg29[%dma_wait3A_1455, %dma_wait3A_1456] : memref<2x16xf32, #tpu.memory_space<vmem>> -> memref<1x16xf32, #tpu.memory_space<vmem>>
    %dma_wait3A_1458 = tpu.memref_squeeze %dma_wait3A_1457 : memref<1x16xf32, #tpu.memory_space<vmem>> -> memref<16xf32, #tpu.memory_space<vmem>>
    %dma_wait3A_1459 = arith.constant 80 : i32
    %dma_wait3A_1460 = tpu.memref_slice %arg21[%dma_wait3A_1459] : memref<128xi32, #tpu.memory_space<vmem>> -> memref<16xi32, #tpu.memory_space<vmem>>
    %dma_wait3A_1461 = arith.constant 0 : i32
    %dma_wait3A_1462 = tpu.memref_slice %arg11[%dma_wait3A_1461] : memref<36501xf32, #tpu.memory_space<hbm>> -> memref<36501xf32, #tpu.memory_space<hbm>>
    tpu.wait_indirect_dma semaphore(%arg38 : memref<!tpu.dma_semaphore, #tpu.memory_space<semaphore_mem>>) src(%dma_wait3A_1462 : memref<36501xf32, #tpu.memory_space<hbm>>) dst(%dma_wait3A_1458 : memref<16xf32, #tpu.memory_space<vmem>>)
    %dma_wait3A_1463 = arith.constant 1 : i32
    %dma_wait3A_1464 = arith.constant 0 : i32
    %dma_wait3A_1465 = tpu.memref_slice %arg30[%dma_wait3A_1463, %dma_wait3A_1464] : memref<2x16xf32, #tpu.memory_space<vmem>> -> memref<1x16xf32, #tpu.memory_space<vmem>>
    %dma_wait3A_1466 = tpu.memref_squeeze %dma_wait3A_1465 : memref<1x16xf32, #tpu.memory_space<vmem>> -> memref<16xf32, #tpu.memory_space<vmem>>
    %dma_wait3A_1467 = arith.constant 80 : i32
    %dma_wait3A_1468 = tpu.memref_slice %arg22[%dma_wait3A_1467] : memref<128xi32, #tpu.memory_space<vmem>> -> memref<16xi32, #tpu.memory_space<vmem>>
    %dma_wait3A_1469 = arith.constant 0 : i32
    %dma_wait3A_1470 = tpu.memref_slice %arg12[%dma_wait3A_1469] : memref<36501xf32, #tpu.memory_space<hbm>> -> memref<36501xf32, #tpu.memory_space<hbm>>
    tpu.wait_indirect_dma semaphore(%arg38 : memref<!tpu.dma_semaphore, #tpu.memory_space<semaphore_mem>>) src(%dma_wait3A_1470 : memref<36501xf32, #tpu.memory_space<hbm>>) dst(%dma_wait3A_1466 : memref<16xf32, #tpu.memory_space<vmem>>)
    %dma_wait3A_1471 = arith.constant 1 : i32
    %dma_wait3A_1472 = arith.constant 0 : i32
    %dma_wait3A_1473 = tpu.memref_slice %arg31[%dma_wait3A_1471, %dma_wait3A_1472] : memref<2x16xf32, #tpu.memory_space<vmem>> -> memref<1x16xf32, #tpu.memory_space<vmem>>
    %dma_wait3A_1474 = tpu.memref_squeeze %dma_wait3A_1473 : memref<1x16xf32, #tpu.memory_space<vmem>> -> memref<16xf32, #tpu.memory_space<vmem>>
    %dma_wait3A_1475 = arith.constant 80 : i32
    %dma_wait3A_1476 = tpu.memref_slice %arg23[%dma_wait3A_1475] : memref<128xi32, #tpu.memory_space<vmem>> -> memref<16xi32, #tpu.memory_space<vmem>>
    %dma_wait3A_1477 = arith.constant 0 : i32
    %dma_wait3A_1478 = tpu.memref_slice %arg14[%dma_wait3A_1477] : memref<10000xf32, #tpu.memory_space<hbm>> -> memref<10000xf32, #tpu.memory_space<hbm>>
    tpu.wait_indirect_dma semaphore(%arg38 : memref<!tpu.dma_semaphore, #tpu.memory_space<semaphore_mem>>) src(%dma_wait3A_1478 : memref<10000xf32, #tpu.memory_space<hbm>>) dst(%dma_wait3A_1474 : memref<16xf32, #tpu.memory_space<vmem>>)
    %dma_wait3A_1479 = arith.constant 1 : i32
    %dma_wait3A_1480 = arith.constant 0 : i32
    %dma_wait3A_1481 = tpu.memref_slice %arg32[%dma_wait3A_1479, %dma_wait3A_1480] : memref<2x80xf32, #tpu.memory_space<vmem>> -> memref<1x80xf32, #tpu.memory_space<vmem>>
    %dma_wait3A_1482 = tpu.memref_squeeze %dma_wait3A_1481 : memref<1x80xf32, #tpu.memory_space<vmem>> -> memref<80xf32, #tpu.memory_space<vmem>>
    %dma_wait3A_1483 = arith.constant 400 : i32
    %dma_wait3A_1484 = tpu.memref_slice %arg24[%dma_wait3A_1483] : memref<640xi32, #tpu.memory_space<vmem>> -> memref<80xi32, #tpu.memory_space<vmem>>
    %dma_wait3A_1485 = arith.constant 0 : i32
    %dma_wait3A_1486 = tpu.memref_slice %arg13[%dma_wait3A_1485] : memref<1000xf32, #tpu.memory_space<hbm>> -> memref<1000xf32, #tpu.memory_space<hbm>>
    tpu.wait_indirect_dma semaphore(%arg38 : memref<!tpu.dma_semaphore, #tpu.memory_space<semaphore_mem>>) src(%dma_wait3A_1486 : memref<1000xf32, #tpu.memory_space<hbm>>) dst(%dma_wait3A_1482 : memref<80xf32, #tpu.memory_space<vmem>>)
    %dma_wait3A_1487 = arith.constant 1 : i32
    %dma_wait3A_1488 = arith.constant 0 : i32
    %dma_wait3A_1489 = tpu.memref_slice %arg33[%dma_wait3A_1487, %dma_wait3A_1488] : memref<2x160xf32, #tpu.memory_space<vmem>> -> memref<1x160xf32, #tpu.memory_space<vmem>>
    %dma_wait3A_1490 = tpu.memref_squeeze %dma_wait3A_1489 : memref<1x160xf32, #tpu.memory_space<vmem>> -> memref<160xf32, #tpu.memory_space<vmem>>
    %dma_wait3A_1491 = arith.constant 0 : i32
    %dma_wait3A_1492 = tpu.memref_slice %dma_wait3A_1490[%dma_wait3A_1491] : memref<160xf32, #tpu.memory_space<vmem>> -> memref<80xf32, #tpu.memory_space<vmem>>
    %dma_wait3A_1493 = arith.constant 800 : i32
    %dma_wait3A_1494 = tpu.memref_slice %arg25[%dma_wait3A_1493] : memref<1280xi32, #tpu.memory_space<vmem>> -> memref<80xi32, #tpu.memory_space<vmem>>
    %dma_wait3A_1495 = arith.constant 0 : i32
    %dma_wait3A_1496 = tpu.memref_slice %arg15[%dma_wait3A_1495] : memref<100000xf32, #tpu.memory_space<hbm>> -> memref<100000xf32, #tpu.memory_space<hbm>>
    tpu.wait_indirect_dma semaphore(%arg38 : memref<!tpu.dma_semaphore, #tpu.memory_space<semaphore_mem>>) src(%dma_wait3A_1496 : memref<100000xf32, #tpu.memory_space<hbm>>) dst(%dma_wait3A_1492 : memref<80xf32, #tpu.memory_space<vmem>>)
    %dma_wait3A_1497 = arith.constant 1 : i32
    %dma_wait3A_1498 = arith.constant 0 : i32
    %dma_wait3A_1499 = tpu.memref_slice %arg33[%dma_wait3A_1497, %dma_wait3A_1498] : memref<2x160xf32, #tpu.memory_space<vmem>> -> memref<1x160xf32, #tpu.memory_space<vmem>>
    %dma_wait3A_1500 = tpu.memref_squeeze %dma_wait3A_1499 : memref<1x160xf32, #tpu.memory_space<vmem>> -> memref<160xf32, #tpu.memory_space<vmem>>
    %dma_wait3A_1501 = arith.constant 80 : i32
    %dma_wait3A_1502 = tpu.memref_slice %dma_wait3A_1500[%dma_wait3A_1501] : memref<160xf32, #tpu.memory_space<vmem>> -> memref<80xf32, #tpu.memory_space<vmem>>
    %dma_wait3A_1503 = arith.constant 880 : i32
    %dma_wait3A_1504 = tpu.memref_slice %arg25[%dma_wait3A_1503] : memref<1280xi32, #tpu.memory_space<vmem>> -> memref<80xi32, #tpu.memory_space<vmem>>
    %dma_wait3A_1505 = arith.constant 0 : i32
    %dma_wait3A_1506 = tpu.memref_slice %arg15[%dma_wait3A_1505] : memref<100000xf32, #tpu.memory_space<hbm>> -> memref<100000xf32, #tpu.memory_space<hbm>>
    tpu.wait_indirect_dma semaphore(%arg38 : memref<!tpu.dma_semaphore, #tpu.memory_space<semaphore_mem>>) src(%dma_wait3A_1506 : memref<100000xf32, #tpu.memory_space<hbm>>) dst(%dma_wait3A_1502 : memref<80xf32, #tpu.memory_space<vmem>>)
    %get3A_1507 = arith.constant 1 : i32
    %get3A_1508 = arith.index_cast %get3A_1507 : i32 to index
    %get3A_1509 = arith.constant 0 : index
    %get3A_1510 = tpu.vector_load %arg28[%get3A_1508, %get3A_1509] {strides = array<i32>} : memref<2x16xf32, #tpu.memory_space<vmem>>, vector<1x16xf32>,
    %get3A_1511 = vector.shape_cast %get3A_1510 : vector<1x16xf32> to vector<16xf32>
    %get3A_1512 = arith.constant 1 : i32
    %get3A_1513 = arith.index_cast %get3A_1512 : i32 to index
    %get3A_1514 = arith.constant 0 : index
    %get3A_1515 = tpu.vector_load %arg29[%get3A_1513, %get3A_1514] {strides = array<i32>} : memref<2x16xf32, #tpu.memory_space<vmem>>, vector<1x16xf32>,
    %get3A_1516 = vector.shape_cast %get3A_1515 : vector<1x16xf32> to vector<16xf32>
    %add3A_1517 = arith.addf %get3A_1511, %get3A_1516 : vector<16xf32>
    %get3A_1518 = arith.constant 1 : i32
    %get3A_1519 = arith.index_cast %get3A_1518 : i32 to index
    %get3A_1520 = arith.constant 0 : index
    %get3A_1521 = tpu.vector_load %arg30[%get3A_1519, %get3A_1520] {strides = array<i32>} : memref<2x16xf32, #tpu.memory_space<vmem>>, vector<1x16xf32>,
    %get3A_1522 = vector.shape_cast %get3A_1521 : vector<1x16xf32> to vector<16xf32>
    %add3A_1523 = arith.addf %add3A_1517, %get3A_1522 : vector<16xf32>
    %add3A_1524 = arith.addf %add3A_1523, %get3A_10 : vector<16xf32>
    %max3A_1525 = arith.constant 0.000000e+00 : f32
    %max3A_1526 = vector.broadcast %max3A_1525 : f32 to vector<16xf32>
    %max3A_1527 = arith.maximumf %add3A_1524, %max3A_1526 : vector<16xf32>
    %get3A_1528 = arith.constant 1 : i32
    %get3A_1529 = arith.index_cast %get3A_1528 : i32 to index
    %get3A_1530 = arith.constant 0 : index
    %get3A_1531 = tpu.vector_load %arg32[%get3A_1529, %get3A_1530] {strides = array<i32>} : memref<2x80xf32, #tpu.memory_space<vmem>>, vector<1x16xf32>,
    %get3A_1532 = vector.shape_cast %get3A_1531 : vector<1x16xf32> to vector<16xf32>
    %get3A_1533 = arith.constant 1 : i32
    %get3A_1534 = arith.index_cast %get3A_1533 : i32 to index
    %get3A_1535 = arith.constant 16 : index
    %get3A_1536 = tpu.vector_load %arg32[%get3A_1534, %get3A_1535] {strides = array<i32>} : memref<2x80xf32, #tpu.memory_space<vmem>>, vector<1x16xf32>,
    %get3A_1537 = vector.shape_cast %get3A_1536 : vector<1x16xf32> to vector<16xf32>
    %add3A_1538 = arith.addf %get3A_1532, %get3A_1537 : vector<16xf32>
    %get3A_1539 = arith.constant 1 : i32
    %get3A_1540 = arith.index_cast %get3A_1539 : i32 to index
    %get3A_1541 = arith.constant 32 : index
    %get3A_1542 = tpu.vector_load %arg32[%get3A_1540, %get3A_1541] {strides = array<i32>} : memref<2x80xf32, #tpu.memory_space<vmem>>, vector<1x16xf32>,
    %get3A_1543 = vector.shape_cast %get3A_1542 : vector<1x16xf32> to vector<16xf32>
    %add3A_1544 = arith.addf %add3A_1538, %get3A_1543 : vector<16xf32>
    %get3A_1545 = arith.constant 1 : i32
    %get3A_1546 = arith.index_cast %get3A_1545 : i32 to index
    %get3A_1547 = arith.constant 48 : index
    %get3A_1548 = tpu.vector_load %arg32[%get3A_1546, %get3A_1547] {strides = array<i32>} : memref<2x80xf32, #tpu.memory_space<vmem>>, vector<1x16xf32>,
    %get3A_1549 = vector.shape_cast %get3A_1548 : vector<1x16xf32> to vector<16xf32>
    %add3A_1550 = arith.addf %add3A_1544, %get3A_1549 : vector<16xf32>
    %get3A_1551 = arith.constant 1 : i32
    %get3A_1552 = arith.index_cast %get3A_1551 : i32 to index
    %get3A_1553 = arith.constant 64 : index
    %get3A_1554 = tpu.vector_load %arg32[%get3A_1552, %get3A_1553] {strides = array<i32>} : memref<2x80xf32, #tpu.memory_space<vmem>>, vector<1x16xf32>,
    %get3A_1555 = vector.shape_cast %get3A_1554 : vector<1x16xf32> to vector<16xf32>
    %add3A_1556 = arith.addf %add3A_1550, %get3A_1555 : vector<16xf32>
    %get3A_1557 = arith.constant 1 : i32
    %get3A_1558 = arith.index_cast %get3A_1557 : i32 to index
    %get3A_1559 = arith.constant 0 : index
    %get3A_1560 = tpu.vector_load %arg33[%get3A_1558, %get3A_1559] {strides = array<i32>} : memref<2x160xf32, #tpu.memory_space<vmem>>, vector<1x16xf32>,
    %get3A_1561 = vector.shape_cast %get3A_1560 : vector<1x16xf32> to vector<16xf32>
    %get3A_1562 = arith.constant 1 : i32
    %get3A_1563 = arith.index_cast %get3A_1562 : i32 to index
    %get3A_1564 = arith.constant 16 : index
    %get3A_1565 = tpu.vector_load %arg33[%get3A_1563, %get3A_1564] {strides = array<i32>} : memref<2x160xf32, #tpu.memory_space<vmem>>, vector<1x16xf32>,
    %get3A_1566 = vector.shape_cast %get3A_1565 : vector<1x16xf32> to vector<16xf32>
    %add3A_1567 = arith.addf %get3A_1561, %get3A_1566 : vector<16xf32>
    %get3A_1568 = arith.constant 1 : i32
    %get3A_1569 = arith.index_cast %get3A_1568 : i32 to index
    %get3A_1570 = arith.constant 32 : index
    %get3A_1571 = tpu.vector_load %arg33[%get3A_1569, %get3A_1570] {strides = array<i32>} : memref<2x160xf32, #tpu.memory_space<vmem>>, vector<1x16xf32>,
    %get3A_1572 = vector.shape_cast %get3A_1571 : vector<1x16xf32> to vector<16xf32>
    %add3A_1573 = arith.addf %add3A_1567, %get3A_1572 : vector<16xf32>
    %get3A_1574 = arith.constant 1 : i32
    %get3A_1575 = arith.index_cast %get3A_1574 : i32 to index
    %get3A_1576 = arith.constant 48 : index
    %get3A_1577 = tpu.vector_load %arg33[%get3A_1575, %get3A_1576] {strides = array<i32>} : memref<2x160xf32, #tpu.memory_space<vmem>>, vector<1x16xf32>,
    %get3A_1578 = vector.shape_cast %get3A_1577 : vector<1x16xf32> to vector<16xf32>
    %add3A_1579 = arith.addf %add3A_1573, %get3A_1578 : vector<16xf32>
    %get3A_1580 = arith.constant 1 : i32
    %get3A_1581 = arith.index_cast %get3A_1580 : i32 to index
    %get3A_1582 = arith.constant 64 : index
    %get3A_1583 = tpu.vector_load %arg33[%get3A_1581, %get3A_1582] {strides = array<i32>} : memref<2x160xf32, #tpu.memory_space<vmem>>, vector<1x16xf32>,
    %get3A_1584 = vector.shape_cast %get3A_1583 : vector<1x16xf32> to vector<16xf32>
    %add3A_1585 = arith.addf %add3A_1579, %get3A_1584 : vector<16xf32>
    %get3A_1586 = arith.constant 1 : i32
    %get3A_1587 = arith.index_cast %get3A_1586 : i32 to index
    %get3A_1588 = arith.constant 80 : index
    %get3A_1589 = tpu.vector_load %arg33[%get3A_1587, %get3A_1588] {strides = array<i32>} : memref<2x160xf32, #tpu.memory_space<vmem>>, vector<1x16xf32>,
    %get3A_1590 = vector.shape_cast %get3A_1589 : vector<1x16xf32> to vector<16xf32>
    %add3A_1591 = arith.addf %add3A_1585, %get3A_1590 : vector<16xf32>
    %get3A_1592 = arith.constant 1 : i32
    %get3A_1593 = arith.index_cast %get3A_1592 : i32 to index
    %get3A_1594 = arith.constant 96 : index
    %get3A_1595 = tpu.vector_load %arg33[%get3A_1593, %get3A_1594] {strides = array<i32>} : memref<2x160xf32, #tpu.memory_space<vmem>>, vector<1x16xf32>,
    %get3A_1596 = vector.shape_cast %get3A_1595 : vector<1x16xf32> to vector<16xf32>
    %add3A_1597 = arith.addf %add3A_1591, %get3A_1596 : vector<16xf32>
    %get3A_1598 = arith.constant 1 : i32
    %get3A_1599 = arith.index_cast %get3A_1598 : i32 to index
    %get3A_1600 = arith.constant 112 : index
    %get3A_1601 = tpu.vector_load %arg33[%get3A_1599, %get3A_1600] {strides = array<i32>} : memref<2x160xf32, #tpu.memory_space<vmem>>, vector<1x16xf32>,
    %get3A_1602 = vector.shape_cast %get3A_1601 : vector<1x16xf32> to vector<16xf32>
    %add3A_1603 = arith.addf %add3A_1597, %get3A_1602 : vector<16xf32>
    %get3A_1604 = arith.constant 1 : i32
    %get3A_1605 = arith.index_cast %get3A_1604 : i32 to index
    %get3A_1606 = arith.constant 128 : index
    %get3A_1607 = tpu.vector_load %arg33[%get3A_1605, %get3A_1606] {strides = array<i32>} : memref<2x160xf32, #tpu.memory_space<vmem>>, vector<1x16xf32>,
    %get3A_1608 = vector.shape_cast %get3A_1607 : vector<1x16xf32> to vector<16xf32>
    %add3A_1609 = arith.addf %add3A_1603, %get3A_1608 : vector<16xf32>
    %get3A_1610 = arith.constant 1 : i32
    %get3A_1611 = arith.index_cast %get3A_1610 : i32 to index
    %get3A_1612 = arith.constant 144 : index
    %get3A_1613 = tpu.vector_load %arg33[%get3A_1611, %get3A_1612] {strides = array<i32>} : memref<2x160xf32, #tpu.memory_space<vmem>>, vector<1x16xf32>,
    %get3A_1614 = vector.shape_cast %get3A_1613 : vector<1x16xf32> to vector<16xf32>
    %add3A_1615 = arith.addf %add3A_1609, %get3A_1614 : vector<16xf32>
    %get3A_1616 = arith.constant 1 : i32
    %get3A_1617 = arith.index_cast %get3A_1616 : i32 to index
    %get3A_1618 = arith.constant 0 : index
    %get3A_1619 = tpu.vector_load %arg31[%get3A_1617, %get3A_1618] {strides = array<i32>} : memref<2x16xf32, #tpu.memory_space<vmem>>, vector<1x16xf32>,
    %get3A_1620 = vector.shape_cast %get3A_1619 : vector<1x16xf32> to vector<16xf32>
    %add3A_1621 = arith.addf %get3A_1620, %add3A_1556 : vector<16xf32>
    %add3A_1622 = arith.addf %add3A_1621, %add3A_1615 : vector<16xf32>
    %add3A_1623 = arith.addf %add3A_1622, %get3A_15 : vector<16xf32>
    %max3A_1624 = arith.constant 0.000000e+00 : f32
    %max3A_1625 = vector.broadcast %max3A_1624 : f32 to vector<16xf32>
    %max3A_1626 = arith.maximumf %add3A_1623, %max3A_1625 : vector<16xf32>
    %get3A_1627 = arith.constant 80 : index
    %get3A_1628 = tpu.vector_load %arg26[%get3A_1627] {strides = array<i32>} : memref<128xf32, #tpu.memory_space<vmem>>, vector<16xf32>,
    %get3A_1629 = vector.shape_cast %get3A_1628 : vector<16xf32> to vector<16xf32>
    %mul3A_1630 = arith.mulf %get3A_20, %get3A_1629 : vector<16xf32>
    %mul3A_1631 = arith.mulf %get3A_25, %max3A_1527 : vector<16xf32>
    %add3A_1632 = arith.addf %mul3A_1630, %mul3A_1631 : vector<16xf32>
    %mul3A_1633 = arith.mulf %get3A_30, %max3A_1626 : vector<16xf32>
    %add3A_1634 = arith.addf %add3A_1632, %mul3A_1633 : vector<16xf32>
    %swap3A_1635 = arith.constant 80 : index
    %swap3A_1636 = tpu.vector_load %arg34[%swap3A_1635] {strides = array<i32>} : memref<128xf32, #tpu.memory_space<vmem>>, vector<16xf32>,
    %swap3A_1637 = vector.shape_cast %swap3A_1636 : vector<16xf32> to vector<16xf32>
    %swap3A_1638 = vector.shape_cast %max3A_1527 : vector<16xf32> to vector<16xf32>
    tpu.vector_store %arg34[%swap3A_1635], %swap3A_1638 {strides = array<i32>} : memref<128xf32, #tpu.memory_space<vmem>>, vector<16xf32>,
    %swap3A_1639 = arith.constant 80 : index
    %swap3A_1640 = tpu.vector_load %arg35[%swap3A_1639] {strides = array<i32>} : memref<128xf32, #tpu.memory_space<vmem>>, vector<16xf32>,
    %swap3A_1641 = vector.shape_cast %swap3A_1640 : vector<16xf32> to vector<16xf32>
    %swap3A_1642 = vector.shape_cast %max3A_1626 : vector<16xf32> to vector<16xf32>
    tpu.vector_store %arg35[%swap3A_1639], %swap3A_1642 {strides = array<i32>} : memref<128xf32, #tpu.memory_space<vmem>>, vector<16xf32>,
    %swap3A_1643 = arith.constant 80 : index
    %swap3A_1644 = tpu.vector_load %arg36[%swap3A_1643] {strides = array<i32>} : memref<128xf32, #tpu.memory_space<vmem>>, vector<16xf32>,
    %swap3A_1645 = vector.shape_cast %swap3A_1644 : vector<16xf32> to vector<16xf32>
    %swap3A_1646 = vector.shape_cast %add3A_1634 : vector<16xf32> to vector<16xf32>
    tpu.vector_store %arg36[%swap3A_1643], %swap3A_1646 {strides = array<i32>} : memref<128xf32, #tpu.memory_space<vmem>>, vector<16xf32>,
    %dma_start3A_1647 = arith.constant 1 : i32
    %dma_start3A_1648 = arith.constant 0 : i32
    %dma_start3A_1649 = tpu.memref_slice %arg28[%dma_start3A_1647, %dma_start3A_1648] : memref<2x16xf32, #tpu.memory_space<vmem>> -> memref<1x16xf32, #tpu.memory_space<vmem>>
    %dma_start3A_1650 = tpu.memref_squeeze %dma_start3A_1649 : memref<1x16xf32, #tpu.memory_space<vmem>> -> memref<16xf32, #tpu.memory_space<vmem>>
    %dma_start3A_1651 = arith.constant 112 : i32
    %dma_start3A_1652 = tpu.memref_slice %arg20[%dma_start3A_1651] : memref<128xi32, #tpu.memory_space<vmem>> -> memref<16xi32, #tpu.memory_space<vmem>>
    %dma_start3A_1653 = arith.constant 0 : i32
    %dma_start3A_1654 = tpu.memref_slice %arg10[%dma_start3A_1653] : memref<1000000xf32, #tpu.memory_space<hbm>> -> memref<1000000xf32, #tpu.memory_space<hbm>>
    tpu.enqueue_indirect_dma source(%dma_start3A_1654 : memref<1000000xf32, #tpu.memory_space<hbm>>) target(%dma_start3A_1650 : memref<16xf32, #tpu.memory_space<vmem>>) offsets(%dma_start3A_1652 : memref<16xi32, #tpu.memory_space<vmem>>) semaphore(%arg38 : memref<!tpu.dma_semaphore, #tpu.memory_space<semaphore_mem>>)
    %dma_start3A_1655 = arith.constant 1 : i32
    %dma_start3A_1656 = arith.constant 0 : i32
    %dma_start3A_1657 = tpu.memref_slice %arg29[%dma_start3A_1655, %dma_start3A_1656] : memref<2x16xf32, #tpu.memory_space<vmem>> -> memref<1x16xf32, #tpu.memory_space<vmem>>
    %dma_start3A_1658 = tpu.memref_squeeze %dma_start3A_1657 : memref<1x16xf32, #tpu.memory_space<vmem>> -> memref<16xf32, #tpu.memory_space<vmem>>
    %dma_start3A_1659 = arith.constant 112 : i32
    %dma_start3A_1660 = tpu.memref_slice %arg21[%dma_start3A_1659] : memref<128xi32, #tpu.memory_space<vmem>> -> memref<16xi32, #tpu.memory_space<vmem>>
    %dma_start3A_1661 = arith.constant 0 : i32
    %dma_start3A_1662 = tpu.memref_slice %arg11[%dma_start3A_1661] : memref<36501xf32, #tpu.memory_space<hbm>> -> memref<36501xf32, #tpu.memory_space<hbm>>
    tpu.enqueue_indirect_dma source(%dma_start3A_1662 : memref<36501xf32, #tpu.memory_space<hbm>>) target(%dma_start3A_1658 : memref<16xf32, #tpu.memory_space<vmem>>) offsets(%dma_start3A_1660 : memref<16xi32, #tpu.memory_space<vmem>>) semaphore(%arg38 : memref<!tpu.dma_semaphore, #tpu.memory_space<semaphore_mem>>)
    %dma_start3A_1663 = arith.constant 1 : i32
    %dma_start3A_1664 = arith.constant 0 : i32
    %dma_start3A_1665 = tpu.memref_slice %arg30[%dma_start3A_1663, %dma_start3A_1664] : memref<2x16xf32, #tpu.memory_space<vmem>> -> memref<1x16xf32, #tpu.memory_space<vmem>>
    %dma_start3A_1666 = tpu.memref_squeeze %dma_start3A_1665 : memref<1x16xf32, #tpu.memory_space<vmem>> -> memref<16xf32, #tpu.memory_space<vmem>>
    %dma_start3A_1667 = arith.constant 112 : i32
    %dma_start3A_1668 = tpu.memref_slice %arg22[%dma_start3A_1667] : memref<128xi32, #tpu.memory_space<vmem>> -> memref<16xi32, #tpu.memory_space<vmem>>
    %dma_start3A_1669 = arith.constant 0 : i32
    %dma_start3A_1670 = tpu.memref_slice %arg12[%dma_start3A_1669] : memref<36501xf32, #tpu.memory_space<hbm>> -> memref<36501xf32, #tpu.memory_space<hbm>>
    tpu.enqueue_indirect_dma source(%dma_start3A_1670 : memref<36501xf32, #tpu.memory_space<hbm>>) target(%dma_start3A_1666 : memref<16xf32, #tpu.memory_space<vmem>>) offsets(%dma_start3A_1668 : memref<16xi32, #tpu.memory_space<vmem>>) semaphore(%arg38 : memref<!tpu.dma_semaphore, #tpu.memory_space<semaphore_mem>>)
    %dma_start3A_1671 = arith.constant 1 : i32
    %dma_start3A_1672 = arith.constant 0 : i32
    %dma_start3A_1673 = tpu.memref_slice %arg31[%dma_start3A_1671, %dma_start3A_1672] : memref<2x16xf32, #tpu.memory_space<vmem>> -> memref<1x16xf32, #tpu.memory_space<vmem>>
    %dma_start3A_1674 = tpu.memref_squeeze %dma_start3A_1673 : memref<1x16xf32, #tpu.memory_space<vmem>> -> memref<16xf32, #tpu.memory_space<vmem>>
    %dma_start3A_1675 = arith.constant 112 : i32
    %dma_start3A_1676 = tpu.memref_slice %arg23[%dma_start3A_1675] : memref<128xi32, #tpu.memory_space<vmem>> -> memref<16xi32, #tpu.memory_space<vmem>>
    %dma_start3A_1677 = arith.constant 0 : i32
    %dma_start3A_1678 = tpu.memref_slice %arg14[%dma_start3A_1677] : memref<10000xf32, #tpu.memory_space<hbm>> -> memref<10000xf32, #tpu.memory_space<hbm>>
    tpu.enqueue_indirect_dma source(%dma_start3A_1678 : memref<10000xf32, #tpu.memory_space<hbm>>) target(%dma_start3A_1674 : memref<16xf32, #tpu.memory_space<vmem>>) offsets(%dma_start3A_1676 : memref<16xi32, #tpu.memory_space<vmem>>) semaphore(%arg38 : memref<!tpu.dma_semaphore, #tpu.memory_space<semaphore_mem>>)
    %dma_start3A_1679 = arith.constant 1 : i32
    %dma_start3A_1680 = arith.constant 0 : i32
    %dma_start3A_1681 = tpu.memref_slice %arg32[%dma_start3A_1679, %dma_start3A_1680] : memref<2x80xf32, #tpu.memory_space<vmem>> -> memref<1x80xf32, #tpu.memory_space<vmem>>
    %dma_start3A_1682 = tpu.memref_squeeze %dma_start3A_1681 : memref<1x80xf32, #tpu.memory_space<vmem>> -> memref<80xf32, #tpu.memory_space<vmem>>
    %dma_start3A_1683 = arith.constant 560 : i32
    %dma_start3A_1684 = tpu.memref_slice %arg24[%dma_start3A_1683] : memref<640xi32, #tpu.memory_space<vmem>> -> memref<80xi32, #tpu.memory_space<vmem>>
    %dma_start3A_1685 = arith.constant 0 : i32
    %dma_start3A_1686 = tpu.memref_slice %arg13[%dma_start3A_1685] : memref<1000xf32, #tpu.memory_space<hbm>> -> memref<1000xf32, #tpu.memory_space<hbm>>
    tpu.enqueue_indirect_dma source(%dma_start3A_1686 : memref<1000xf32, #tpu.memory_space<hbm>>) target(%dma_start3A_1682 : memref<80xf32, #tpu.memory_space<vmem>>) offsets(%dma_start3A_1684 : memref<80xi32, #tpu.memory_space<vmem>>) semaphore(%arg38 : memref<!tpu.dma_semaphore, #tpu.memory_space<semaphore_mem>>)
    %dma_start3A_1687 = arith.constant 1 : i32
    %dma_start3A_1688 = arith.constant 0 : i32
    %dma_start3A_1689 = tpu.memref_slice %arg33[%dma_start3A_1687, %dma_start3A_1688] : memref<2x160xf32, #tpu.memory_space<vmem>> -> memref<1x160xf32, #tpu.memory_space<vmem>>
    %dma_start3A_1690 = tpu.memref_squeeze %dma_start3A_1689 : memref<1x160xf32, #tpu.memory_space<vmem>> -> memref<160xf32, #tpu.memory_space<vmem>>
    %dma_start3A_1691 = arith.constant 0 : i32
    %dma_start3A_1692 = tpu.memref_slice %dma_start3A_1690[%dma_start3A_1691] : memref<160xf32, #tpu.memory_space<vmem>> -> memref<80xf32, #tpu.memory_space<vmem>>
    %dma_start3A_1693 = arith.constant 1120 : i32
    %dma_start3A_1694 = tpu.memref_slice %arg25[%dma_start3A_1693] : memref<1280xi32, #tpu.memory_space<vmem>> -> memref<80xi32, #tpu.memory_space<vmem>>
    %dma_start3A_1695 = arith.constant 0 : i32
    %dma_start3A_1696 = tpu.memref_slice %arg15[%dma_start3A_1695] : memref<100000xf32, #tpu.memory_space<hbm>> -> memref<100000xf32, #tpu.memory_space<hbm>>
    tpu.enqueue_indirect_dma source(%dma_start3A_1696 : memref<100000xf32, #tpu.memory_space<hbm>>) target(%dma_start3A_1692 : memref<80xf32, #tpu.memory_space<vmem>>) offsets(%dma_start3A_1694 : memref<80xi32, #tpu.memory_space<vmem>>) semaphore(%arg38 : memref<!tpu.dma_semaphore, #tpu.memory_space<semaphore_mem>>)
    %dma_start3A_1697 = arith.constant 1 : i32
    %dma_start3A_1698 = arith.constant 0 : i32
    %dma_start3A_1699 = tpu.memref_slice %arg33[%dma_start3A_1697, %dma_start3A_1698] : memref<2x160xf32, #tpu.memory_space<vmem>> -> memref<1x160xf32, #tpu.memory_space<vmem>>
    %dma_start3A_1700 = tpu.memref_squeeze %dma_start3A_1699 : memref<1x160xf32, #tpu.memory_space<vmem>> -> memref<160xf32, #tpu.memory_space<vmem>>
    %dma_start3A_1701 = arith.constant 80 : i32
    %dma_start3A_1702 = tpu.memref_slice %dma_start3A_1700[%dma_start3A_1701] : memref<160xf32, #tpu.memory_space<vmem>> -> memref<80xf32, #tpu.memory_space<vmem>>
    %dma_start3A_1703 = arith.constant 1200 : i32
    %dma_start3A_1704 = tpu.memref_slice %arg25[%dma_start3A_1703] : memref<1280xi32, #tpu.memory_space<vmem>> -> memref<80xi32, #tpu.memory_space<vmem>>
    %dma_start3A_1705 = arith.constant 0 : i32
    %dma_start3A_1706 = tpu.memref_slice %arg15[%dma_start3A_1705] : memref<100000xf32, #tpu.memory_space<hbm>> -> memref<100000xf32, #tpu.memory_space<hbm>>
    tpu.enqueue_indirect_dma source(%dma_start3A_1706 : memref<100000xf32, #tpu.memory_space<hbm>>) target(%dma_start3A_1702 : memref<80xf32, #tpu.memory_space<vmem>>) offsets(%dma_start3A_1704 : memref<80xi32, #tpu.memory_space<vmem>>) semaphore(%arg38 : memref<!tpu.dma_semaphore, #tpu.memory_space<semaphore_mem>>)
    %dma_wait3A_1707 = arith.constant 0 : i32
    %dma_wait3A_1708 = arith.constant 0 : i32
    %dma_wait3A_1709 = tpu.memref_slice %arg28[%dma_wait3A_1707, %dma_wait3A_1708] : memref<2x16xf32, #tpu.memory_space<vmem>> -> memref<1x16xf32, #tpu.memory_space<vmem>>
    %dma_wait3A_1710 = tpu.memref_squeeze %dma_wait3A_1709 : memref<1x16xf32, #tpu.memory_space<vmem>> -> memref<16xf32, #tpu.memory_space<vmem>>
    %dma_wait3A_1711 = arith.constant 96 : i32
    %dma_wait3A_1712 = tpu.memref_slice %arg20[%dma_wait3A_1711] : memref<128xi32, #tpu.memory_space<vmem>> -> memref<16xi32, #tpu.memory_space<vmem>>
    %dma_wait3A_1713 = arith.constant 0 : i32
    %dma_wait3A_1714 = tpu.memref_slice %arg10[%dma_wait3A_1713] : memref<1000000xf32, #tpu.memory_space<hbm>> -> memref<1000000xf32, #tpu.memory_space<hbm>>
    tpu.wait_indirect_dma semaphore(%arg37 : memref<!tpu.dma_semaphore, #tpu.memory_space<semaphore_mem>>) src(%dma_wait3A_1714 : memref<1000000xf32, #tpu.memory_space<hbm>>) dst(%dma_wait3A_1710 : memref<16xf32, #tpu.memory_space<vmem>>)
    %dma_wait3A_1715 = arith.constant 0 : i32
    %dma_wait3A_1716 = arith.constant 0 : i32
    %dma_wait3A_1717 = tpu.memref_slice %arg29[%dma_wait3A_1715, %dma_wait3A_1716] : memref<2x16xf32, #tpu.memory_space<vmem>> -> memref<1x16xf32, #tpu.memory_space<vmem>>
    %dma_wait3A_1718 = tpu.memref_squeeze %dma_wait3A_1717 : memref<1x16xf32, #tpu.memory_space<vmem>> -> memref<16xf32, #tpu.memory_space<vmem>>
    %dma_wait3A_1719 = arith.constant 96 : i32
    %dma_wait3A_1720 = tpu.memref_slice %arg21[%dma_wait3A_1719] : memref<128xi32, #tpu.memory_space<vmem>> -> memref<16xi32, #tpu.memory_space<vmem>>
    %dma_wait3A_1721 = arith.constant 0 : i32
    %dma_wait3A_1722 = tpu.memref_slice %arg11[%dma_wait3A_1721] : memref<36501xf32, #tpu.memory_space<hbm>> -> memref<36501xf32, #tpu.memory_space<hbm>>
    tpu.wait_indirect_dma semaphore(%arg37 : memref<!tpu.dma_semaphore, #tpu.memory_space<semaphore_mem>>) src(%dma_wait3A_1722 : memref<36501xf32, #tpu.memory_space<hbm>>) dst(%dma_wait3A_1718 : memref<16xf32, #tpu.memory_space<vmem>>)
    %dma_wait3A_1723 = arith.constant 0 : i32
    %dma_wait3A_1724 = arith.constant 0 : i32
    %dma_wait3A_1725 = tpu.memref_slice %arg30[%dma_wait3A_1723, %dma_wait3A_1724] : memref<2x16xf32, #tpu.memory_space<vmem>> -> memref<1x16xf32, #tpu.memory_space<vmem>>
    %dma_wait3A_1726 = tpu.memref_squeeze %dma_wait3A_1725 : memref<1x16xf32, #tpu.memory_space<vmem>> -> memref<16xf32, #tpu.memory_space<vmem>>
    %dma_wait3A_1727 = arith.constant 96 : i32
    %dma_wait3A_1728 = tpu.memref_slice %arg22[%dma_wait3A_1727] : memref<128xi32, #tpu.memory_space<vmem>> -> memref<16xi32, #tpu.memory_space<vmem>>
    %dma_wait3A_1729 = arith.constant 0 : i32
    %dma_wait3A_1730 = tpu.memref_slice %arg12[%dma_wait3A_1729] : memref<36501xf32, #tpu.memory_space<hbm>> -> memref<36501xf32, #tpu.memory_space<hbm>>
    tpu.wait_indirect_dma semaphore(%arg37 : memref<!tpu.dma_semaphore, #tpu.memory_space<semaphore_mem>>) src(%dma_wait3A_1730 : memref<36501xf32, #tpu.memory_space<hbm>>) dst(%dma_wait3A_1726 : memref<16xf32, #tpu.memory_space<vmem>>)
    %dma_wait3A_1731 = arith.constant 0 : i32
    %dma_wait3A_1732 = arith.constant 0 : i32
    %dma_wait3A_1733 = tpu.memref_slice %arg31[%dma_wait3A_1731, %dma_wait3A_1732] : memref<2x16xf32, #tpu.memory_space<vmem>> -> memref<1x16xf32, #tpu.memory_space<vmem>>
    %dma_wait3A_1734 = tpu.memref_squeeze %dma_wait3A_1733 : memref<1x16xf32, #tpu.memory_space<vmem>> -> memref<16xf32, #tpu.memory_space<vmem>>
    %dma_wait3A_1735 = arith.constant 96 : i32
    %dma_wait3A_1736 = tpu.memref_slice %arg23[%dma_wait3A_1735] : memref<128xi32, #tpu.memory_space<vmem>> -> memref<16xi32, #tpu.memory_space<vmem>>
    %dma_wait3A_1737 = arith.constant 0 : i32
    %dma_wait3A_1738 = tpu.memref_slice %arg14[%dma_wait3A_1737] : memref<10000xf32, #tpu.memory_space<hbm>> -> memref<10000xf32, #tpu.memory_space<hbm>>
    tpu.wait_indirect_dma semaphore(%arg37 : memref<!tpu.dma_semaphore, #tpu.memory_space<semaphore_mem>>) src(%dma_wait3A_1738 : memref<10000xf32, #tpu.memory_space<hbm>>) dst(%dma_wait3A_1734 : memref<16xf32, #tpu.memory_space<vmem>>)
    %dma_wait3A_1739 = arith.constant 0 : i32
    %dma_wait3A_1740 = arith.constant 0 : i32
    %dma_wait3A_1741 = tpu.memref_slice %arg32[%dma_wait3A_1739, %dma_wait3A_1740] : memref<2x80xf32, #tpu.memory_space<vmem>> -> memref<1x80xf32, #tpu.memory_space<vmem>>
    %dma_wait3A_1742 = tpu.memref_squeeze %dma_wait3A_1741 : memref<1x80xf32, #tpu.memory_space<vmem>> -> memref<80xf32, #tpu.memory_space<vmem>>
    %dma_wait3A_1743 = arith.constant 480 : i32
    %dma_wait3A_1744 = tpu.memref_slice %arg24[%dma_wait3A_1743] : memref<640xi32, #tpu.memory_space<vmem>> -> memref<80xi32, #tpu.memory_space<vmem>>
    %dma_wait3A_1745 = arith.constant 0 : i32
    %dma_wait3A_1746 = tpu.memref_slice %arg13[%dma_wait3A_1745] : memref<1000xf32, #tpu.memory_space<hbm>> -> memref<1000xf32, #tpu.memory_space<hbm>>
    tpu.wait_indirect_dma semaphore(%arg37 : memref<!tpu.dma_semaphore, #tpu.memory_space<semaphore_mem>>) src(%dma_wait3A_1746 : memref<1000xf32, #tpu.memory_space<hbm>>) dst(%dma_wait3A_1742 : memref<80xf32, #tpu.memory_space<vmem>>)
    %dma_wait3A_1747 = arith.constant 0 : i32
    %dma_wait3A_1748 = arith.constant 0 : i32
    %dma_wait3A_1749 = tpu.memref_slice %arg33[%dma_wait3A_1747, %dma_wait3A_1748] : memref<2x160xf32, #tpu.memory_space<vmem>> -> memref<1x160xf32, #tpu.memory_space<vmem>>
    %dma_wait3A_1750 = tpu.memref_squeeze %dma_wait3A_1749 : memref<1x160xf32, #tpu.memory_space<vmem>> -> memref<160xf32, #tpu.memory_space<vmem>>
    %dma_wait3A_1751 = arith.constant 0 : i32
    %dma_wait3A_1752 = tpu.memref_slice %dma_wait3A_1750[%dma_wait3A_1751] : memref<160xf32, #tpu.memory_space<vmem>> -> memref<80xf32, #tpu.memory_space<vmem>>
    %dma_wait3A_1753 = arith.constant 960 : i32
    %dma_wait3A_1754 = tpu.memref_slice %arg25[%dma_wait3A_1753] : memref<1280xi32, #tpu.memory_space<vmem>> -> memref<80xi32, #tpu.memory_space<vmem>>
    %dma_wait3A_1755 = arith.constant 0 : i32
    %dma_wait3A_1756 = tpu.memref_slice %arg15[%dma_wait3A_1755] : memref<100000xf32, #tpu.memory_space<hbm>> -> memref<100000xf32, #tpu.memory_space<hbm>>
    tpu.wait_indirect_dma semaphore(%arg37 : memref<!tpu.dma_semaphore, #tpu.memory_space<semaphore_mem>>) src(%dma_wait3A_1756 : memref<100000xf32, #tpu.memory_space<hbm>>) dst(%dma_wait3A_1752 : memref<80xf32, #tpu.memory_space<vmem>>)
    %dma_wait3A_1757 = arith.constant 0 : i32
    %dma_wait3A_1758 = arith.constant 0 : i32
    %dma_wait3A_1759 = tpu.memref_slice %arg33[%dma_wait3A_1757, %dma_wait3A_1758] : memref<2x160xf32, #tpu.memory_space<vmem>> -> memref<1x160xf32, #tpu.memory_space<vmem>>
    %dma_wait3A_1760 = tpu.memref_squeeze %dma_wait3A_1759 : memref<1x160xf32, #tpu.memory_space<vmem>> -> memref<160xf32, #tpu.memory_space<vmem>>
    %dma_wait3A_1761 = arith.constant 80 : i32
    %dma_wait3A_1762 = tpu.memref_slice %dma_wait3A_1760[%dma_wait3A_1761] : memref<160xf32, #tpu.memory_space<vmem>> -> memref<80xf32, #tpu.memory_space<vmem>>
    %dma_wait3A_1763 = arith.constant 1040 : i32
    %dma_wait3A_1764 = tpu.memref_slice %arg25[%dma_wait3A_1763] : memref<1280xi32, #tpu.memory_space<vmem>> -> memref<80xi32, #tpu.memory_space<vmem>>
    %dma_wait3A_1765 = arith.constant 0 : i32
    %dma_wait3A_1766 = tpu.memref_slice %arg15[%dma_wait3A_1765] : memref<100000xf32, #tpu.memory_space<hbm>> -> memref<100000xf32, #tpu.memory_space<hbm>>
    tpu.wait_indirect_dma semaphore(%arg37 : memref<!tpu.dma_semaphore, #tpu.memory_space<semaphore_mem>>) src(%dma_wait3A_1766 : memref<100000xf32, #tpu.memory_space<hbm>>) dst(%dma_wait3A_1762 : memref<80xf32, #tpu.memory_space<vmem>>)
    %get3A_1767 = arith.constant 0 : i32
    %get3A_1768 = arith.index_cast %get3A_1767 : i32 to index
    %get3A_1769 = arith.constant 0 : index
    %get3A_1770 = tpu.vector_load %arg28[%get3A_1768, %get3A_1769] {strides = array<i32>} : memref<2x16xf32, #tpu.memory_space<vmem>>, vector<1x16xf32>,
    %get3A_1771 = vector.shape_cast %get3A_1770 : vector<1x16xf32> to vector<16xf32>
    %get3A_1772 = arith.constant 0 : i32
    %get3A_1773 = arith.index_cast %get3A_1772 : i32 to index
    %get3A_1774 = arith.constant 0 : index
    %get3A_1775 = tpu.vector_load %arg29[%get3A_1773, %get3A_1774] {strides = array<i32>} : memref<2x16xf32, #tpu.memory_space<vmem>>, vector<1x16xf32>,
    %get3A_1776 = vector.shape_cast %get3A_1775 : vector<1x16xf32> to vector<16xf32>
    %add3A_1777 = arith.addf %get3A_1771, %get3A_1776 : vector<16xf32>
    %get3A_1778 = arith.constant 0 : i32
    %get3A_1779 = arith.index_cast %get3A_1778 : i32 to index
    %get3A_1780 = arith.constant 0 : index
    %get3A_1781 = tpu.vector_load %arg30[%get3A_1779, %get3A_1780] {strides = array<i32>} : memref<2x16xf32, #tpu.memory_space<vmem>>, vector<1x16xf32>,
    %get3A_1782 = vector.shape_cast %get3A_1781 : vector<1x16xf32> to vector<16xf32>
    %add3A_1783 = arith.addf %add3A_1777, %get3A_1782 : vector<16xf32>
    %add3A_1784 = arith.addf %add3A_1783, %get3A_10 : vector<16xf32>
    %max3A_1785 = arith.constant 0.000000e+00 : f32
    %max3A_1786 = vector.broadcast %max3A_1785 : f32 to vector<16xf32>
    %max3A_1787 = arith.maximumf %add3A_1784, %max3A_1786 : vector<16xf32>
    %get3A_1788 = arith.constant 0 : i32
    %get3A_1789 = arith.index_cast %get3A_1788 : i32 to index
    %get3A_1790 = arith.constant 0 : index
    %get3A_1791 = tpu.vector_load %arg32[%get3A_1789, %get3A_1790] {strides = array<i32>} : memref<2x80xf32, #tpu.memory_space<vmem>>, vector<1x16xf32>,
    %get3A_1792 = vector.shape_cast %get3A_1791 : vector<1x16xf32> to vector<16xf32>
    %get3A_1793 = arith.constant 0 : i32
    %get3A_1794 = arith.index_cast %get3A_1793 : i32 to index
    %get3A_1795 = arith.constant 16 : index
    %get3A_1796 = tpu.vector_load %arg32[%get3A_1794, %get3A_1795] {strides = array<i32>} : memref<2x80xf32, #tpu.memory_space<vmem>>, vector<1x16xf32>,
    %get3A_1797 = vector.shape_cast %get3A_1796 : vector<1x16xf32> to vector<16xf32>
    %add3A_1798 = arith.addf %get3A_1792, %get3A_1797 : vector<16xf32>
    %get3A_1799 = arith.constant 0 : i32
    %get3A_1800 = arith.index_cast %get3A_1799 : i32 to index
    %get3A_1801 = arith.constant 32 : index
    %get3A_1802 = tpu.vector_load %arg32[%get3A_1800, %get3A_1801] {strides = array<i32>} : memref<2x80xf32, #tpu.memory_space<vmem>>, vector<1x16xf32>,
    %get3A_1803 = vector.shape_cast %get3A_1802 : vector<1x16xf32> to vector<16xf32>
    %add3A_1804 = arith.addf %add3A_1798, %get3A_1803 : vector<16xf32>
    %get3A_1805 = arith.constant 0 : i32
    %get3A_1806 = arith.index_cast %get3A_1805 : i32 to index
    %get3A_1807 = arith.constant 48 : index
    %get3A_1808 = tpu.vector_load %arg32[%get3A_1806, %get3A_1807] {strides = array<i32>} : memref<2x80xf32, #tpu.memory_space<vmem>>, vector<1x16xf32>,
    %get3A_1809 = vector.shape_cast %get3A_1808 : vector<1x16xf32> to vector<16xf32>
    %add3A_1810 = arith.addf %add3A_1804, %get3A_1809 : vector<16xf32>
    %get3A_1811 = arith.constant 0 : i32
    %get3A_1812 = arith.index_cast %get3A_1811 : i32 to index
    %get3A_1813 = arith.constant 64 : index
    %get3A_1814 = tpu.vector_load %arg32[%get3A_1812, %get3A_1813] {strides = array<i32>} : memref<2x80xf32, #tpu.memory_space<vmem>>, vector<1x16xf32>,
    %get3A_1815 = vector.shape_cast %get3A_1814 : vector<1x16xf32> to vector<16xf32>
    %add3A_1816 = arith.addf %add3A_1810, %get3A_1815 : vector<16xf32>
    %get3A_1817 = arith.constant 0 : i32
    %get3A_1818 = arith.index_cast %get3A_1817 : i32 to index
    %get3A_1819 = arith.constant 0 : index
    %get3A_1820 = tpu.vector_load %arg33[%get3A_1818, %get3A_1819] {strides = array<i32>} : memref<2x160xf32, #tpu.memory_space<vmem>>, vector<1x16xf32>,
    %get3A_1821 = vector.shape_cast %get3A_1820 : vector<1x16xf32> to vector<16xf32>
    %get3A_1822 = arith.constant 0 : i32
    %get3A_1823 = arith.index_cast %get3A_1822 : i32 to index
    %get3A_1824 = arith.constant 16 : index
    %get3A_1825 = tpu.vector_load %arg33[%get3A_1823, %get3A_1824] {strides = array<i32>} : memref<2x160xf32, #tpu.memory_space<vmem>>, vector<1x16xf32>,
    %get3A_1826 = vector.shape_cast %get3A_1825 : vector<1x16xf32> to vector<16xf32>
    %add3A_1827 = arith.addf %get3A_1821, %get3A_1826 : vector<16xf32>
    %get3A_1828 = arith.constant 0 : i32
    %get3A_1829 = arith.index_cast %get3A_1828 : i32 to index
    %get3A_1830 = arith.constant 32 : index
    %get3A_1831 = tpu.vector_load %arg33[%get3A_1829, %get3A_1830] {strides = array<i32>} : memref<2x160xf32, #tpu.memory_space<vmem>>, vector<1x16xf32>,
    %get3A_1832 = vector.shape_cast %get3A_1831 : vector<1x16xf32> to vector<16xf32>
    %add3A_1833 = arith.addf %add3A_1827, %get3A_1832 : vector<16xf32>
    %get3A_1834 = arith.constant 0 : i32
    %get3A_1835 = arith.index_cast %get3A_1834 : i32 to index
    %get3A_1836 = arith.constant 48 : index
    %get3A_1837 = tpu.vector_load %arg33[%get3A_1835, %get3A_1836] {strides = array<i32>} : memref<2x160xf32, #tpu.memory_space<vmem>>, vector<1x16xf32>,
    %get3A_1838 = vector.shape_cast %get3A_1837 : vector<1x16xf32> to vector<16xf32>
    %add3A_1839 = arith.addf %add3A_1833, %get3A_1838 : vector<16xf32>
    %get3A_1840 = arith.constant 0 : i32
    %get3A_1841 = arith.index_cast %get3A_1840 : i32 to index
    %get3A_1842 = arith.constant 64 : index
    %get3A_1843 = tpu.vector_load %arg33[%get3A_1841, %get3A_1842] {strides = array<i32>} : memref<2x160xf32, #tpu.memory_space<vmem>>, vector<1x16xf32>,
    %get3A_1844 = vector.shape_cast %get3A_1843 : vector<1x16xf32> to vector<16xf32>
    %add3A_1845 = arith.addf %add3A_1839, %get3A_1844 : vector<16xf32>
    %get3A_1846 = arith.constant 0 : i32
    %get3A_1847 = arith.index_cast %get3A_1846 : i32 to index
    %get3A_1848 = arith.constant 80 : index
    %get3A_1849 = tpu.vector_load %arg33[%get3A_1847, %get3A_1848] {strides = array<i32>} : memref<2x160xf32, #tpu.memory_space<vmem>>, vector<1x16xf32>,
    %get3A_1850 = vector.shape_cast %get3A_1849 : vector<1x16xf32> to vector<16xf32>
    %add3A_1851 = arith.addf %add3A_1845, %get3A_1850 : vector<16xf32>
    %get3A_1852 = arith.constant 0 : i32
    %get3A_1853 = arith.index_cast %get3A_1852 : i32 to index
    %get3A_1854 = arith.constant 96 : index
    %get3A_1855 = tpu.vector_load %arg33[%get3A_1853, %get3A_1854] {strides = array<i32>} : memref<2x160xf32, #tpu.memory_space<vmem>>, vector<1x16xf32>,
    %get3A_1856 = vector.shape_cast %get3A_1855 : vector<1x16xf32> to vector<16xf32>
    %add3A_1857 = arith.addf %add3A_1851, %get3A_1856 : vector<16xf32>
    %get3A_1858 = arith.constant 0 : i32
    %get3A_1859 = arith.index_cast %get3A_1858 : i32 to index
    %get3A_1860 = arith.constant 112 : index
    %get3A_1861 = tpu.vector_load %arg33[%get3A_1859, %get3A_1860] {strides = array<i32>} : memref<2x160xf32, #tpu.memory_space<vmem>>, vector<1x16xf32>,
    %get3A_1862 = vector.shape_cast %get3A_1861 : vector<1x16xf32> to vector<16xf32>
    %add3A_1863 = arith.addf %add3A_1857, %get3A_1862 : vector<16xf32>
    %get3A_1864 = arith.constant 0 : i32
    %get3A_1865 = arith.index_cast %get3A_1864 : i32 to index
    %get3A_1866 = arith.constant 128 : index
    %get3A_1867 = tpu.vector_load %arg33[%get3A_1865, %get3A_1866] {strides = array<i32>} : memref<2x160xf32, #tpu.memory_space<vmem>>, vector<1x16xf32>,
    %get3A_1868 = vector.shape_cast %get3A_1867 : vector<1x16xf32> to vector<16xf32>
    %add3A_1869 = arith.addf %add3A_1863, %get3A_1868 : vector<16xf32>
    %get3A_1870 = arith.constant 0 : i32
    %get3A_1871 = arith.index_cast %get3A_1870 : i32 to index
    %get3A_1872 = arith.constant 144 : index
    %get3A_1873 = tpu.vector_load %arg33[%get3A_1871, %get3A_1872] {strides = array<i32>} : memref<2x160xf32, #tpu.memory_space<vmem>>, vector<1x16xf32>,
    %get3A_1874 = vector.shape_cast %get3A_1873 : vector<1x16xf32> to vector<16xf32>
    %add3A_1875 = arith.addf %add3A_1869, %get3A_1874 : vector<16xf32>
    %get3A_1876 = arith.constant 0 : i32
    %get3A_1877 = arith.index_cast %get3A_1876 : i32 to index
    %get3A_1878 = arith.constant 0 : index
    %get3A_1879 = tpu.vector_load %arg31[%get3A_1877, %get3A_1878] {strides = array<i32>} : memref<2x16xf32, #tpu.memory_space<vmem>>, vector<1x16xf32>,
    %get3A_1880 = vector.shape_cast %get3A_1879 : vector<1x16xf32> to vector<16xf32>
    %add3A_1881 = arith.addf %get3A_1880, %add3A_1816 : vector<16xf32>
    %add3A_1882 = arith.addf %add3A_1881, %add3A_1875 : vector<16xf32>
    %add3A_1883 = arith.addf %add3A_1882, %get3A_15 : vector<16xf32>
    %max3A_1884 = arith.constant 0.000000e+00 : f32
    %max3A_1885 = vector.broadcast %max3A_1884 : f32 to vector<16xf32>
    %max3A_1886 = arith.maximumf %add3A_1883, %max3A_1885 : vector<16xf32>
    %get3A_1887 = arith.constant 96 : index
    %get3A_1888 = tpu.vector_load %arg26[%get3A_1887] {strides = array<i32>} : memref<128xf32, #tpu.memory_space<vmem>>, vector<16xf32>,
    %get3A_1889 = vector.shape_cast %get3A_1888 : vector<16xf32> to vector<16xf32>
    %mul3A_1890 = arith.mulf %get3A_20, %get3A_1889 : vector<16xf32>
    %mul3A_1891 = arith.mulf %get3A_25, %max3A_1787 : vector<16xf32>
    %add3A_1892 = arith.addf %mul3A_1890, %mul3A_1891 : vector<16xf32>
    %mul3A_1893 = arith.mulf %get3A_30, %max3A_1886 : vector<16xf32>
    %add3A_1894 = arith.addf %add3A_1892, %mul3A_1893 : vector<16xf32>
    %swap3A_1895 = arith.constant 96 : index
    %swap3A_1896 = tpu.vector_load %arg34[%swap3A_1895] {strides = array<i32>} : memref<128xf32, #tpu.memory_space<vmem>>, vector<16xf32>,
    %swap3A_1897 = vector.shape_cast %swap3A_1896 : vector<16xf32> to vector<16xf32>
    %swap3A_1898 = vector.shape_cast %max3A_1787 : vector<16xf32> to vector<16xf32>
    tpu.vector_store %arg34[%swap3A_1895], %swap3A_1898 {strides = array<i32>} : memref<128xf32, #tpu.memory_space<vmem>>, vector<16xf32>,
    %swap3A_1899 = arith.constant 96 : index
    %swap3A_1900 = tpu.vector_load %arg35[%swap3A_1899] {strides = array<i32>} : memref<128xf32, #tpu.memory_space<vmem>>, vector<16xf32>,
    %swap3A_1901 = vector.shape_cast %swap3A_1900 : vector<16xf32> to vector<16xf32>
    %swap3A_1902 = vector.shape_cast %max3A_1886 : vector<16xf32> to vector<16xf32>
    tpu.vector_store %arg35[%swap3A_1899], %swap3A_1902 {strides = array<i32>} : memref<128xf32, #tpu.memory_space<vmem>>, vector<16xf32>,
    %swap3A_1903 = arith.constant 96 : index
    %swap3A_1904 = tpu.vector_load %arg36[%swap3A_1903] {strides = array<i32>} : memref<128xf32, #tpu.memory_space<vmem>>, vector<16xf32>,
    %swap3A_1905 = vector.shape_cast %swap3A_1904 : vector<16xf32> to vector<16xf32>
    %swap3A_1906 = vector.shape_cast %add3A_1894 : vector<16xf32> to vector<16xf32>
    tpu.vector_store %arg36[%swap3A_1903], %swap3A_1906 {strides = array<i32>} : memref<128xf32, #tpu.memory_space<vmem>>, vector<16xf32>,
    %dma_wait3A_1907 = arith.constant 1 : i32
    %dma_wait3A_1908 = arith.constant 0 : i32
    %dma_wait3A_1909 = tpu.memref_slice %arg28[%dma_wait3A_1907, %dma_wait3A_1908] : memref<2x16xf32, #tpu.memory_space<vmem>> -> memref<1x16xf32, #tpu.memory_space<vmem>>
    %dma_wait3A_1910 = tpu.memref_squeeze %dma_wait3A_1909 : memref<1x16xf32, #tpu.memory_space<vmem>> -> memref<16xf32, #tpu.memory_space<vmem>>
    %dma_wait3A_1911 = arith.constant 112 : i32
    %dma_wait3A_1912 = tpu.memref_slice %arg20[%dma_wait3A_1911] : memref<128xi32, #tpu.memory_space<vmem>> -> memref<16xi32, #tpu.memory_space<vmem>>
    %dma_wait3A_1913 = arith.constant 0 : i32
    %dma_wait3A_1914 = tpu.memref_slice %arg10[%dma_wait3A_1913] : memref<1000000xf32, #tpu.memory_space<hbm>> -> memref<1000000xf32, #tpu.memory_space<hbm>>
    tpu.wait_indirect_dma semaphore(%arg38 : memref<!tpu.dma_semaphore, #tpu.memory_space<semaphore_mem>>) src(%dma_wait3A_1914 : memref<1000000xf32, #tpu.memory_space<hbm>>) dst(%dma_wait3A_1910 : memref<16xf32, #tpu.memory_space<vmem>>)
    %dma_wait3A_1915 = arith.constant 1 : i32
    %dma_wait3A_1916 = arith.constant 0 : i32
    %dma_wait3A_1917 = tpu.memref_slice %arg29[%dma_wait3A_1915, %dma_wait3A_1916] : memref<2x16xf32, #tpu.memory_space<vmem>> -> memref<1x16xf32, #tpu.memory_space<vmem>>
    %dma_wait3A_1918 = tpu.memref_squeeze %dma_wait3A_1917 : memref<1x16xf32, #tpu.memory_space<vmem>> -> memref<16xf32, #tpu.memory_space<vmem>>
    %dma_wait3A_1919 = arith.constant 112 : i32
    %dma_wait3A_1920 = tpu.memref_slice %arg21[%dma_wait3A_1919] : memref<128xi32, #tpu.memory_space<vmem>> -> memref<16xi32, #tpu.memory_space<vmem>>
    %dma_wait3A_1921 = arith.constant 0 : i32
    %dma_wait3A_1922 = tpu.memref_slice %arg11[%dma_wait3A_1921] : memref<36501xf32, #tpu.memory_space<hbm>> -> memref<36501xf32, #tpu.memory_space<hbm>>
    tpu.wait_indirect_dma semaphore(%arg38 : memref<!tpu.dma_semaphore, #tpu.memory_space<semaphore_mem>>) src(%dma_wait3A_1922 : memref<36501xf32, #tpu.memory_space<hbm>>) dst(%dma_wait3A_1918 : memref<16xf32, #tpu.memory_space<vmem>>)
    %dma_wait3A_1923 = arith.constant 1 : i32
    %dma_wait3A_1924 = arith.constant 0 : i32
    %dma_wait3A_1925 = tpu.memref_slice %arg30[%dma_wait3A_1923, %dma_wait3A_1924] : memref<2x16xf32, #tpu.memory_space<vmem>> -> memref<1x16xf32, #tpu.memory_space<vmem>>
    %dma_wait3A_1926 = tpu.memref_squeeze %dma_wait3A_1925 : memref<1x16xf32, #tpu.memory_space<vmem>> -> memref<16xf32, #tpu.memory_space<vmem>>
    %dma_wait3A_1927 = arith.constant 112 : i32
    %dma_wait3A_1928 = tpu.memref_slice %arg22[%dma_wait3A_1927] : memref<128xi32, #tpu.memory_space<vmem>> -> memref<16xi32, #tpu.memory_space<vmem>>
    %dma_wait3A_1929 = arith.constant 0 : i32
    %dma_wait3A_1930 = tpu.memref_slice %arg12[%dma_wait3A_1929] : memref<36501xf32, #tpu.memory_space<hbm>> -> memref<36501xf32, #tpu.memory_space<hbm>>
    tpu.wait_indirect_dma semaphore(%arg38 : memref<!tpu.dma_semaphore, #tpu.memory_space<semaphore_mem>>) src(%dma_wait3A_1930 : memref<36501xf32, #tpu.memory_space<hbm>>) dst(%dma_wait3A_1926 : memref<16xf32, #tpu.memory_space<vmem>>)
    %dma_wait3A_1931 = arith.constant 1 : i32
    %dma_wait3A_1932 = arith.constant 0 : i32
    %dma_wait3A_1933 = tpu.memref_slice %arg31[%dma_wait3A_1931, %dma_wait3A_1932] : memref<2x16xf32, #tpu.memory_space<vmem>> -> memref<1x16xf32, #tpu.memory_space<vmem>>
    %dma_wait3A_1934 = tpu.memref_squeeze %dma_wait3A_1933 : memref<1x16xf32, #tpu.memory_space<vmem>> -> memref<16xf32, #tpu.memory_space<vmem>>
    %dma_wait3A_1935 = arith.constant 112 : i32
    %dma_wait3A_1936 = tpu.memref_slice %arg23[%dma_wait3A_1935] : memref<128xi32, #tpu.memory_space<vmem>> -> memref<16xi32, #tpu.memory_space<vmem>>
    %dma_wait3A_1937 = arith.constant 0 : i32
    %dma_wait3A_1938 = tpu.memref_slice %arg14[%dma_wait3A_1937] : memref<10000xf32, #tpu.memory_space<hbm>> -> memref<10000xf32, #tpu.memory_space<hbm>>
    tpu.wait_indirect_dma semaphore(%arg38 : memref<!tpu.dma_semaphore, #tpu.memory_space<semaphore_mem>>) src(%dma_wait3A_1938 : memref<10000xf32, #tpu.memory_space<hbm>>) dst(%dma_wait3A_1934 : memref<16xf32, #tpu.memory_space<vmem>>)
    %dma_wait3A_1939 = arith.constant 1 : i32
    %dma_wait3A_1940 = arith.constant 0 : i32
    %dma_wait3A_1941 = tpu.memref_slice %arg32[%dma_wait3A_1939, %dma_wait3A_1940] : memref<2x80xf32, #tpu.memory_space<vmem>> -> memref<1x80xf32, #tpu.memory_space<vmem>>
    %dma_wait3A_1942 = tpu.memref_squeeze %dma_wait3A_1941 : memref<1x80xf32, #tpu.memory_space<vmem>> -> memref<80xf32, #tpu.memory_space<vmem>>
    %dma_wait3A_1943 = arith.constant 560 : i32
    %dma_wait3A_1944 = tpu.memref_slice %arg24[%dma_wait3A_1943] : memref<640xi32, #tpu.memory_space<vmem>> -> memref<80xi32, #tpu.memory_space<vmem>>
    %dma_wait3A_1945 = arith.constant 0 : i32
    %dma_wait3A_1946 = tpu.memref_slice %arg13[%dma_wait3A_1945] : memref<1000xf32, #tpu.memory_space<hbm>> -> memref<1000xf32, #tpu.memory_space<hbm>>
    tpu.wait_indirect_dma semaphore(%arg38 : memref<!tpu.dma_semaphore, #tpu.memory_space<semaphore_mem>>) src(%dma_wait3A_1946 : memref<1000xf32, #tpu.memory_space<hbm>>) dst(%dma_wait3A_1942 : memref<80xf32, #tpu.memory_space<vmem>>)
    %dma_wait3A_1947 = arith.constant 1 : i32
    %dma_wait3A_1948 = arith.constant 0 : i32
    %dma_wait3A_1949 = tpu.memref_slice %arg33[%dma_wait3A_1947, %dma_wait3A_1948] : memref<2x160xf32, #tpu.memory_space<vmem>> -> memref<1x160xf32, #tpu.memory_space<vmem>>
    %dma_wait3A_1950 = tpu.memref_squeeze %dma_wait3A_1949 : memref<1x160xf32, #tpu.memory_space<vmem>> -> memref<160xf32, #tpu.memory_space<vmem>>
    %dma_wait3A_1951 = arith.constant 0 : i32
    %dma_wait3A_1952 = tpu.memref_slice %dma_wait3A_1950[%dma_wait3A_1951] : memref<160xf32, #tpu.memory_space<vmem>> -> memref<80xf32, #tpu.memory_space<vmem>>
    %dma_wait3A_1953 = arith.constant 1120 : i32
    %dma_wait3A_1954 = tpu.memref_slice %arg25[%dma_wait3A_1953] : memref<1280xi32, #tpu.memory_space<vmem>> -> memref<80xi32, #tpu.memory_space<vmem>>
    %dma_wait3A_1955 = arith.constant 0 : i32
    %dma_wait3A_1956 = tpu.memref_slice %arg15[%dma_wait3A_1955] : memref<100000xf32, #tpu.memory_space<hbm>> -> memref<100000xf32, #tpu.memory_space<hbm>>
    tpu.wait_indirect_dma semaphore(%arg38 : memref<!tpu.dma_semaphore, #tpu.memory_space<semaphore_mem>>) src(%dma_wait3A_1956 : memref<100000xf32, #tpu.memory_space<hbm>>) dst(%dma_wait3A_1952 : memref<80xf32, #tpu.memory_space<vmem>>)
    %dma_wait3A_1957 = arith.constant 1 : i32
    %dma_wait3A_1958 = arith.constant 0 : i32
    %dma_wait3A_1959 = tpu.memref_slice %arg33[%dma_wait3A_1957, %dma_wait3A_1958] : memref<2x160xf32, #tpu.memory_space<vmem>> -> memref<1x160xf32, #tpu.memory_space<vmem>>
    %dma_wait3A_1960 = tpu.memref_squeeze %dma_wait3A_1959 : memref<1x160xf32, #tpu.memory_space<vmem>> -> memref<160xf32, #tpu.memory_space<vmem>>
    %dma_wait3A_1961 = arith.constant 80 : i32
    %dma_wait3A_1962 = tpu.memref_slice %dma_wait3A_1960[%dma_wait3A_1961] : memref<160xf32, #tpu.memory_space<vmem>> -> memref<80xf32, #tpu.memory_space<vmem>>
    %dma_wait3A_1963 = arith.constant 1200 : i32
    %dma_wait3A_1964 = tpu.memref_slice %arg25[%dma_wait3A_1963] : memref<1280xi32, #tpu.memory_space<vmem>> -> memref<80xi32, #tpu.memory_space<vmem>>
    %dma_wait3A_1965 = arith.constant 0 : i32
    %dma_wait3A_1966 = tpu.memref_slice %arg15[%dma_wait3A_1965] : memref<100000xf32, #tpu.memory_space<hbm>> -> memref<100000xf32, #tpu.memory_space<hbm>>
    tpu.wait_indirect_dma semaphore(%arg38 : memref<!tpu.dma_semaphore, #tpu.memory_space<semaphore_mem>>) src(%dma_wait3A_1966 : memref<100000xf32, #tpu.memory_space<hbm>>) dst(%dma_wait3A_1962 : memref<80xf32, #tpu.memory_space<vmem>>)
    %get3A_1967 = arith.constant 1 : i32
    %get3A_1968 = arith.index_cast %get3A_1967 : i32 to index
    %get3A_1969 = arith.constant 0 : index
    %get3A_1970 = tpu.vector_load %arg28[%get3A_1968, %get3A_1969] {strides = array<i32>} : memref<2x16xf32, #tpu.memory_space<vmem>>, vector<1x16xf32>,
    %get3A_1971 = vector.shape_cast %get3A_1970 : vector<1x16xf32> to vector<16xf32>
    %get3A_1972 = arith.constant 1 : i32
    %get3A_1973 = arith.index_cast %get3A_1972 : i32 to index
    %get3A_1974 = arith.constant 0 : index
    %get3A_1975 = tpu.vector_load %arg29[%get3A_1973, %get3A_1974] {strides = array<i32>} : memref<2x16xf32, #tpu.memory_space<vmem>>, vector<1x16xf32>,
    %get3A_1976 = vector.shape_cast %get3A_1975 : vector<1x16xf32> to vector<16xf32>
    %add3A_1977 = arith.addf %get3A_1971, %get3A_1976 : vector<16xf32>
    %get3A_1978 = arith.constant 1 : i32
    %get3A_1979 = arith.index_cast %get3A_1978 : i32 to index
    %get3A_1980 = arith.constant 0 : index
    %get3A_1981 = tpu.vector_load %arg30[%get3A_1979, %get3A_1980] {strides = array<i32>} : memref<2x16xf32, #tpu.memory_space<vmem>>, vector<1x16xf32>,
    %get3A_1982 = vector.shape_cast %get3A_1981 : vector<1x16xf32> to vector<16xf32>
    %add3A_1983 = arith.addf %add3A_1977, %get3A_1982 : vector<16xf32>
    %add3A_1984 = arith.addf %add3A_1983, %get3A_10 : vector<16xf32>
    %max3A_1985 = arith.constant 0.000000e+00 : f32
    %max3A_1986 = vector.broadcast %max3A_1985 : f32 to vector<16xf32>
    %max3A_1987 = arith.maximumf %add3A_1984, %max3A_1986 : vector<16xf32>
    %get3A_1988 = arith.constant 1 : i32
    %get3A_1989 = arith.index_cast %get3A_1988 : i32 to index
    %get3A_1990 = arith.constant 0 : index
    %get3A_1991 = tpu.vector_load %arg32[%get3A_1989, %get3A_1990] {strides = array<i32>} : memref<2x80xf32, #tpu.memory_space<vmem>>, vector<1x16xf32>,
    %get3A_1992 = vector.shape_cast %get3A_1991 : vector<1x16xf32> to vector<16xf32>
    %get3A_1993 = arith.constant 1 : i32
    %get3A_1994 = arith.index_cast %get3A_1993 : i32 to index
    %get3A_1995 = arith.constant 16 : index
    %get3A_1996 = tpu.vector_load %arg32[%get3A_1994, %get3A_1995] {strides = array<i32>} : memref<2x80xf32, #tpu.memory_space<vmem>>, vector<1x16xf32>,
    %get3A_1997 = vector.shape_cast %get3A_1996 : vector<1x16xf32> to vector<16xf32>
    %add3A_1998 = arith.addf %get3A_1992, %get3A_1997 : vector<16xf32>
    %get3A_1999 = arith.constant 1 : i32
    %get3A_2000 = arith.index_cast %get3A_1999 : i32 to index
    %get3A_2001 = arith.constant 32 : index
    %get3A_2002 = tpu.vector_load %arg32[%get3A_2000, %get3A_2001] {strides = array<i32>} : memref<2x80xf32, #tpu.memory_space<vmem>>, vector<1x16xf32>,
    %get3A_2003 = vector.shape_cast %get3A_2002 : vector<1x16xf32> to vector<16xf32>
    %add3A_2004 = arith.addf %add3A_1998, %get3A_2003 : vector<16xf32>
    %get3A_2005 = arith.constant 1 : i32
    %get3A_2006 = arith.index_cast %get3A_2005 : i32 to index
    %get3A_2007 = arith.constant 48 : index
    %get3A_2008 = tpu.vector_load %arg32[%get3A_2006, %get3A_2007] {strides = array<i32>} : memref<2x80xf32, #tpu.memory_space<vmem>>, vector<1x16xf32>,
    %get3A_2009 = vector.shape_cast %get3A_2008 : vector<1x16xf32> to vector<16xf32>
    %add3A_2010 = arith.addf %add3A_2004, %get3A_2009 : vector<16xf32>
    %get3A_2011 = arith.constant 1 : i32
    %get3A_2012 = arith.index_cast %get3A_2011 : i32 to index
    %get3A_2013 = arith.constant 64 : index
    %get3A_2014 = tpu.vector_load %arg32[%get3A_2012, %get3A_2013] {strides = array<i32>} : memref<2x80xf32, #tpu.memory_space<vmem>>, vector<1x16xf32>,
    %get3A_2015 = vector.shape_cast %get3A_2014 : vector<1x16xf32> to vector<16xf32>
    %add3A_2016 = arith.addf %add3A_2010, %get3A_2015 : vector<16xf32>
    %get3A_2017 = arith.constant 1 : i32
    %get3A_2018 = arith.index_cast %get3A_2017 : i32 to index
    %get3A_2019 = arith.constant 0 : index
    %get3A_2020 = tpu.vector_load %arg33[%get3A_2018, %get3A_2019] {strides = array<i32>} : memref<2x160xf32, #tpu.memory_space<vmem>>, vector<1x16xf32>,
    %get3A_2021 = vector.shape_cast %get3A_2020 : vector<1x16xf32> to vector<16xf32>
    %get3A_2022 = arith.constant 1 : i32
    %get3A_2023 = arith.index_cast %get3A_2022 : i32 to index
    %get3A_2024 = arith.constant 16 : index
    %get3A_2025 = tpu.vector_load %arg33[%get3A_2023, %get3A_2024] {strides = array<i32>} : memref<2x160xf32, #tpu.memory_space<vmem>>, vector<1x16xf32>,
    %get3A_2026 = vector.shape_cast %get3A_2025 : vector<1x16xf32> to vector<16xf32>
    %add3A_2027 = arith.addf %get3A_2021, %get3A_2026 : vector<16xf32>
    %get3A_2028 = arith.constant 1 : i32
    %get3A_2029 = arith.index_cast %get3A_2028 : i32 to index
    %get3A_2030 = arith.constant 32 : index
    %get3A_2031 = tpu.vector_load %arg33[%get3A_2029, %get3A_2030] {strides = array<i32>} : memref<2x160xf32, #tpu.memory_space<vmem>>, vector<1x16xf32>,
    %get3A_2032 = vector.shape_cast %get3A_2031 : vector<1x16xf32> to vector<16xf32>
    %add3A_2033 = arith.addf %add3A_2027, %get3A_2032 : vector<16xf32>
    %get3A_2034 = arith.constant 1 : i32
    %get3A_2035 = arith.index_cast %get3A_2034 : i32 to index
    %get3A_2036 = arith.constant 48 : index
    %get3A_2037 = tpu.vector_load %arg33[%get3A_2035, %get3A_2036] {strides = array<i32>} : memref<2x160xf32, #tpu.memory_space<vmem>>, vector<1x16xf32>,
    %get3A_2038 = vector.shape_cast %get3A_2037 : vector<1x16xf32> to vector<16xf32>
    %add3A_2039 = arith.addf %add3A_2033, %get3A_2038 : vector<16xf32>
    %get3A_2040 = arith.constant 1 : i32
    %get3A_2041 = arith.index_cast %get3A_2040 : i32 to index
    %get3A_2042 = arith.constant 64 : index
    %get3A_2043 = tpu.vector_load %arg33[%get3A_2041, %get3A_2042] {strides = array<i32>} : memref<2x160xf32, #tpu.memory_space<vmem>>, vector<1x16xf32>,
    %get3A_2044 = vector.shape_cast %get3A_2043 : vector<1x16xf32> to vector<16xf32>
    %add3A_2045 = arith.addf %add3A_2039, %get3A_2044 : vector<16xf32>
    %get3A_2046 = arith.constant 1 : i32
    %get3A_2047 = arith.index_cast %get3A_2046 : i32 to index
    %get3A_2048 = arith.constant 80 : index
    %get3A_2049 = tpu.vector_load %arg33[%get3A_2047, %get3A_2048] {strides = array<i32>} : memref<2x160xf32, #tpu.memory_space<vmem>>, vector<1x16xf32>,
    %get3A_2050 = vector.shape_cast %get3A_2049 : vector<1x16xf32> to vector<16xf32>
    %add3A_2051 = arith.addf %add3A_2045, %get3A_2050 : vector<16xf32>
    %get3A_2052 = arith.constant 1 : i32
    %get3A_2053 = arith.index_cast %get3A_2052 : i32 to index
    %get3A_2054 = arith.constant 96 : index
    %get3A_2055 = tpu.vector_load %arg33[%get3A_2053, %get3A_2054] {strides = array<i32>} : memref<2x160xf32, #tpu.memory_space<vmem>>, vector<1x16xf32>,
    %get3A_2056 = vector.shape_cast %get3A_2055 : vector<1x16xf32> to vector<16xf32>
    %add3A_2057 = arith.addf %add3A_2051, %get3A_2056 : vector<16xf32>
    %get3A_2058 = arith.constant 1 : i32
    %get3A_2059 = arith.index_cast %get3A_2058 : i32 to index
    %get3A_2060 = arith.constant 112 : index
    %get3A_2061 = tpu.vector_load %arg33[%get3A_2059, %get3A_2060] {strides = array<i32>} : memref<2x160xf32, #tpu.memory_space<vmem>>, vector<1x16xf32>,
    %get3A_2062 = vector.shape_cast %get3A_2061 : vector<1x16xf32> to vector<16xf32>
    %add3A_2063 = arith.addf %add3A_2057, %get3A_2062 : vector<16xf32>
    %get3A_2064 = arith.constant 1 : i32
    %get3A_2065 = arith.index_cast %get3A_2064 : i32 to index
    %get3A_2066 = arith.constant 128 : index
    %get3A_2067 = tpu.vector_load %arg33[%get3A_2065, %get3A_2066] {strides = array<i32>} : memref<2x160xf32, #tpu.memory_space<vmem>>, vector<1x16xf32>,
    %get3A_2068 = vector.shape_cast %get3A_2067 : vector<1x16xf32> to vector<16xf32>
    %add3A_2069 = arith.addf %add3A_2063, %get3A_2068 : vector<16xf32>
    %get3A_2070 = arith.constant 1 : i32
    %get3A_2071 = arith.index_cast %get3A_2070 : i32 to index
    %get3A_2072 = arith.constant 144 : index
    %get3A_2073 = tpu.vector_load %arg33[%get3A_2071, %get3A_2072] {strides = array<i32>} : memref<2x160xf32, #tpu.memory_space<vmem>>, vector<1x16xf32>,
    %get3A_2074 = vector.shape_cast %get3A_2073 : vector<1x16xf32> to vector<16xf32>
    %add3A_2075 = arith.addf %add3A_2069, %get3A_2074 : vector<16xf32>
    %get3A_2076 = arith.constant 1 : i32
    %get3A_2077 = arith.index_cast %get3A_2076 : i32 to index
    %get3A_2078 = arith.constant 0 : index
    %get3A_2079 = tpu.vector_load %arg31[%get3A_2077, %get3A_2078] {strides = array<i32>} : memref<2x16xf32, #tpu.memory_space<vmem>>, vector<1x16xf32>,
    %get3A_2080 = vector.shape_cast %get3A_2079 : vector<1x16xf32> to vector<16xf32>
    %add3A_2081 = arith.addf %get3A_2080, %add3A_2016 : vector<16xf32>
    %add3A_2082 = arith.addf %add3A_2081, %add3A_2075 : vector<16xf32>
    %add3A_2083 = arith.addf %add3A_2082, %get3A_15 : vector<16xf32>
    %max3A_2084 = arith.constant 0.000000e+00 : f32
    %max3A_2085 = vector.broadcast %max3A_2084 : f32 to vector<16xf32>
    %max3A_2086 = arith.maximumf %add3A_2083, %max3A_2085 : vector<16xf32>
    %get3A_2087 = arith.constant 112 : index
    %get3A_2088 = tpu.vector_load %arg26[%get3A_2087] {strides = array<i32>} : memref<128xf32, #tpu.memory_space<vmem>>, vector<16xf32>,
    %get3A_2089 = vector.shape_cast %get3A_2088 : vector<16xf32> to vector<16xf32>
    %mul3A_2090 = arith.mulf %get3A_20, %get3A_2089 : vector<16xf32>
    %mul3A_2091 = arith.mulf %get3A_25, %max3A_1987 : vector<16xf32>
    %add3A_2092 = arith.addf %mul3A_2090, %mul3A_2091 : vector<16xf32>
    %mul3A_2093 = arith.mulf %get3A_30, %max3A_2086 : vector<16xf32>
    %add3A_2094 = arith.addf %add3A_2092, %mul3A_2093 : vector<16xf32>
    %swap3A_2095 = arith.constant 112 : index
    %swap3A_2096 = tpu.vector_load %arg34[%swap3A_2095] {strides = array<i32>} : memref<128xf32, #tpu.memory_space<vmem>>, vector<16xf32>,
    %swap3A_2097 = vector.shape_cast %swap3A_2096 : vector<16xf32> to vector<16xf32>
    %swap3A_2098 = vector.shape_cast %max3A_1987 : vector<16xf32> to vector<16xf32>
    tpu.vector_store %arg34[%swap3A_2095], %swap3A_2098 {strides = array<i32>} : memref<128xf32, #tpu.memory_space<vmem>>, vector<16xf32>,
    %swap3A_2099 = arith.constant 112 : index
    %swap3A_2100 = tpu.vector_load %arg35[%swap3A_2099] {strides = array<i32>} : memref<128xf32, #tpu.memory_space<vmem>>, vector<16xf32>,
    %swap3A_2101 = vector.shape_cast %swap3A_2100 : vector<16xf32> to vector<16xf32>
    %swap3A_2102 = vector.shape_cast %max3A_2086 : vector<16xf32> to vector<16xf32>
    tpu.vector_store %arg35[%swap3A_2099], %swap3A_2102 {strides = array<i32>} : memref<128xf32, #tpu.memory_space<vmem>>, vector<16xf32>,
    %swap3A_2103 = arith.constant 112 : index
    %swap3A_2104 = tpu.vector_load %arg36[%swap3A_2103] {strides = array<i32>} : memref<128xf32, #tpu.memory_space<vmem>>, vector<16xf32>,
    %swap3A_2105 = vector.shape_cast %swap3A_2104 : vector<16xf32> to vector<16xf32>
    %swap3A_2106 = vector.shape_cast %add3A_2094 : vector<16xf32> to vector<16xf32>
    tpu.vector_store %arg36[%swap3A_2103], %swap3A_2106 {strides = array<i32>} : memref<128xf32, #tpu.memory_space<vmem>>, vector<16xf32>,
    "tpu.region"() ({
      %run_scoped3A = tpu.sem_alloc : memref<!tpu.dma_semaphore, #tpu.memory_space<semaphore_mem>>
      %dma_start3A_2107 = tpu.memref_slice %arg16[%mul3A_2] : memref<4096xf32, #tpu.memory_space<hbm>> -> memref<128xf32, #tpu.memory_space<hbm>>
      %dma_start3A_2108 = tpu.memref_slice %arg16[%mul3A_2] : memref<4096xf32, #tpu.memory_space<hbm>> -> memref<128xf32, #tpu.memory_space<hbm>>
      tpu.enqueue_dma source(%arg26 : memref<128xf32, #tpu.memory_space<vmem>>) target(%dma_start3A_2108 : memref<128xf32, #tpu.memory_space<hbm>>) target_semaphore(%run_scoped3A : memref<!tpu.dma_semaphore, #tpu.memory_space<semaphore_mem>>)
      %dma_wait3A_2109 = tpu.memref_slice %arg16[%mul3A_2] : memref<4096xf32, #tpu.memory_space<hbm>> -> memref<128xf32, #tpu.memory_space<hbm>>
      %dma_wait3A_2110 = tpu.memref_slice %arg16[%mul3A_2] : memref<4096xf32, #tpu.memory_space<hbm>> -> memref<128xf32, #tpu.memory_space<hbm>>
      tpu.wait_dma2 semaphore(%run_scoped3A : memref<!tpu.dma_semaphore, #tpu.memory_space<semaphore_mem>>) src(%arg26 : memref<128xf32, #tpu.memory_space<vmem>>) dst(%dma_wait3A_2110 : memref<128xf32, #tpu.memory_space<hbm>>)
      tpu.yield
    }) : () -> ()
    "tpu.region"() ({
      %run_scoped3A = tpu.sem_alloc : memref<!tpu.dma_semaphore, #tpu.memory_space<semaphore_mem>>
      %dma_start3A_2107 = tpu.memref_slice %arg17[%mul3A_2] : memref<4096xf32, #tpu.memory_space<hbm>> -> memref<128xf32, #tpu.memory_space<hbm>>
      %dma_start3A_2108 = tpu.memref_slice %arg17[%mul3A_2] : memref<4096xf32, #tpu.memory_space<hbm>> -> memref<128xf32, #tpu.memory_space<hbm>>
      tpu.enqueue_dma source(%arg34 : memref<128xf32, #tpu.memory_space<vmem>>) target(%dma_start3A_2108 : memref<128xf32, #tpu.memory_space<hbm>>) target_semaphore(%run_scoped3A : memref<!tpu.dma_semaphore, #tpu.memory_space<semaphore_mem>>)
      %dma_wait3A_2109 = tpu.memref_slice %arg17[%mul3A_2] : memref<4096xf32, #tpu.memory_space<hbm>> -> memref<128xf32, #tpu.memory_space<hbm>>
      %dma_wait3A_2110 = tpu.memref_slice %arg17[%mul3A_2] : memref<4096xf32, #tpu.memory_space<hbm>> -> memref<128xf32, #tpu.memory_space<hbm>>
      tpu.wait_dma2 semaphore(%run_scoped3A : memref<!tpu.dma_semaphore, #tpu.memory_space<semaphore_mem>>) src(%arg34 : memref<128xf32, #tpu.memory_space<vmem>>) dst(%dma_wait3A_2110 : memref<128xf32, #tpu.memory_space<hbm>>)
      tpu.yield
    }) : () -> ()
    "tpu.region"() ({
      %run_scoped3A = tpu.sem_alloc : memref<!tpu.dma_semaphore, #tpu.memory_space<semaphore_mem>>
      %dma_start3A_2107 = tpu.memref_slice %arg18[%mul3A_2] : memref<4096xf32, #tpu.memory_space<hbm>> -> memref<128xf32, #tpu.memory_space<hbm>>
      %dma_start3A_2108 = tpu.memref_slice %arg18[%mul3A_2] : memref<4096xf32, #tpu.memory_space<hbm>> -> memref<128xf32, #tpu.memory_space<hbm>>
      tpu.enqueue_dma source(%arg35 : memref<128xf32, #tpu.memory_space<vmem>>) target(%dma_start3A_2108 : memref<128xf32, #tpu.memory_space<hbm>>) target_semaphore(%run_scoped3A : memref<!tpu.dma_semaphore, #tpu.memory_space<semaphore_mem>>)
      %dma_wait3A_2109 = tpu.memref_slice %arg18[%mul3A_2] : memref<4096xf32, #tpu.memory_space<hbm>> -> memref<128xf32, #tpu.memory_space<hbm>>
      %dma_wait3A_2110 = tpu.memref_slice %arg18[%mul3A_2] : memref<4096xf32, #tpu.memory_space<hbm>> -> memref<128xf32, #tpu.memory_space<hbm>>
      tpu.wait_dma2 semaphore(%run_scoped3A : memref<!tpu.dma_semaphore, #tpu.memory_space<semaphore_mem>>) src(%arg35 : memref<128xf32, #tpu.memory_space<vmem>>) dst(%dma_wait3A_2110 : memref<128xf32, #tpu.memory_space<hbm>>)
      tpu.yield
    }) : () -> ()
    "tpu.region"() ({
      %run_scoped3A = tpu.sem_alloc : memref<!tpu.dma_semaphore, #tpu.memory_space<semaphore_mem>>
      %dma_start3A_2107 = tpu.memref_slice %arg19[%mul3A_2] : memref<4096xf32, #tpu.memory_space<hbm>> -> memref<128xf32, #tpu.memory_space<hbm>>
      %dma_start3A_2108 = tpu.memref_slice %arg19[%mul3A_2] : memref<4096xf32, #tpu.memory_space<hbm>> -> memref<128xf32, #tpu.memory_space<hbm>>
      tpu.enqueue_dma source(%arg36 : memref<128xf32, #tpu.memory_space<vmem>>) target(%dma_start3A_2108 : memref<128xf32, #tpu.memory_space<hbm>>) target_semaphore(%run_scoped3A : memref<!tpu.dma_semaphore, #tpu.memory_space<semaphore_mem>>)
      %dma_wait3A_2109 = tpu.memref_slice %arg19[%mul3A_2] : memref<4096xf32, #tpu.memory_space<hbm>> -> memref<128xf32, #tpu.memory_space<hbm>>
      %dma_wait3A_2110 = tpu.memref_slice %arg19[%mul3A_2] : memref<4096xf32, #tpu.memory_space<hbm>> -> memref<128xf32, #tpu.memory_space<hbm>>
      tpu.wait_dma2 semaphore(%run_scoped3A : memref<!tpu.dma_semaphore, #tpu.memory_space<semaphore_mem>>) src(%arg36 : memref<128xf32, #tpu.memory_space<vmem>>) dst(%dma_wait3A_2110 : memref<128xf32, #tpu.memory_space<hbm>>)
      tpu.yield
    }) : () -> ()
    return
  }
}

module attributes {stable_mosaic.version = 14 : i64} {
  func.func @_tc_body1(%arg0: i32, %arg1: memref<64x1024xf32, #tpu.memory_space<vmem>>, %arg2: memref<8x64xf32, #tpu.memory_space<vmem>>, %arg3: memref<1024xf32, #tpu.memory_space<vmem>>) attributes {dimension_semantics = [#tpu.dimension_semantics<arbitrary>], iteration_bounds = array<i64: 1>, scalar_prefetch = 0 : i64, scratch_operands = 0 : i64, tpu.core_type = #tpu.core_type<tc>, window_params = [{transform_indices = @transform_0, window_bounds = array<i64: 64, 1024>}, {pipeline_mode = #tpu.pipeline_mode<synchronous>, transform_indices = @transform_1, window_bounds = array<i64: 8, 64>}, {transform_indices = @transform_2, window_bounds = array<i64: 1024>}]} {
    %get3A = arith.constant 0 : index
    %get3A_0 = arith.constant 0 : index
    %get3A_1 = vector.load %arg2[%get3A, %get3A_0] : memref<8x64xf32, #tpu.memory_space<vmem>>, vector<8x64xf32>
    %get3A_2 = arith.constant 0 : index
    %get3A_3 = arith.constant 0 : index
    %get3A_4 = vector.load %arg1[%get3A_2, %get3A_3] : memref<64x1024xf32, #tpu.memory_space<vmem>>, vector<64x1024xf32>
    %dot_general3A = arith.constant dense<0.000000e+00> : vector<8x1024xf32>
    %dot_general3A_5 = tpu.matmul %get3A_1, %get3A_4, %dot_general3A {dimension_numbers = #tpu.dot_dimension_numbers<[1], [0], [0], [1], [0, 0, 1, 1], [], []>, precision = #tpu.contract_precision<fp32>, transpose_lhs_hint = false} : vector<8x64xf32>, vector<64x1024xf32>, vector<8x1024xf32> -> vector<8x1024xf32>
    %slice3A = vector.extract_strided_slice %dot_general3A_5 {offsets = [0, 0], sizes = [1, 1024], strides = [1, 1]} : vector<8x1024xf32> to vector<1x1024xf32>
    %squeeze3A = vector.shape_cast %slice3A : vector<1x1024xf32> to vector<1024xf32>
    %swap3A = arith.constant 0 : index
    %swap3A_6 = vector.load %arg3[%swap3A] : memref<1024xf32, #tpu.memory_space<vmem>>, vector<1024xf32>
    tpu.vector_store %arg3[%swap3A], %squeeze3A {strides = array<i32>} : memref<1024xf32, #tpu.memory_space<vmem>>, vector<1024xf32>,
    return
  }
  func.func @transform_0(%arg0: i32) -> (i32, i32) {
    %c0_i32 = arith.constant 0 : i32
    %c0_i32_0 = arith.constant 0 : i32
    return %c0_i32, %arg0 : i32, i32
  }
  func.func @transform_1(%arg0: i32) -> (i32, i32) {
    %c0_i32 = arith.constant 0 : i32
    %c0_i32_0 = arith.constant 0 : i32
    %c0_i32_1 = arith.constant 0 : i32
    return %c0_i32, %c0_i32_0 : i32, i32
  }
  func.func @transform_2(%arg0: i32) -> i32 {
    %c0_i32 = arith.constant 0 : i32
    return %arg0 : i32
  }
}

module attributes {stable_mosaic.version = 14 : i64} {
  func.func @_tc_body1(%arg0: i32, %arg1: memref<64x8192xf32, #tpu.memory_space<vmem>>, %arg2: memref<8x64xf32, #tpu.memory_space<vmem>>, %arg3: memref<8192xf32, #tpu.memory_space<vmem>>) attributes {dimension_semantics = [#tpu.dimension_semantics<arbitrary>], iteration_bounds = array<i64: 2>, scalar_prefetch = 0 : i64, scratch_operands = 0 : i64, tpu.core_type = #tpu.core_type<tc>, window_params = [{transform_indices = @transform_0, window_bounds = array<i64: 64, 8192>}, {pipeline_mode = #tpu.pipeline_mode<synchronous>, transform_indices = @transform_1, window_bounds = array<i64: 8, 64>}, {transform_indices = @transform_2, window_bounds = array<i64: 8192>}]} {
    %get3A = arith.constant 0 : index
    %get3A_0 = arith.constant 0 : index
    %get3A_1 = vector.load %arg2[%get3A, %get3A_0] : memref<8x64xf32, #tpu.memory_space<vmem>>, vector<8x64xf32>
    %get3A_2 = arith.constant 0 : index
    %get3A_3 = arith.constant 0 : index
    %get3A_4 = vector.load %arg1[%get3A_2, %get3A_3] : memref<64x8192xf32, #tpu.memory_space<vmem>>, vector<64x8192xf32>
    %dot_general3A = arith.constant dense<0.000000e+00> : vector<8x8192xf32>
    %dot_general3A_5 = tpu.matmul %get3A_1, %get3A_4, %dot_general3A {dimension_numbers = #tpu.dot_dimension_numbers<[1], [0], [0], [1], [0, 0, 1, 1], [], []>, precision = #tpu.contract_precision<fp32>, transpose_lhs_hint = false} : vector<8x64xf32>, vector<64x8192xf32>, vector<8x8192xf32> -> vector<8x8192xf32>
    %slice3A = vector.extract_strided_slice %dot_general3A_5 {offsets = [0, 0], sizes = [1, 8192], strides = [1, 1]} : vector<8x8192xf32> to vector<1x8192xf32>
    %squeeze3A = vector.shape_cast %slice3A : vector<1x8192xf32> to vector<8192xf32>
    %swap3A = arith.constant 0 : index
    %swap3A_6 = vector.load %arg3[%swap3A] : memref<8192xf32, #tpu.memory_space<vmem>>, vector<8192xf32>
    tpu.vector_store %arg3[%swap3A], %squeeze3A {strides = array<i32>} : memref<8192xf32, #tpu.memory_space<vmem>>, vector<8192xf32>,
    return
  }
  func.func @transform_0(%arg0: i32) -> (i32, i32) {
    %c0_i32 = arith.constant 0 : i32
    %c0_i32_0 = arith.constant 0 : i32
    return %c0_i32, %arg0 : i32, i32
  }
  func.func @transform_1(%arg0: i32) -> (i32, i32) {
    %c0_i32 = arith.constant 0 : i32
    %c0_i32_0 = arith.constant 0 : i32
    %c0_i32_1 = arith.constant 0 : i32
    return %c0_i32, %c0_i32_0 : i32, i32
  }
  func.func @transform_2(%arg0: i32) -> i32 {
    %c0_i32 = arith.constant 0 : i32
    return %arg0 : i32
  }
}

module attributes {stable_mosaic.version = 14 : i64} {
  func.func @_tc_body1(%arg0: i32, %arg1: memref<64x8192xf32, #tpu.memory_space<vmem>>, %arg2: memref<8x64xf32, #tpu.memory_space<vmem>>, %arg3: memref<8192xf32, #tpu.memory_space<vmem>>) attributes {dimension_semantics = [#tpu.dimension_semantics<arbitrary>], iteration_bounds = array<i64: 13>, scalar_prefetch = 0 : i64, scratch_operands = 0 : i64, tpu.core_type = #tpu.core_type<tc>, window_params = [{transform_indices = @transform_0, window_bounds = array<i64: 64, 8192>}, {pipeline_mode = #tpu.pipeline_mode<synchronous>, transform_indices = @transform_1, window_bounds = array<i64: 8, 64>}, {transform_indices = @transform_2, window_bounds = array<i64: 8192>}]} {
    %get3A = arith.constant 0 : index
    %get3A_0 = arith.constant 0 : index
    %get3A_1 = vector.load %arg2[%get3A, %get3A_0] : memref<8x64xf32, #tpu.memory_space<vmem>>, vector<8x64xf32>
    %get3A_2 = arith.constant 0 : index
    %get3A_3 = arith.constant 0 : index
    %get3A_4 = vector.load %arg1[%get3A_2, %get3A_3] : memref<64x8192xf32, #tpu.memory_space<vmem>>, vector<64x8192xf32>
    %dot_general3A = arith.constant dense<0.000000e+00> : vector<8x8192xf32>
    %dot_general3A_5 = tpu.matmul %get3A_1, %get3A_4, %dot_general3A {dimension_numbers = #tpu.dot_dimension_numbers<[1], [0], [0], [1], [0, 0, 1, 1], [], []>, precision = #tpu.contract_precision<fp32>, transpose_lhs_hint = false} : vector<8x64xf32>, vector<64x8192xf32>, vector<8x8192xf32> -> vector<8x8192xf32>
    %slice3A = vector.extract_strided_slice %dot_general3A_5 {offsets = [0, 0], sizes = [1, 8192], strides = [1, 1]} : vector<8x8192xf32> to vector<1x8192xf32>
    %squeeze3A = vector.shape_cast %slice3A : vector<1x8192xf32> to vector<8192xf32>
    %swap3A = arith.constant 0 : index
    %swap3A_6 = vector.load %arg3[%swap3A] : memref<8192xf32, #tpu.memory_space<vmem>>, vector<8192xf32>
    tpu.vector_store %arg3[%swap3A], %squeeze3A {strides = array<i32>} : memref<8192xf32, #tpu.memory_space<vmem>>, vector<8192xf32>,
    return
  }
  func.func @transform_0(%arg0: i32) -> (i32, i32) {
    %c0_i32 = arith.constant 0 : i32
    %c0_i32_0 = arith.constant 0 : i32
    return %c0_i32, %arg0 : i32, i32
  }
  func.func @transform_1(%arg0: i32) -> (i32, i32) {
    %c0_i32 = arith.constant 0 : i32
    %c0_i32_0 = arith.constant 0 : i32
    %c0_i32_1 = arith.constant 0 : i32
    return %c0_i32, %c0_i32_0 : i32, i32
  }
  func.func @transform_2(%arg0: i32) -> i32 {
    %c0_i32 = arith.constant 0 : i32
    return %arg0 : i32
  }
}

module attributes {stable_mosaic.version = 14 : i64} {
  func.func @_tc_body1(%arg0: i32, %arg1: memref<64x8192xf32, #tpu.memory_space<vmem>>, %arg2: memref<8x64xf32, #tpu.memory_space<vmem>>, %arg3: memref<8192xf32, #tpu.memory_space<vmem>>) attributes {dimension_semantics = [#tpu.dimension_semantics<arbitrary>], iteration_bounds = array<i64: 123>, scalar_prefetch = 0 : i64, scratch_operands = 0 : i64, tpu.core_type = #tpu.core_type<tc>, window_params = [{transform_indices = @transform_0, window_bounds = array<i64: 64, 8192>}, {pipeline_mode = #tpu.pipeline_mode<synchronous>, transform_indices = @transform_1, window_bounds = array<i64: 8, 64>}, {transform_indices = @transform_2, window_bounds = array<i64: 8192>}]} {
    %get3A = arith.constant 0 : index
    %get3A_0 = arith.constant 0 : index
    %get3A_1 = vector.load %arg2[%get3A, %get3A_0] : memref<8x64xf32, #tpu.memory_space<vmem>>, vector<8x64xf32>
    %get3A_2 = arith.constant 0 : index
    %get3A_3 = arith.constant 0 : index
    %get3A_4 = vector.load %arg1[%get3A_2, %get3A_3] : memref<64x8192xf32, #tpu.memory_space<vmem>>, vector<64x8192xf32>
    %dot_general3A = arith.constant dense<0.000000e+00> : vector<8x8192xf32>
    %dot_general3A_5 = tpu.matmul %get3A_1, %get3A_4, %dot_general3A {dimension_numbers = #tpu.dot_dimension_numbers<[1], [0], [0], [1], [0, 0, 1, 1], [], []>, precision = #tpu.contract_precision<fp32>, transpose_lhs_hint = false} : vector<8x64xf32>, vector<64x8192xf32>, vector<8x8192xf32> -> vector<8x8192xf32>
    %slice3A = vector.extract_strided_slice %dot_general3A_5 {offsets = [0, 0], sizes = [1, 8192], strides = [1, 1]} : vector<8x8192xf32> to vector<1x8192xf32>
    %squeeze3A = vector.shape_cast %slice3A : vector<1x8192xf32> to vector<8192xf32>
    %swap3A = arith.constant 0 : index
    %swap3A_6 = vector.load %arg3[%swap3A] : memref<8192xf32, #tpu.memory_space<vmem>>, vector<8192xf32>
    tpu.vector_store %arg3[%swap3A], %squeeze3A {strides = array<i32>} : memref<8192xf32, #tpu.memory_space<vmem>>, vector<8192xf32>,
    return
  }
  func.func @transform_0(%arg0: i32) -> (i32, i32) {
    %c0_i32 = arith.constant 0 : i32
    %c0_i32_0 = arith.constant 0 : i32
    return %c0_i32, %arg0 : i32, i32
  }
  func.func @transform_1(%arg0: i32) -> (i32, i32) {
    %c0_i32 = arith.constant 0 : i32
    %c0_i32_0 = arith.constant 0 : i32
    %c0_i32_1 = arith.constant 0 : i32
    return %c0_i32, %c0_i32_0 : i32, i32
  }
  func.func @transform_2(%arg0: i32) -> i32 {
    %c0_i32 = arith.constant 0 : i32
    return %arg0 : i32
  }
}

module attributes {stable_mosaic.version = 14 : i64} {
  func.func @_tc_body2(%arg0: i32, %arg1: memref<64x8192xf32, #tpu.memory_space<vmem>>, %arg2: memref<8x64xf32, #tpu.memory_space<vmem>>, %arg3: memref<8x64xf32, #tpu.memory_space<vmem>>, %arg4: memref<8192xf32, #tpu.memory_space<vmem>>, %arg5: memref<8192xf32, #tpu.memory_space<vmem>>) attributes {dimension_semantics = [#tpu.dimension_semantics<arbitrary>], iteration_bounds = array<i64: 5>, scalar_prefetch = 0 : i64, scratch_operands = 0 : i64, tpu.core_type = #tpu.core_type<tc>, window_params = [{transform_indices = @transform_0, window_bounds = array<i64: 64, 8192>}, {pipeline_mode = #tpu.pipeline_mode<synchronous>, transform_indices = @transform_1, window_bounds = array<i64: 8, 64>}, {pipeline_mode = #tpu.pipeline_mode<synchronous>, transform_indices = @transform_2, window_bounds = array<i64: 8, 64>}, {transform_indices = @transform_3, window_bounds = array<i64: 8192>}, {transform_indices = @transform_4, window_bounds = array<i64: 8192>}]} {
    %get3A = arith.constant 0 : index
    %get3A_0 = arith.constant 0 : index
    %get3A_1 = vector.load %arg1[%get3A, %get3A_0] : memref<64x8192xf32, #tpu.memory_space<vmem>>, vector<64x8192xf32>
    %get3A_2 = arith.constant 0 : index
    %get3A_3 = arith.constant 0 : index
    %get3A_4 = vector.load %arg2[%get3A_2, %get3A_3] : memref<8x64xf32, #tpu.memory_space<vmem>>, vector<8x64xf32>
    %dot_general3A = arith.constant dense<0.000000e+00> : vector<8x8192xf32>
    %dot_general3A_5 = tpu.matmul %get3A_4, %get3A_1, %dot_general3A {dimension_numbers = #tpu.dot_dimension_numbers<[1], [0], [0], [1], [0, 0, 1, 1], [], []>, precision = #tpu.contract_precision<fp32>, transpose_lhs_hint = false} : vector<8x64xf32>, vector<64x8192xf32>, vector<8x8192xf32> -> vector<8x8192xf32>
    %get3A_6 = arith.constant 0 : index
    %get3A_7 = arith.constant 0 : index
    %get3A_8 = vector.load %arg3[%get3A_6, %get3A_7] : memref<8x64xf32, #tpu.memory_space<vmem>>, vector<8x64xf32>
    %dot_general3A_9 = arith.constant dense<0.000000e+00> : vector<8x8192xf32>
    %dot_general3A_10 = tpu.matmul %get3A_8, %get3A_1, %dot_general3A_9 {dimension_numbers = #tpu.dot_dimension_numbers<[1], [0], [0], [1], [0, 0, 1, 1], [], []>, precision = #tpu.contract_precision<fp32>, transpose_lhs_hint = false} : vector<8x64xf32>, vector<64x8192xf32>, vector<8x8192xf32> -> vector<8x8192xf32>
    %slice3A = vector.extract_strided_slice %dot_general3A_5 {offsets = [0, 0], sizes = [1, 8192], strides = [1, 1]} : vector<8x8192xf32> to vector<1x8192xf32>
    %squeeze3A = vector.shape_cast %slice3A : vector<1x8192xf32> to vector<8192xf32>
    %swap3A = arith.constant 0 : index
    %swap3A_11 = vector.load %arg4[%swap3A] : memref<8192xf32, #tpu.memory_space<vmem>>, vector<8192xf32>
    tpu.vector_store %arg4[%swap3A], %squeeze3A {strides = array<i32>} : memref<8192xf32, #tpu.memory_space<vmem>>, vector<8192xf32>,
    %slice3A_12 = vector.extract_strided_slice %dot_general3A_10 {offsets = [0, 0], sizes = [1, 8192], strides = [1, 1]} : vector<8x8192xf32> to vector<1x8192xf32>
    %squeeze3A_13 = vector.shape_cast %slice3A_12 : vector<1x8192xf32> to vector<8192xf32>
    %swap3A_14 = arith.constant 0 : index
    %swap3A_15 = vector.load %arg5[%swap3A_14] : memref<8192xf32, #tpu.memory_space<vmem>>, vector<8192xf32>
    tpu.vector_store %arg5[%swap3A_14], %squeeze3A_13 {strides = array<i32>} : memref<8192xf32, #tpu.memory_space<vmem>>, vector<8192xf32>,
    return
  }
  func.func @transform_0(%arg0: i32) -> (i32, i32) {
    %c0_i32 = arith.constant 0 : i32
    %c0_i32_0 = arith.constant 0 : i32
    return %c0_i32, %arg0 : i32, i32
  }
  func.func @transform_1(%arg0: i32) -> (i32, i32) {
    %c0_i32 = arith.constant 0 : i32
    %c0_i32_0 = arith.constant 0 : i32
    %c0_i32_1 = arith.constant 0 : i32
    return %c0_i32, %c0_i32_0 : i32, i32
  }
  func.func @transform_2(%arg0: i32) -> (i32, i32) {
    %c0_i32 = arith.constant 0 : i32
    %c0_i32_0 = arith.constant 0 : i32
    %c0_i32_1 = arith.constant 0 : i32
    return %c0_i32, %c0_i32_0 : i32, i32
  }
  func.func @transform_3(%arg0: i32) -> i32 {
    %c0_i32 = arith.constant 0 : i32
    return %arg0 : i32
  }
  func.func @transform_4(%arg0: i32) -> i32 {
    %c0_i32 = arith.constant 0 : i32
    return %arg0 : i32
  }
}

</mosaic_0001>

<sc_bundles>
// kernel: kernel.8.cloned.1.call-start
scs
__scs_entry_jumppad:
0x0: {  	(pc) =	sbr.rel $0x88, $3  }
0x1: {  	(tag) =	ssettag $0x0;
	lr =	simm.s32 $0x1  }
0x2: {  	[smem:$0x3F90] =	sst lr;
	_ =	strace $0xD0000000  }
0x3: {  	_ = 	snop  }
0x4: {  	_ = 	snop  }
0x5: {  	_ = 	snop  }
0x6: {  	_ = 	snop  }
0x7: {  	_ = 	snop  }
__scs_overlays_trampoline_lowered:
0x8: {  	[smem:$0x3F9F] =	sst s0  }
0x9: {  	[smem:$0x3FA0] =	sst s1  }
0xa: {  	[smem:$0x3FA1] =	sst s2  }
0xb: {  	[smem:$0x3FA2] =	sst s3  }
0xc: {  	[smem:$0x3FA3] =	sst s4  }
0xd: {  	[smem:$0x3FA4] =	sst s5  }
0xe: {  	[smem:$0x3FA5] =	sst s6  }
0xf: {  	[smem:$0x3FA6] =	sst s7  }
0x10: {  	[smem:$0x3FA7] =	sst s8  }
0x11: {  	[smem:$0x3FA8] =	sst s9;
	s0 =	simm.s32 @!p0 $0x0  }
0x12: {  	s1 =	sld [smem:$0x3F8E];
	s0 =	simm.s32 @p0 $0x1  }
0x13: {  	[smem:$0x3FA9] =	sst s0;
	s0 =	simm.s32 @!p1 $0x0  }
0x14: {  	s2 =	sld [smem:$0x3F8D];
	s0 =	simm.s32 @p1 $0x1  }
0x15: {  	[smem:$0x3FAA] =	sst s0;
	s0 =	simm.s32 @!p2 $0x0  }
0x16: {  	s3 =	sld [smem:$0x3FDB];
	s0 =	simm.s32 @p2 $0x1  }
0x17: {  	s4 =	simm.s32 $0x1BF5;
	[smem:$0x3FAC] =	sst s0  }
0x18: {  	s0 =	sld [smem:$0x3F8F];
	_ =	swait.ge [sflag:s4], $0x0  }
0x19: {  	s7 =	sld [smem:$0x3F90]  }
0x1a: {  	s8 =	sadd.s32 $0xFFFFE003, lr  }
0x1b: {  	s9 =	sadd.s32 $0xFFFFFEF7, lr;
	s5 =	simm.s32 $0xFFFFFFFF;
	p2 =	slt.u32 s8, $0xFFFFF086  }
0x1c: {  	p1 =	slt.u32 s9, $0xF7A;
	s5 =	simm.s32 @!p2 $0x0  }
0x1d: {  	s5 =	simm.s32 @p1 $0x1;
	p0 =	seq.s32 s7, s2  }
0x1e: {  	s7 =	smul.u32 @!p0 $0xF7A, s2;
	p2 =	seq.s32 @!p0 s5, $0x0  }
0x1f: {  	s9 =	smul.u32 $0xF7A, s1;
	s8 =	simm.s32 @!p0 $0x1BF5;
	p2 =	por !p2, p0  }
0x20: {  	[sflag:s8] =	ssyncset.s32 @!p0 $0xFFFFF086;
	s6 =	sadd.s32 @!p0 s3, s7;
	s7 =	simm.s32 @!p0 $0x108  }
0x21: {  	s3 =	sadd.s32 s3, s9;
	s6 =	sadd.s32 @!p0 $0x88, s6;
	s7 =	simm.s32 @p2 $0x1082  }
0x22: {  	[simem:s7], [sflag:s8] =	dma.local @!p0 [hbm:s6], $0xF7A  }
0x23: {  	s9 =	sor.u32 $0xD0000000, s2;
	s6 =	simm.s32 $0x108;
	_ =	swait.ge @!p0 [sflag:s8], $0x0  }
0x24: {  	s3 =	sadd.s32 $0x88, s3;
	s6 =	simm.s32 @!p1 $0x1082;
	[sflag:s4] =	ssyncset.s32 $0xFFFFF086  }
0x25: {  	[simem:s6], [sflag:s4] =	dma.local [hbm:s3], $0xF7A  }
0x26: {  	[smem:$0x3F90] =	sst s1;
	(tag) =	ssettag s2;
	_ =	strace s9  }
0x27: {  	s1 =	sld [smem:$0x3FA0]  }
0x28: {  	s2 =	sld [smem:$0x3FA1]  }
0x29: {  	s4 =	sld [smem:$0x3FA3]  }
0x2a: {  	p0 =	seq.s32 s5, $0x0;
	s5 =	sld [smem:$0x3FA4]  }
0x2b: {  	s6 =	sld [smem:$0x3FA5]  }
0x2c: {  	s7 =	sld [smem:$0x3FA6]  }
0x2d: {  	s3 =	simm.s32 $0x108;
	s8 =	sld [smem:$0x3FA7]  }
0x2e: {  	s3 =	simm.s32 @!p0 $0x1082;
	s9 =	sld [smem:$0x3FA8]  }
0x2f: {  	lr =	sadd.s32 s0, s3;
	s0 =	sld [smem:$0x3F9F]  }
0x30: {  	s3 =	sld [smem:$0x3FA2]  }
0x31: {  	[smem:$0x3FAB] =	sst s10  }
0x32: {  	s10 =	sld [smem:$0x3FA9];
	_ =	sdelay $0x3  }
0x33: {  	p0 =	seq.s32 s10, $0x1;
	s10 =	sld [smem:$0x3FAB];
	_ =	sdelay $0x3  }
0x34: {  	[smem:$0x3FAB] =	sst s10  }
0x35: {  	s10 =	sld [smem:$0x3FAA];
	_ =	sdelay $0x3  }
0x36: {  	p1 =	seq.s32 s10, $0x1;
	s10 =	sld [smem:$0x3FAB];
	_ =	sdelay $0x3  }
0x37: {  	[smem:$0x3FAB] =	sst s10  }
0x38: {  	s10 =	sld [smem:$0x3FAC]  }
0x39: {  	_ = 	snop;
	(pc) =	sbr.ind lr, $3  }
0x3a: {  	_ = 	snop  }
0x3b: {  	_ = 	snop  }
0x3c: {  	p2 =	seq.s32 s10, $0x1;
	s10 =	sld [smem:$0x3FAB]  }
0x3d: {  	_ =	shalt  }
0x3e: {  	_ =	shalt  }
0x3f: {  	_ =	shalt  }
0x40: {  	_ =	shalt  }
0x41: {  	_ =	shalt  }
0x42: {  	_ =	shalt  }
0x43: {  	_ =	shalt  }
0x44: {  	_ =	shalt  }
0x45: {  	_ =	shalt  }
0x46: {  	_ =	shalt  }
0x47: {  	_ =	shalt  }
0x48: {  	_ =	shalt  }
0x49: {  	_ =	shalt  }
0x4a: {  	_ =	shalt  }
0x4b: {  	_ =	shalt  }
0x4c: {  	_ =	shalt  }
0x4d: {  	_ =	shalt  }
0x4e: {  	_ =	shalt  }
0x4f: {  	_ =	shalt  }
0x50: {  	_ =	shalt  }
0x51: {  	_ =	shalt  }
0x52: {  	_ =	shalt  }
0x53: {  	_ =	shalt  }
0x54: {  	_ =	shalt  }
0x55: {  	_ =	shalt  }
0x56: {  	_ =	shalt  }
0x57: {  	_ =	shalt  }
0x58: {  	_ =	shalt  }
0x59: {  	_ =	shalt  }
0x5a: {  	_ =	shalt  }
0x5b: {  	_ =	shalt  }
0x5c: {  	_ =	shalt  }
0x5d: {  	_ =	shalt  }
0x5e: {  	_ =	shalt  }
0x5f: {  	_ =	shalt  }
0x60: {  	_ =	shalt  }
0x61: {  	_ =	shalt  }
0x62: {  	_ =	shalt  }
0x63: {  	_ =	shalt  }
0x64: {  	_ =	shalt  }
0x65: {  	_ =	shalt  }
0x66: {  	_ =	shalt  }
0x67: {  	_ =	shalt  }
0x68: {  	_ =	shalt  }
0x69: {  	_ =	shalt  }
0x6a: {  	_ =	shalt  }
0x6b: {  	_ =	shalt  }
0x6c: {  	_ =	shalt  }
0x6d: {  	_ =	shalt  }
0x6e: {  	_ =	shalt  }
0x6f: {  	_ =	shalt  }
0x70: {  	_ =	shalt  }
0x71: {  	_ =	shalt  }
0x72: {  	_ =	shalt  }
0x73: {  	_ =	shalt  }
0x74: {  	_ =	shalt  }
0x75: {  	_ =	shalt  }
0x76: {  	_ =	shalt  }
0x77: {  	_ =	shalt  }
0x78: {  	_ =	shalt  }
0x79: {  	_ =	shalt  }
0x7a: {  	_ =	shalt  }
0x7b: {  	_ =	shalt  }
0x7c: {  	_ =	shalt  }
0x7d: {  	_ =	shalt  }
0x7e: {  	_ =	shalt  }
0x7f: {  	_ =	shalt  }
0x80: {  	_ =	shalt  }
0x81: {  	_ =	shalt  }
0x82: {  	_ =	shalt  }
0x83: {  	_ =	shalt  }
0x84: {  	_ =	shalt  }
0x85: {  	_ =	shalt  }
0x86: {  	_ =	shalt  }
0x87: {  	_ =	shalt  }
.Lfunc_end0:
.L_simem_size_0:
called_computation_lowered:
.L_overlay_start_0:
0x88: {  	s2 =	sld [smem:$0x3FD9]  }
0x89: {  	s3 =	sld [smem:$0x3FFE];
	_ =	sdelay $0x1  }
0x8a: {  	s1 =	srdreg.scid  }
0x8b: {  	s0 =	sand.u32 $0x1, s1  }
0x8c: {  	s14 =	sshll.u32 s0, $0xA;
	s2 =	sadd.s32 s3, s2  }
0x8d: {  	s2 =	sadd.s32 s2, s14  }
0x8e: {  	[smem:$0x3FB7] =	sst s2  }
0x8f: {  	_ = 	snop  }
0x90: {  	s2 =	sld [smem:$0x3FC9]  }
0x91: {  	s15 =	sld [smem:$0x3FD0]  }
0x92: {  	s4 =	sld [smem:$0x3FC8]  }
0x93: {  	s5 =	sld [smem:$0x3FC6]  }
0x94: {  	s7 =	simm.s32 $0xA;
	s8 =	simm.s32 $0x10;
	s6 =	sld [smem:$0x3FC4]  }
0x95: {  	[smem:s8], [sflag:s7] =	dma.local [hbm:s15], $0x1  }
0x96: {  	_ =	swait.eq [sflag:s7], $0x1  }
0x97: {  	s16 =	sld [smem:$0x10]  }
0x98: {  	s17 =	sld [smem:$0x11];
	[sflag:s7] =	ssyncset.done $0x0  }
0x99: {  	s9 =	sld [smem:$0x12];
	[sflag:s7] =	ssyncadd.s32 $0xFFFFFFFF  }
0x9a: {  	s18 =	sld [smem:$0x13];
	(tm) =	ssettm $0x1  }
0x9b: {  	s10 =	sld [smem:$0x3FFB];
	_ =	sdelay $0x3  }
0x9c: {  	_ =	strace s10  }
0x9d: {  	s10 =	sld [smem:$0x3FFC];
	_ =	sdelay $0x3  }
0x9e: {  	_ =	strace s10  }
0x9f: {  	s10 =	sld [smem:$0x3FFD];
	_ =	sdelay $0x3  }
0xa0: {  	_ =	strace s10  }
0xa1: {  	_ =	strace $0x8FFFFFFF  }
0xa2: {  	s19 =	sld [smem:$0x3FDB];
	_ =	sdelay $0x1  }
0xa3: {  	s11 =	simm.s32 $_scs_section_size  }
0xa4: {  	s12 =	simm.s32 $_size__tile_overlayer_lowered;
	s13 =	simm.s32 $_tile_overlayer_lowered  }
0xa5: {  	s22 =	simm.s32 $0x1BFF;
	s21 =	sshll.u32 s13, $0x1;
	s10 =	sadd.s32 s11, s19  }
0xa6: {  	s20 =	sshll.u32 s12, $0x1;
	s14 =	simm.s32 $0x0;
	s12 =	sadd.s32 s21, s10  }
0xa7: {  	[timem:s14], [sflag:s22] =	dma.local [hbm:s12], s20  }
0xa8: {  	_ =	swait.ge [sflag:s22], s20  }
0xa9: {  	s11 =	ssub.s32 $0x0, s20;
	[sflag:s22] =	ssyncset.done $0x0  }
0xaa: {  	[sflag:s22] =	ssyncadd.s32 s11;
	_ =	sdelay $0x1  }
0xab: {  	s23 =	simm.s32 $0x1B8B  }
0xac: {  	_ =	swait.ge [sflag:s23], $0x1  }
0xad: {  	[sflag:s23] =	ssyncset.done $0x0  }
0xae: {  	s25 =	simm.s32 $0x1B8E;
	s24 =	sld [smem:$0x3FFE];
	[sflag:s23] =	ssyncadd.s32 $0xFFFFFFFF  }
0xaf: {  	s26 =	simm.s32 $execute0_lowered;
	[smem:$0x3FD2] =	sst s25  }
0xb0: {  	s12 =	sshll.u32 s26, $0x1;
	_ =	strace $0x80000046;
	[dreg:$0x1] =	wrdreg $0xFFFFFFFF  }
0xb1: {  	s28 =	simm.s32 $_size_execute0_lowered;
	s10 =	sadd.s32 s10, s12;
	[dreg:$0x0] =	wrdreg $0x0  }
0xb2: {  	s12 =	sshll.u32 s28, $0x1;
	[dreg:$0x2] =	wrdreg s10  }
0xb3: {  	[dreg:$0x3] =	wrdreg s12  }
0xb4: {  	[dreg:$0x4] =	wrdreg $0xC0  }
0xb5: {  	_ =	task [dreg:s14], $0x5FFFF  }
0xb6: {  	[dreg:$0x1] =	wrdreg $0xFFFFFFFF  }
0xb7: {  	[dreg:$0x0] =	wrdreg $0x60  }
0xb8: {  	[dreg:$0x2] =	wrdreg s2  }
0xb9: {  	[dreg:$0x3] =	wrdreg s4  }
0xba: {  	[dreg:$0x4] =	wrdreg s6  }
0xbb: {  	[dreg:$0x5] =	wrdreg s5  }
0xbc: {  	[dreg:$0x6] =	wrdreg s24  }
0xbd: {  	[dreg:$0x7] =	wrdreg s16  }
0xbe: {  	[dreg:$0x8] =	wrdreg s17  }
0xbf: {  	[dreg:$0x9] =	wrdreg s9  }
0xc0: {  	[dreg:$0xa] =	wrdreg s18  }
0xc1: {  	[dreg:$0xb] =	wrdreg $0x9  }
0xc2: {  	_ =	task.clear_ibuf [dreg:s14], $0xCFFFF;
	_ =	strace $0x90000046  }
0xc3: {  	s29 =	simm.s32 $0x9;
	_ =	strace $0x80000048  }
0xc4: {  	_ =	swait.ge [sflag:s29], $0x1  }
0xc5: {  	[sflag:s29] =	ssyncadd.s32 $0xFFFFFFFF  }
0xc6: {  	_ =	strace $0x90000048  }
0xc7: {  	_ =	sfence  }
0xc8: {  	s30 =	sld [smem:$0x0];
	_ =	sdelay $0x2  }
0xc9: {  	s31 =	sshll.u32 s1, $0xD;
	s1 =	sshrl.u32 s1, $0x2  }
0xca: {  	s3 =	sand.u32 $0x4000, s31;
	s1 =	sadd.s32 s1, s30  }
0xcb: {  	s0 =	sor.u32 s3, s0;
	s1 =	sshll.u32 s1, $0x11  }
0xcc: {  	s0 =	sor.u32 s1, s0  }
0xcd: {  	s0 =	sadd.s32 $0x8F2B, s0  }
0xce: {  	[sflag:s0] =	ssyncadd.remote.s32 $0x1  }
0xcf: {  	_ =	sfence.sel $0xFFFF  }
0xd0: {  	[dreg:$0x0] =	wrdreg $0xFFFFFFFF;
	(pc) =	sbr.abs _section_cstart, $3  }
0xd1: {  	[dreg:$0x1] =	wrdreg $0xFFFFFFFF  }
0xd2: {  	_ =	task.clear_ibuf [dreg:s14], $0x2FFFF;
	_ =	strace $0x9FFFFFFF  }
0xd3: {  	(tm) =	ssettm $0x7FFFFFFF  }
tec
execute0_lowered:
.L_overlay_start_1:
0x0: {  	(tag) =	ssettag $0x1  }
0x1: {  	s3 =	rddreg [dreg:$0x0]  }
0x2: {  	s4 =	rddreg [dreg:$0x1]  }
0x3: {  	s5 =	rddreg [dreg:$0x2]  }
0x4: {  	s6 =	rddreg [dreg:$0x3]  }
0x5: {  	s0 =	rddreg [dreg:$0x4]  }
0x6: {  	s7 =	rddreg [dreg:$0x5]  }
0x7: {  	s8 =	rddreg [dreg:$0x6]  }
0x8: {  	s9 =	rddreg [dreg:$0x7]  }
0x9: {  	s10 =	rddreg [dreg:$0x8];
	s2 =	simm.s32 $0x0  }
0xa: {  	[smem:$0x7FF] =	sst s2;
	s13 =	sadd.s32 $0x2200, s0  }
0xb: {  	s14 =	simm.s32 $0xA00;
	_ =	strace $0x80000047;
	[dreg:$0xa] =	wrdreg s13  }
0xc: {  	s15 =	simm.s32 $0x4D0;
	[dreg:$0x16] =	wrdreg s14  }
0xd: {  	s16 =	simm.s32 $0x90;
	[dreg:$0x17] =	wrdreg s15  }
0xe: {  	s17 =	simm.s32 $0x110;
	[dreg:$0x18] =	wrdreg s16  }
0xf: {  	s18 =	simm.s32 $0x190;
	[dreg:$0x19] =	wrdreg s17  }
0x10: {  	[dreg:$0x1a] =	wrdreg s18;
	s14 =	simm.s32 $0xC0  }
0x11: {  	s15 =	simm.s32 $0x140;
	[smem:$0x7E1] =	sst s14  }
0x12: {  	s16 =	simm.s32 $0x1C0;
	[smem:$0x7E2] =	sst s15  }
0x13: {  	s17 =	simm.s32 $0x340;
	[smem:$0x7E3] =	sst s16  }
0x14: {  	s1 =	srdreg.scid;
	s18 =	simm.s32 $0x700;
	[smem:$0x7E4] =	sst s17  }
0x15: {  	s11 =	stileid.u32;
	[smem:$0x7E5] =	sst s18;
	s14 =	simm.s32 $0x3E0  }
0x16: {  	s1 =	sand.u32 $0x1, s1;
	s15 =	simm.s32 $0x840;
	[smem:$0x7F1] =	sst s14  }
0x17: {  	s11 =	sshll.u32 s11, $0x1;
	s16 =	simm.s32 $0x890;
	[smem:$0x7F2] =	sst s15  }
0x18: {  	s11 =	sor.u32 s1, s11;
	s17 =	simm.s32 $0x70;
	[smem:$0x7F3] =	sst s16  }
0x19: {  	s12 =	sshll.u32 s11, $0x4;
	s18 =	simm.s32 $0xF0;
	[smem:$0x7F4] =	sst s17  }
0x1a: {  	s3 =	sadd.s32 s3, s12;
	[smem:$0x7F5] =	sst s18  }
0x1b: {  	s20 =	sadd.s32 s4, s12;
	[dreg:$0xb] =	wrdreg s3  }
0x1c: {  	s22 =	sadd.s32 s5, s12;
	[dreg:$0xc] =	wrdreg s20  }
0x1d: {  	s24 =	sadd.s32 s6, s12;
	[dreg:$0xd] =	wrdreg s22  }
0x1e: {  	s7 =	sadd.s32 s7, s12;
	[dreg:$0xe] =	wrdreg s24  }
0x1f: {  	s19 =	smul.u32 $0x50, s11;
	s8 =	sadd.s32 s8, s12;
	[dreg:$0x12] =	wrdreg s7  }
0x20: {  	s21 =	smul.u32 $0xA0, s11;
	s11 =	sadd.s32 s9, s12;
	[dreg:$0x13] =	wrdreg s8  }
0x21: {  	s13 =	sadd.s32 s10, s12;
	[dreg:$0x14] =	wrdreg s11  }
0x22: {  	s5 =	simm.s32 $0x610;
	[dreg:$0x15] =	wrdreg s13  }
0x23: {  	s9 =	simm.s32 $0x1B0;
	[smem:$0x7D8] =	sst s5  }
0x24: {  	s10 =	simm.s32 $0x2F0;
	[smem:$0x7DC] =	sst s9  }
0x25: {  	s26 =	sadd.s32 s12, s0;
	s12 =	simm.s32 $0x6B0;
	[smem:$0x7DD] =	sst s10  }
0x26: {  	s6 =	sadd.s32 $0x2400, s26;
	[smem:$0x7DF] =	sst s12  }
0x27: {  	s23 =	sadd.s32 s19, s0;
	s19 =	simm.s32 $0x250;
	[dreg:$0x11] =	wrdreg s6  }
0x28: {  	s20 =	simm.s32 $0x520;
	[dreg:$0x1b] =	wrdreg s19  }
0x29: {  	s4 =	sadd.s32 s21, s0;
	s21 =	simm.s32 $0x570;
	[dreg:$0x1c] =	wrdreg s20  }
0x2a: {  	s22 =	simm.s32 $0x20;
	[dreg:$0x1d] =	wrdreg s21  }
0x2b: {  	s24 =	simm.s32 $0x120;
	[dreg:$0x1e] =	wrdreg s22  }
0x2c: {  	s26 =	simm.s32 $0x2A0;
	[smem:$0x7D4] =	sst s24  }
0x2d: {  	s7 =	simm.s32 $0xB0;
	[smem:$0x7D6] =	sst s26  }
0x2e: {  	s8 =	simm.s32 $0x130;
	[smem:$0x7DA] =	sst s7  }
0x2f: {  	s11 =	simm.s32 $0x660;
	[smem:$0x7DB] =	sst s8  }
0x30: {  	s13 =	simm.s32 $0x40;
	[smem:$0x7DE] =	sst s11  }
0x31: {  	s10 =	simm.s32 $0x60;
	[smem:$0x7E0] =	sst s13  }
0x32: {  	s12 =	simm.s32 $0x160;
	[smem:$0x7ED] =	sst s10  }
0x33: {  	s28 =	simm.s32 $0xAB0;
	s25 =	sadd.s32 $0x2600, s23;
	[smem:$0x7EF] =	sst s12  }
0x34: {  	s29 =	simm.s32 $0xAD0;
	s4 =	sadd.s32 $0x3000, s4;
	[dreg:$0xf] =	wrdreg s25  }
0x35: {  	s30 =	simm.s32 $0xAF0;
	s23 =	simm.s32 $0xA0;
	[dreg:$0x10] =	wrdreg s4  }
0x36: {  	s31 =	simm.s32 $0xB50;
	s6 =	simm.s32 $0x30;
	[dreg:$0x1f] =	wrdreg s23  }
0x37: {  	s1 =	ssub.s32 $0x2, s1;
	s19 =	simm.s32 $0x750;
	[smem:$0x7D9] =	sst s6  }
0x38: {  	s17 =	simm.s32 $0x10;
	s20 =	simm.s32 $0xD0;
	[smem:$0x7E6] =	sst s19  }
0x39: {  	s3 =	sadd.s32 $0x7E00, s0;
	s21 =	simm.s32 $0x150;
	[smem:$0x7E7] =	sst s20  }
0x3a: {  	s5 =	sadd.s32 $0x27A00, s0;
	s22 =	simm.s32 $0x1D0;
	[smem:$0x7E8] =	sst s21  }
0x3b: {  	s7 =	sadd.s32 $0x4600, s0;
	s24 =	simm.s32 $0x7A0;
	[smem:$0x7E9] =	sst s22  }
0x3c: {  	s8 =	sadd.s32 $0x4C00, s0;
	s11 =	simm.s32 $0xE0;
	[smem:$0x7EB] =	sst s24  }
0x3d: {  	s26 =	sshrl.u32 s1, $0x1;
	s13 =	simm.s32 $0x1E0;
	[smem:$0x7EE] =	sst s11  }
0x3e: {  	s10 =	simm.s32 $0x3;
	s25 =	simm.s32 $0x1A0;
	[smem:$0x7F0] =	sst s13  }
0x3f: {  	s12 =	simm.s32 $0x2;
	s4 =	simm.s32 $0x5C0;
	[smem:$0x7D5] =	sst s25  }
0x40: {  	s6 =	sadd.s32 $0x4400, s0;
	s23 =	simm.s32 $0x390;
	[smem:$0x7D7] =	sst s4  }
0x41: {  	s1 =	ssub.s32 s1, s26;
	s19 =	simm.s32 $0x170;
	[smem:$0x7EA] =	sst s23  }
0x42: {  	s20 =	simm.s32 $0x1F0;
	s21 =	simm.s32 $0x430;
	[smem:$0x7F6] =	sst s19  }
0x43: {  	s22 =	simm.s32 $0x8E0;
	s24 =	simm.s32 $0xCE0;
	[smem:$0x7F7] =	sst s20  }
0x44: {  	s26 =	simm.s32 $0xDE0;
	s11 =	simm.s32 $0x1;
	[smem:$0x7F8] =	sst s21  }
0x45: {  	s4 =	sadd.s32 $0x26800, s0;
	s25 =	simm.s32 $0x7F0;
	[smem:$0x7F9] =	sst s22  }
0x46: {  	s9 =	smax.u32 s1, $0x1;
	s23 =	simm.s32 $0x930;
	[smem:$0x7FB] =	sst s24  }
0x47: {  	s22 =	simm.s32 $0x50;
	s24 =	simm.s32 $0xBA0;
	[smem:$0x7FD] =	sst s26  }
0x48: {  	s26 =	simm.s32 $0xA90;
	s0 =	simm.s32 $0xC40;
	s1 =	simm.s32 $0xC90  }
0x49: {  	s19 =	simm.s32 $0x200;
	s20 =	simm.s32 $0x480;
	[smem:$0x7EC] =	sst s25  }
0x4a: {  	s21 =	simm.s32 $0xA80;
	[smem:$0x7FA] =	sst s23;
	s25 =	simm.s32 $0xD60  }
0x4b: {  	s23 =	simm.s32 $0xAA0;
	[smem:$0x7FC] =	sst s25;
	s25 =	simm.s32 $0xBF0  }
.LBB2_1:
0x4c: {  	s13 =	rddreg [dreg:$0xb]  }
0x4d: {  	[tilespmem:s2], [sflag:$0x3] =	stream.linear.gather [hbm4b:s13+s2], $0x80, $0x38;
	[tilespmem:$0xE60] =	vst v63  }
0x4e: {  	_ =	swait.ge [sflag:s10], $0x80  }
0x4f: {  	[sflag:s10] =	ssyncset.done $0x0  }
0x50: {  	s15 =	simm.s32 $0x80;
	s16 =	rddreg [dreg:$0xc];
	[sflag:s10] =	ssyncadd.s32 $0xFFFFFF80  }
0x51: {  	[tilespmem:s15], [sflag:$0x3] =	stream.linear.gather [hbm4b:s16+s2], $0x80, $0x38;
	[tilespmem:$0xE60] =	vst v63  }
0x52: {  	_ =	swait.ge [sflag:s10], $0x80  }
0x53: {  	[sflag:s10] =	ssyncset.done $0x0  }
0x54: {  	s16 =	simm.s32 $0x100;
	s18 =	rddreg [dreg:$0xd];
	[sflag:s10] =	ssyncadd.s32 $0xFFFFFF80  }
0x55: {  	[tilespmem:s16], [sflag:$0x3] =	stream.linear.gather [hbm4b:s18+s2], $0x80, $0x38;
	[tilespmem:$0xE60] =	vst v63  }
0x56: {  	_ =	swait.ge [sflag:s10], $0x80  }
0x57: {  	[sflag:s10] =	ssyncset.done $0x0  }
0x58: {  	s18 =	simm.s32 $0x180;
	s14 =	rddreg [dreg:$0xe];
	[sflag:s10] =	ssyncadd.s32 $0xFFFFFF80  }
0x59: {  	[tilespmem:s18], [sflag:$0x3] =	stream.linear.gather [hbm4b:s14+s2], $0x80, $0x38;
	[tilespmem:$0xE60] =	vst v63  }
0x5a: {  	_ =	swait.ge [sflag:s10], $0x80  }
0x5b: {  	[sflag:s10] =	ssyncset.done $0x0  }
0x5c: {  	s14 =	rddreg [dreg:$0xf];
	[sflag:s10] =	ssyncadd.s32 $0xFFFFFF80  }
0x5d: {  	[tilespmem:s19], [sflag:$0x3] =	stream.linear.gather [hbm4b:s14+s2], $0x280, $0x38;
	[tilespmem:$0xE60] =	vst v63  }
0x5e: {  	_ =	swait.ge [sflag:s10], $0x280  }
0x5f: {  	[sflag:s10] =	ssyncset.done $0x0  }
0x60: {  	s14 =	rddreg [dreg:$0x10];
	[sflag:s10] =	ssyncadd.s32 $0xFFFFFD80  }
0x61: {  	[tilespmem:s20], [sflag:$0x3] =	stream.linear.gather [hbm4b:s14+s2], $0x500, $0x38;
	[tilespmem:$0xE60] =	vst v63  }
0x62: {  	_ =	swait.ge [sflag:s10], $0x500  }
0x63: {  	[sflag:s10] =	ssyncset.done $0x0  }
0x64: {  	s14 =	simm.s32 $0x980;
	s13 =	rddreg [dreg:$0x11];
	[sflag:s10] =	ssyncadd.s32 $0xFFFFFB00  }
0x65: {  	[tilespmem:s14], [sflag:$0x3] =	stream.linear.gather [hbm4b:s13+s2], $0x80, $0x38;
	[tilespmem:$0xE60] =	vst v63  }
0x66: {  	_ =	swait.ge [sflag:s10], $0x80  }
0x67: {  	s13 =	rddreg [dreg:$0xa];
	[sflag:s10] =	ssyncset.done $0x0  }
0x68: {  	s14 =	rddreg [dreg:$0x16];
	[sflag:s10] =	ssyncadd.s32 $0xFFFFFF80  }
0x69: {  	[tilespmem:s14], [sflag:$0x3] =	stream.linear.gather [hbm4b:s13+s2], $0x80, $0x38;
	[tilespmem:$0xE60] =	vst v63  }
0x6a: {  	_ =	swait.ge [sflag:s10], $0x80  }
0x6b: {  	[sflag:s10] =	ssyncset.done $0x0  }
0x6c: {  	[sflag:s10] =	ssyncadd.s32 $0xFFFFFF80  }
0x6d: {  	v4 =	vld [tilespmem:$0xA00]  }
0x6e: {  	v1 =	vld [tilespmem:$0xA10]  }
0x6f: {  	v2 =	vld [tilespmem:$0xA20]  }
0x70: {  	v3 =	vld [tilespmem:$0xA30]  }
0x71: {  	v0 =	vld [tilespmem:$0xA40];
	[tilespmem:s21], [sflag:$0x1] =	stream.indirect.gather [hbm4b:s3+s17], $0x1, s2, s17, $0xb8  }
0x72: {  	_ = 	snop  }
0x73: {  	[tilespmem:s23], [sflag:$0x1] =	stream.indirect.gather [hbm4b:s4+s17], $0x1, s15, s17, $0xb8;
	[tilespmem:$0xE60] =	vst v63  }
0x74: {  	s15 =	simm.s32 $0xAC0  }
0x75: {  	[tilespmem:s15], [sflag:$0x1] =	stream.indirect.gather [hbm4b:s5+s17], $0x1, s16, s17, $0xb8;
	[tilespmem:$0xE60] =	vst v63  }
0x76: {  	s16 =	simm.s32 $0xAE0  }
0x77: {  	[tilespmem:s16], [sflag:$0x1] =	stream.indirect.gather [hbm4b:s7+s17], $0x1, s18, s17, $0xb8;
	[tilespmem:$0xE60] =	vst v63  }
0x78: {  	s18 =	simm.s32 $0xB00  }
0x79: {  	[tilespmem:s18], [sflag:$0x1] =	stream.indirect.gather [hbm4b:s6+s22], $0x1, s19, s22, $0xb8;
	[tilespmem:$0xE60] =	vst v63  }
0x7a: {  	_ = 	snop  }
0x7b: {  	[tilespmem:s24], [sflag:$0x1] =	stream.indirect.gather [hbm4b:s8+s22], $0x1, s20, s22, $0xb8;
	[tilespmem:$0xE60] =	vst v63  }
0x7c: {  	s14 =	rddreg [dreg:$0x17]  }
0x7d: {  	[tilespmem:s25], [sflag:$0x1] =	stream.indirect.gather [hbm4b:s8+s22], $0x1, s14, s22, $0xb8;
	[tilespmem:$0xE60] =	vst v63  }
0x7e: {  	_ = 	snop  }
0x7f: {  	[tilespmem:s26], [sflag:$0x2] =	stream.indirect.gather [hbm4b:s3+s17], $0x1, s17, s17, $0xb8;
	[tilespmem:$0xE60] =	vst v63  }
0x80: {  	s13 =	rddreg [dreg:$0x18]  }
0x81: {  	[tilespmem:s28], [sflag:$0x2] =	stream.indirect.gather [hbm4b:s4+s17], $0x1, s13, s17, $0xb8;
	[tilespmem:$0xE60] =	vst v63  }
0x82: {  	s14 =	rddreg [dreg:$0x19]  }
0x83: {  	[tilespmem:s29], [sflag:$0x2] =	stream.indirect.gather [hbm4b:s5+s17], $0x1, s14, s17, $0xb8;
	[tilespmem:$0xE60] =	vst v63  }
0x84: {  	s13 =	rddreg [dreg:$0x1a]  }
0x85: {  	[tilespmem:s30], [sflag:$0x2] =	stream.indirect.gather [hbm4b:s7+s17], $0x1, s13, s17, $0xb8;
	[tilespmem:$0xE60] =	vst v63  }
0x86: {  	s14 =	rddreg [dreg:$0x1b]  }
0x87: {  	[tilespmem:s31], [sflag:$0x2] =	stream.indirect.gather [hbm4b:s6+s22], $0x1, s14, s22, $0xb8;
	[tilespmem:$0xE60] =	vst v63  }
0x88: {  	s13 =	rddreg [dreg:$0x1c]  }
0x89: {  	[tilespmem:s0], [sflag:$0x2] =	stream.indirect.gather [hbm4b:s8+s22], $0x1, s13, s22, $0xb8;
	[tilespmem:$0xE60] =	vst v63  }
0x8a: {  	s14 =	rddreg [dreg:$0x1d]  }
0x8b: {  	[tilespmem:s1], [sflag:$0x2] =	stream.indirect.gather [hbm4b:s8+s22], $0x1, s14, s22, $0xb8;
	[tilespmem:$0xE60] =	vst v63  }
0x8c: {  	_ =	swait.ge [sflag:s11], $0x10  }
0x8d: {  	[sflag:s11] =	ssyncset.done $0x0  }
0x8e: {  	[sflag:s11] =	ssyncadd.s32 $0xFFFFFFF0  }
0x8f: {  	_ =	swait.ge [sflag:s11], $0x10  }
0x90: {  	[sflag:s11] =	ssyncset.done $0x0  }
0x91: {  	[sflag:s11] =	ssyncadd.s32 $0xFFFFFFF0  }
0x92: {  	_ =	swait.ge [sflag:s11], $0x10  }
0x93: {  	[sflag:s11] =	ssyncset.done $0x0  }
0x94: {  	[sflag:s11] =	ssyncadd.s32 $0xFFFFFFF0  }
0x95: {  	_ =	swait.ge [sflag:s11], $0x10  }
0x96: {  	[sflag:s11] =	ssyncset.done $0x0  }
0x97: {  	[sflag:s11] =	ssyncadd.s32 $0xFFFFFFF0  }
0x98: {  	_ =	swait.ge [sflag:s11], $0x50  }
0x99: {  	[sflag:s11] =	ssyncset.done $0x0  }
0x9a: {  	[sflag:s11] =	ssyncadd.s32 $0xFFFFFFB0  }
0x9b: {  	_ =	swait.ge [sflag:s11], $0x50  }
0x9c: {  	[sflag:s11] =	ssyncset.done $0x0  }
0x9d: {  	[sflag:s11] =	ssyncadd.s32 $0xFFFFFFB0  }
0x9e: {  	_ =	swait.ge [sflag:s11], $0x50  }
0x9f: {  	[sflag:s11] =	ssyncset.done $0x0  }
0xa0: {  	[sflag:s11] =	ssyncadd.s32 $0xFFFFFFB0  }
0xa1: {  	v5 =	vld [tilespmem:$0xA80]  }
0xa2: {  	v6 =	vld [tilespmem:$0xBA0]  }
0xa3: {  	v7 =	vld [tilespmem:$0xBB0]  }
0xa4: {  	v8 =	vld [tilespmem:$0xAA0]  }
0xa5: {  	v9 =	vld [tilespmem:$0xBC0]  }
0xa6: {  	v10 =	vld [tilespmem:$0xAC0]  }
0xa7: {  	v11 =	vld [tilespmem:$0xBD0]  }
0xa8: {  	v12 =	vld [tilespmem:$0xB00];
	v6 =	vadd.f32 v7, v6  }
0xa9: {  	v32 =	vld [tilespmem:$0xBE0]  }
0xaa: {  	v13 =	vld [tilespmem:$0xB10];
	v6 =	vadd.f32 v9, v6  }
0xab: {  	v33 =	vld [tilespmem:$0xBF0]  }
0xac: {  	v14 =	vld [tilespmem:$0xB20];
	v6 =	vadd.f32 v11, v6  }
0xad: {  	v34 =	vld [tilespmem:$0xC00]  }
0xae: {  	v15 =	vld [tilespmem:$0xB30];
	v6 =	vadd.f32 v32, v6  }
0xaf: {  	v35 =	vld [tilespmem:$0xC10]  }
0xb0: {  	v36 =	vld [tilespmem:$0xB40];
	v12 =	vadd.f32 v13, v12;
	v6 =	vadd.f32 v33, v6  }
0xb1: {  	v37 =	vld [tilespmem:$0xC20]  }
0xb2: {  	v38 =	vld [tilespmem:$0xC30];
	v12 =	vadd.f32 v14, v12;
	v6 =	vadd.f32 v34, v6  }
0xb3: {  	v39 =	vld [tilespmem:$0xAE0]  }
0xb4: {  	v12 =	vadd.f32 v15, v12;
	v6 =	vadd.f32 v35, v6  }
0xb5: {  	v5 =	vadd.f32 v8, v5  }
0xb6: {  	v40 =	vadd.f32 v36, v12;
	v6 =	vadd.f32 v37, v6  }
0xb7: {  	v5 =	vadd.f32 v10, v5  }
0xb8: {  	v41 =	vld [tilespmem:$0x980];
	v7 =	vadd.f32 v39, v40;
	v6 =	vadd.f32 v38, v6;
	_ =	sdelay $0x1  }
0xb9: {  	v5 =	vadd.f32 v5, v4;
	v6 =	vadd.f32 v7, v6;
	_ =	sdelay $0x1  }
0xba: {  	v5 =	vmax.f32 v5, $0.0e+00;
	v6 =	vadd.f32 v6, v1  }
0xbb: {  	v42 =	vmul.f32 v41, v2;
	v43 =	vmul.f32 v5, v3  }
0xbc: {  	v6 =	vmax.f32 v6, $0.0e+00  }
0xbd: {  	v7 =	vadd.f32 v42, v43;
	v44 =	vmul.f32 v6, v0;
	_ =	sdelay $0x1  }
0xbe: {  	[tilespmem:$0xCE0] =	vst v5;
	v7 =	vadd.f32 v44, v7  }
0xbf: {  	s13 =	rddreg [dreg:$0x1e];
	[tilespmem:$0xD60] =	vst v6  }
0xc0: {  	s14 =	rddreg [dreg:$0x1f];
	[tilespmem:$0xDE0] =	vst v7  }
0xc1: {  	[tilespmem:s21], [sflag:$0x1] =	stream.indirect.gather [hbm4b:s3+s17], $0x1, s13, s17, $0xb8;
	[tilespmem:$0xE60] =	vst v63  }
0xc2: {  	s13 =	sld [smem:$0x7D4]  }
0xc3: {  	[tilespmem:s23], [sflag:$0x1] =	stream.indirect.gather [hbm4b:s4+s17], $0x1, s14, s17, $0xb8;
	[tilespmem:$0xE60] =	vst v63  }
0xc4: {  	s14 =	sld [smem:$0x7D5]  }
0xc5: {  	[tilespmem:s15], [sflag:$0x1] =	stream.indirect.gather [hbm4b:s5+s17], $0x1, s13, s17, $0xb8;
	[tilespmem:$0xE60] =	vst v63  }
0xc6: {  	s13 =	sld [smem:$0x7D6]  }
0xc7: {  	[tilespmem:s16], [sflag:$0x1] =	stream.indirect.gather [hbm4b:s7+s17], $0x1, s14, s17, $0xb8;
	[tilespmem:$0xE60] =	vst v63  }
0xc8: {  	s14 =	sld [smem:$0x7D7]  }
0xc9: {  	[tilespmem:s18], [sflag:$0x1] =	stream.indirect.gather [hbm4b:s6+s22], $0x1, s13, s22, $0xb8;
	[tilespmem:$0xE60] =	vst v63  }
0xca: {  	s13 =	sld [smem:$0x7D8]  }
0xcb: {  	[tilespmem:s24], [sflag:$0x1] =	stream.indirect.gather [hbm4b:s8+s22], $0x1, s14, s22, $0xb8;
	[tilespmem:$0xE60] =	vst v63  }
0xcc: {  	_ = 	snop  }
0xcd: {  	[tilespmem:s25], [sflag:$0x1] =	stream.indirect.gather [hbm4b:s8+s22], $0x1, s13, s22, $0xb8;
	[tilespmem:$0xE60] =	vst v63  }
0xce: {  	_ =	swait.ge [sflag:s12], $0x10  }
0xcf: {  	[sflag:s12] =	ssyncset.done $0x0  }
0xd0: {  	[sflag:s12] =	ssyncadd.s32 $0xFFFFFFF0  }
0xd1: {  	_ =	swait.ge [sflag:s12], $0x10  }
0xd2: {  	[sflag:s12] =	ssyncset.done $0x0  }
0xd3: {  	[sflag:s12] =	ssyncadd.s32 $0xFFFFFFF0  }
0xd4: {  	_ =	swait.ge [sflag:s12], $0x10  }
0xd5: {  	[sflag:s12] =	ssyncset.done $0x0  }
0xd6: {  	[sflag:s12] =	ssyncadd.s32 $0xFFFFFFF0  }
0xd7: {  	_ =	swait.ge [sflag:s12], $0x10  }
0xd8: {  	[sflag:s12] =	ssyncset.done $0x0  }
0xd9: {  	[sflag:s12] =	ssyncadd.s32 $0xFFFFFFF0  }
0xda: {  	_ =	swait.ge [sflag:s12], $0x50  }
0xdb: {  	[sflag:s12] =	ssyncset.done $0x0  }
0xdc: {  	[sflag:s12] =	ssyncadd.s32 $0xFFFFFFB0  }
0xdd: {  	_ =	swait.ge [sflag:s12], $0x50  }
0xde: {  	[sflag:s12] =	ssyncset.done $0x0  }
0xdf: {  	[sflag:s12] =	ssyncadd.s32 $0xFFFFFFB0  }
0xe0: {  	_ =	swait.ge [sflag:s12], $0x50  }
0xe1: {  	[sflag:s12] =	ssyncset.done $0x0  }
0xe2: {  	[sflag:s12] =	ssyncadd.s32 $0xFFFFFFB0  }
0xe3: {  	v45 =	vld [tilespmem:$0xA90]  }
0xe4: {  	v46 =	vld [tilespmem:$0xC40]  }
0xe5: {  	v47 =	vld [tilespmem:$0xC50]  }
0xe6: {  	v48 =	vld [tilespmem:$0xAB0]  }
0xe7: {  	v49 =	vld [tilespmem:$0xC60]  }
0xe8: {  	v50 =	vld [tilespmem:$0xAD0]  }
0xe9: {  	v51 =	vld [tilespmem:$0xC70]  }
0xea: {  	v52 =	vld [tilespmem:$0xB50];
	v6 =	vadd.f32 v47, v46  }
0xeb: {  	v53 =	vld [tilespmem:$0xC80]  }
0xec: {  	v54 =	vld [tilespmem:$0xB60];
	v6 =	vadd.f32 v49, v6  }
0xed: {  	v55 =	vld [tilespmem:$0xC90]  }
0xee: {  	v56 =	vld [tilespmem:$0xB70];
	v6 =	vadd.f32 v51, v6  }
0xef: {  	v57 =	vld [tilespmem:$0xCA0]  }
0xf0: {  	v58 =	vld [tilespmem:$0xB80];
	v6 =	vadd.f32 v53, v6  }
0xf1: {  	v59 =	vld [tilespmem:$0xCB0]  }
0xf2: {  	v60 =	vld [tilespmem:$0xB90];
	v12 =	vadd.f32 v54, v52;
	v6 =	vadd.f32 v55, v6  }
0xf3: {  	v61 =	vld [tilespmem:$0xCC0]  }
0xf4: {  	v62 =	vld [tilespmem:$0xCD0];
	v12 =	vadd.f32 v56, v12;
	v6 =	vadd.f32 v57, v6  }
0xf5: {  	v63 =	vld [tilespmem:$0xAF0]  }
0xf6: {  	v12 =	vadd.f32 v58, v12;
	v6 =	vadd.f32 v59, v6  }
0xf7: {  	v5 =	vadd.f32 v48, v45  }
0xf8: {  	v16 =	vadd.f32 v60, v12;
	v6 =	vadd.f32 v61, v6  }
0xf9: {  	v5 =	vadd.f32 v50, v5  }
0xfa: {  	v17 =	vld [tilespmem:$0x990];
	v7 =	vadd.f32 v63, v16;
	v6 =	vadd.f32 v62, v6;
	_ =	sdelay $0x1  }
0xfb: {  	v5 =	vadd.f32 v5, v4;
	v6 =	vadd.f32 v7, v6;
	_ =	sdelay $0x1  }
0xfc: {  	v5 =	vmax.f32 v5, $0.0e+00;
	v6 =	vadd.f32 v6, v1  }
0xfd: {  	v18 =	vmul.f32 v17, v2;
	v19 =	vmul.f32 v5, v3  }
0xfe: {  	v6 =	vmax.f32 v6, $0.0e+00  }
0xff: {  	v7 =	vadd.f32 v18, v19;
	v20 =	vmul.f32 v6, v0;
	_ =	sdelay $0x1  }
0x100: {  	s13 =	sld [smem:$0x7D9];
	[tilespmem:$0xCF0] =	vst v5;
	v7 =	vadd.f32 v20, v7  }
0x101: {  	[tilespmem:$0xD70] =	vst v6  }
0x102: {  	s14 =	sld [smem:$0x7DA];
	[tilespmem:$0xDF0] =	vst v7  }
0x103: {  	[tilespmem:s26], [sflag:$0x2] =	stream.indirect.gather [hbm4b:s3+s17], $0x1, s13, s17, $0xb8;
	[tilespmem:$0xE60] =	vst v63  }
0x104: {  	s13 =	sld [smem:$0x7DB]  }
0x105: {  	[tilespmem:s28], [sflag:$0x2] =	stream.indirect.gather [hbm4b:s4+s17], $0x1, s14, s17, $0xb8;
	[tilespmem:$0xE60] =	vst v63  }
0x106: {  	s14 =	sld [smem:$0x7DC]  }
0x107: {  	[tilespmem:s29], [sflag:$0x2] =	stream.indirect.gather [hbm4b:s5+s17], $0x1, s13, s17, $0xb8;
	[tilespmem:$0xE60] =	vst v63  }
0x108: {  	s13 =	sld [smem:$0x7DD]  }
0x109: {  	[tilespmem:s30], [sflag:$0x2] =	stream.indirect.gather [hbm4b:s7+s17], $0x1, s14, s17, $0xb8;
	[tilespmem:$0xE60] =	vst v63  }
0x10a: {  	s14 =	sld [smem:$0x7DE]  }
0x10b: {  	[tilespmem:s31], [sflag:$0x2] =	stream.indirect.gather [hbm4b:s6+s22], $0x1, s13, s22, $0xb8;
	[tilespmem:$0xE60] =	vst v63  }
0x10c: {  	s13 =	sld [smem:$0x7DF]  }
0x10d: {  	[tilespmem:s0], [sflag:$0x2] =	stream.indirect.gather [hbm4b:s8+s22], $0x1, s14, s22, $0xb8;
	[tilespmem:$0xE60] =	vst v63  }
0x10e: {  	_ = 	snop  }
0x10f: {  	[tilespmem:s1], [sflag:$0x2] =	stream.indirect.gather [hbm4b:s8+s22], $0x1, s13, s22, $0xb8;
	[tilespmem:$0xE60] =	vst v63  }
0x110: {  	_ =	swait.ge [sflag:s11], $0x10  }
0x111: {  	[sflag:s11] =	ssyncset.done $0x0  }
0x112: {  	[sflag:s11] =	ssyncadd.s32 $0xFFFFFFF0  }
0x113: {  	_ =	swait.ge [sflag:s11], $0x10  }
0x114: {  	[sflag:s11] =	ssyncset.done $0x0  }
0x115: {  	[sflag:s11] =	ssyncadd.s32 $0xFFFFFFF0  }
0x116: {  	_ =	swait.ge [sflag:s11], $0x10  }
0x117: {  	[sflag:s11] =	ssyncset.done $0x0  }
0x118: {  	[sflag:s11] =	ssyncadd.s32 $0xFFFFFFF0  }
0x119: {  	_ =	swait.ge [sflag:s11], $0x10  }
0x11a: {  	[sflag:s11] =	ssyncset.done $0x0  }
0x11b: {  	[sflag:s11] =	ssyncadd.s32 $0xFFFFFFF0  }
0x11c: {  	_ =	swait.ge [sflag:s11], $0x50  }
0x11d: {  	[sflag:s11] =	ssyncset.done $0x0  }
0x11e: {  	[sflag:s11] =	ssyncadd.s32 $0xFFFFFFB0  }
0x11f: {  	_ =	swait.ge [sflag:s11], $0x50  }
0x120: {  	[sflag:s11] =	ssyncset.done $0x0  }
0x121: {  	[sflag:s11] =	ssyncadd.s32 $0xFFFFFFB0  }
0x122: {  	_ =	swait.ge [sflag:s11], $0x50  }
0x123: {  	[sflag:s11] =	ssyncset.done $0x0  }
0x124: {  	[sflag:s11] =	ssyncadd.s32 $0xFFFFFFB0  }
0x125: {  	v21 =	vld [tilespmem:$0xA80]  }
0x126: {  	v22 =	vld [tilespmem:$0xBA0]  }
0x127: {  	v23 =	vld [tilespmem:$0xBB0]  }
0x128: {  	v24 =	vld [tilespmem:$0xAA0]  }
0x129: {  	v25 =	vld [tilespmem:$0xBC0]  }
0x12a: {  	v26 =	vld [tilespmem:$0xAC0]  }
0x12b: {  	v27 =	vld [tilespmem:$0xBD0]  }
0x12c: {  	v28 =	vld [tilespmem:$0xB00];
	v6 =	vadd.f32 v23, v22  }
0x12d: {  	v29 =	vld [tilespmem:$0xBE0]  }
0x12e: {  	v30 =	vld [tilespmem:$0xB10];
	v6 =	vadd.f32 v25, v6  }
0x12f: {  	v31 =	vld [tilespmem:$0xBF0]  }
0x130: {  	v32 =	vld [tilespmem:$0xB20];
	v6 =	vadd.f32 v27, v6  }
0x131: {  	v33 =	vld [tilespmem:$0xC00]  }
0x132: {  	v34 =	vld [tilespmem:$0xB30];
	v6 =	vadd.f32 v29, v6  }
0x133: {  	v35 =	vld [tilespmem:$0xC10]  }
0x134: {  	v36 =	vld [tilespmem:$0xB40];
	v12 =	vadd.f32 v30, v28;
	v6 =	vadd.f32 v31, v6  }
0x135: {  	v37 =	vld [tilespmem:$0xC20]  }
0x136: {  	v38 =	vld [tilespmem:$0xC30];
	v12 =	vadd.f32 v32, v12;
	v6 =	vadd.f32 v33, v6  }
0x137: {  	v39 =	vld [tilespmem:$0xAE0]  }
0x138: {  	v12 =	vadd.f32 v34, v12;
	v6 =	vadd.f32 v35, v6  }
0x139: {  	v5 =	vadd.f32 v24, v21  }
0x13a: {  	v40 =	vadd.f32 v36, v12;
	v6 =	vadd.f32 v37, v6  }
0x13b: {  	v5 =	vadd.f32 v26, v5  }
0x13c: {  	v41 =	vld [tilespmem:$0x9A0];
	v7 =	vadd.f32 v39, v40;
	v6 =	vadd.f32 v38, v6;
	_ =	sdelay $0x1  }
0x13d: {  	v5 =	vadd.f32 v5, v4;
	v6 =	vadd.f32 v7, v6;
	_ =	sdelay $0x1  }
0x13e: {  	v5 =	vmax.f32 v5, $0.0e+00;
	v6 =	vadd.f32 v6, v1  }
0x13f: {  	v42 =	vmul.f32 v41, v2;
	v43 =	vmul.f32 v5, v3  }
0x140: {  	v6 =	vmax.f32 v6, $0.0e+00  }
0x141: {  	v7 =	vadd.f32 v42, v43;
	v44 =	vmul.f32 v6, v0;
	_ =	sdelay $0x1  }
0x142: {  	s13 =	sld [smem:$0x7E0];
	[tilespmem:$0xD00] =	vst v5;
	v7 =	vadd.f32 v44, v7  }
0x143: {  	[tilespmem:$0xD80] =	vst v6  }
0x144: {  	s14 =	sld [smem:$0x7E1];
	[tilespmem:$0xE00] =	vst v7  }
0x145: {  	[tilespmem:s21], [sflag:$0x1] =	stream.indirect.gather [hbm4b:s3+s17], $0x1, s13, s17, $0xb8;
	[tilespmem:$0xE60] =	vst v63  }
0x146: {  	s13 =	sld [smem:$0x7E2]  }
0x147: {  	[tilespmem:s23], [sflag:$0x1] =	stream.indirect.gather [hbm4b:s4+s17], $0x1, s14, s17, $0xb8;
	[tilespmem:$0xE60] =	vst v63  }
0x148: {  	s14 =	sld [smem:$0x7E3]  }
0x149: {  	[tilespmem:s15], [sflag:$0x1] =	stream.indirect.gather [hbm4b:s5+s17], $0x1, s13, s17, $0xb8;
	[tilespmem:$0xE60] =	vst v63  }
0x14a: {  	s13 =	sld [smem:$0x7E4]  }
0x14b: {  	[tilespmem:s16], [sflag:$0x1] =	stream.indirect.gather [hbm4b:s7+s17], $0x1, s14, s17, $0xb8;
	[tilespmem:$0xE60] =	vst v63  }
0x14c: {  	s14 =	sld [smem:$0x7E5]  }
0x14d: {  	[tilespmem:s18], [sflag:$0x1] =	stream.indirect.gather [hbm4b:s6+s22], $0x1, s13, s22, $0xb8;
	[tilespmem:$0xE60] =	vst v63  }
0x14e: {  	s13 =	sld [smem:$0x7E6]  }
0x14f: {  	[tilespmem:s24], [sflag:$0x1] =	stream.indirect.gather [hbm4b:s8+s22], $0x1, s14, s22, $0xb8;
	[tilespmem:$0xE60] =	vst v63  }
0x150: {  	_ = 	snop  }
0x151: {  	[tilespmem:s25], [sflag:$0x1] =	stream.indirect.gather [hbm4b:s8+s22], $0x1, s13, s22, $0xb8;
	[tilespmem:$0xE60] =	vst v63  }
0x152: {  	_ =	swait.ge [sflag:s12], $0x10  }
0x153: {  	[sflag:s12] =	ssyncset.done $0x0  }
0x154: {  	[sflag:s12] =	ssyncadd.s32 $0xFFFFFFF0  }
0x155: {  	_ =	swait.ge [sflag:s12], $0x10  }
0x156: {  	[sflag:s12] =	ssyncset.done $0x0  }
0x157: {  	[sflag:s12] =	ssyncadd.s32 $0xFFFFFFF0  }
0x158: {  	_ =	swait.ge [sflag:s12], $0x10  }
0x159: {  	[sflag:s12] =	ssyncset.done $0x0  }
0x15a: {  	[sflag:s12] =	ssyncadd.s32 $0xFFFFFFF0  }
0x15b: {  	_ =	swait.ge [sflag:s12], $0x10  }
0x15c: {  	[sflag:s12] =	ssyncset.done $0x0  }
0x15d: {  	[sflag:s12] =	ssyncadd.s32 $0xFFFFFFF0  }
0x15e: {  	_ =	swait.ge [sflag:s12], $0x50  }
0x15f: {  	[sflag:s12] =	ssyncset.done $0x0  }
0x160: {  	[sflag:s12] =	ssyncadd.s32 $0xFFFFFFB0  }
0x161: {  	_ =	swait.ge [sflag:s12], $0x50  }
0x162: {  	[sflag:s12] =	ssyncset.done $0x0  }
0x163: {  	[sflag:s12] =	ssyncadd.s32 $0xFFFFFFB0  }
0x164: {  	_ =	swait.ge [sflag:s12], $0x50  }
0x165: {  	[sflag:s12] =	ssyncset.done $0x0  }
0x166: {  	[sflag:s12] =	ssyncadd.s32 $0xFFFFFFB0  }
0x167: {  	v45 =	vld [tilespmem:$0xA90]  }
0x168: {  	v46 =	vld [tilespmem:$0xC40]  }
0x169: {  	v47 =	vld [tilespmem:$0xC50]  }
0x16a: {  	v48 =	vld [tilespmem:$0xAB0]  }
0x16b: {  	v49 =	vld [tilespmem:$0xC60]  }
0x16c: {  	v50 =	vld [tilespmem:$0xAD0]  }
0x16d: {  	v51 =	vld [tilespmem:$0xC70]  }
0x16e: {  	v52 =	vld [tilespmem:$0xB50];
	v6 =	vadd.f32 v47, v46  }
0x16f: {  	v53 =	vld [tilespmem:$0xC80]  }
0x170: {  	v54 =	vld [tilespmem:$0xB60];
	v6 =	vadd.f32 v49, v6  }
0x171: {  	v55 =	vld [tilespmem:$0xC90]  }
0x172: {  	v56 =	vld [tilespmem:$0xB70];
	v6 =	vadd.f32 v51, v6  }
0x173: {  	v57 =	vld [tilespmem:$0xCA0]  }
0x174: {  	v58 =	vld [tilespmem:$0xB80];
	v6 =	vadd.f32 v53, v6  }
0x175: {  	v59 =	vld [tilespmem:$0xCB0]  }
0x176: {  	v60 =	vld [tilespmem:$0xB90];
	v12 =	vadd.f32 v54, v52;
	v6 =	vadd.f32 v55, v6  }
0x177: {  	v61 =	vld [tilespmem:$0xCC0]  }
0x178: {  	v62 =	vld [tilespmem:$0xCD0];
	v12 =	vadd.f32 v56, v12;
	v6 =	vadd.f32 v57, v6  }
0x179: {  	v63 =	vld [tilespmem:$0xAF0]  }
0x17a: {  	v12 =	vadd.f32 v58, v12;
	v6 =	vadd.f32 v59, v6  }
0x17b: {  	v5 =	vadd.f32 v48, v45  }
0x17c: {  	v16 =	vadd.f32 v60, v12;
	v6 =	vadd.f32 v61, v6  }
0x17d: {  	v5 =	vadd.f32 v50, v5  }
0x17e: {  	v17 =	vld [tilespmem:$0x9B0];
	v7 =	vadd.f32 v63, v16;
	v6 =	vadd.f32 v62, v6;
	_ =	sdelay $0x1  }
0x17f: {  	v5 =	vadd.f32 v5, v4;
	v6 =	vadd.f32 v7, v6;
	_ =	sdelay $0x1  }
0x180: {  	v5 =	vmax.f32 v5, $0.0e+00;
	v6 =	vadd.f32 v6, v1  }
0x181: {  	v18 =	vmul.f32 v17, v2;
	v19 =	vmul.f32 v5, v3  }
0x182: {  	v6 =	vmax.f32 v6, $0.0e+00  }
0x183: {  	v7 =	vadd.f32 v18, v19;
	v20 =	vmul.f32 v6, v0;
	_ =	sdelay $0x1  }
0x184: {  	[tilespmem:$0xD10] =	vst v5;
	v7 =	vadd.f32 v20, v7  }
0x185: {  	[tilespmem:$0xD90] =	vst v6  }
0x186: {  	s13 =	sld [smem:$0x7E7];
	[tilespmem:$0xE10] =	vst v7  }
0x187: {  	[tilespmem:s26], [sflag:$0x2] =	stream.indirect.gather [hbm4b:s3+s17], $0x1, s22, s17, $0xb8;
	[tilespmem:$0xE60] =	vst v63  }
0x188: {  	s14 =	sld [smem:$0x7E8]  }
0x189: {  	[tilespmem:s28], [sflag:$0x2] =	stream.indirect.gather [hbm4b:s4+s17], $0x1, s13, s17, $0xb8;
	[tilespmem:$0xE60] =	vst v63  }
0x18a: {  	s13 =	sld [smem:$0x7E9]  }
0x18b: {  	[tilespmem:s29], [sflag:$0x2] =	stream.indirect.gather [hbm4b:s5+s17], $0x1, s14, s17, $0xb8;
	[tilespmem:$0xE60] =	vst v63  }
0x18c: {  	s14 =	sld [smem:$0x7EA]  }
0x18d: {  	[tilespmem:s30], [sflag:$0x2] =	stream.indirect.gather [hbm4b:s7+s17], $0x1, s13, s17, $0xb8;
	[tilespmem:$0xE60] =	vst v63  }
0x18e: {  	s13 =	sld [smem:$0x7EB]  }
0x18f: {  	[tilespmem:s31], [sflag:$0x2] =	stream.indirect.gather [hbm4b:s6+s22], $0x1, s14, s22, $0xb8;
	[tilespmem:$0xE60] =	vst v63  }
0x190: {  	s14 =	sld [smem:$0x7EC]  }
0x191: {  	[tilespmem:s0], [sflag:$0x2] =	stream.indirect.gather [hbm4b:s8+s22], $0x1, s13, s22, $0xb8;
	[tilespmem:$0xE60] =	vst v63  }
0x192: {  	_ = 	snop  }
0x193: {  	[tilespmem:s1], [sflag:$0x2] =	stream.indirect.gather [hbm4b:s8+s22], $0x1, s14, s22, $0xb8;
	[tilespmem:$0xE60] =	vst v63  }
0x194: {  	_ =	swait.ge [sflag:s11], $0x10  }
0x195: {  	[sflag:s11] =	ssyncset.done $0x0  }
0x196: {  	[sflag:s11] =	ssyncadd.s32 $0xFFFFFFF0  }
0x197: {  	_ =	swait.ge [sflag:s11], $0x10  }
0x198: {  	[sflag:s11] =	ssyncset.done $0x0  }
0x199: {  	[sflag:s11] =	ssyncadd.s32 $0xFFFFFFF0  }
0x19a: {  	_ =	swait.ge [sflag:s11], $0x10  }
0x19b: {  	[sflag:s11] =	ssyncset.done $0x0  }
0x19c: {  	[sflag:s11] =	ssyncadd.s32 $0xFFFFFFF0  }
0x19d: {  	_ =	swait.ge [sflag:s11], $0x10  }
0x19e: {  	[sflag:s11] =	ssyncset.done $0x0  }
0x19f: {  	[sflag:s11] =	ssyncadd.s32 $0xFFFFFFF0  }
0x1a0: {  	_ =	swait.ge [sflag:s11], $0x50  }
0x1a1: {  	[sflag:s11] =	ssyncset.done $0x0  }
0x1a2: {  	[sflag:s11] =	ssyncadd.s32 $0xFFFFFFB0  }
0x1a3: {  	_ =	swait.ge [sflag:s11], $0x50  }
0x1a4: {  	[sflag:s11] =	ssyncset.done $0x0  }
0x1a5: {  	[sflag:s11] =	ssyncadd.s32 $0xFFFFFFB0  }
0x1a6: {  	_ =	swait.ge [sflag:s11], $0x50  }
0x1a7: {  	[sflag:s11] =	ssyncset.done $0x0  }
0x1a8: {  	[sflag:s11] =	ssyncadd.s32 $0xFFFFFFB0  }
0x1a9: {  	v21 =	vld [tilespmem:$0xA80]  }
0x1aa: {  	v22 =	vld [tilespmem:$0xBA0]  }
0x1ab: {  	v23 =	vld [tilespmem:$0xBB0]  }
0x1ac: {  	v24 =	vld [tilespmem:$0xAA0]  }
0x1ad: {  	v25 =	vld [tilespmem:$0xBC0]  }
0x1ae: {  	v26 =	vld [tilespmem:$0xAC0]  }
0x1af: {  	v27 =	vld [tilespmem:$0xBD0]  }
0x1b0: {  	v28 =	vld [tilespmem:$0xB00];
	v6 =	vadd.f32 v23, v22  }
0x1b1: {  	v29 =	vld [tilespmem:$0xBE0]  }
0x1b2: {  	v30 =	vld [tilespmem:$0xB10];
	v6 =	vadd.f32 v25, v6  }
0x1b3: {  	v31 =	vld [tilespmem:$0xBF0]  }
0x1b4: {  	v32 =	vld [tilespmem:$0xB20];
	v6 =	vadd.f32 v27, v6  }
0x1b5: {  	v33 =	vld [tilespmem:$0xC00]  }
0x1b6: {  	v34 =	vld [tilespmem:$0xB30];
	v6 =	vadd.f32 v29, v6  }
0x1b7: {  	v35 =	vld [tilespmem:$0xC10]  }
0x1b8: {  	v36 =	vld [tilespmem:$0xB40];
	v12 =	vadd.f32 v30, v28;
	v6 =	vadd.f32 v31, v6  }
0x1b9: {  	v37 =	vld [tilespmem:$0xC20]  }
0x1ba: {  	v38 =	vld [tilespmem:$0xC30];
	v12 =	vadd.f32 v32, v12;
	v6 =	vadd.f32 v33, v6  }
0x1bb: {  	v39 =	vld [tilespmem:$0xAE0]  }
0x1bc: {  	v12 =	vadd.f32 v34, v12;
	v6 =	vadd.f32 v35, v6  }
0x1bd: {  	v5 =	vadd.f32 v24, v21  }
0x1be: {  	v40 =	vadd.f32 v36, v12;
	v6 =	vadd.f32 v37, v6  }
0x1bf: {  	v5 =	vadd.f32 v26, v5  }
0x1c0: {  	v41 =	vld [tilespmem:$0x9C0];
	v7 =	vadd.f32 v39, v40;
	v6 =	vadd.f32 v38, v6;
	_ =	sdelay $0x1  }
0x1c1: {  	v5 =	vadd.f32 v5, v4;
	v6 =	vadd.f32 v7, v6;
	_ =	sdelay $0x1  }
0x1c2: {  	v5 =	vmax.f32 v5, $0.0e+00;
	v6 =	vadd.f32 v6, v1  }
0x1c3: {  	v42 =	vmul.f32 v41, v2;
	v43 =	vmul.f32 v5, v3  }
0x1c4: {  	v6 =	vmax.f32 v6, $0.0e+00  }
0x1c5: {  	v7 =	vadd.f32 v42, v43;
	v44 =	vmul.f32 v6, v0;
	_ =	sdelay $0x1  }
0x1c6: {  	s13 =	sld [smem:$0x7ED];
	[tilespmem:$0xD20] =	vst v5;
	v7 =	vadd.f32 v44, v7  }
0x1c7: {  	[tilespmem:$0xDA0] =	vst v6  }
0x1c8: {  	s14 =	sld [smem:$0x7EE];
	[tilespmem:$0xE20] =	vst v7  }
0x1c9: {  	[tilespmem:s21], [sflag:$0x1] =	stream.indirect.gather [hbm4b:s3+s17], $0x1, s13, s17, $0xb8;
	[tilespmem:$0xE60] =	vst v63  }
0x1ca: {  	s13 =	sld [smem:$0x7EF]  }
0x1cb: {  	[tilespmem:s23], [sflag:$0x1] =	stream.indirect.gather [hbm4b:s4+s17], $0x1, s14, s17, $0xb8;
	[tilespmem:$0xE60] =	vst v63  }
0x1cc: {  	s14 =	sld [smem:$0x7F0]  }
0x1cd: {  	[tilespmem:s15], [sflag:$0x1] =	stream.indirect.gather [hbm4b:s5+s17], $0x1, s13, s17, $0xb8;
	[tilespmem:$0xE60] =	vst v63  }
0x1ce: {  	s15 =	sld [smem:$0x7F1]  }
0x1cf: {  	[tilespmem:s16], [sflag:$0x1] =	stream.indirect.gather [hbm4b:s7+s17], $0x1, s14, s17, $0xb8;
	[tilespmem:$0xE60] =	vst v63  }
0x1d0: {  	s16 =	sld [smem:$0x7F2]  }
0x1d1: {  	[tilespmem:s18], [sflag:$0x1] =	stream.indirect.gather [hbm4b:s6+s22], $0x1, s15, s22, $0xb8;
	[tilespmem:$0xE60] =	vst v63  }
0x1d2: {  	s18 =	sld [smem:$0x7F3]  }
0x1d3: {  	[tilespmem:s24], [sflag:$0x1] =	stream.indirect.gather [hbm4b:s8+s22], $0x1, s16, s22, $0xb8;
	[tilespmem:$0xE60] =	vst v63  }
0x1d4: {  	_ = 	snop  }
0x1d5: {  	[tilespmem:s25], [sflag:$0x1] =	stream.indirect.gather [hbm4b:s8+s22], $0x1, s18, s22, $0xb8;
	[tilespmem:$0xE60] =	vst v63  }
0x1d6: {  	_ =	swait.ge [sflag:s12], $0x10  }
0x1d7: {  	[sflag:s12] =	ssyncset.done $0x0  }
0x1d8: {  	[sflag:s12] =	ssyncadd.s32 $0xFFFFFFF0  }
0x1d9: {  	_ =	swait.ge [sflag:s12], $0x10  }
0x1da: {  	[sflag:s12] =	ssyncset.done $0x0  }
0x1db: {  	[sflag:s12] =	ssyncadd.s32 $0xFFFFFFF0  }
0x1dc: {  	_ =	swait.ge [sflag:s12], $0x10  }
0x1dd: {  	[sflag:s12] =	ssyncset.done $0x0  }
0x1de: {  	[sflag:s12] =	ssyncadd.s32 $0xFFFFFFF0  }
0x1df: {  	_ =	swait.ge [sflag:s12], $0x10  }
0x1e0: {  	[sflag:s12] =	ssyncset.done $0x0  }
0x1e1: {  	[sflag:s12] =	ssyncadd.s32 $0xFFFFFFF0  }
0x1e2: {  	_ =	swait.ge [sflag:s12], $0x50  }
0x1e3: {  	[sflag:s12] =	ssyncset.done $0x0  }
0x1e4: {  	[sflag:s12] =	ssyncadd.s32 $0xFFFFFFB0  }
0x1e5: {  	_ =	swait.ge [sflag:s12], $0x50  }
0x1e6: {  	[sflag:s12] =	ssyncset.done $0x0  }
0x1e7: {  	[sflag:s12] =	ssyncadd.s32 $0xFFFFFFB0  }
0x1e8: {  	_ =	swait.ge [sflag:s12], $0x50  }
0x1e9: {  	[sflag:s12] =	ssyncset.done $0x0  }
0x1ea: {  	[sflag:s12] =	ssyncadd.s32 $0xFFFFFFB0  }
0x1eb: {  	v45 =	vld [tilespmem:$0xA90]  }
0x1ec: {  	v46 =	vld [tilespmem:$0xC40]  }
0x1ed: {  	v47 =	vld [tilespmem:$0xC50]  }
0x1ee: {  	v48 =	vld [tilespmem:$0xAB0]  }
0x1ef: {  	v49 =	vld [tilespmem:$0xC60]  }
0x1f0: {  	v50 =	vld [tilespmem:$0xAD0]  }
0x1f1: {  	v51 =	vld [tilespmem:$0xC70]  }
0x1f2: {  	v52 =	vld [tilespmem:$0xB50];
	v6 =	vadd.f32 v47, v46  }
0x1f3: {  	v53 =	vld [tilespmem:$0xC80]  }
0x1f4: {  	v54 =	vld [tilespmem:$0xB60];
	v6 =	vadd.f32 v49, v6  }
0x1f5: {  	v55 =	vld [tilespmem:$0xC90]  }
0x1f6: {  	v56 =	vld [tilespmem:$0xB70];
	v6 =	vadd.f32 v51, v6  }
0x1f7: {  	v57 =	vld [tilespmem:$0xCA0]  }
0x1f8: {  	v58 =	vld [tilespmem:$0xB80];
	v6 =	vadd.f32 v53, v6  }
0x1f9: {  	v59 =	vld [tilespmem:$0xCB0]  }
0x1fa: {  	v60 =	vld [tilespmem:$0xB90];
	v12 =	vadd.f32 v54, v52;
	v6 =	vadd.f32 v55, v6  }
0x1fb: {  	v61 =	vld [tilespmem:$0xCC0]  }
0x1fc: {  	v62 =	vld [tilespmem:$0xCD0];
	v12 =	vadd.f32 v56, v12;
	v6 =	vadd.f32 v57, v6  }
0x1fd: {  	v63 =	vld [tilespmem:$0xAF0]  }
0x1fe: {  	v12 =	vadd.f32 v58, v12;
	v6 =	vadd.f32 v59, v6  }
0x1ff: {  	v5 =	vadd.f32 v48, v45  }
0x200: {  	v13 =	vadd.f32 v60, v12;
	v6 =	vadd.f32 v61, v6  }
0x201: {  	v5 =	vadd.f32 v50, v5  }
0x202: {  	v14 =	vld [tilespmem:$0x9D0];
	v7 =	vadd.f32 v63, v13;
	v6 =	vadd.f32 v62, v6;
	_ =	sdelay $0x1  }
0x203: {  	v5 =	vadd.f32 v5, v4;
	v6 =	vadd.f32 v7, v6;
	_ =	sdelay $0x1  }
0x204: {  	v5 =	vmax.f32 v5, $0.0e+00;
	v6 =	vadd.f32 v6, v1  }
0x205: {  	v15 =	vmul.f32 v14, v2;
	v16 =	vmul.f32 v5, v3  }
0x206: {  	v6 =	vmax.f32 v6, $0.0e+00  }
0x207: {  	v7 =	vadd.f32 v15, v16;
	v17 =	vmul.f32 v6, v0;
	_ =	sdelay $0x1  }
0x208: {  	s14 =	sld [smem:$0x7F4];
	[tilespmem:$0xD30] =	vst v5;
	v7 =	vadd.f32 v17, v7  }
0x209: {  	[tilespmem:$0xDB0] =	vst v6  }
0x20a: {  	s15 =	sld [smem:$0x7F5];
	[tilespmem:$0xE30] =	vst v7  }
0x20b: {  	[tilespmem:s26], [sflag:$0x2] =	stream.indirect.gather [hbm4b:s3+s17], $0x1, s14, s17, $0xb8;
	[tilespmem:$0xE60] =	vst v63  }
0x20c: {  	s16 =	sld [smem:$0x7F6]  }
0x20d: {  	[tilespmem:s28], [sflag:$0x2] =	stream.indirect.gather [hbm4b:s4+s17], $0x1, s15, s17, $0xb8;
	[tilespmem:$0xE60] =	vst v63  }
0x20e: {  	s18 =	sld [smem:$0x7F7]  }
0x20f: {  	[tilespmem:s29], [sflag:$0x2] =	stream.indirect.gather [hbm4b:s5+s17], $0x1, s16, s17, $0xb8;
	[tilespmem:$0xE60] =	vst v63  }
0x210: {  	s15 =	sld [smem:$0x7F8]  }
0x211: {  	[tilespmem:s30], [sflag:$0x2] =	stream.indirect.gather [hbm4b:s7+s17], $0x1, s18, s17, $0xb8;
	[tilespmem:$0xE60] =	vst v63  }
0x212: {  	s16 =	sld [smem:$0x7F9]  }
0x213: {  	[tilespmem:s31], [sflag:$0x2] =	stream.indirect.gather [hbm4b:s6+s22], $0x1, s15, s22, $0xb8;
	[tilespmem:$0xE60] =	vst v63  }
0x214: {  	s18 =	sld [smem:$0x7FA]  }
0x215: {  	[tilespmem:s0], [sflag:$0x2] =	stream.indirect.gather [hbm4b:s8+s22], $0x1, s16, s22, $0xb8;
	[tilespmem:$0xE60] =	vst v63  }
0x216: {  	_ = 	snop  }
0x217: {  	[tilespmem:s1], [sflag:$0x2] =	stream.indirect.gather [hbm4b:s8+s22], $0x1, s18, s22, $0xb8;
	[tilespmem:$0xE60] =	vst v63  }
0x218: {  	_ =	swait.ge [sflag:s11], $0x10  }
0x219: {  	[sflag:s11] =	ssyncset.done $0x0  }
0x21a: {  	[sflag:s11] =	ssyncadd.s32 $0xFFFFFFF0  }
0x21b: {  	_ =	swait.ge [sflag:s11], $0x10  }
0x21c: {  	[sflag:s11] =	ssyncset.done $0x0  }
0x21d: {  	[sflag:s11] =	ssyncadd.s32 $0xFFFFFFF0  }
0x21e: {  	_ =	swait.ge [sflag:s11], $0x10  }
0x21f: {  	[sflag:s11] =	ssyncset.done $0x0  }
0x220: {  	[sflag:s11] =	ssyncadd.s32 $0xFFFFFFF0  }
0x221: {  	_ =	swait.ge [sflag:s11], $0x10  }
0x222: {  	[sflag:s11] =	ssyncset.done $0x0  }
0x223: {  	[sflag:s11] =	ssyncadd.s32 $0xFFFFFFF0  }
0x224: {  	_ =	swait.ge [sflag:s11], $0x50  }
0x225: {  	[sflag:s11] =	ssyncset.done $0x0  }
0x226: {  	[sflag:s11] =	ssyncadd.s32 $0xFFFFFFB0  }
0x227: {  	_ =	swait.ge [sflag:s11], $0x50  }
0x228: {  	[sflag:s11] =	ssyncset.done $0x0  }
0x229: {  	[sflag:s11] =	ssyncadd.s32 $0xFFFFFFB0  }
0x22a: {  	_ =	swait.ge [sflag:s11], $0x50  }
0x22b: {  	[sflag:s11] =	ssyncset.done $0x0  }
0x22c: {  	[sflag:s11] =	ssyncadd.s32 $0xFFFFFFB0  }
0x22d: {  	v18 =	vld [tilespmem:$0xA80]  }
0x22e: {  	v19 =	vld [tilespmem:$0xBA0]  }
0x22f: {  	v20 =	vld [tilespmem:$0xBB0]  }
0x230: {  	v21 =	vld [tilespmem:$0xAA0]  }
0x231: {  	v22 =	vld [tilespmem:$0xBC0]  }
0x232: {  	v23 =	vld [tilespmem:$0xAC0]  }
0x233: {  	v24 =	vld [tilespmem:$0xBD0]  }
0x234: {  	v25 =	vld [tilespmem:$0xB00];
	v6 =	vadd.f32 v20, v19  }
0x235: {  	v26 =	vld [tilespmem:$0xBE0]  }
0x236: {  	v27 =	vld [tilespmem:$0xB10];
	v6 =	vadd.f32 v22, v6  }
0x237: {  	v28 =	vld [tilespmem:$0xBF0]  }
0x238: {  	v29 =	vld [tilespmem:$0xB20];
	v6 =	vadd.f32 v24, v6  }
0x239: {  	v30 =	vld [tilespmem:$0xC00]  }
0x23a: {  	v31 =	vld [tilespmem:$0xB30];
	v6 =	vadd.f32 v26, v6  }
0x23b: {  	v32 =	vld [tilespmem:$0xC10]  }
0x23c: {  	v33 =	vld [tilespmem:$0xB40];
	v12 =	vadd.f32 v27, v25;
	v6 =	vadd.f32 v28, v6  }
0x23d: {  	v34 =	vld [tilespmem:$0xC20]  }
0x23e: {  	v35 =	vld [tilespmem:$0xC30];
	v12 =	vadd.f32 v29, v12;
	v6 =	vadd.f32 v30, v6  }
0x23f: {  	v36 =	vld [tilespmem:$0xAE0]  }
0x240: {  	v12 =	vadd.f32 v31, v12;
	v6 =	vadd.f32 v32, v6  }
0x241: {  	v5 =	vadd.f32 v21, v18  }
0x242: {  	v37 =	vadd.f32 v33, v12;
	v6 =	vadd.f32 v34, v6  }
0x243: {  	v5 =	vadd.f32 v23, v5  }
0x244: {  	v38 =	vld [tilespmem:$0x9E0];
	v7 =	vadd.f32 v36, v37;
	v6 =	vadd.f32 v35, v6;
	_ =	sdelay $0x1  }
0x245: {  	v5 =	vadd.f32 v5, v4;
	v6 =	vadd.f32 v7, v6;
	_ =	sdelay $0x1  }
0x246: {  	v5 =	vmax.f32 v5, $0.0e+00;
	v6 =	vadd.f32 v6, v1  }
0x247: {  	v39 =	vmul.f32 v38, v2;
	v40 =	vmul.f32 v5, v3  }
0x248: {  	v6 =	vmax.f32 v6, $0.0e+00  }
0x249: {  	v7 =	vadd.f32 v39, v40;
	v41 =	vmul.f32 v6, v0;
	_ =	sdelay $0x1  }
0x24a: {  	[tilespmem:$0xD40] =	vst v5;
	v7 =	vadd.f32 v41, v7  }
0x24b: {  	[tilespmem:$0xDC0] =	vst v6  }
0x24c: {  	[tilespmem:$0xE40] =	vst v7  }
0x24d: {  	_ =	swait.ge [sflag:s12], $0x10  }
0x24e: {  	[sflag:s12] =	ssyncset.done $0x0  }
0x24f: {  	[sflag:s12] =	ssyncadd.s32 $0xFFFFFFF0  }
0x250: {  	_ =	swait.ge [sflag:s12], $0x10  }
0x251: {  	[sflag:s12] =	ssyncset.done $0x0  }
0x252: {  	[sflag:s12] =	ssyncadd.s32 $0xFFFFFFF0  }
0x253: {  	_ =	swait.ge [sflag:s12], $0x10  }
0x254: {  	[sflag:s12] =	ssyncset.done $0x0  }
0x255: {  	[sflag:s12] =	ssyncadd.s32 $0xFFFFFFF0  }
0x256: {  	_ =	swait.ge [sflag:s12], $0x10  }
0x257: {  	[sflag:s12] =	ssyncset.done $0x0  }
0x258: {  	[sflag:s12] =	ssyncadd.s32 $0xFFFFFFF0  }
0x259: {  	_ =	swait.ge [sflag:s12], $0x50  }
0x25a: {  	[sflag:s12] =	ssyncset.done $0x0  }
0x25b: {  	[sflag:s12] =	ssyncadd.s32 $0xFFFFFFB0  }
0x25c: {  	_ =	swait.ge [sflag:s12], $0x50  }
0x25d: {  	[sflag:s12] =	ssyncset.done $0x0  }
0x25e: {  	[sflag:s12] =	ssyncadd.s32 $0xFFFFFFB0  }
0x25f: {  	_ =	swait.ge [sflag:s12], $0x50  }
0x260: {  	[sflag:s12] =	ssyncset.done $0x0  }
0x261: {  	[sflag:s12] =	ssyncadd.s32 $0xFFFFFFB0  }
0x262: {  	v42 =	vld [tilespmem:$0xA90]  }
0x263: {  	v43 =	vld [tilespmem:$0xC40]  }
0x264: {  	v44 =	vld [tilespmem:$0xC50]  }
0x265: {  	v45 =	vld [tilespmem:$0xAB0]  }
0x266: {  	v46 =	vld [tilespmem:$0xC60]  }
0x267: {  	v47 =	vld [tilespmem:$0xAD0]  }
0x268: {  	v48 =	vld [tilespmem:$0xC70]  }
0x269: {  	v49 =	vld [tilespmem:$0xB50];
	v6 =	vadd.f32 v44, v43  }
0x26a: {  	v50 =	vld [tilespmem:$0xC80]  }
0x26b: {  	v51 =	vld [tilespmem:$0xB60];
	v6 =	vadd.f32 v46, v6  }
0x26c: {  	v52 =	vld [tilespmem:$0xC90]  }
0x26d: {  	v53 =	vld [tilespmem:$0xB70];
	v6 =	vadd.f32 v48, v6  }
0x26e: {  	v54 =	vld [tilespmem:$0xCA0]  }
0x26f: {  	v55 =	vld [tilespmem:$0xB80];
	v6 =	vadd.f32 v50, v6  }
0x270: {  	v56 =	vld [tilespmem:$0xCB0]  }
0x271: {  	v57 =	vld [tilespmem:$0xB90];
	v12 =	vadd.f32 v51, v49;
	v6 =	vadd.f32 v52, v6  }
0x272: {  	v58 =	vld [tilespmem:$0xCC0]  }
0x273: {  	v59 =	vld [tilespmem:$0xCD0];
	v12 =	vadd.f32 v53, v12;
	v6 =	vadd.f32 v54, v6  }
0x274: {  	v60 =	vld [tilespmem:$0xAF0]  }
0x275: {  	v12 =	vadd.f32 v55, v12;
	v6 =	vadd.f32 v56, v6  }
0x276: {  	v5 =	vadd.f32 v45, v42  }
0x277: {  	v61 =	vadd.f32 v57, v12;
	v6 =	vadd.f32 v58, v6  }
0x278: {  	v5 =	vadd.f32 v47, v5  }
0x279: {  	v62 =	vld [tilespmem:$0x9F0];
	v7 =	vadd.f32 v60, v61;
	v6 =	vadd.f32 v59, v6;
	_ =	sdelay $0x1  }
0x27a: {  	v4 =	vadd.f32 v5, v4;
	v63 =	vadd.f32 v7, v6;
	_ =	sdelay $0x1  }
0x27b: {  	v4 =	vmax.f32 v4, $0.0e+00;
	v1 =	vadd.f32 v63, v1  }
0x27c: {  	v2 =	vmul.f32 v62, v2;
	v3 =	vmul.f32 v4, v3  }
0x27d: {  	v1 =	vmax.f32 v1, $0.0e+00  }
0x27e: {  	v2 =	vadd.f32 v2, v3;
	v0 =	vmul.f32 v1, v0;
	_ =	sdelay $0x1  }
0x27f: {  	[tilespmem:$0xD50] =	vst v4;
	v0 =	vadd.f32 v0, v2  }
0x280: {  	[tilespmem:$0xDD0] =	vst v1  }
0x281: {  	s15 =	simm.s32 $0x980;
	s14 =	rddreg [dreg:$0x12];
	[tilespmem:$0xE50] =	vst v0  }
0x282: {  	[hbm4b:s14+s2] =	stream.linear.scatter [tilespmem:s15], [sflag:$0x3], $0x80, $0x38;
	[tilespmem:$0xE60] =	vst v63  }
0x283: {  	_ =	swait.ge [sflag:s10], $0x80  }
0x284: {  	s18 =	sld [smem:$0x7FB]  }
0x285: {  	[sflag:s10] =	ssyncset.done $0x0  }
0x286: {  	s16 =	rddreg [dreg:$0x13];
	[sflag:s10] =	ssyncadd.s32 $0xFFFFFF80  }
0x287: {  	[hbm4b:s16+s2] =	stream.linear.scatter [tilespmem:s18], [sflag:$0x3], $0x80, $0x38;
	[tilespmem:$0xE60] =	vst v63  }
0x288: {  	_ =	swait.ge [sflag:s10], $0x80  }
0x289: {  	s15 =	sld [smem:$0x7FC]  }
0x28a: {  	[sflag:s10] =	ssyncset.done $0x0  }
0x28b: {  	s14 =	rddreg [dreg:$0x14];
	[sflag:s10] =	ssyncadd.s32 $0xFFFFFF80  }
0x28c: {  	[hbm4b:s14+s2] =	stream.linear.scatter [tilespmem:s15], [sflag:$0x3], $0x80, $0x38;
	[tilespmem:$0xE60] =	vst v63  }
0x28d: {  	_ =	swait.ge [sflag:s10], $0x80  }
0x28e: {  	s18 =	sld [smem:$0x7FD]  }
0x28f: {  	p0 =	sne.s32 s9, $0x1;
	[sflag:s10] =	ssyncset.done $0x0  }
.Ltmp0:
0x290: {  	s16 =	rddreg [dreg:$0x15];
	[sflag:s10] =	ssyncadd.s32 $0xFFFFFF80;
	(pc) =	sbr.rel @p0 .LBB2_1-.Ltmp0, $4  }
0x291: {  	[hbm4b:s16+s2] =	stream.linear.scatter [tilespmem:s18], [sflag:$0x3], $0x80, $0x38;
	[tilespmem:$0xE60] =	vst v63  }
0x292: {  	_ =	swait.ge [sflag:s10], $0x80  }
0x293: {  	[sflag:s10] =	ssyncset.done $0x0  }
0x294: {  	s9 =	sadd.s32 $0xFFFFFFFF, s9;
	[sflag:s10] =	ssyncadd.s32 $0xFFFFFF80  }
0x295: {  	_ =	sfence.sel $0x180000  }
0x296: {  	[bflag:$0x0] =	sbarrier.arrive $0xFFFF  }
0x297: {  	_ =	strace $0x90000047  }
0x298: {  	s0 =	stileid.u32;
	[bflag:$0x2] =	sbarrier.arrive $0xFFFF  }
0x299: {  	p0 =	sne.s32 s0, $0x0;
	s0 =	rddreg [dreg:$0x9]  }
0x29a: {  	s0 =	sadd.s32 @!p0 $0x100000, s0  }
0x29b: {  	[sflag:s0] =	ssyncadd.tile.s32 @!p0 $0x1;
	_ =	shalt  }
.Lfunc_end2:
_tile_overlayer_lowered:
.L_overlay_start_2:
0x29c: {  	(tag) =	ssettag $0x2  }
0x29d: {  	s0 =	rddreg [dreg:$0x0];
	s2 =	stileid.u32  }
0x29e: {  	s1 =	rddreg [dreg:$0x1];
	p0 =	sne.s32 s2, $0x0  }
0x29f: {  	s3 =	rddreg [dreg:$0x2];
	[bflag:$0x3] =	sbarrier.arrive $0xFFFF;
	s2 =	simm.s32 @!p0 $0x1C03  }
0x2a0: {  	[timem:s3], [sflag:s2] =	dma.local @!p0 [hbm:s0], s1  }
0x2a1: {  	s0 =	simm.s32 @!p0 $0x3  }
0x2a2: {  	_ =	swait.ge @!p0 [sflag:s0], s1  }
0x2a3: {  	s1 =	ssub.s32 @!p0 $0x0, s1;
	[sflag:s0] =	ssyncset.done @!p0 $0x0  }
0x2a4: {  	[sflag:s0] =	ssyncadd.s32 @!p0 s1  }
0x2a5: {  	[bflag:$0x3] =	sbarrier.arrive $0xFFFF  }
0x2a6: {  	_ =	shalt  }

</sc_bundles>
